<compile_context>
chip_gen: v7x
topology: tpu7x:2x2x1
jax: 0.10.2.dev20260603
libtpu: 0.0.44.dev20260713+nightly
codegen_flags: <defaults>
</compile_context>

<pallas_src>
import functools

import jax
import jax.numpy as jnp
from jax import lax
from jax.experimental import pallas as pl
from jax.experimental.pallas import tpu as pltpu
from jax.experimental.pallas import tpu_sc as plsc

NUM_CORES = 2
NUM_SUBCORES = 16
NUM_TILES = NUM_CORES * NUM_SUBCORES
CHUNK = 512
SUBCHUNKS = 4
STAGE = CHUNK * SUBCHUNKS
LANES = 16


def _make_sc_call(N: int, nnz_pad: int, a_chunks: int):
    assert a_chunks % (2 * SUBCHUNKS) == 0
    assert a_chunks * NUM_TILES * CHUNK == nnz_pad
    n2_a = a_chunks // SUBCHUNKS // 2
    rows_per_tile = N // NUM_SUBCORES

    mesh = plsc.VectorSubcoreMesh(
        core_axis_name="c", subcore_axis_name="s", num_cores=NUM_CORES
    )

    @functools.partial(
        pl.kernel,
        out_type=jax.ShapeDtypeStruct((NUM_CORES, N, LANES), jnp.float32),
        mesh=mesh,
        scratch_types=dict(
            acc=pltpu.MemorySpace.VMEM_SHARED((N, LANES), jnp.float32),
            xsh=pltpu.MemorySpace.VMEM_SHARED((N, LANES), jnp.float32),
            cidx=pltpu.MemorySpace.VMEM((2 * STAGE,), jnp.int32),
            ridx=pltpu.MemorySpace.VMEM((2 * STAGE,), jnp.int32),
            vals=pltpu.MemorySpace.VMEM((2 * STAGE,), jnp.float32),
            g0=pltpu.MemorySpace.VMEM((CHUNK, LANES), jnp.float32),
            g1=pltpu.MemorySpace.VMEM((CHUNK, LANES), jnp.float32),
            g2=pltpu.MemorySpace.VMEM((CHUNK, LANES), jnp.float32),
            g3=pltpu.MemorySpace.VMEM((CHUNK, LANES), jnp.float32),
            g4=pltpu.MemorySpace.VMEM((CHUNK, LANES), jnp.float32),
            g5=pltpu.MemorySpace.VMEM((CHUNK, LANES), jnp.float32),
            g6=pltpu.MemorySpace.VMEM((CHUNK, LANES), jnp.float32),
            g7=pltpu.MemorySpace.VMEM((CHUNK, LANES), jnp.float32),
            lsem0=pltpu.SemaphoreType.DMA,
            lsem1=pltpu.SemaphoreType.DMA,
            gsem0=pltpu.SemaphoreType.DMA,
            gsem1=pltpu.SemaphoreType.DMA,
            gsem2=pltpu.SemaphoreType.DMA,
            gsem3=pltpu.SemaphoreType.DMA,
            ssem0=pltpu.SemaphoreType.DMA,
            ssem1=pltpu.SemaphoreType.DMA,
            ssem2=pltpu.SemaphoreType.DMA,
            ssem3=pltpu.SemaphoreType.DMA,
            gsem4=pltpu.SemaphoreType.DMA,
            gsem5=pltpu.SemaphoreType.DMA,
            gsem6=pltpu.SemaphoreType.DMA,
            gsem7=pltpu.SemaphoreType.DMA,
            ssem4=pltpu.SemaphoreType.DMA,
            ssem5=pltpu.SemaphoreType.DMA,
            ssem6=pltpu.SemaphoreType.DMA,
            ssem7=pltpu.SemaphoreType.DMA,
        ),
        compiler_params=pltpu.CompilerParams(use_tc_tiling_on_sc=False),
    )
    def sc_call(x16, rows_h, cols_h, vals_h, out_h, acc, xsh, cidx, ridx, vals,
                g0, g1, g2, g3, g4, g5, g6, g7, lsem0, lsem1,
                gsem0, gsem1, gsem2, gsem3, ssem0, ssem1, ssem2, ssem3,
                gsem4, gsem5, gsem6, gsem7, ssem4, ssem5, ssem6, ssem7):
        c = lax.axis_index("c")
        s = lax.axis_index("s")

        z16 = jnp.zeros((LANES,), jnp.float32)

        def zgroup(i, _):
            base = i * 16
            for u in range(16):
                g0[base + u] = z16
            return 0

        lax.fori_loop(0, CHUNK // 16, zgroup, 0)
        for i in range(rows_per_tile // CHUNK):
            pltpu.sync_copy(
                g0, acc.at[pl.ds(s * rows_per_tile + i * CHUNK, CHUNK)]
            )
        xsl = pl.ds(s * rows_per_tile, rows_per_tile)
        pltpu.sync_copy(x16.at[xsl], xsh.at[xsl])
        plsc.subcore_barrier()

        tile_id = s * NUM_CORES + c
        cbase = tile_id * a_chunks
        n2 = n2_a

        gbufs = (g0, g1, g2, g3, g4, g5, g6, g7)
        gsems = (gsem0, gsem1, gsem2, gsem3, gsem4, gsem5, gsem6, gsem7)
        ssems = (ssem0, ssem1, ssem2, ssem3, ssem4, ssem5, ssem6, ssem7)
        lsems = (lsem0, lsem1)

        def issue_linear(p, t):
            off = (cbase + t * SUBCHUNKS) * CHUNK
            pltpu.async_copy(
                rows_h.at[pl.ds(off, STAGE)], ridx.at[pl.ds(p * STAGE, STAGE)], lsems[p]
            )
            pltpu.async_copy(
                cols_h.at[pl.ds(off, STAGE)], cidx.at[pl.ds(p * STAGE, STAGE)], lsems[p]
            )
            pltpu.async_copy(
                vals_h.at[pl.ds(off, STAGE)],
                vals.at[pl.ds(p * STAGE, STAGE)],
                lsems[p],
            )

        def wait_linear(p):
            pltpu.make_async_copy(
                rows_h.at[pl.ds(0, STAGE)], ridx.at[pl.ds(p * STAGE, STAGE)], lsems[p]
            ).wait()
            pltpu.make_async_copy(
                cols_h.at[pl.ds(0, STAGE)], cidx.at[pl.ds(p * STAGE, STAGE)], lsems[p]
            ).wait()
            pltpu.make_async_copy(
                vals_h.at[pl.ds(0, STAGE)],
                vals.at[pl.ds(p * STAGE, STAGE)],
                lsems[p],
            ).wait()

        def compute_inplace(gb, voff):
            def group(i16, _):
                vv = vals[pl.ds(voff + i16 * 16, 16)]
                base = i16 * 16
                for u in range(16):
                    gb[base + u] = gb[base + u] * vv[u]
                return 0

            lax.fori_loop(0, CHUNK // 16, group, 0)

        def process_stage(p):
            gd = [
                pltpu.async_copy(
                    xsh.at[cidx.at[pl.ds(p * STAGE + j * CHUNK, CHUNK)]],
                    gbufs[j], gsems[j],
                )
                for j in range(SUBCHUNKS)
            ]
            sd = []
            for j in range(SUBCHUNKS):
                gd[j].wait()
                compute_inplace(gbufs[j], p * STAGE + j * CHUNK)
                sd.append(
                    pltpu.async_copy(
                        gbufs[j],
                        acc.at[ridx.at[pl.ds(p * STAGE + j * CHUNK, CHUNK)]],
                        ssems[j], add=True,
                    )
                )
            for d in sd:
                d.wait()

        issue_linear(0, 0)

        def pair_body(t2, _):
            t0 = 2 * t2
            wait_linear(0)
            issue_linear(1, t0 + 1)
            process_stage(0)
            wait_linear(1)

            @pl.when(t2 + 1 < n2)
            def _():
                issue_linear(0, t0 + 2)

            process_stage(1)
            return 0

        lax.fori_loop(0, n2, pair_body, 0)

        plsc.subcore_barrier()
        sl = pl.ds(s * rows_per_tile, rows_per_tile)
        pltpu.sync_copy(acc.at[sl], out_h.at[c].at[sl])

    return sc_call


def _combine(partials):
    two, n, lanes = partials.shape

    def body(p_ref, o_ref):
        o_ref[...] = p_ref[0] + p_ref[1]

    return pl.pallas_call(
        body,
        out_shape=jax.ShapeDtypeStruct((n, lanes), jnp.float32),
    )(partials)


def kernel(x_batched, rows, cols, values):
    B, N = x_batched.shape
    nnz = rows.shape[0]

    unit = NUM_TILES * STAGE * 2
    nnz_pad = ((nnz + unit - 1) // unit) * unit
    pad = nnz_pad - nnz
    if pad:
        spread = (jnp.arange(pad, dtype=jnp.int32) * 97) % N
        rows = jnp.concatenate([rows, spread])
        cols = jnp.concatenate([cols, spread])
        values = jnp.concatenate([values, jnp.zeros((pad,), values.dtype)])

    x16 = jnp.concatenate(
        [x_batched.T, jnp.zeros((N, LANES - B), jnp.float32)], axis=1
    )

    pt_total = nnz_pad // (NUM_TILES * CHUNK)
    a_chunks = pt_total
    out2 = _make_sc_call(N, nnz_pad, a_chunks)(x16, rows, cols, values)
    out = _combine(out2)
    return out[:, :B].T

# --- scband reference (transcript-rebuilt; emitter-appended) ---
"""Pipeline reference for scband-batch-sparse-dense-matmul-45758581572284 (READ-ONLY COPY).

The authoritative reference and input builder live on the scoring server;
editing this copy changes nothing except your own understanding.
"""

import jax, jax.numpy as jnp
import numpy as np

N = 16384
DENSITY = 0.01
NNZ = int(N * N * DENSITY)
B = 8


def setup_inputs(seed: int = 0) -> dict:
    key = jax.random.key(seed)
    k1, k2, k3, k4 = jax.random.split(key, 4)
    # Sparse matrix M [N, N] in COO form (rows, cols, values).
    rows = jax.random.randint(k1, (NNZ,), 0, N, dtype=jnp.int32)
    cols = jax.random.randint(k2, (NNZ,), 0, N, dtype=jnp.int32)
    values = jax.random.normal(k3, (NNZ,), dtype=jnp.float32)
    x_batched = jax.random.normal(k4, (B, N), dtype=jnp.float32)
    return {"x_batched": x_batched, "rows": rows, "cols": cols, "values": values}


def reference(x_batched, rows, cols, values):
    # Per-batch sparse-dense matvec: out[b, r] = sum_k values[k] * x[b, cols[k]] for rows[k] == r.
    # Equivalent to tf.map_fn over batch of tf.sparse.sparse_dense_matmul(M, x[b]).
    gathered = jnp.take(x_batched, cols, axis=1)          # [B, NNZ] gather
    prod = gathered * values[None, :]                      # [B, NNZ]
    out = jax.ops.segment_sum(prod.T, rows, num_segments=N)  # scatter-add -> [N, B]
    return out.T                                           # [B, N]

if __name__ == "__main__":
    import jax
    _d = setup_inputs()
    print(jax.jit(kernel)(*tuple(_d.values())))

</pallas_src>

<mosaic_0001>
#map = affine_map<(d0, d1) -> (0, 0)>
#map1 = affine_map<(d0, d1) -> (0)>
#map2 = affine_map<(d0, d1) -> (0, 0, 0)>
module attributes {stable_mosaic.version = 14 : i64} {
  func.func @sc_call(%arg0: i32, %arg1: i32, %arg2: memref<16384x16xf32, #tpu.memory_space<hbm>>, %arg3: memref<2752512xi32, #tpu.memory_space<hbm>>, %arg4: memref<2752512xi32, #tpu.memory_space<hbm>>, %arg5: memref<2752512xf32, #tpu.memory_space<hbm>>, %arg6: memref<2x16384x16xf32, #tpu.memory_space<hbm>>, %arg7: memref<16384x16xf32, #tpu.memory_space<vmem_shared>>, %arg8: memref<4096xi32, #tpu.memory_space<vmem>>, %arg9: memref<512x16xf32, #tpu.memory_space<vmem>>, %arg10: memref<512x16xf32, #tpu.memory_space<vmem>>, %arg11: memref<512x16xf32, #tpu.memory_space<vmem>>, %arg12: memref<512x16xf32, #tpu.memory_space<vmem>>, %arg13: memref<512x16xf32, #tpu.memory_space<vmem>>, %arg14: memref<512x16xf32, #tpu.memory_space<vmem>>, %arg15: memref<512x16xf32, #tpu.memory_space<vmem>>, %arg16: memref<512x16xf32, #tpu.memory_space<vmem>>, %arg17: memref<!tpu.dma_semaphore, #tpu.memory_space<semaphore_mem>>, %arg18: memref<!tpu.dma_semaphore, #tpu.memory_space<semaphore_mem>>, %arg19: memref<!tpu.dma_semaphore, #tpu.memory_space<semaphore_mem>>, %arg20: memref<!tpu.dma_semaphore, #tpu.memory_space<semaphore_mem>>, %arg21: memref<!tpu.dma_semaphore, #tpu.memory_space<semaphore_mem>>, %arg22: memref<!tpu.dma_semaphore, #tpu.memory_space<semaphore_mem>>, %arg23: memref<!tpu.dma_semaphore, #tpu.memory_space<semaphore_mem>>, %arg24: memref<!tpu.dma_semaphore, #tpu.memory_space<semaphore_mem>>, %arg25: memref<!tpu.dma_semaphore, #tpu.memory_space<semaphore_mem>>, %arg26: memref<!tpu.dma_semaphore, #tpu.memory_space<semaphore_mem>>, %arg27: memref<4096xi32, #tpu.memory_space<vmem>>, %arg28: memref<!tpu.dma_semaphore, #tpu.memory_space<semaphore_mem>>, %arg29: memref<!tpu.dma_semaphore, #tpu.memory_space<semaphore_mem>>, %arg30: memref<!tpu.dma_semaphore, #tpu.memory_space<semaphore_mem>>, %arg31: memref<!tpu.dma_semaphore, #tpu.memory_space<semaphore_mem>>, %arg32: memref<!tpu.dma_semaphore, #tpu.memory_space<semaphore_mem>>, %arg33: memref<!tpu.dma_semaphore, #tpu.memory_space<semaphore_mem>>, %arg34: memref<!tpu.dma_semaphore, #tpu.memory_space<semaphore_mem>>, %arg35: memref<!tpu.dma_semaphore, #tpu.memory_space<semaphore_mem>>, %arg36: memref<4096xf32, #tpu.memory_space<vmem>>, %arg37: memref<16384x16xf32, #tpu.memory_space<vmem_shared>>) attributes {dimension_semantics = [#tpu.dimension_semantics<core_parallel>, #tpu.dimension_semantics<subcore_parallel>], iteration_bounds = array<i64: 2, 16>, scalar_prefetch = 0 : i64, scratch_operands = 31 : i64, tpu.core_type = #tpu.core_type<sc_vector_subcore>, window_params = [{transform_indices = #map}, {transform_indices = #map1}, {transform_indices = #map1}, {transform_indices = #map1}, {transform_indices = #map2}]} {
    %broadcast_in_dim3A = arith.constant 0.000000e+00 : f32
    %broadcast_in_dim3A_0 = vector.broadcast %broadcast_in_dim3A : f32 to vector<16xf32>
    %scan3A = arith.constant 0 : i32
    %scan3A_1 = arith.constant 0 : i32
    %scan3A_2 = arith.constant 32 : i32
    %scan3A_3 = arith.addi %scan3A_1, %scan3A_2 : i32
    %scan3A_4 = arith.constant 1 : i32
    %scan3A_5 = scf.for %scan3A_51 = %scan3A_1 to %scan3A_3 step %scan3A_4 iter_args(%scan3A_52 = %scan3A) -> (i32)  : i32 {
      %mul3A_53 = arith.constant 16 : i32
      %mul3A_54 = arith.muli %scan3A_51, %mul3A_53 : i32
      %add3A_55 = arith.constant 0 : i32
      %add3A_56 = arith.addi %mul3A_54, %add3A_55 : i32
      %swap3A = arith.index_cast %add3A_56 : i32 to index
      %swap3A_57 = arith.constant 0 : index
      %swap3A_58 = tpu.vector_load %arg9[%swap3A, %swap3A_57] {strides = array<i32>} : memref<512x16xf32, #tpu.memory_space<vmem>>, vector<1x16xf32>,
      %swap3A_59 = vector.shape_cast %swap3A_58 : vector<1x16xf32> to vector<16xf32>
      %swap3A_60 = vector.shape_cast %broadcast_in_dim3A_0 : vector<16xf32> to vector<1x16xf32>
      tpu.vector_store %arg9[%swap3A, %swap3A_57], %swap3A_60 {strides = array<i32>} : memref<512x16xf32, #tpu.memory_space<vmem>>, vector<1x16xf32>,
      %add3A_61 = arith.constant 1 : i32
      %add3A_62 = arith.addi %mul3A_54, %add3A_61 : i32
      %swap3A_63 = arith.index_cast %add3A_62 : i32 to index
      %swap3A_64 = arith.constant 0 : index
      %swap3A_65 = tpu.vector_load %arg9[%swap3A_63, %swap3A_64] {strides = array<i32>} : memref<512x16xf32, #tpu.memory_space<vmem>>, vector<1x16xf32>,
      %swap3A_66 = vector.shape_cast %swap3A_65 : vector<1x16xf32> to vector<16xf32>
      %swap3A_67 = vector.shape_cast %broadcast_in_dim3A_0 : vector<16xf32> to vector<1x16xf32>
      tpu.vector_store %arg9[%swap3A_63, %swap3A_64], %swap3A_67 {strides = array<i32>} : memref<512x16xf32, #tpu.memory_space<vmem>>, vector<1x16xf32>,
      %add3A_68 = arith.constant 2 : i32
      %add3A_69 = arith.addi %mul3A_54, %add3A_68 : i32
      %swap3A_70 = arith.index_cast %add3A_69 : i32 to index
      %swap3A_71 = arith.constant 0 : index
      %swap3A_72 = tpu.vector_load %arg9[%swap3A_70, %swap3A_71] {strides = array<i32>} : memref<512x16xf32, #tpu.memory_space<vmem>>, vector<1x16xf32>,
      %swap3A_73 = vector.shape_cast %swap3A_72 : vector<1x16xf32> to vector<16xf32>
      %swap3A_74 = vector.shape_cast %broadcast_in_dim3A_0 : vector<16xf32> to vector<1x16xf32>
      tpu.vector_store %arg9[%swap3A_70, %swap3A_71], %swap3A_74 {strides = array<i32>} : memref<512x16xf32, #tpu.memory_space<vmem>>, vector<1x16xf32>,
      %add3A_75 = arith.constant 3 : i32
      %add3A_76 = arith.addi %mul3A_54, %add3A_75 : i32
      %swap3A_77 = arith.index_cast %add3A_76 : i32 to index
      %swap3A_78 = arith.constant 0 : index
      %swap3A_79 = tpu.vector_load %arg9[%swap3A_77, %swap3A_78] {strides = array<i32>} : memref<512x16xf32, #tpu.memory_space<vmem>>, vector<1x16xf32>,
      %swap3A_80 = vector.shape_cast %swap3A_79 : vector<1x16xf32> to vector<16xf32>
      %swap3A_81 = vector.shape_cast %broadcast_in_dim3A_0 : vector<16xf32> to vector<1x16xf32>
      tpu.vector_store %arg9[%swap3A_77, %swap3A_78], %swap3A_81 {strides = array<i32>} : memref<512x16xf32, #tpu.memory_space<vmem>>, vector<1x16xf32>,
      %add3A_82 = arith.constant 4 : i32
      %add3A_83 = arith.addi %mul3A_54, %add3A_82 : i32
      %swap3A_84 = arith.index_cast %add3A_83 : i32 to index
      %swap3A_85 = arith.constant 0 : index
      %swap3A_86 = tpu.vector_load %arg9[%swap3A_84, %swap3A_85] {strides = array<i32>} : memref<512x16xf32, #tpu.memory_space<vmem>>, vector<1x16xf32>,
      %swap3A_87 = vector.shape_cast %swap3A_86 : vector<1x16xf32> to vector<16xf32>
      %swap3A_88 = vector.shape_cast %broadcast_in_dim3A_0 : vector<16xf32> to vector<1x16xf32>
      tpu.vector_store %arg9[%swap3A_84, %swap3A_85], %swap3A_88 {strides = array<i32>} : memref<512x16xf32, #tpu.memory_space<vmem>>, vector<1x16xf32>,
      %add3A_89 = arith.constant 5 : i32
      %add3A_90 = arith.addi %mul3A_54, %add3A_89 : i32
      %swap3A_91 = arith.index_cast %add3A_90 : i32 to index
      %swap3A_92 = arith.constant 0 : index
      %swap3A_93 = tpu.vector_load %arg9[%swap3A_91, %swap3A_92] {strides = array<i32>} : memref<512x16xf32, #tpu.memory_space<vmem>>, vector<1x16xf32>,
      %swap3A_94 = vector.shape_cast %swap3A_93 : vector<1x16xf32> to vector<16xf32>
      %swap3A_95 = vector.shape_cast %broadcast_in_dim3A_0 : vector<16xf32> to vector<1x16xf32>
      tpu.vector_store %arg9[%swap3A_91, %swap3A_92], %swap3A_95 {strides = array<i32>} : memref<512x16xf32, #tpu.memory_space<vmem>>, vector<1x16xf32>,
      %add3A_96 = arith.constant 6 : i32
      %add3A_97 = arith.addi %mul3A_54, %add3A_96 : i32
      %swap3A_98 = arith.index_cast %add3A_97 : i32 to index
      %swap3A_99 = arith.constant 0 : index
      %swap3A_100 = tpu.vector_load %arg9[%swap3A_98, %swap3A_99] {strides = array<i32>} : memref<512x16xf32, #tpu.memory_space<vmem>>, vector<1x16xf32>,
      %swap3A_101 = vector.shape_cast %swap3A_100 : vector<1x16xf32> to vector<16xf32>
      %swap3A_102 = vector.shape_cast %broadcast_in_dim3A_0 : vector<16xf32> to vector<1x16xf32>
      tpu.vector_store %arg9[%swap3A_98, %swap3A_99], %swap3A_102 {strides = array<i32>} : memref<512x16xf32, #tpu.memory_space<vmem>>, vector<1x16xf32>,
      %add3A_103 = arith.constant 7 : i32
      %add3A_104 = arith.addi %mul3A_54, %add3A_103 : i32
      %swap3A_105 = arith.index_cast %add3A_104 : i32 to index
      %swap3A_106 = arith.constant 0 : index
      %swap3A_107 = tpu.vector_load %arg9[%swap3A_105, %swap3A_106] {strides = array<i32>} : memref<512x16xf32, #tpu.memory_space<vmem>>, vector<1x16xf32>,
      %swap3A_108 = vector.shape_cast %swap3A_107 : vector<1x16xf32> to vector<16xf32>
      %swap3A_109 = vector.shape_cast %broadcast_in_dim3A_0 : vector<16xf32> to vector<1x16xf32>
      tpu.vector_store %arg9[%swap3A_105, %swap3A_106], %swap3A_109 {strides = array<i32>} : memref<512x16xf32, #tpu.memory_space<vmem>>, vector<1x16xf32>,
      %add3A_110 = arith.constant 8 : i32
      %add3A_111 = arith.addi %mul3A_54, %add3A_110 : i32
      %swap3A_112 = arith.index_cast %add3A_111 : i32 to index
      %swap3A_113 = arith.constant 0 : index
      %swap3A_114 = tpu.vector_load %arg9[%swap3A_112, %swap3A_113] {strides = array<i32>} : memref<512x16xf32, #tpu.memory_space<vmem>>, vector<1x16xf32>,
      %swap3A_115 = vector.shape_cast %swap3A_114 : vector<1x16xf32> to vector<16xf32>
      %swap3A_116 = vector.shape_cast %broadcast_in_dim3A_0 : vector<16xf32> to vector<1x16xf32>
      tpu.vector_store %arg9[%swap3A_112, %swap3A_113], %swap3A_116 {strides = array<i32>} : memref<512x16xf32, #tpu.memory_space<vmem>>, vector<1x16xf32>,
      %add3A_117 = arith.constant 9 : i32
      %add3A_118 = arith.addi %mul3A_54, %add3A_117 : i32
      %swap3A_119 = arith.index_cast %add3A_118 : i32 to index
      %swap3A_120 = arith.constant 0 : index
      %swap3A_121 = tpu.vector_load %arg9[%swap3A_119, %swap3A_120] {strides = array<i32>} : memref<512x16xf32, #tpu.memory_space<vmem>>, vector<1x16xf32>,
      %swap3A_122 = vector.shape_cast %swap3A_121 : vector<1x16xf32> to vector<16xf32>
      %swap3A_123 = vector.shape_cast %broadcast_in_dim3A_0 : vector<16xf32> to vector<1x16xf32>
      tpu.vector_store %arg9[%swap3A_119, %swap3A_120], %swap3A_123 {strides = array<i32>} : memref<512x16xf32, #tpu.memory_space<vmem>>, vector<1x16xf32>,
      %add3A_124 = arith.constant 10 : i32
      %add3A_125 = arith.addi %mul3A_54, %add3A_124 : i32
      %swap3A_126 = arith.index_cast %add3A_125 : i32 to index
      %swap3A_127 = arith.constant 0 : index
      %swap3A_128 = tpu.vector_load %arg9[%swap3A_126, %swap3A_127] {strides = array<i32>} : memref<512x16xf32, #tpu.memory_space<vmem>>, vector<1x16xf32>,
      %swap3A_129 = vector.shape_cast %swap3A_128 : vector<1x16xf32> to vector<16xf32>
      %swap3A_130 = vector.shape_cast %broadcast_in_dim3A_0 : vector<16xf32> to vector<1x16xf32>
      tpu.vector_store %arg9[%swap3A_126, %swap3A_127], %swap3A_130 {strides = array<i32>} : memref<512x16xf32, #tpu.memory_space<vmem>>, vector<1x16xf32>,
      %add3A_131 = arith.constant 11 : i32
      %add3A_132 = arith.addi %mul3A_54, %add3A_131 : i32
      %swap3A_133 = arith.index_cast %add3A_132 : i32 to index
      %swap3A_134 = arith.constant 0 : index
      %swap3A_135 = tpu.vector_load %arg9[%swap3A_133, %swap3A_134] {strides = array<i32>} : memref<512x16xf32, #tpu.memory_space<vmem>>, vector<1x16xf32>,
      %swap3A_136 = vector.shape_cast %swap3A_135 : vector<1x16xf32> to vector<16xf32>
      %swap3A_137 = vector.shape_cast %broadcast_in_dim3A_0 : vector<16xf32> to vector<1x16xf32>
      tpu.vector_store %arg9[%swap3A_133, %swap3A_134], %swap3A_137 {strides = array<i32>} : memref<512x16xf32, #tpu.memory_space<vmem>>, vector<1x16xf32>,
      %add3A_138 = arith.constant 12 : i32
      %add3A_139 = arith.addi %mul3A_54, %add3A_138 : i32
      %swap3A_140 = arith.index_cast %add3A_139 : i32 to index
      %swap3A_141 = arith.constant 0 : index
      %swap3A_142 = tpu.vector_load %arg9[%swap3A_140, %swap3A_141] {strides = array<i32>} : memref<512x16xf32, #tpu.memory_space<vmem>>, vector<1x16xf32>,
      %swap3A_143 = vector.shape_cast %swap3A_142 : vector<1x16xf32> to vector<16xf32>
      %swap3A_144 = vector.shape_cast %broadcast_in_dim3A_0 : vector<16xf32> to vector<1x16xf32>
      tpu.vector_store %arg9[%swap3A_140, %swap3A_141], %swap3A_144 {strides = array<i32>} : memref<512x16xf32, #tpu.memory_space<vmem>>, vector<1x16xf32>,
      %add3A_145 = arith.constant 13 : i32
      %add3A_146 = arith.addi %mul3A_54, %add3A_145 : i32
      %swap3A_147 = arith.index_cast %add3A_146 : i32 to index
      %swap3A_148 = arith.constant 0 : index
      %swap3A_149 = tpu.vector_load %arg9[%swap3A_147, %swap3A_148] {strides = array<i32>} : memref<512x16xf32, #tpu.memory_space<vmem>>, vector<1x16xf32>,
      %swap3A_150 = vector.shape_cast %swap3A_149 : vector<1x16xf32> to vector<16xf32>
      %swap3A_151 = vector.shape_cast %broadcast_in_dim3A_0 : vector<16xf32> to vector<1x16xf32>
      tpu.vector_store %arg9[%swap3A_147, %swap3A_148], %swap3A_151 {strides = array<i32>} : memref<512x16xf32, #tpu.memory_space<vmem>>, vector<1x16xf32>,
      %add3A_152 = arith.constant 14 : i32
      %add3A_153 = arith.addi %mul3A_54, %add3A_152 : i32
      %swap3A_154 = arith.index_cast %add3A_153 : i32 to index
      %swap3A_155 = arith.constant 0 : index
      %swap3A_156 = tpu.vector_load %arg9[%swap3A_154, %swap3A_155] {strides = array<i32>} : memref<512x16xf32, #tpu.memory_space<vmem>>, vector<1x16xf32>,
      %swap3A_157 = vector.shape_cast %swap3A_156 : vector<1x16xf32> to vector<16xf32>
      %swap3A_158 = vector.shape_cast %broadcast_in_dim3A_0 : vector<16xf32> to vector<1x16xf32>
      tpu.vector_store %arg9[%swap3A_154, %swap3A_155], %swap3A_158 {strides = array<i32>} : memref<512x16xf32, #tpu.memory_space<vmem>>, vector<1x16xf32>,
      %add3A_159 = arith.constant 15 : i32
      %add3A_160 = arith.addi %mul3A_54, %add3A_159 : i32
      %swap3A_161 = arith.index_cast %add3A_160 : i32 to index
      %swap3A_162 = arith.constant 0 : index
      %swap3A_163 = tpu.vector_load %arg9[%swap3A_161, %swap3A_162] {strides = array<i32>} : memref<512x16xf32, #tpu.memory_space<vmem>>, vector<1x16xf32>,
      %swap3A_164 = vector.shape_cast %swap3A_163 : vector<1x16xf32> to vector<16xf32>
      %swap3A_165 = vector.shape_cast %broadcast_in_dim3A_0 : vector<16xf32> to vector<1x16xf32>
      tpu.vector_store %arg9[%swap3A_161, %swap3A_162], %swap3A_165 {strides = array<i32>} : memref<512x16xf32, #tpu.memory_space<vmem>>, vector<1x16xf32>,
      %scan3A_166 = arith.constant 0 : i32
      scf.yield %scan3A_166 : i32
    }
    %scan3A_6 = arith.constant 32 : i32
    %mul3A = arith.constant 1024 : i32
    %mul3A_7 = arith.muli %arg1, %mul3A : i32
    %add3A = arith.constant 0 : i32
    %add3A_8 = arith.addi %mul3A_7, %add3A : i32
    "tpu.region"() ({
      %run_scoped3A = tpu.sem_alloc : memref<!tpu.dma_semaphore, #tpu.memory_space<semaphore_mem>>
      %dma_start3A_51 = arith.constant 0 : i32
      %dma_start3A_52 = tpu.memref_slice %arg7[%add3A_8, %dma_start3A_51] : memref<16384x16xf32, #tpu.memory_space<vmem_shared>> -> memref<512x16xf32, #tpu.memory_space<vmem_shared>>
      %dma_start3A_53 = arith.constant 0 : i32
      %dma_start3A_54 = tpu.memref_slice %arg7[%add3A_8, %dma_start3A_53] : memref<16384x16xf32, #tpu.memory_space<vmem_shared>> -> memref<512x16xf32, #tpu.memory_space<vmem_shared>>
      tpu.enqueue_dma source(%arg9 : memref<512x16xf32, #tpu.memory_space<vmem>>) target(%dma_start3A_54 : memref<512x16xf32, #tpu.memory_space<vmem_shared>>) target_semaphore(%run_scoped3A : memref<!tpu.dma_semaphore, #tpu.memory_space<semaphore_mem>>)
      %dma_wait3A = arith.constant 0 : i32
      %dma_wait3A_55 = tpu.memref_slice %arg7[%add3A_8, %dma_wait3A] : memref<16384x16xf32, #tpu.memory_space<vmem_shared>> -> memref<512x16xf32, #tpu.memory_space<vmem_shared>>
      %dma_wait3A_56 = arith.constant 0 : i32
      %dma_wait3A_57 = tpu.memref_slice %arg7[%add3A_8, %dma_wait3A_56] : memref<16384x16xf32, #tpu.memory_space<vmem_shared>> -> memref<512x16xf32, #tpu.memory_space<vmem_shared>>
      tpu.wait_dma2 semaphore(%run_scoped3A : memref<!tpu.dma_semaphore, #tpu.memory_space<semaphore_mem>>) src(%arg9 : memref<512x16xf32, #tpu.memory_space<vmem>>) dst(%dma_wait3A_57 : memref<512x16xf32, #tpu.memory_space<vmem_shared>>)
      tpu.yield
    }) : () -> ()
    %mul3A_9 = arith.constant 1024 : i32
    %mul3A_10 = arith.muli %arg1, %mul3A_9 : i32
    %add3A_11 = arith.constant 512 : i32
    %add3A_12 = arith.addi %mul3A_10, %add3A_11 : i32
    "tpu.region"() ({
      %run_scoped3A = tpu.sem_alloc : memref<!tpu.dma_semaphore, #tpu.memory_space<semaphore_mem>>
      %dma_start3A_51 = arith.constant 0 : i32
      %dma_start3A_52 = tpu.memref_slice %arg7[%add3A_12, %dma_start3A_51] : memref<16384x16xf32, #tpu.memory_space<vmem_shared>> -> memref<512x16xf32, #tpu.memory_space<vmem_shared>>
      %dma_start3A_53 = arith.constant 0 : i32
      %dma_start3A_54 = tpu.memref_slice %arg7[%add3A_12, %dma_start3A_53] : memref<16384x16xf32, #tpu.memory_space<vmem_shared>> -> memref<512x16xf32, #tpu.memory_space<vmem_shared>>
      tpu.enqueue_dma source(%arg9 : memref<512x16xf32, #tpu.memory_space<vmem>>) target(%dma_start3A_54 : memref<512x16xf32, #tpu.memory_space<vmem_shared>>) target_semaphore(%run_scoped3A : memref<!tpu.dma_semaphore, #tpu.memory_space<semaphore_mem>>)
      %dma_wait3A = arith.constant 0 : i32
      %dma_wait3A_55 = tpu.memref_slice %arg7[%add3A_12, %dma_wait3A] : memref<16384x16xf32, #tpu.memory_space<vmem_shared>> -> memref<512x16xf32, #tpu.memory_space<vmem_shared>>
      %dma_wait3A_56 = arith.constant 0 : i32
      %dma_wait3A_57 = tpu.memref_slice %arg7[%add3A_12, %dma_wait3A_56] : memref<16384x16xf32, #tpu.memory_space<vmem_shared>> -> memref<512x16xf32, #tpu.memory_space<vmem_shared>>
      tpu.wait_dma2 semaphore(%run_scoped3A : memref<!tpu.dma_semaphore, #tpu.memory_space<semaphore_mem>>) src(%arg9 : memref<512x16xf32, #tpu.memory_space<vmem>>) dst(%dma_wait3A_57 : memref<512x16xf32, #tpu.memory_space<vmem_shared>>)
      tpu.yield
    }) : () -> ()
    %mul3A_13 = arith.constant 1024 : i32
    %mul3A_14 = arith.muli %arg1, %mul3A_13 : i32
    "tpu.region"() ({
      %run_scoped3A = tpu.sem_alloc : memref<!tpu.dma_semaphore, #tpu.memory_space<semaphore_mem>>
      %dma_start3A_51 = arith.constant 0 : i32
      %dma_start3A_52 = tpu.memref_slice %arg37[%mul3A_14, %dma_start3A_51] : memref<16384x16xf32, #tpu.memory_space<vmem_shared>> -> memref<1024x16xf32, #tpu.memory_space<vmem_shared>>
      %dma_start3A_53 = arith.constant 0 : i32
      %dma_start3A_54 = tpu.memref_slice %arg2[%mul3A_14, %dma_start3A_53] : memref<16384x16xf32, #tpu.memory_space<hbm>> -> memref<1024x16xf32, #tpu.memory_space<hbm>>
      tpu.enqueue_dma source(%dma_start3A_54 : memref<1024x16xf32, #tpu.memory_space<hbm>>) target(%dma_start3A_52 : memref<1024x16xf32, #tpu.memory_space<vmem_shared>>) target_semaphore(%run_scoped3A : memref<!tpu.dma_semaphore, #tpu.memory_space<semaphore_mem>>)
      %dma_wait3A = arith.constant 0 : i32
      %dma_wait3A_55 = tpu.memref_slice %arg37[%mul3A_14, %dma_wait3A] : memref<16384x16xf32, #tpu.memory_space<vmem_shared>> -> memref<1024x16xf32, #tpu.memory_space<vmem_shared>>
      %dma_wait3A_56 = arith.constant 0 : i32
      %dma_wait3A_57 = tpu.memref_slice %arg2[%mul3A_14, %dma_wait3A_56] : memref<16384x16xf32, #tpu.memory_space<hbm>> -> memref<1024x16xf32, #tpu.memory_space<hbm>>
      tpu.wait_dma2 semaphore(%run_scoped3A : memref<!tpu.dma_semaphore, #tpu.memory_space<semaphore_mem>>) src(%dma_wait3A_57 : memref<1024x16xf32, #tpu.memory_space<hbm>>) dst(%dma_wait3A_55 : memref<1024x16xf32, #tpu.memory_space<vmem_shared>>)
      tpu.yield
    }) : () -> ()
    %barrier3A = arith.constant 0 : index
    tpu.barrier barrier_id(%barrier3A)
    %mul3A_15 = arith.constant 2 : i32
    %mul3A_16 = arith.muli %arg1, %mul3A_15 : i32
    %add3A_17 = arith.addi %mul3A_16, %arg0 : i32
    %mul3A_18 = arith.constant 168 : i32
    %mul3A_19 = arith.muli %add3A_17, %mul3A_18 : i32
    %add3A_20 = arith.constant 0 : i32
    %add3A_21 = arith.addi %mul3A_19, %add3A_20 : i32
    %mul3A_22 = arith.constant 512 : i32
    %mul3A_23 = arith.muli %add3A_21, %mul3A_22 : i32
    %dma_start3A = arith.constant 0 : i32
    %dma_start3A_24 = tpu.memref_slice %arg27[%dma_start3A] : memref<4096xi32, #tpu.memory_space<vmem>> -> memref<2048xi32, #tpu.memory_space<vmem>>
    %dma_start3A_25 = tpu.memref_slice %arg3[%mul3A_23] : memref<2752512xi32, #tpu.memory_space<hbm>> -> memref<2048xi32, #tpu.memory_space<hbm>>
    %dma_start3A_26 = arith.constant 0 : i32
    %dma_start3A_27 = tpu.memref_slice %arg27[%dma_start3A_26] : memref<4096xi32, #tpu.memory_space<vmem>> -> memref<2048xi32, #tpu.memory_space<vmem>>
    %dma_start3A_28 = tpu.memref_slice %arg3[%mul3A_23] : memref<2752512xi32, #tpu.memory_space<hbm>> -> memref<2048xi32, #tpu.memory_space<hbm>>
    tpu.enqueue_dma source(%dma_start3A_28 : memref<2048xi32, #tpu.memory_space<hbm>>) target(%dma_start3A_27 : memref<2048xi32, #tpu.memory_space<vmem>>) target_semaphore(%arg25 : memref<!tpu.dma_semaphore, #tpu.memory_space<semaphore_mem>>)
    %dma_start3A_29 = arith.constant 0 : i32
    %dma_start3A_30 = tpu.memref_slice %arg8[%dma_start3A_29] : memref<4096xi32, #tpu.memory_space<vmem>> -> memref<2048xi32, #tpu.memory_space<vmem>>
    %dma_start3A_31 = tpu.memref_slice %arg4[%mul3A_23] : memref<2752512xi32, #tpu.memory_space<hbm>> -> memref<2048xi32, #tpu.memory_space<hbm>>
    %dma_start3A_32 = arith.constant 0 : i32
    %dma_start3A_33 = tpu.memref_slice %arg8[%dma_start3A_32] : memref<4096xi32, #tpu.memory_space<vmem>> -> memref<2048xi32, #tpu.memory_space<vmem>>
    %dma_start3A_34 = tpu.memref_slice %arg4[%mul3A_23] : memref<2752512xi32, #tpu.memory_space<hbm>> -> memref<2048xi32, #tpu.memory_space<hbm>>
    tpu.enqueue_dma source(%dma_start3A_34 : memref<2048xi32, #tpu.memory_space<hbm>>) target(%dma_start3A_33 : memref<2048xi32, #tpu.memory_space<vmem>>) target_semaphore(%arg25 : memref<!tpu.dma_semaphore, #tpu.memory_space<semaphore_mem>>)
    %dma_start3A_35 = arith.constant 0 : i32
    %dma_start3A_36 = tpu.memref_slice %arg36[%dma_start3A_35] : memref<4096xf32, #tpu.memory_space<vmem>> -> memref<2048xf32, #tpu.memory_space<vmem>>
    %dma_start3A_37 = tpu.memref_slice %arg5[%mul3A_23] : memref<2752512xf32, #tpu.memory_space<hbm>> -> memref<2048xf32, #tpu.memory_space<hbm>>
    %dma_start3A_38 = arith.constant 0 : i32
    %dma_start3A_39 = tpu.memref_slice %arg36[%dma_start3A_38] : memref<4096xf32, #tpu.memory_space<vmem>> -> memref<2048xf32, #tpu.memory_space<vmem>>
    %dma_start3A_40 = tpu.memref_slice %arg5[%mul3A_23] : memref<2752512xf32, #tpu.memory_space<hbm>> -> memref<2048xf32, #tpu.memory_space<hbm>>
    tpu.enqueue_dma source(%dma_start3A_40 : memref<2048xf32, #tpu.memory_space<hbm>>) target(%dma_start3A_39 : memref<2048xf32, #tpu.memory_space<vmem>>) target_semaphore(%arg25 : memref<!tpu.dma_semaphore, #tpu.memory_space<semaphore_mem>>)
    %scan3A_41 = arith.constant 0 : i32
    %scan3A_42 = arith.constant 0 : i32
    %scan3A_43 = arith.constant 21 : i32
    %scan3A_44 = arith.addi %scan3A_42, %scan3A_43 : i32
    %scan3A_45 = arith.constant 1 : i32
    %scan3A_46 = scf.for %scan3A_51 = %scan3A_42 to %scan3A_44 step %scan3A_45 iter_args(%scan3A_52 = %scan3A_41) -> (i32)  : i32 {
      %mul3A_53 = arith.constant 2 : i32
      %mul3A_54 = arith.muli %mul3A_53, %scan3A_51 : i32
      %dma_wait3A = arith.constant 0 : i32
      %dma_wait3A_55 = tpu.memref_slice %arg27[%dma_wait3A] : memref<4096xi32, #tpu.memory_space<vmem>> -> memref<2048xi32, #tpu.memory_space<vmem>>
      %dma_wait3A_56 = arith.constant 0 : i32
      %dma_wait3A_57 = tpu.memref_slice %arg3[%dma_wait3A_56] : memref<2752512xi32, #tpu.memory_space<hbm>> -> memref<2048xi32, #tpu.memory_space<hbm>>
      %dma_wait3A_58 = arith.constant 0 : i32
      %dma_wait3A_59 = tpu.memref_slice %arg27[%dma_wait3A_58] : memref<4096xi32, #tpu.memory_space<vmem>> -> memref<2048xi32, #tpu.memory_space<vmem>>
      %dma_wait3A_60 = arith.constant 0 : i32
      %dma_wait3A_61 = tpu.memref_slice %arg3[%dma_wait3A_60] : memref<2752512xi32, #tpu.memory_space<hbm>> -> memref<2048xi32, #tpu.memory_space<hbm>>
      tpu.wait_dma2 semaphore(%arg25 : memref<!tpu.dma_semaphore, #tpu.memory_space<semaphore_mem>>) src(%dma_wait3A_61 : memref<2048xi32, #tpu.memory_space<hbm>>) dst(%dma_wait3A_59 : memref<2048xi32, #tpu.memory_space<vmem>>)
      %dma_wait3A_62 = arith.constant 0 : i32
      %dma_wait3A_63 = tpu.memref_slice %arg8[%dma_wait3A_62] : memref<4096xi32, #tpu.memory_space<vmem>> -> memref<2048xi32, #tpu.memory_space<vmem>>
      %dma_wait3A_64 = arith.constant 0 : i32
      %dma_wait3A_65 = tpu.memref_slice %arg4[%dma_wait3A_64] : memref<2752512xi32, #tpu.memory_space<hbm>> -> memref<2048xi32, #tpu.memory_space<hbm>>
      %dma_wait3A_66 = arith.constant 0 : i32
      %dma_wait3A_67 = tpu.memref_slice %arg8[%dma_wait3A_66] : memref<4096xi32, #tpu.memory_space<vmem>> -> memref<2048xi32, #tpu.memory_space<vmem>>
      %dma_wait3A_68 = arith.constant 0 : i32
      %dma_wait3A_69 = tpu.memref_slice %arg4[%dma_wait3A_68] : memref<2752512xi32, #tpu.memory_space<hbm>> -> memref<2048xi32, #tpu.memory_space<hbm>>
      tpu.wait_dma2 semaphore(%arg25 : memref<!tpu.dma_semaphore, #tpu.memory_space<semaphore_mem>>) src(%dma_wait3A_69 : memref<2048xi32, #tpu.memory_space<hbm>>) dst(%dma_wait3A_67 : memref<2048xi32, #tpu.memory_space<vmem>>)
      %dma_wait3A_70 = arith.constant 0 : i32
      %dma_wait3A_71 = tpu.memref_slice %arg36[%dma_wait3A_70] : memref<4096xf32, #tpu.memory_space<vmem>> -> memref<2048xf32, #tpu.memory_space<vmem>>
      %dma_wait3A_72 = arith.constant 0 : i32
      %dma_wait3A_73 = tpu.memref_slice %arg5[%dma_wait3A_72] : memref<2752512xf32, #tpu.memory_space<hbm>> -> memref<2048xf32, #tpu.memory_space<hbm>>
      %dma_wait3A_74 = arith.constant 0 : i32
      %dma_wait3A_75 = tpu.memref_slice %arg36[%dma_wait3A_74] : memref<4096xf32, #tpu.memory_space<vmem>> -> memref<2048xf32, #tpu.memory_space<vmem>>
      %dma_wait3A_76 = arith.constant 0 : i32
      %dma_wait3A_77 = tpu.memref_slice %arg5[%dma_wait3A_76] : memref<2752512xf32, #tpu.memory_space<hbm>> -> memref<2048xf32, #tpu.memory_space<hbm>>
      tpu.wait_dma2 semaphore(%arg25 : memref<!tpu.dma_semaphore, #tpu.memory_space<semaphore_mem>>) src(%dma_wait3A_77 : memref<2048xf32, #tpu.memory_space<hbm>>) dst(%dma_wait3A_75 : memref<2048xf32, #tpu.memory_space<vmem>>)
      %add3A_78 = arith.constant 1 : i32
      %add3A_79 = arith.addi %mul3A_54, %add3A_78 : i32
      %mul3A_80 = arith.constant 4 : i32
      %mul3A_81 = arith.muli %add3A_79, %mul3A_80 : i32
      %add3A_82 = arith.addi %mul3A_19, %mul3A_81 : i32
      %mul3A_83 = arith.constant 512 : i32
      %mul3A_84 = arith.muli %add3A_82, %mul3A_83 : i32
      %dma_start3A_85 = arith.constant 2048 : i32
      %dma_start3A_86 = tpu.memref_slice %arg27[%dma_start3A_85] : memref<4096xi32, #tpu.memory_space<vmem>> -> memref<2048xi32, #tpu.memory_space<vmem>>
      %dma_start3A_87 = tpu.memref_slice %arg3[%mul3A_84] : memref<2752512xi32, #tpu.memory_space<hbm>> -> memref<2048xi32, #tpu.memory_space<hbm>>
      %dma_start3A_88 = arith.constant 2048 : i32
      %dma_start3A_89 = tpu.memref_slice %arg27[%dma_start3A_88] : memref<4096xi32, #tpu.memory_space<vmem>> -> memref<2048xi32, #tpu.memory_space<vmem>>
      %dma_start3A_90 = tpu.memref_slice %arg3[%mul3A_84] : memref<2752512xi32, #tpu.memory_space<hbm>> -> memref<2048xi32, #tpu.memory_space<hbm>>
      tpu.enqueue_dma source(%dma_start3A_90 : memref<2048xi32, #tpu.memory_space<hbm>>) target(%dma_start3A_89 : memref<2048xi32, #tpu.memory_space<vmem>>) target_semaphore(%arg26 : memref<!tpu.dma_semaphore, #tpu.memory_space<semaphore_mem>>)
      %dma_start3A_91 = arith.constant 2048 : i32
      %dma_start3A_92 = tpu.memref_slice %arg8[%dma_start3A_91] : memref<4096xi32, #tpu.memory_space<vmem>> -> memref<2048xi32, #tpu.memory_space<vmem>>
      %dma_start3A_93 = tpu.memref_slice %arg4[%mul3A_84] : memref<2752512xi32, #tpu.memory_space<hbm>> -> memref<2048xi32, #tpu.memory_space<hbm>>
      %dma_start3A_94 = arith.constant 2048 : i32
      %dma_start3A_95 = tpu.memref_slice %arg8[%dma_start3A_94] : memref<4096xi32, #tpu.memory_space<vmem>> -> memref<2048xi32, #tpu.memory_space<vmem>>
      %dma_start3A_96 = tpu.memref_slice %arg4[%mul3A_84] : memref<2752512xi32, #tpu.memory_space<hbm>> -> memref<2048xi32, #tpu.memory_space<hbm>>
      tpu.enqueue_dma source(%dma_start3A_96 : memref<2048xi32, #tpu.memory_space<hbm>>) target(%dma_start3A_95 : memref<2048xi32, #tpu.memory_space<vmem>>) target_semaphore(%arg26 : memref<!tpu.dma_semaphore, #tpu.memory_space<semaphore_mem>>)
      %dma_start3A_97 = arith.constant 2048 : i32
      %dma_start3A_98 = tpu.memref_slice %arg36[%dma_start3A_97] : memref<4096xf32, #tpu.memory_space<vmem>> -> memref<2048xf32, #tpu.memory_space<vmem>>
      %dma_start3A_99 = tpu.memref_slice %arg5[%mul3A_84] : memref<2752512xf32, #tpu.memory_space<hbm>> -> memref<2048xf32, #tpu.memory_space<hbm>>
      %dma_start3A_100 = arith.constant 2048 : i32
      %dma_start3A_101 = tpu.memref_slice %arg36[%dma_start3A_100] : memref<4096xf32, #tpu.memory_space<vmem>> -> memref<2048xf32, #tpu.memory_space<vmem>>
      %dma_start3A_102 = tpu.memref_slice %arg5[%mul3A_84] : memref<2752512xf32, #tpu.memory_space<hbm>> -> memref<2048xf32, #tpu.memory_space<hbm>>
      tpu.enqueue_dma source(%dma_start3A_102 : memref<2048xf32, #tpu.memory_space<hbm>>) target(%dma_start3A_101 : memref<2048xf32, #tpu.memory_space<vmem>>) target_semaphore(%arg26 : memref<!tpu.dma_semaphore, #tpu.memory_space<semaphore_mem>>)
      %dma_start3A_103 = arith.constant 0 : i32
      %dma_start3A_104 = tpu.memref_slice %arg8[%dma_start3A_103] : memref<4096xi32, #tpu.memory_space<vmem>> -> memref<512xi32, #tpu.memory_space<vmem>>
      %dma_start3A_105 = arith.constant 0 : i32
      %dma_start3A_106 = arith.constant 0 : i32
      %dma_start3A_107 = tpu.memref_slice %arg37[%dma_start3A_105, %dma_start3A_106] : memref<16384x16xf32, #tpu.memory_space<vmem_shared>> -> memref<16384x16xf32, #tpu.memory_space<vmem_shared>>
      tpu.enqueue_indirect_dma source(%dma_start3A_107 : memref<16384x16xf32, #tpu.memory_space<vmem_shared>>) target(%arg9 : memref<512x16xf32, #tpu.memory_space<vmem>>) offsets(%dma_start3A_104 : memref<512xi32, #tpu.memory_space<vmem>>) semaphore(%arg17 : memref<!tpu.dma_semaphore, #tpu.memory_space<semaphore_mem>>)
      %dma_start3A_108 = arith.constant 512 : i32
      %dma_start3A_109 = tpu.memref_slice %arg8[%dma_start3A_108] : memref<4096xi32, #tpu.memory_space<vmem>> -> memref<512xi32, #tpu.memory_space<vmem>>
      %dma_start3A_110 = arith.constant 0 : i32
      %dma_start3A_111 = arith.constant 0 : i32
      %dma_start3A_112 = tpu.memref_slice %arg37[%dma_start3A_110, %dma_start3A_111] : memref<16384x16xf32, #tpu.memory_space<vmem_shared>> -> memref<16384x16xf32, #tpu.memory_space<vmem_shared>>
      tpu.enqueue_indirect_dma source(%dma_start3A_112 : memref<16384x16xf32, #tpu.memory_space<vmem_shared>>) target(%arg10 : memref<512x16xf32, #tpu.memory_space<vmem>>) offsets(%dma_start3A_109 : memref<512xi32, #tpu.memory_space<vmem>>) semaphore(%arg18 : memref<!tpu.dma_semaphore, #tpu.memory_space<semaphore_mem>>)
      %dma_start3A_113 = arith.constant 1024 : i32
      %dma_start3A_114 = tpu.memref_slice %arg8[%dma_start3A_113] : memref<4096xi32, #tpu.memory_space<vmem>> -> memref<512xi32, #tpu.memory_space<vmem>>
      %dma_start3A_115 = arith.constant 0 : i32
      %dma_start3A_116 = arith.constant 0 : i32
      %dma_start3A_117 = tpu.memref_slice %arg37[%dma_start3A_115, %dma_start3A_116] : memref<16384x16xf32, #tpu.memory_space<vmem_shared>> -> memref<16384x16xf32, #tpu.memory_space<vmem_shared>>
      tpu.enqueue_indirect_dma source(%dma_start3A_117 : memref<16384x16xf32, #tpu.memory_space<vmem_shared>>) target(%arg11 : memref<512x16xf32, #tpu.memory_space<vmem>>) offsets(%dma_start3A_114 : memref<512xi32, #tpu.memory_space<vmem>>) semaphore(%arg19 : memref<!tpu.dma_semaphore, #tpu.memory_space<semaphore_mem>>)
      %dma_start3A_118 = arith.constant 1536 : i32
      %dma_start3A_119 = tpu.memref_slice %arg8[%dma_start3A_118] : memref<4096xi32, #tpu.memory_space<vmem>> -> memref<512xi32, #tpu.memory_space<vmem>>
      %dma_start3A_120 = arith.constant 0 : i32
      %dma_start3A_121 = arith.constant 0 : i32
      %dma_start3A_122 = tpu.memref_slice %arg37[%dma_start3A_120, %dma_start3A_121] : memref<16384x16xf32, #tpu.memory_space<vmem_shared>> -> memref<16384x16xf32, #tpu.memory_space<vmem_shared>>
      tpu.enqueue_indirect_dma source(%dma_start3A_122 : memref<16384x16xf32, #tpu.memory_space<vmem_shared>>) target(%arg12 : memref<512x16xf32, #tpu.memory_space<vmem>>) offsets(%dma_start3A_119 : memref<512xi32, #tpu.memory_space<vmem>>) semaphore(%arg20 : memref<!tpu.dma_semaphore, #tpu.memory_space<semaphore_mem>>)
      %dma_wait3A_123 = arith.constant 0 : i32
      %dma_wait3A_124 = tpu.memref_slice %arg8[%dma_wait3A_123] : memref<4096xi32, #tpu.memory_space<vmem>> -> memref<512xi32, #tpu.memory_space<vmem>>
      %dma_wait3A_125 = arith.constant 0 : i32
      %dma_wait3A_126 = arith.constant 0 : i32
      %dma_wait3A_127 = tpu.memref_slice %arg37[%dma_wait3A_125, %dma_wait3A_126] : memref<16384x16xf32, #tpu.memory_space<vmem_shared>> -> memref<16384x16xf32, #tpu.memory_space<vmem_shared>>
      tpu.wait_indirect_dma semaphore(%arg17 : memref<!tpu.dma_semaphore, #tpu.memory_space<semaphore_mem>>) src(%dma_wait3A_127 : memref<16384x16xf32, #tpu.memory_space<vmem_shared>>) dst(%arg9 : memref<512x16xf32, #tpu.memory_space<vmem>>)
      %scan3A_128 = arith.constant 0 : i32
      %scan3A_129 = arith.constant 0 : i32
      %scan3A_130 = arith.constant 32 : i32
      %scan3A_131 = arith.addi %scan3A_129, %scan3A_130 : i32
      %scan3A_132 = arith.constant 1 : i32
      %scan3A_133 = scf.for %scan3A_348 = %scan3A_129 to %scan3A_131 step %scan3A_132 iter_args(%scan3A_349 = %scan3A_128) -> (i32)  : i32 {
        %mul3A_350 = arith.constant 16 : i32
        %mul3A_351 = arith.muli %scan3A_348, %mul3A_350 : i32
        %add3A_352 = arith.constant 0 : i32
        %add3A_353 = arith.addi %add3A_352, %mul3A_351 : i32
        %get3A = arith.index_cast %add3A_353 : i32 to index
        %get3A_354 = tpu.vector_load %arg36[%get3A] {strides = array<i32>} : memref<4096xf32, #tpu.memory_space<vmem>>, vector<16xf32>,
        %get3A_355 = vector.shape_cast %get3A_354 : vector<16xf32> to vector<16xf32>
        %mul3A_356 = arith.constant 16 : i32
        %mul3A_357 = arith.muli %scan3A_348, %mul3A_356 : i32
        %add3A_358 = arith.constant 0 : i32
        %add3A_359 = arith.addi %mul3A_357, %add3A_358 : i32
        %get3A_360 = arith.index_cast %add3A_359 : i32 to index
        %get3A_361 = arith.constant 0 : index
        %get3A_362 = tpu.vector_load %arg9[%get3A_360, %get3A_361] {strides = array<i32>} : memref<512x16xf32, #tpu.memory_space<vmem>>, vector<1x16xf32>,
        %get3A_363 = vector.shape_cast %get3A_362 : vector<1x16xf32> to vector<16xf32>
        %slice3A = vector.extract_strided_slice %get3A_355 {offsets = [0], sizes = [1], strides = [1]} : vector<16xf32> to vector<1xf32>
        %squeeze3A = vector.extract %slice3A[0] : f32 from vector<1xf32>
        %mul3A_364 = vector.broadcast %squeeze3A : f32 to vector<16xf32>
        %mul3A_365 = arith.mulf %get3A_363, %mul3A_364 : vector<16xf32>
        %add3A_366 = arith.constant 0 : i32
        %add3A_367 = arith.addi %mul3A_357, %add3A_366 : i32
        %swap3A = arith.index_cast %add3A_367 : i32 to index
        %swap3A_368 = arith.constant 0 : index
        %swap3A_369 = tpu.vector_load %arg9[%swap3A, %swap3A_368] {strides = array<i32>} : memref<512x16xf32, #tpu.memory_space<vmem>>, vector<1x16xf32>,
        %swap3A_370 = vector.shape_cast %swap3A_369 : vector<1x16xf32> to vector<16xf32>
        %swap3A_371 = vector.shape_cast %mul3A_365 : vector<16xf32> to vector<1x16xf32>
        tpu.vector_store %arg9[%swap3A, %swap3A_368], %swap3A_371 {strides = array<i32>} : memref<512x16xf32, #tpu.memory_space<vmem>>, vector<1x16xf32>,
        %add3A_372 = arith.constant 1 : i32
        %add3A_373 = arith.addi %mul3A_357, %add3A_372 : i32
        %get3A_374 = arith.index_cast %add3A_373 : i32 to index
        %get3A_375 = arith.constant 0 : index
        %get3A_376 = tpu.vector_load %arg9[%get3A_374, %get3A_375] {strides = array<i32>} : memref<512x16xf32, #tpu.memory_space<vmem>>, vector<1x16xf32>,
        %get3A_377 = vector.shape_cast %get3A_376 : vector<1x16xf32> to vector<16xf32>
        %slice3A_378 = vector.extract_strided_slice %get3A_355 {offsets = [1], sizes = [1], strides = [1]} : vector<16xf32> to vector<1xf32>
        %squeeze3A_379 = vector.extract %slice3A_378[0] : f32 from vector<1xf32>
        %mul3A_380 = vector.broadcast %squeeze3A_379 : f32 to vector<16xf32>
        %mul3A_381 = arith.mulf %get3A_377, %mul3A_380 : vector<16xf32>
        %add3A_382 = arith.constant 1 : i32
        %add3A_383 = arith.addi %mul3A_357, %add3A_382 : i32
        %swap3A_384 = arith.index_cast %add3A_383 : i32 to index
        %swap3A_385 = arith.constant 0 : index
        %swap3A_386 = tpu.vector_load %arg9[%swap3A_384, %swap3A_385] {strides = array<i32>} : memref<512x16xf32, #tpu.memory_space<vmem>>, vector<1x16xf32>,
        %swap3A_387 = vector.shape_cast %swap3A_386 : vector<1x16xf32> to vector<16xf32>
        %swap3A_388 = vector.shape_cast %mul3A_381 : vector<16xf32> to vector<1x16xf32>
        tpu.vector_store %arg9[%swap3A_384, %swap3A_385], %swap3A_388 {strides = array<i32>} : memref<512x16xf32, #tpu.memory_space<vmem>>, vector<1x16xf32>,
        %add3A_389 = arith.constant 2 : i32
        %add3A_390 = arith.addi %mul3A_357, %add3A_389 : i32
        %get3A_391 = arith.index_cast %add3A_390 : i32 to index
        %get3A_392 = arith.constant 0 : index
        %get3A_393 = tpu.vector_load %arg9[%get3A_391, %get3A_392] {strides = array<i32>} : memref<512x16xf32, #tpu.memory_space<vmem>>, vector<1x16xf32>,
        %get3A_394 = vector.shape_cast %get3A_393 : vector<1x16xf32> to vector<16xf32>
        %slice3A_395 = vector.extract_strided_slice %get3A_355 {offsets = [2], sizes = [1], strides = [1]} : vector<16xf32> to vector<1xf32>
        %squeeze3A_396 = vector.extract %slice3A_395[0] : f32 from vector<1xf32>
        %mul3A_397 = vector.broadcast %squeeze3A_396 : f32 to vector<16xf32>
        %mul3A_398 = arith.mulf %get3A_394, %mul3A_397 : vector<16xf32>
        %add3A_399 = arith.constant 2 : i32
        %add3A_400 = arith.addi %mul3A_357, %add3A_399 : i32
        %swap3A_401 = arith.index_cast %add3A_400 : i32 to index
        %swap3A_402 = arith.constant 0 : index
        %swap3A_403 = tpu.vector_load %arg9[%swap3A_401, %swap3A_402] {strides = array<i32>} : memref<512x16xf32, #tpu.memory_space<vmem>>, vector<1x16xf32>,
        %swap3A_404 = vector.shape_cast %swap3A_403 : vector<1x16xf32> to vector<16xf32>
        %swap3A_405 = vector.shape_cast %mul3A_398 : vector<16xf32> to vector<1x16xf32>
        tpu.vector_store %arg9[%swap3A_401, %swap3A_402], %swap3A_405 {strides = array<i32>} : memref<512x16xf32, #tpu.memory_space<vmem>>, vector<1x16xf32>,
        %add3A_406 = arith.constant 3 : i32
        %add3A_407 = arith.addi %mul3A_357, %add3A_406 : i32
        %get3A_408 = arith.index_cast %add3A_407 : i32 to index
        %get3A_409 = arith.constant 0 : index
        %get3A_410 = tpu.vector_load %arg9[%get3A_408, %get3A_409] {strides = array<i32>} : memref<512x16xf32, #tpu.memory_space<vmem>>, vector<1x16xf32>,
        %get3A_411 = vector.shape_cast %get3A_410 : vector<1x16xf32> to vector<16xf32>
        %slice3A_412 = vector.extract_strided_slice %get3A_355 {offsets = [3], sizes = [1], strides = [1]} : vector<16xf32> to vector<1xf32>
        %squeeze3A_413 = vector.extract %slice3A_412[0] : f32 from vector<1xf32>
        %mul3A_414 = vector.broadcast %squeeze3A_413 : f32 to vector<16xf32>
        %mul3A_415 = arith.mulf %get3A_411, %mul3A_414 : vector<16xf32>
        %add3A_416 = arith.constant 3 : i32
        %add3A_417 = arith.addi %mul3A_357, %add3A_416 : i32
        %swap3A_418 = arith.index_cast %add3A_417 : i32 to index
        %swap3A_419 = arith.constant 0 : index
        %swap3A_420 = tpu.vector_load %arg9[%swap3A_418, %swap3A_419] {strides = array<i32>} : memref<512x16xf32, #tpu.memory_space<vmem>>, vector<1x16xf32>,
        %swap3A_421 = vector.shape_cast %swap3A_420 : vector<1x16xf32> to vector<16xf32>
        %swap3A_422 = vector.shape_cast %mul3A_415 : vector<16xf32> to vector<1x16xf32>
        tpu.vector_store %arg9[%swap3A_418, %swap3A_419], %swap3A_422 {strides = array<i32>} : memref<512x16xf32, #tpu.memory_space<vmem>>, vector<1x16xf32>,
        %add3A_423 = arith.constant 4 : i32
        %add3A_424 = arith.addi %mul3A_357, %add3A_423 : i32
        %get3A_425 = arith.index_cast %add3A_424 : i32 to index
        %get3A_426 = arith.constant 0 : index
        %get3A_427 = tpu.vector_load %arg9[%get3A_425, %get3A_426] {strides = array<i32>} : memref<512x16xf32, #tpu.memory_space<vmem>>, vector<1x16xf32>,
        %get3A_428 = vector.shape_cast %get3A_427 : vector<1x16xf32> to vector<16xf32>
        %slice3A_429 = vector.extract_strided_slice %get3A_355 {offsets = [4], sizes = [1], strides = [1]} : vector<16xf32> to vector<1xf32>
        %squeeze3A_430 = vector.extract %slice3A_429[0] : f32 from vector<1xf32>
        %mul3A_431 = vector.broadcast %squeeze3A_430 : f32 to vector<16xf32>
        %mul3A_432 = arith.mulf %get3A_428, %mul3A_431 : vector<16xf32>
        %add3A_433 = arith.constant 4 : i32
        %add3A_434 = arith.addi %mul3A_357, %add3A_433 : i32
        %swap3A_435 = arith.index_cast %add3A_434 : i32 to index
        %swap3A_436 = arith.constant 0 : index
        %swap3A_437 = tpu.vector_load %arg9[%swap3A_435, %swap3A_436] {strides = array<i32>} : memref<512x16xf32, #tpu.memory_space<vmem>>, vector<1x16xf32>,
        %swap3A_438 = vector.shape_cast %swap3A_437 : vector<1x16xf32> to vector<16xf32>
        %swap3A_439 = vector.shape_cast %mul3A_432 : vector<16xf32> to vector<1x16xf32>
        tpu.vector_store %arg9[%swap3A_435, %swap3A_436], %swap3A_439 {strides = array<i32>} : memref<512x16xf32, #tpu.memory_space<vmem>>, vector<1x16xf32>,
        %add3A_440 = arith.constant 5 : i32
        %add3A_441 = arith.addi %mul3A_357, %add3A_440 : i32
        %get3A_442 = arith.index_cast %add3A_441 : i32 to index
        %get3A_443 = arith.constant 0 : index
        %get3A_444 = tpu.vector_load %arg9[%get3A_442, %get3A_443] {strides = array<i32>} : memref<512x16xf32, #tpu.memory_space<vmem>>, vector<1x16xf32>,
        %get3A_445 = vector.shape_cast %get3A_444 : vector<1x16xf32> to vector<16xf32>
        %slice3A_446 = vector.extract_strided_slice %get3A_355 {offsets = [5], sizes = [1], strides = [1]} : vector<16xf32> to vector<1xf32>
        %squeeze3A_447 = vector.extract %slice3A_446[0] : f32 from vector<1xf32>
        %mul3A_448 = vector.broadcast %squeeze3A_447 : f32 to vector<16xf32>
        %mul3A_449 = arith.mulf %get3A_445, %mul3A_448 : vector<16xf32>
        %add3A_450 = arith.constant 5 : i32
        %add3A_451 = arith.addi %mul3A_357, %add3A_450 : i32
        %swap3A_452 = arith.index_cast %add3A_451 : i32 to index
        %swap3A_453 = arith.constant 0 : index
        %swap3A_454 = tpu.vector_load %arg9[%swap3A_452, %swap3A_453] {strides = array<i32>} : memref<512x16xf32, #tpu.memory_space<vmem>>, vector<1x16xf32>,
        %swap3A_455 = vector.shape_cast %swap3A_454 : vector<1x16xf32> to vector<16xf32>
        %swap3A_456 = vector.shape_cast %mul3A_449 : vector<16xf32> to vector<1x16xf32>
        tpu.vector_store %arg9[%swap3A_452, %swap3A_453], %swap3A_456 {strides = array<i32>} : memref<512x16xf32, #tpu.memory_space<vmem>>, vector<1x16xf32>,
        %add3A_457 = arith.constant 6 : i32
        %add3A_458 = arith.addi %mul3A_357, %add3A_457 : i32
        %get3A_459 = arith.index_cast %add3A_458 : i32 to index
        %get3A_460 = arith.constant 0 : index
        %get3A_461 = tpu.vector_load %arg9[%get3A_459, %get3A_460] {strides = array<i32>} : memref<512x16xf32, #tpu.memory_space<vmem>>, vector<1x16xf32>,
        %get3A_462 = vector.shape_cast %get3A_461 : vector<1x16xf32> to vector<16xf32>
        %slice3A_463 = vector.extract_strided_slice %get3A_355 {offsets = [6], sizes = [1], strides = [1]} : vector<16xf32> to vector<1xf32>
        %squeeze3A_464 = vector.extract %slice3A_463[0] : f32 from vector<1xf32>
        %mul3A_465 = vector.broadcast %squeeze3A_464 : f32 to vector<16xf32>
        %mul3A_466 = arith.mulf %get3A_462, %mul3A_465 : vector<16xf32>
        %add3A_467 = arith.constant 6 : i32
        %add3A_468 = arith.addi %mul3A_357, %add3A_467 : i32
        %swap3A_469 = arith.index_cast %add3A_468 : i32 to index
        %swap3A_470 = arith.constant 0 : index
        %swap3A_471 = tpu.vector_load %arg9[%swap3A_469, %swap3A_470] {strides = array<i32>} : memref<512x16xf32, #tpu.memory_space<vmem>>, vector<1x16xf32>,
        %swap3A_472 = vector.shape_cast %swap3A_471 : vector<1x16xf32> to vector<16xf32>
        %swap3A_473 = vector.shape_cast %mul3A_466 : vector<16xf32> to vector<1x16xf32>
        tpu.vector_store %arg9[%swap3A_469, %swap3A_470], %swap3A_473 {strides = array<i32>} : memref<512x16xf32, #tpu.memory_space<vmem>>, vector<1x16xf32>,
        %add3A_474 = arith.constant 7 : i32
        %add3A_475 = arith.addi %mul3A_357, %add3A_474 : i32
        %get3A_476 = arith.index_cast %add3A_475 : i32 to index
        %get3A_477 = arith.constant 0 : index
        %get3A_478 = tpu.vector_load %arg9[%get3A_476, %get3A_477] {strides = array<i32>} : memref<512x16xf32, #tpu.memory_space<vmem>>, vector<1x16xf32>,
        %get3A_479 = vector.shape_cast %get3A_478 : vector<1x16xf32> to vector<16xf32>
        %slice3A_480 = vector.extract_strided_slice %get3A_355 {offsets = [7], sizes = [1], strides = [1]} : vector<16xf32> to vector<1xf32>
        %squeeze3A_481 = vector.extract %slice3A_480[0] : f32 from vector<1xf32>
        %mul3A_482 = vector.broadcast %squeeze3A_481 : f32 to vector<16xf32>
        %mul3A_483 = arith.mulf %get3A_479, %mul3A_482 : vector<16xf32>
        %add3A_484 = arith.constant 7 : i32
        %add3A_485 = arith.addi %mul3A_357, %add3A_484 : i32
        %swap3A_486 = arith.index_cast %add3A_485 : i32 to index
        %swap3A_487 = arith.constant 0 : index
        %swap3A_488 = tpu.vector_load %arg9[%swap3A_486, %swap3A_487] {strides = array<i32>} : memref<512x16xf32, #tpu.memory_space<vmem>>, vector<1x16xf32>,
        %swap3A_489 = vector.shape_cast %swap3A_488 : vector<1x16xf32> to vector<16xf32>
        %swap3A_490 = vector.shape_cast %mul3A_483 : vector<16xf32> to vector<1x16xf32>
        tpu.vector_store %arg9[%swap3A_486, %swap3A_487], %swap3A_490 {strides = array<i32>} : memref<512x16xf32, #tpu.memory_space<vmem>>, vector<1x16xf32>,
        %add3A_491 = arith.constant 8 : i32
        %add3A_492 = arith.addi %mul3A_357, %add3A_491 : i32
        %get3A_493 = arith.index_cast %add3A_492 : i32 to index
        %get3A_494 = arith.constant 0 : index
        %get3A_495 = tpu.vector_load %arg9[%get3A_493, %get3A_494] {strides = array<i32>} : memref<512x16xf32, #tpu.memory_space<vmem>>, vector<1x16xf32>,
        %get3A_496 = vector.shape_cast %get3A_495 : vector<1x16xf32> to vector<16xf32>
        %slice3A_497 = vector.extract_strided_slice %get3A_355 {offsets = [8], sizes = [1], strides = [1]} : vector<16xf32> to vector<1xf32>
        %squeeze3A_498 = vector.extract %slice3A_497[0] : f32 from vector<1xf32>
        %mul3A_499 = vector.broadcast %squeeze3A_498 : f32 to vector<16xf32>
        %mul3A_500 = arith.mulf %get3A_496, %mul3A_499 : vector<16xf32>
        %add3A_501 = arith.constant 8 : i32
        %add3A_502 = arith.addi %mul3A_357, %add3A_501 : i32
        %swap3A_503 = arith.index_cast %add3A_502 : i32 to index
        %swap3A_504 = arith.constant 0 : index
        %swap3A_505 = tpu.vector_load %arg9[%swap3A_503, %swap3A_504] {strides = array<i32>} : memref<512x16xf32, #tpu.memory_space<vmem>>, vector<1x16xf32>,
        %swap3A_506 = vector.shape_cast %swap3A_505 : vector<1x16xf32> to vector<16xf32>
        %swap3A_507 = vector.shape_cast %mul3A_500 : vector<16xf32> to vector<1x16xf32>
        tpu.vector_store %arg9[%swap3A_503, %swap3A_504], %swap3A_507 {strides = array<i32>} : memref<512x16xf32, #tpu.memory_space<vmem>>, vector<1x16xf32>,
        %add3A_508 = arith.constant 9 : i32
        %add3A_509 = arith.addi %mul3A_357, %add3A_508 : i32
        %get3A_510 = arith.index_cast %add3A_509 : i32 to index
        %get3A_511 = arith.constant 0 : index
        %get3A_512 = tpu.vector_load %arg9[%get3A_510, %get3A_511] {strides = array<i32>} : memref<512x16xf32, #tpu.memory_space<vmem>>, vector<1x16xf32>,
        %get3A_513 = vector.shape_cast %get3A_512 : vector<1x16xf32> to vector<16xf32>
        %slice3A_514 = vector.extract_strided_slice %get3A_355 {offsets = [9], sizes = [1], strides = [1]} : vector<16xf32> to vector<1xf32>
        %squeeze3A_515 = vector.extract %slice3A_514[0] : f32 from vector<1xf32>
        %mul3A_516 = vector.broadcast %squeeze3A_515 : f32 to vector<16xf32>
        %mul3A_517 = arith.mulf %get3A_513, %mul3A_516 : vector<16xf32>
        %add3A_518 = arith.constant 9 : i32
        %add3A_519 = arith.addi %mul3A_357, %add3A_518 : i32
        %swap3A_520 = arith.index_cast %add3A_519 : i32 to index
        %swap3A_521 = arith.constant 0 : index
        %swap3A_522 = tpu.vector_load %arg9[%swap3A_520, %swap3A_521] {strides = array<i32>} : memref<512x16xf32, #tpu.memory_space<vmem>>, vector<1x16xf32>,
        %swap3A_523 = vector.shape_cast %swap3A_522 : vector<1x16xf32> to vector<16xf32>
        %swap3A_524 = vector.shape_cast %mul3A_517 : vector<16xf32> to vector<1x16xf32>
        tpu.vector_store %arg9[%swap3A_520, %swap3A_521], %swap3A_524 {strides = array<i32>} : memref<512x16xf32, #tpu.memory_space<vmem>>, vector<1x16xf32>,
        %add3A_525 = arith.constant 10 : i32
        %add3A_526 = arith.addi %mul3A_357, %add3A_525 : i32
        %get3A_527 = arith.index_cast %add3A_526 : i32 to index
        %get3A_528 = arith.constant 0 : index
        %get3A_529 = tpu.vector_load %arg9[%get3A_527, %get3A_528] {strides = array<i32>} : memref<512x16xf32, #tpu.memory_space<vmem>>, vector<1x16xf32>,
        %get3A_530 = vector.shape_cast %get3A_529 : vector<1x16xf32> to vector<16xf32>
        %slice3A_531 = vector.extract_strided_slice %get3A_355 {offsets = [10], sizes = [1], strides = [1]} : vector<16xf32> to vector<1xf32>
        %squeeze3A_532 = vector.extract %slice3A_531[0] : f32 from vector<1xf32>
        %mul3A_533 = vector.broadcast %squeeze3A_532 : f32 to vector<16xf32>
        %mul3A_534 = arith.mulf %get3A_530, %mul3A_533 : vector<16xf32>
        %add3A_535 = arith.constant 10 : i32
        %add3A_536 = arith.addi %mul3A_357, %add3A_535 : i32
        %swap3A_537 = arith.index_cast %add3A_536 : i32 to index
        %swap3A_538 = arith.constant 0 : index
        %swap3A_539 = tpu.vector_load %arg9[%swap3A_537, %swap3A_538] {strides = array<i32>} : memref<512x16xf32, #tpu.memory_space<vmem>>, vector<1x16xf32>,
        %swap3A_540 = vector.shape_cast %swap3A_539 : vector<1x16xf32> to vector<16xf32>
        %swap3A_541 = vector.shape_cast %mul3A_534 : vector<16xf32> to vector<1x16xf32>
        tpu.vector_store %arg9[%swap3A_537, %swap3A_538], %swap3A_541 {strides = array<i32>} : memref<512x16xf32, #tpu.memory_space<vmem>>, vector<1x16xf32>,
        %add3A_542 = arith.constant 11 : i32
        %add3A_543 = arith.addi %mul3A_357, %add3A_542 : i32
        %get3A_544 = arith.index_cast %add3A_543 : i32 to index
        %get3A_545 = arith.constant 0 : index
        %get3A_546 = tpu.vector_load %arg9[%get3A_544, %get3A_545] {strides = array<i32>} : memref<512x16xf32, #tpu.memory_space<vmem>>, vector<1x16xf32>,
        %get3A_547 = vector.shape_cast %get3A_546 : vector<1x16xf32> to vector<16xf32>
        %slice3A_548 = vector.extract_strided_slice %get3A_355 {offsets = [11], sizes = [1], strides = [1]} : vector<16xf32> to vector<1xf32>
        %squeeze3A_549 = vector.extract %slice3A_548[0] : f32 from vector<1xf32>
        %mul3A_550 = vector.broadcast %squeeze3A_549 : f32 to vector<16xf32>
        %mul3A_551 = arith.mulf %get3A_547, %mul3A_550 : vector<16xf32>
        %add3A_552 = arith.constant 11 : i32
        %add3A_553 = arith.addi %mul3A_357, %add3A_552 : i32
        %swap3A_554 = arith.index_cast %add3A_553 : i32 to index
        %swap3A_555 = arith.constant 0 : index
        %swap3A_556 = tpu.vector_load %arg9[%swap3A_554, %swap3A_555] {strides = array<i32>} : memref<512x16xf32, #tpu.memory_space<vmem>>, vector<1x16xf32>,
        %swap3A_557 = vector.shape_cast %swap3A_556 : vector<1x16xf32> to vector<16xf32>
        %swap3A_558 = vector.shape_cast %mul3A_551 : vector<16xf32> to vector<1x16xf32>
        tpu.vector_store %arg9[%swap3A_554, %swap3A_555], %swap3A_558 {strides = array<i32>} : memref<512x16xf32, #tpu.memory_space<vmem>>, vector<1x16xf32>,
        %add3A_559 = arith.constant 12 : i32
        %add3A_560 = arith.addi %mul3A_357, %add3A_559 : i32
        %get3A_561 = arith.index_cast %add3A_560 : i32 to index
        %get3A_562 = arith.constant 0 : index
        %get3A_563 = tpu.vector_load %arg9[%get3A_561, %get3A_562] {strides = array<i32>} : memref<512x16xf32, #tpu.memory_space<vmem>>, vector<1x16xf32>,
        %get3A_564 = vector.shape_cast %get3A_563 : vector<1x16xf32> to vector<16xf32>
        %slice3A_565 = vector.extract_strided_slice %get3A_355 {offsets = [12], sizes = [1], strides = [1]} : vector<16xf32> to vector<1xf32>
        %squeeze3A_566 = vector.extract %slice3A_565[0] : f32 from vector<1xf32>
        %mul3A_567 = vector.broadcast %squeeze3A_566 : f32 to vector<16xf32>
        %mul3A_568 = arith.mulf %get3A_564, %mul3A_567 : vector<16xf32>
        %add3A_569 = arith.constant 12 : i32
        %add3A_570 = arith.addi %mul3A_357, %add3A_569 : i32
        %swap3A_571 = arith.index_cast %add3A_570 : i32 to index
        %swap3A_572 = arith.constant 0 : index
        %swap3A_573 = tpu.vector_load %arg9[%swap3A_571, %swap3A_572] {strides = array<i32>} : memref<512x16xf32, #tpu.memory_space<vmem>>, vector<1x16xf32>,
        %swap3A_574 = vector.shape_cast %swap3A_573 : vector<1x16xf32> to vector<16xf32>
        %swap3A_575 = vector.shape_cast %mul3A_568 : vector<16xf32> to vector<1x16xf32>
        tpu.vector_store %arg9[%swap3A_571, %swap3A_572], %swap3A_575 {strides = array<i32>} : memref<512x16xf32, #tpu.memory_space<vmem>>, vector<1x16xf32>,
        %add3A_576 = arith.constant 13 : i32
        %add3A_577 = arith.addi %mul3A_357, %add3A_576 : i32
        %get3A_578 = arith.index_cast %add3A_577 : i32 to index
        %get3A_579 = arith.constant 0 : index
        %get3A_580 = tpu.vector_load %arg9[%get3A_578, %get3A_579] {strides = array<i32>} : memref<512x16xf32, #tpu.memory_space<vmem>>, vector<1x16xf32>,
        %get3A_581 = vector.shape_cast %get3A_580 : vector<1x16xf32> to vector<16xf32>
        %slice3A_582 = vector.extract_strided_slice %get3A_355 {offsets = [13], sizes = [1], strides = [1]} : vector<16xf32> to vector<1xf32>
        %squeeze3A_583 = vector.extract %slice3A_582[0] : f32 from vector<1xf32>
        %mul3A_584 = vector.broadcast %squeeze3A_583 : f32 to vector<16xf32>
        %mul3A_585 = arith.mulf %get3A_581, %mul3A_584 : vector<16xf32>
        %add3A_586 = arith.constant 13 : i32
        %add3A_587 = arith.addi %mul3A_357, %add3A_586 : i32
        %swap3A_588 = arith.index_cast %add3A_587 : i32 to index
        %swap3A_589 = arith.constant 0 : index
        %swap3A_590 = tpu.vector_load %arg9[%swap3A_588, %swap3A_589] {strides = array<i32>} : memref<512x16xf32, #tpu.memory_space<vmem>>, vector<1x16xf32>,
        %swap3A_591 = vector.shape_cast %swap3A_590 : vector<1x16xf32> to vector<16xf32>
        %swap3A_592 = vector.shape_cast %mul3A_585 : vector<16xf32> to vector<1x16xf32>
        tpu.vector_store %arg9[%swap3A_588, %swap3A_589], %swap3A_592 {strides = array<i32>} : memref<512x16xf32, #tpu.memory_space<vmem>>, vector<1x16xf32>,
        %add3A_593 = arith.constant 14 : i32
        %add3A_594 = arith.addi %mul3A_357, %add3A_593 : i32
        %get3A_595 = arith.index_cast %add3A_594 : i32 to index
        %get3A_596 = arith.constant 0 : index
        %get3A_597 = tpu.vector_load %arg9[%get3A_595, %get3A_596] {strides = array<i32>} : memref<512x16xf32, #tpu.memory_space<vmem>>, vector<1x16xf32>,
        %get3A_598 = vector.shape_cast %get3A_597 : vector<1x16xf32> to vector<16xf32>
        %slice3A_599 = vector.extract_strided_slice %get3A_355 {offsets = [14], sizes = [1], strides = [1]} : vector<16xf32> to vector<1xf32>
        %squeeze3A_600 = vector.extract %slice3A_599[0] : f32 from vector<1xf32>
        %mul3A_601 = vector.broadcast %squeeze3A_600 : f32 to vector<16xf32>
        %mul3A_602 = arith.mulf %get3A_598, %mul3A_601 : vector<16xf32>
        %add3A_603 = arith.constant 14 : i32
        %add3A_604 = arith.addi %mul3A_357, %add3A_603 : i32
        %swap3A_605 = arith.index_cast %add3A_604 : i32 to index
        %swap3A_606 = arith.constant 0 : index
        %swap3A_607 = tpu.vector_load %arg9[%swap3A_605, %swap3A_606] {strides = array<i32>} : memref<512x16xf32, #tpu.memory_space<vmem>>, vector<1x16xf32>,
        %swap3A_608 = vector.shape_cast %swap3A_607 : vector<1x16xf32> to vector<16xf32>
        %swap3A_609 = vector.shape_cast %mul3A_602 : vector<16xf32> to vector<1x16xf32>
        tpu.vector_store %arg9[%swap3A_605, %swap3A_606], %swap3A_609 {strides = array<i32>} : memref<512x16xf32, #tpu.memory_space<vmem>>, vector<1x16xf32>,
        %add3A_610 = arith.constant 15 : i32
        %add3A_611 = arith.addi %mul3A_357, %add3A_610 : i32
        %get3A_612 = arith.index_cast %add3A_611 : i32 to index
        %get3A_613 = arith.constant 0 : index
        %get3A_614 = tpu.vector_load %arg9[%get3A_612, %get3A_613] {strides = array<i32>} : memref<512x16xf32, #tpu.memory_space<vmem>>, vector<1x16xf32>,
        %get3A_615 = vector.shape_cast %get3A_614 : vector<1x16xf32> to vector<16xf32>
        %slice3A_616 = vector.extract_strided_slice %get3A_355 {offsets = [15], sizes = [1], strides = [1]} : vector<16xf32> to vector<1xf32>
        %squeeze3A_617 = vector.extract %slice3A_616[0] : f32 from vector<1xf32>
        %mul3A_618 = vector.broadcast %squeeze3A_617 : f32 to vector<16xf32>
        %mul3A_619 = arith.mulf %get3A_615, %mul3A_618 : vector<16xf32>
        %add3A_620 = arith.constant 15 : i32
        %add3A_621 = arith.addi %mul3A_357, %add3A_620 : i32
        %swap3A_622 = arith.index_cast %add3A_621 : i32 to index
        %swap3A_623 = arith.constant 0 : index
        %swap3A_624 = tpu.vector_load %arg9[%swap3A_622, %swap3A_623] {strides = array<i32>} : memref<512x16xf32, #tpu.memory_space<vmem>>, vector<1x16xf32>,
        %swap3A_625 = vector.shape_cast %swap3A_624 : vector<1x16xf32> to vector<16xf32>
        %swap3A_626 = vector.shape_cast %mul3A_619 : vector<16xf32> to vector<1x16xf32>
        tpu.vector_store %arg9[%swap3A_622, %swap3A_623], %swap3A_626 {strides = array<i32>} : memref<512x16xf32, #tpu.memory_space<vmem>>, vector<1x16xf32>,
        %scan3A_627 = arith.constant 0 : i32
        scf.yield %scan3A_627 : i32
      }
      %scan3A_134 = arith.constant 32 : i32
      %dma_start3A_135 = arith.constant 0 : i32
      %dma_start3A_136 = tpu.memref_slice %arg27[%dma_start3A_135] : memref<4096xi32, #tpu.memory_space<vmem>> -> memref<512xi32, #tpu.memory_space<vmem>>
      %dma_start3A_137 = arith.constant 0 : i32
      %dma_start3A_138 = arith.constant 0 : i32
      %dma_start3A_139 = tpu.memref_slice %arg7[%dma_start3A_137, %dma_start3A_138] : memref<16384x16xf32, #tpu.memory_space<vmem_shared>> -> memref<16384x16xf32, #tpu.memory_space<vmem_shared>>
      tpu.enqueue_indirect_dma source(%arg9 : memref<512x16xf32, #tpu.memory_space<vmem>>) target(%dma_start3A_139 : memref<16384x16xf32, #tpu.memory_space<vmem_shared>>) offsets(%dma_start3A_136 : memref<512xi32, #tpu.memory_space<vmem>>) semaphore(%arg28 : memref<!tpu.dma_semaphore, #tpu.memory_space<semaphore_mem>>) {add = true}
      %dma_wait3A_140 = arith.constant 512 : i32
      %dma_wait3A_141 = tpu.memref_slice %arg8[%dma_wait3A_140] : memref<4096xi32, #tpu.memory_space<vmem>> -> memref<512xi32, #tpu.memory_space<vmem>>
      %dma_wait3A_142 = arith.constant 0 : i32
      %dma_wait3A_143 = arith.constant 0 : i32
      %dma_wait3A_144 = tpu.memref_slice %arg37[%dma_wait3A_142, %dma_wait3A_143] : memref<16384x16xf32, #tpu.memory_space<vmem_shared>> -> memref<16384x16xf32, #tpu.memory_space<vmem_shared>>
      tpu.wait_indirect_dma semaphore(%arg18 : memref<!tpu.dma_semaphore, #tpu.memory_space<semaphore_mem>>) src(%dma_wait3A_144 : memref<16384x16xf32, #tpu.memory_space<vmem_shared>>) dst(%arg10 : memref<512x16xf32, #tpu.memory_space<vmem>>)
      %scan3A_145 = arith.constant 0 : i32
      %scan3A_146 = arith.constant 0 : i32
      %scan3A_147 = arith.constant 32 : i32
      %scan3A_148 = arith.addi %scan3A_146, %scan3A_147 : i32
      %scan3A_149 = arith.constant 1 : i32
      %scan3A_150 = scf.for %scan3A_348 = %scan3A_146 to %scan3A_148 step %scan3A_149 iter_args(%scan3A_349 = %scan3A_145) -> (i32)  : i32 {
        %mul3A_350 = arith.constant 16 : i32
        %mul3A_351 = arith.muli %scan3A_348, %mul3A_350 : i32
        %add3A_352 = arith.constant 512 : i32
        %add3A_353 = arith.addi %add3A_352, %mul3A_351 : i32
        %get3A = arith.index_cast %add3A_353 : i32 to index
        %get3A_354 = tpu.vector_load %arg36[%get3A] {strides = array<i32>} : memref<4096xf32, #tpu.memory_space<vmem>>, vector<16xf32>,
        %get3A_355 = vector.shape_cast %get3A_354 : vector<16xf32> to vector<16xf32>
        %mul3A_356 = arith.constant 16 : i32
        %mul3A_357 = arith.muli %scan3A_348, %mul3A_356 : i32
        %add3A_358 = arith.constant 0 : i32
        %add3A_359 = arith.addi %mul3A_357, %add3A_358 : i32
        %get3A_360 = arith.index_cast %add3A_359 : i32 to index
        %get3A_361 = arith.constant 0 : index
        %get3A_362 = tpu.vector_load %arg10[%get3A_360, %get3A_361] {strides = array<i32>} : memref<512x16xf32, #tpu.memory_space<vmem>>, vector<1x16xf32>,
        %get3A_363 = vector.shape_cast %get3A_362 : vector<1x16xf32> to vector<16xf32>
        %slice3A = vector.extract_strided_slice %get3A_355 {offsets = [0], sizes = [1], strides = [1]} : vector<16xf32> to vector<1xf32>
        %squeeze3A = vector.extract %slice3A[0] : f32 from vector<1xf32>
        %mul3A_364 = vector.broadcast %squeeze3A : f32 to vector<16xf32>
        %mul3A_365 = arith.mulf %get3A_363, %mul3A_364 : vector<16xf32>
        %add3A_366 = arith.constant 0 : i32
        %add3A_367 = arith.addi %mul3A_357, %add3A_366 : i32
        %swap3A = arith.index_cast %add3A_367 : i32 to index
        %swap3A_368 = arith.constant 0 : index
        %swap3A_369 = tpu.vector_load %arg10[%swap3A, %swap3A_368] {strides = array<i32>} : memref<512x16xf32, #tpu.memory_space<vmem>>, vector<1x16xf32>,
        %swap3A_370 = vector.shape_cast %swap3A_369 : vector<1x16xf32> to vector<16xf32>
        %swap3A_371 = vector.shape_cast %mul3A_365 : vector<16xf32> to vector<1x16xf32>
        tpu.vector_store %arg10[%swap3A, %swap3A_368], %swap3A_371 {strides = array<i32>} : memref<512x16xf32, #tpu.memory_space<vmem>>, vector<1x16xf32>,
        %add3A_372 = arith.constant 1 : i32
        %add3A_373 = arith.addi %mul3A_357, %add3A_372 : i32
        %get3A_374 = arith.index_cast %add3A_373 : i32 to index
        %get3A_375 = arith.constant 0 : index
        %get3A_376 = tpu.vector_load %arg10[%get3A_374, %get3A_375] {strides = array<i32>} : memref<512x16xf32, #tpu.memory_space<vmem>>, vector<1x16xf32>,
        %get3A_377 = vector.shape_cast %get3A_376 : vector<1x16xf32> to vector<16xf32>
        %slice3A_378 = vector.extract_strided_slice %get3A_355 {offsets = [1], sizes = [1], strides = [1]} : vector<16xf32> to vector<1xf32>
        %squeeze3A_379 = vector.extract %slice3A_378[0] : f32 from vector<1xf32>
        %mul3A_380 = vector.broadcast %squeeze3A_379 : f32 to vector<16xf32>
        %mul3A_381 = arith.mulf %get3A_377, %mul3A_380 : vector<16xf32>
        %add3A_382 = arith.constant 1 : i32
        %add3A_383 = arith.addi %mul3A_357, %add3A_382 : i32
        %swap3A_384 = arith.index_cast %add3A_383 : i32 to index
        %swap3A_385 = arith.constant 0 : index
        %swap3A_386 = tpu.vector_load %arg10[%swap3A_384, %swap3A_385] {strides = array<i32>} : memref<512x16xf32, #tpu.memory_space<vmem>>, vector<1x16xf32>,
        %swap3A_387 = vector.shape_cast %swap3A_386 : vector<1x16xf32> to vector<16xf32>
        %swap3A_388 = vector.shape_cast %mul3A_381 : vector<16xf32> to vector<1x16xf32>
        tpu.vector_store %arg10[%swap3A_384, %swap3A_385], %swap3A_388 {strides = array<i32>} : memref<512x16xf32, #tpu.memory_space<vmem>>, vector<1x16xf32>,
        %add3A_389 = arith.constant 2 : i32
        %add3A_390 = arith.addi %mul3A_357, %add3A_389 : i32
        %get3A_391 = arith.index_cast %add3A_390 : i32 to index
        %get3A_392 = arith.constant 0 : index
        %get3A_393 = tpu.vector_load %arg10[%get3A_391, %get3A_392] {strides = array<i32>} : memref<512x16xf32, #tpu.memory_space<vmem>>, vector<1x16xf32>,
        %get3A_394 = vector.shape_cast %get3A_393 : vector<1x16xf32> to vector<16xf32>
        %slice3A_395 = vector.extract_strided_slice %get3A_355 {offsets = [2], sizes = [1], strides = [1]} : vector<16xf32> to vector<1xf32>
        %squeeze3A_396 = vector.extract %slice3A_395[0] : f32 from vector<1xf32>
        %mul3A_397 = vector.broadcast %squeeze3A_396 : f32 to vector<16xf32>
        %mul3A_398 = arith.mulf %get3A_394, %mul3A_397 : vector<16xf32>
        %add3A_399 = arith.constant 2 : i32
        %add3A_400 = arith.addi %mul3A_357, %add3A_399 : i32
        %swap3A_401 = arith.index_cast %add3A_400 : i32 to index
        %swap3A_402 = arith.constant 0 : index
        %swap3A_403 = tpu.vector_load %arg10[%swap3A_401, %swap3A_402] {strides = array<i32>} : memref<512x16xf32, #tpu.memory_space<vmem>>, vector<1x16xf32>,
        %swap3A_404 = vector.shape_cast %swap3A_403 : vector<1x16xf32> to vector<16xf32>
        %swap3A_405 = vector.shape_cast %mul3A_398 : vector<16xf32> to vector<1x16xf32>
        tpu.vector_store %arg10[%swap3A_401, %swap3A_402], %swap3A_405 {strides = array<i32>} : memref<512x16xf32, #tpu.memory_space<vmem>>, vector<1x16xf32>,
        %add3A_406 = arith.constant 3 : i32
        %add3A_407 = arith.addi %mul3A_357, %add3A_406 : i32
        %get3A_408 = arith.index_cast %add3A_407 : i32 to index
        %get3A_409 = arith.constant 0 : index
        %get3A_410 = tpu.vector_load %arg10[%get3A_408, %get3A_409] {strides = array<i32>} : memref<512x16xf32, #tpu.memory_space<vmem>>, vector<1x16xf32>,
        %get3A_411 = vector.shape_cast %get3A_410 : vector<1x16xf32> to vector<16xf32>
        %slice3A_412 = vector.extract_strided_slice %get3A_355 {offsets = [3], sizes = [1], strides = [1]} : vector<16xf32> to vector<1xf32>
        %squeeze3A_413 = vector.extract %slice3A_412[0] : f32 from vector<1xf32>
        %mul3A_414 = vector.broadcast %squeeze3A_413 : f32 to vector<16xf32>
        %mul3A_415 = arith.mulf %get3A_411, %mul3A_414 : vector<16xf32>
        %add3A_416 = arith.constant 3 : i32
        %add3A_417 = arith.addi %mul3A_357, %add3A_416 : i32
        %swap3A_418 = arith.index_cast %add3A_417 : i32 to index
        %swap3A_419 = arith.constant 0 : index
        %swap3A_420 = tpu.vector_load %arg10[%swap3A_418, %swap3A_419] {strides = array<i32>} : memref<512x16xf32, #tpu.memory_space<vmem>>, vector<1x16xf32>,
        %swap3A_421 = vector.shape_cast %swap3A_420 : vector<1x16xf32> to vector<16xf32>
        %swap3A_422 = vector.shape_cast %mul3A_415 : vector<16xf32> to vector<1x16xf32>
        tpu.vector_store %arg10[%swap3A_418, %swap3A_419], %swap3A_422 {strides = array<i32>} : memref<512x16xf32, #tpu.memory_space<vmem>>, vector<1x16xf32>,
        %add3A_423 = arith.constant 4 : i32
        %add3A_424 = arith.addi %mul3A_357, %add3A_423 : i32
        %get3A_425 = arith.index_cast %add3A_424 : i32 to index
        %get3A_426 = arith.constant 0 : index
        %get3A_427 = tpu.vector_load %arg10[%get3A_425, %get3A_426] {strides = array<i32>} : memref<512x16xf32, #tpu.memory_space<vmem>>, vector<1x16xf32>,
        %get3A_428 = vector.shape_cast %get3A_427 : vector<1x16xf32> to vector<16xf32>
        %slice3A_429 = vector.extract_strided_slice %get3A_355 {offsets = [4], sizes = [1], strides = [1]} : vector<16xf32> to vector<1xf32>
        %squeeze3A_430 = vector.extract %slice3A_429[0] : f32 from vector<1xf32>
        %mul3A_431 = vector.broadcast %squeeze3A_430 : f32 to vector<16xf32>
        %mul3A_432 = arith.mulf %get3A_428, %mul3A_431 : vector<16xf32>
        %add3A_433 = arith.constant 4 : i32
        %add3A_434 = arith.addi %mul3A_357, %add3A_433 : i32
        %swap3A_435 = arith.index_cast %add3A_434 : i32 to index
        %swap3A_436 = arith.constant 0 : index
        %swap3A_437 = tpu.vector_load %arg10[%swap3A_435, %swap3A_436] {strides = array<i32>} : memref<512x16xf32, #tpu.memory_space<vmem>>, vector<1x16xf32>,
        %swap3A_438 = vector.shape_cast %swap3A_437 : vector<1x16xf32> to vector<16xf32>
        %swap3A_439 = vector.shape_cast %mul3A_432 : vector<16xf32> to vector<1x16xf32>
        tpu.vector_store %arg10[%swap3A_435, %swap3A_436], %swap3A_439 {strides = array<i32>} : memref<512x16xf32, #tpu.memory_space<vmem>>, vector<1x16xf32>,
        %add3A_440 = arith.constant 5 : i32
        %add3A_441 = arith.addi %mul3A_357, %add3A_440 : i32
        %get3A_442 = arith.index_cast %add3A_441 : i32 to index
        %get3A_443 = arith.constant 0 : index
        %get3A_444 = tpu.vector_load %arg10[%get3A_442, %get3A_443] {strides = array<i32>} : memref<512x16xf32, #tpu.memory_space<vmem>>, vector<1x16xf32>,
        %get3A_445 = vector.shape_cast %get3A_444 : vector<1x16xf32> to vector<16xf32>
        %slice3A_446 = vector.extract_strided_slice %get3A_355 {offsets = [5], sizes = [1], strides = [1]} : vector<16xf32> to vector<1xf32>
        %squeeze3A_447 = vector.extract %slice3A_446[0] : f32 from vector<1xf32>
        %mul3A_448 = vector.broadcast %squeeze3A_447 : f32 to vector<16xf32>
        %mul3A_449 = arith.mulf %get3A_445, %mul3A_448 : vector<16xf32>
        %add3A_450 = arith.constant 5 : i32
        %add3A_451 = arith.addi %mul3A_357, %add3A_450 : i32
        %swap3A_452 = arith.index_cast %add3A_451 : i32 to index
        %swap3A_453 = arith.constant 0 : index
        %swap3A_454 = tpu.vector_load %arg10[%swap3A_452, %swap3A_453] {strides = array<i32>} : memref<512x16xf32, #tpu.memory_space<vmem>>, vector<1x16xf32>,
        %swap3A_455 = vector.shape_cast %swap3A_454 : vector<1x16xf32> to vector<16xf32>
        %swap3A_456 = vector.shape_cast %mul3A_449 : vector<16xf32> to vector<1x16xf32>
        tpu.vector_store %arg10[%swap3A_452, %swap3A_453], %swap3A_456 {strides = array<i32>} : memref<512x16xf32, #tpu.memory_space<vmem>>, vector<1x16xf32>,
        %add3A_457 = arith.constant 6 : i32
        %add3A_458 = arith.addi %mul3A_357, %add3A_457 : i32
        %get3A_459 = arith.index_cast %add3A_458 : i32 to index
        %get3A_460 = arith.constant 0 : index
        %get3A_461 = tpu.vector_load %arg10[%get3A_459, %get3A_460] {strides = array<i32>} : memref<512x16xf32, #tpu.memory_space<vmem>>, vector<1x16xf32>,
        %get3A_462 = vector.shape_cast %get3A_461 : vector<1x16xf32> to vector<16xf32>
        %slice3A_463 = vector.extract_strided_slice %get3A_355 {offsets = [6], sizes = [1], strides = [1]} : vector<16xf32> to vector<1xf32>
        %squeeze3A_464 = vector.extract %slice3A_463[0] : f32 from vector<1xf32>
        %mul3A_465 = vector.broadcast %squeeze3A_464 : f32 to vector<16xf32>
        %mul3A_466 = arith.mulf %get3A_462, %mul3A_465 : vector<16xf32>
        %add3A_467 = arith.constant 6 : i32
        %add3A_468 = arith.addi %mul3A_357, %add3A_467 : i32
        %swap3A_469 = arith.index_cast %add3A_468 : i32 to index
        %swap3A_470 = arith.constant 0 : index
        %swap3A_471 = tpu.vector_load %arg10[%swap3A_469, %swap3A_470] {strides = array<i32>} : memref<512x16xf32, #tpu.memory_space<vmem>>, vector<1x16xf32>,
        %swap3A_472 = vector.shape_cast %swap3A_471 : vector<1x16xf32> to vector<16xf32>
        %swap3A_473 = vector.shape_cast %mul3A_466 : vector<16xf32> to vector<1x16xf32>
        tpu.vector_store %arg10[%swap3A_469, %swap3A_470], %swap3A_473 {strides = array<i32>} : memref<512x16xf32, #tpu.memory_space<vmem>>, vector<1x16xf32>,
        %add3A_474 = arith.constant 7 : i32
        %add3A_475 = arith.addi %mul3A_357, %add3A_474 : i32
        %get3A_476 = arith.index_cast %add3A_475 : i32 to index
        %get3A_477 = arith.constant 0 : index
        %get3A_478 = tpu.vector_load %arg10[%get3A_476, %get3A_477] {strides = array<i32>} : memref<512x16xf32, #tpu.memory_space<vmem>>, vector<1x16xf32>,
        %get3A_479 = vector.shape_cast %get3A_478 : vector<1x16xf32> to vector<16xf32>
        %slice3A_480 = vector.extract_strided_slice %get3A_355 {offsets = [7], sizes = [1], strides = [1]} : vector<16xf32> to vector<1xf32>
        %squeeze3A_481 = vector.extract %slice3A_480[0] : f32 from vector<1xf32>
        %mul3A_482 = vector.broadcast %squeeze3A_481 : f32 to vector<16xf32>
        %mul3A_483 = arith.mulf %get3A_479, %mul3A_482 : vector<16xf32>
        %add3A_484 = arith.constant 7 : i32
        %add3A_485 = arith.addi %mul3A_357, %add3A_484 : i32
        %swap3A_486 = arith.index_cast %add3A_485 : i32 to index
        %swap3A_487 = arith.constant 0 : index
        %swap3A_488 = tpu.vector_load %arg10[%swap3A_486, %swap3A_487] {strides = array<i32>} : memref<512x16xf32, #tpu.memory_space<vmem>>, vector<1x16xf32>,
        %swap3A_489 = vector.shape_cast %swap3A_488 : vector<1x16xf32> to vector<16xf32>
        %swap3A_490 = vector.shape_cast %mul3A_483 : vector<16xf32> to vector<1x16xf32>
        tpu.vector_store %arg10[%swap3A_486, %swap3A_487], %swap3A_490 {strides = array<i32>} : memref<512x16xf32, #tpu.memory_space<vmem>>, vector<1x16xf32>,
        %add3A_491 = arith.constant 8 : i32
        %add3A_492 = arith.addi %mul3A_357, %add3A_491 : i32
        %get3A_493 = arith.index_cast %add3A_492 : i32 to index
        %get3A_494 = arith.constant 0 : index
        %get3A_495 = tpu.vector_load %arg10[%get3A_493, %get3A_494] {strides = array<i32>} : memref<512x16xf32, #tpu.memory_space<vmem>>, vector<1x16xf32>,
        %get3A_496 = vector.shape_cast %get3A_495 : vector<1x16xf32> to vector<16xf32>
        %slice3A_497 = vector.extract_strided_slice %get3A_355 {offsets = [8], sizes = [1], strides = [1]} : vector<16xf32> to vector<1xf32>
        %squeeze3A_498 = vector.extract %slice3A_497[0] : f32 from vector<1xf32>
        %mul3A_499 = vector.broadcast %squeeze3A_498 : f32 to vector<16xf32>
        %mul3A_500 = arith.mulf %get3A_496, %mul3A_499 : vector<16xf32>
        %add3A_501 = arith.constant 8 : i32
        %add3A_502 = arith.addi %mul3A_357, %add3A_501 : i32
        %swap3A_503 = arith.index_cast %add3A_502 : i32 to index
        %swap3A_504 = arith.constant 0 : index
        %swap3A_505 = tpu.vector_load %arg10[%swap3A_503, %swap3A_504] {strides = array<i32>} : memref<512x16xf32, #tpu.memory_space<vmem>>, vector<1x16xf32>,
        %swap3A_506 = vector.shape_cast %swap3A_505 : vector<1x16xf32> to vector<16xf32>
        %swap3A_507 = vector.shape_cast %mul3A_500 : vector<16xf32> to vector<1x16xf32>
        tpu.vector_store %arg10[%swap3A_503, %swap3A_504], %swap3A_507 {strides = array<i32>} : memref<512x16xf32, #tpu.memory_space<vmem>>, vector<1x16xf32>,
        %add3A_508 = arith.constant 9 : i32
        %add3A_509 = arith.addi %mul3A_357, %add3A_508 : i32
        %get3A_510 = arith.index_cast %add3A_509 : i32 to index
        %get3A_511 = arith.constant 0 : index
        %get3A_512 = tpu.vector_load %arg10[%get3A_510, %get3A_511] {strides = array<i32>} : memref<512x16xf32, #tpu.memory_space<vmem>>, vector<1x16xf32>,
        %get3A_513 = vector.shape_cast %get3A_512 : vector<1x16xf32> to vector<16xf32>
        %slice3A_514 = vector.extract_strided_slice %get3A_355 {offsets = [9], sizes = [1], strides = [1]} : vector<16xf32> to vector<1xf32>
        %squeeze3A_515 = vector.extract %slice3A_514[0] : f32 from vector<1xf32>
        %mul3A_516 = vector.broadcast %squeeze3A_515 : f32 to vector<16xf32>
        %mul3A_517 = arith.mulf %get3A_513, %mul3A_516 : vector<16xf32>
        %add3A_518 = arith.constant 9 : i32
        %add3A_519 = arith.addi %mul3A_357, %add3A_518 : i32
        %swap3A_520 = arith.index_cast %add3A_519 : i32 to index
        %swap3A_521 = arith.constant 0 : index
        %swap3A_522 = tpu.vector_load %arg10[%swap3A_520, %swap3A_521] {strides = array<i32>} : memref<512x16xf32, #tpu.memory_space<vmem>>, vector<1x16xf32>,
        %swap3A_523 = vector.shape_cast %swap3A_522 : vector<1x16xf32> to vector<16xf32>
        %swap3A_524 = vector.shape_cast %mul3A_517 : vector<16xf32> to vector<1x16xf32>
        tpu.vector_store %arg10[%swap3A_520, %swap3A_521], %swap3A_524 {strides = array<i32>} : memref<512x16xf32, #tpu.memory_space<vmem>>, vector<1x16xf32>,
        %add3A_525 = arith.constant 10 : i32
        %add3A_526 = arith.addi %mul3A_357, %add3A_525 : i32
        %get3A_527 = arith.index_cast %add3A_526 : i32 to index
        %get3A_528 = arith.constant 0 : index
        %get3A_529 = tpu.vector_load %arg10[%get3A_527, %get3A_528] {strides = array<i32>} : memref<512x16xf32, #tpu.memory_space<vmem>>, vector<1x16xf32>,
        %get3A_530 = vector.shape_cast %get3A_529 : vector<1x16xf32> to vector<16xf32>
        %slice3A_531 = vector.extract_strided_slice %get3A_355 {offsets = [10], sizes = [1], strides = [1]} : vector<16xf32> to vector<1xf32>
        %squeeze3A_532 = vector.extract %slice3A_531[0] : f32 from vector<1xf32>
        %mul3A_533 = vector.broadcast %squeeze3A_532 : f32 to vector<16xf32>
        %mul3A_534 = arith.mulf %get3A_530, %mul3A_533 : vector<16xf32>
        %add3A_535 = arith.constant 10 : i32
        %add3A_536 = arith.addi %mul3A_357, %add3A_535 : i32
        %swap3A_537 = arith.index_cast %add3A_536 : i32 to index
        %swap3A_538 = arith.constant 0 : index
        %swap3A_539 = tpu.vector_load %arg10[%swap3A_537, %swap3A_538] {strides = array<i32>} : memref<512x16xf32, #tpu.memory_space<vmem>>, vector<1x16xf32>,
        %swap3A_540 = vector.shape_cast %swap3A_539 : vector<1x16xf32> to vector<16xf32>
        %swap3A_541 = vector.shape_cast %mul3A_534 : vector<16xf32> to vector<1x16xf32>
        tpu.vector_store %arg10[%swap3A_537, %swap3A_538], %swap3A_541 {strides = array<i32>} : memref<512x16xf32, #tpu.memory_space<vmem>>, vector<1x16xf32>,
        %add3A_542 = arith.constant 11 : i32
        %add3A_543 = arith.addi %mul3A_357, %add3A_542 : i32
        %get3A_544 = arith.index_cast %add3A_543 : i32 to index
        %get3A_545 = arith.constant 0 : index
        %get3A_546 = tpu.vector_load %arg10[%get3A_544, %get3A_545] {strides = array<i32>} : memref<512x16xf32, #tpu.memory_space<vmem>>, vector<1x16xf32>,
        %get3A_547 = vector.shape_cast %get3A_546 : vector<1x16xf32> to vector<16xf32>
        %slice3A_548 = vector.extract_strided_slice %get3A_355 {offsets = [11], sizes = [1], strides = [1]} : vector<16xf32> to vector<1xf32>
        %squeeze3A_549 = vector.extract %slice3A_548[0] : f32 from vector<1xf32>
        %mul3A_550 = vector.broadcast %squeeze3A_549 : f32 to vector<16xf32>
        %mul3A_551 = arith.mulf %get3A_547, %mul3A_550 : vector<16xf32>
        %add3A_552 = arith.constant 11 : i32
        %add3A_553 = arith.addi %mul3A_357, %add3A_552 : i32
        %swap3A_554 = arith.index_cast %add3A_553 : i32 to index
        %swap3A_555 = arith.constant 0 : index
        %swap3A_556 = tpu.vector_load %arg10[%swap3A_554, %swap3A_555] {strides = array<i32>} : memref<512x16xf32, #tpu.memory_space<vmem>>, vector<1x16xf32>,
        %swap3A_557 = vector.shape_cast %swap3A_556 : vector<1x16xf32> to vector<16xf32>
        %swap3A_558 = vector.shape_cast %mul3A_551 : vector<16xf32> to vector<1x16xf32>
        tpu.vector_store %arg10[%swap3A_554, %swap3A_555], %swap3A_558 {strides = array<i32>} : memref<512x16xf32, #tpu.memory_space<vmem>>, vector<1x16xf32>,
        %add3A_559 = arith.constant 12 : i32
        %add3A_560 = arith.addi %mul3A_357, %add3A_559 : i32
        %get3A_561 = arith.index_cast %add3A_560 : i32 to index
        %get3A_562 = arith.constant 0 : index
        %get3A_563 = tpu.vector_load %arg10[%get3A_561, %get3A_562] {strides = array<i32>} : memref<512x16xf32, #tpu.memory_space<vmem>>, vector<1x16xf32>,
        %get3A_564 = vector.shape_cast %get3A_563 : vector<1x16xf32> to vector<16xf32>
        %slice3A_565 = vector.extract_strided_slice %get3A_355 {offsets = [12], sizes = [1], strides = [1]} : vector<16xf32> to vector<1xf32>
        %squeeze3A_566 = vector.extract %slice3A_565[0] : f32 from vector<1xf32>
        %mul3A_567 = vector.broadcast %squeeze3A_566 : f32 to vector<16xf32>
        %mul3A_568 = arith.mulf %get3A_564, %mul3A_567 : vector<16xf32>
        %add3A_569 = arith.constant 12 : i32
        %add3A_570 = arith.addi %mul3A_357, %add3A_569 : i32
        %swap3A_571 = arith.index_cast %add3A_570 : i32 to index
        %swap3A_572 = arith.constant 0 : index
        %swap3A_573 = tpu.vector_load %arg10[%swap3A_571, %swap3A_572] {strides = array<i32>} : memref<512x16xf32, #tpu.memory_space<vmem>>, vector<1x16xf32>,
        %swap3A_574 = vector.shape_cast %swap3A_573 : vector<1x16xf32> to vector<16xf32>
        %swap3A_575 = vector.shape_cast %mul3A_568 : vector<16xf32> to vector<1x16xf32>
        tpu.vector_store %arg10[%swap3A_571, %swap3A_572], %swap3A_575 {strides = array<i32>} : memref<512x16xf32, #tpu.memory_space<vmem>>, vector<1x16xf32>,
        %add3A_576 = arith.constant 13 : i32
        %add3A_577 = arith.addi %mul3A_357, %add3A_576 : i32
        %get3A_578 = arith.index_cast %add3A_577 : i32 to index
        %get3A_579 = arith.constant 0 : index
        %get3A_580 = tpu.vector_load %arg10[%get3A_578, %get3A_579] {strides = array<i32>} : memref<512x16xf32, #tpu.memory_space<vmem>>, vector<1x16xf32>,
        %get3A_581 = vector.shape_cast %get3A_580 : vector<1x16xf32> to vector<16xf32>
        %slice3A_582 = vector.extract_strided_slice %get3A_355 {offsets = [13], sizes = [1], strides = [1]} : vector<16xf32> to vector<1xf32>
        %squeeze3A_583 = vector.extract %slice3A_582[0] : f32 from vector<1xf32>
        %mul3A_584 = vector.broadcast %squeeze3A_583 : f32 to vector<16xf32>
        %mul3A_585 = arith.mulf %get3A_581, %mul3A_584 : vector<16xf32>
        %add3A_586 = arith.constant 13 : i32
        %add3A_587 = arith.addi %mul3A_357, %add3A_586 : i32
        %swap3A_588 = arith.index_cast %add3A_587 : i32 to index
        %swap3A_589 = arith.constant 0 : index
        %swap3A_590 = tpu.vector_load %arg10[%swap3A_588, %swap3A_589] {strides = array<i32>} : memref<512x16xf32, #tpu.memory_space<vmem>>, vector<1x16xf32>,
        %swap3A_591 = vector.shape_cast %swap3A_590 : vector<1x16xf32> to vector<16xf32>
        %swap3A_592 = vector.shape_cast %mul3A_585 : vector<16xf32> to vector<1x16xf32>
        tpu.vector_store %arg10[%swap3A_588, %swap3A_589], %swap3A_592 {strides = array<i32>} : memref<512x16xf32, #tpu.memory_space<vmem>>, vector<1x16xf32>,
        %add3A_593 = arith.constant 14 : i32
        %add3A_594 = arith.addi %mul3A_357, %add3A_593 : i32
        %get3A_595 = arith.index_cast %add3A_594 : i32 to index
        %get3A_596 = arith.constant 0 : index
        %get3A_597 = tpu.vector_load %arg10[%get3A_595, %get3A_596] {strides = array<i32>} : memref<512x16xf32, #tpu.memory_space<vmem>>, vector<1x16xf32>,
        %get3A_598 = vector.shape_cast %get3A_597 : vector<1x16xf32> to vector<16xf32>
        %slice3A_599 = vector.extract_strided_slice %get3A_355 {offsets = [14], sizes = [1], strides = [1]} : vector<16xf32> to vector<1xf32>
        %squeeze3A_600 = vector.extract %slice3A_599[0] : f32 from vector<1xf32>
        %mul3A_601 = vector.broadcast %squeeze3A_600 : f32 to vector<16xf32>
        %mul3A_602 = arith.mulf %get3A_598, %mul3A_601 : vector<16xf32>
        %add3A_603 = arith.constant 14 : i32
        %add3A_604 = arith.addi %mul3A_357, %add3A_603 : i32
        %swap3A_605 = arith.index_cast %add3A_604 : i32 to index
        %swap3A_606 = arith.constant 0 : index
        %swap3A_607 = tpu.vector_load %arg10[%swap3A_605, %swap3A_606] {strides = array<i32>} : memref<512x16xf32, #tpu.memory_space<vmem>>, vector<1x16xf32>,
        %swap3A_608 = vector.shape_cast %swap3A_607 : vector<1x16xf32> to vector<16xf32>
        %swap3A_609 = vector.shape_cast %mul3A_602 : vector<16xf32> to vector<1x16xf32>
        tpu.vector_store %arg10[%swap3A_605, %swap3A_606], %swap3A_609 {strides = array<i32>} : memref<512x16xf32, #tpu.memory_space<vmem>>, vector<1x16xf32>,
        %add3A_610 = arith.constant 15 : i32
        %add3A_611 = arith.addi %mul3A_357, %add3A_610 : i32
        %get3A_612 = arith.index_cast %add3A_611 : i32 to index
        %get3A_613 = arith.constant 0 : index
        %get3A_614 = tpu.vector_load %arg10[%get3A_612, %get3A_613] {strides = array<i32>} : memref<512x16xf32, #tpu.memory_space<vmem>>, vector<1x16xf32>,
        %get3A_615 = vector.shape_cast %get3A_614 : vector<1x16xf32> to vector<16xf32>
        %slice3A_616 = vector.extract_strided_slice %get3A_355 {offsets = [15], sizes = [1], strides = [1]} : vector<16xf32> to vector<1xf32>
        %squeeze3A_617 = vector.extract %slice3A_616[0] : f32 from vector<1xf32>
        %mul3A_618 = vector.broadcast %squeeze3A_617 : f32 to vector<16xf32>
        %mul3A_619 = arith.mulf %get3A_615, %mul3A_618 : vector<16xf32>
        %add3A_620 = arith.constant 15 : i32
        %add3A_621 = arith.addi %mul3A_357, %add3A_620 : i32
        %swap3A_622 = arith.index_cast %add3A_621 : i32 to index
        %swap3A_623 = arith.constant 0 : index
        %swap3A_624 = tpu.vector_load %arg10[%swap3A_622, %swap3A_623] {strides = array<i32>} : memref<512x16xf32, #tpu.memory_space<vmem>>, vector<1x16xf32>,
        %swap3A_625 = vector.shape_cast %swap3A_624 : vector<1x16xf32> to vector<16xf32>
        %swap3A_626 = vector.shape_cast %mul3A_619 : vector<16xf32> to vector<1x16xf32>
        tpu.vector_store %arg10[%swap3A_622, %swap3A_623], %swap3A_626 {strides = array<i32>} : memref<512x16xf32, #tpu.memory_space<vmem>>, vector<1x16xf32>,
        %scan3A_627 = arith.constant 0 : i32
        scf.yield %scan3A_627 : i32
      }
      %scan3A_151 = arith.constant 32 : i32
      %dma_start3A_152 = arith.constant 512 : i32
      %dma_start3A_153 = tpu.memref_slice %arg27[%dma_start3A_152] : memref<4096xi32, #tpu.memory_space<vmem>> -> memref<512xi32, #tpu.memory_space<vmem>>
      %dma_start3A_154 = arith.constant 0 : i32
      %dma_start3A_155 = arith.constant 0 : i32
      %dma_start3A_156 = tpu.memref_slice %arg7[%dma_start3A_154, %dma_start3A_155] : memref<16384x16xf32, #tpu.memory_space<vmem_shared>> -> memref<16384x16xf32, #tpu.memory_space<vmem_shared>>
      tpu.enqueue_indirect_dma source(%arg10 : memref<512x16xf32, #tpu.memory_space<vmem>>) target(%dma_start3A_156 : memref<16384x16xf32, #tpu.memory_space<vmem_shared>>) offsets(%dma_start3A_153 : memref<512xi32, #tpu.memory_space<vmem>>) semaphore(%arg29 : memref<!tpu.dma_semaphore, #tpu.memory_space<semaphore_mem>>) {add = true}
      %dma_wait3A_157 = arith.constant 1024 : i32
      %dma_wait3A_158 = tpu.memref_slice %arg8[%dma_wait3A_157] : memref<4096xi32, #tpu.memory_space<vmem>> -> memref<512xi32, #tpu.memory_space<vmem>>
      %dma_wait3A_159 = arith.constant 0 : i32
      %dma_wait3A_160 = arith.constant 0 : i32
      %dma_wait3A_161 = tpu.memref_slice %arg37[%dma_wait3A_159, %dma_wait3A_160] : memref<16384x16xf32, #tpu.memory_space<vmem_shared>> -> memref<16384x16xf32, #tpu.memory_space<vmem_shared>>
      tpu.wait_indirect_dma semaphore(%arg19 : memref<!tpu.dma_semaphore, #tpu.memory_space<semaphore_mem>>) src(%dma_wait3A_161 : memref<16384x16xf32, #tpu.memory_space<vmem_shared>>) dst(%arg11 : memref<512x16xf32, #tpu.memory_space<vmem>>)
      %scan3A_162 = arith.constant 0 : i32
      %scan3A_163 = arith.constant 0 : i32
      %scan3A_164 = arith.constant 32 : i32
      %scan3A_165 = arith.addi %scan3A_163, %scan3A_164 : i32
      %scan3A_166 = arith.constant 1 : i32
      %scan3A_167 = scf.for %scan3A_348 = %scan3A_163 to %scan3A_165 step %scan3A_166 iter_args(%scan3A_349 = %scan3A_162) -> (i32)  : i32 {
        %mul3A_350 = arith.constant 16 : i32
        %mul3A_351 = arith.muli %scan3A_348, %mul3A_350 : i32
        %add3A_352 = arith.constant 1024 : i32
        %add3A_353 = arith.addi %add3A_352, %mul3A_351 : i32
        %get3A = arith.index_cast %add3A_353 : i32 to index
        %get3A_354 = tpu.vector_load %arg36[%get3A] {strides = array<i32>} : memref<4096xf32, #tpu.memory_space<vmem>>, vector<16xf32>,
        %get3A_355 = vector.shape_cast %get3A_354 : vector<16xf32> to vector<16xf32>
        %mul3A_356 = arith.constant 16 : i32
        %mul3A_357 = arith.muli %scan3A_348, %mul3A_356 : i32
        %add3A_358 = arith.constant 0 : i32
        %add3A_359 = arith.addi %mul3A_357, %add3A_358 : i32
        %get3A_360 = arith.index_cast %add3A_359 : i32 to index
        %get3A_361 = arith.constant 0 : index
        %get3A_362 = tpu.vector_load %arg11[%get3A_360, %get3A_361] {strides = array<i32>} : memref<512x16xf32, #tpu.memory_space<vmem>>, vector<1x16xf32>,
        %get3A_363 = vector.shape_cast %get3A_362 : vector<1x16xf32> to vector<16xf32>
        %slice3A = vector.extract_strided_slice %get3A_355 {offsets = [0], sizes = [1], strides = [1]} : vector<16xf32> to vector<1xf32>
        %squeeze3A = vector.extract %slice3A[0] : f32 from vector<1xf32>
        %mul3A_364 = vector.broadcast %squeeze3A : f32 to vector<16xf32>
        %mul3A_365 = arith.mulf %get3A_363, %mul3A_364 : vector<16xf32>
        %add3A_366 = arith.constant 0 : i32
        %add3A_367 = arith.addi %mul3A_357, %add3A_366 : i32
        %swap3A = arith.index_cast %add3A_367 : i32 to index
        %swap3A_368 = arith.constant 0 : index
        %swap3A_369 = tpu.vector_load %arg11[%swap3A, %swap3A_368] {strides = array<i32>} : memref<512x16xf32, #tpu.memory_space<vmem>>, vector<1x16xf32>,
        %swap3A_370 = vector.shape_cast %swap3A_369 : vector<1x16xf32> to vector<16xf32>
        %swap3A_371 = vector.shape_cast %mul3A_365 : vector<16xf32> to vector<1x16xf32>
        tpu.vector_store %arg11[%swap3A, %swap3A_368], %swap3A_371 {strides = array<i32>} : memref<512x16xf32, #tpu.memory_space<vmem>>, vector<1x16xf32>,
        %add3A_372 = arith.constant 1 : i32
        %add3A_373 = arith.addi %mul3A_357, %add3A_372 : i32
        %get3A_374 = arith.index_cast %add3A_373 : i32 to index
        %get3A_375 = arith.constant 0 : index
        %get3A_376 = tpu.vector_load %arg11[%get3A_374, %get3A_375] {strides = array<i32>} : memref<512x16xf32, #tpu.memory_space<vmem>>, vector<1x16xf32>,
        %get3A_377 = vector.shape_cast %get3A_376 : vector<1x16xf32> to vector<16xf32>
        %slice3A_378 = vector.extract_strided_slice %get3A_355 {offsets = [1], sizes = [1], strides = [1]} : vector<16xf32> to vector<1xf32>
        %squeeze3A_379 = vector.extract %slice3A_378[0] : f32 from vector<1xf32>
        %mul3A_380 = vector.broadcast %squeeze3A_379 : f32 to vector<16xf32>
        %mul3A_381 = arith.mulf %get3A_377, %mul3A_380 : vector<16xf32>
        %add3A_382 = arith.constant 1 : i32
        %add3A_383 = arith.addi %mul3A_357, %add3A_382 : i32
        %swap3A_384 = arith.index_cast %add3A_383 : i32 to index
        %swap3A_385 = arith.constant 0 : index
        %swap3A_386 = tpu.vector_load %arg11[%swap3A_384, %swap3A_385] {strides = array<i32>} : memref<512x16xf32, #tpu.memory_space<vmem>>, vector<1x16xf32>,
        %swap3A_387 = vector.shape_cast %swap3A_386 : vector<1x16xf32> to vector<16xf32>
        %swap3A_388 = vector.shape_cast %mul3A_381 : vector<16xf32> to vector<1x16xf32>
        tpu.vector_store %arg11[%swap3A_384, %swap3A_385], %swap3A_388 {strides = array<i32>} : memref<512x16xf32, #tpu.memory_space<vmem>>, vector<1x16xf32>,
        %add3A_389 = arith.constant 2 : i32
        %add3A_390 = arith.addi %mul3A_357, %add3A_389 : i32
        %get3A_391 = arith.index_cast %add3A_390 : i32 to index
        %get3A_392 = arith.constant 0 : index
        %get3A_393 = tpu.vector_load %arg11[%get3A_391, %get3A_392] {strides = array<i32>} : memref<512x16xf32, #tpu.memory_space<vmem>>, vector<1x16xf32>,
        %get3A_394 = vector.shape_cast %get3A_393 : vector<1x16xf32> to vector<16xf32>
        %slice3A_395 = vector.extract_strided_slice %get3A_355 {offsets = [2], sizes = [1], strides = [1]} : vector<16xf32> to vector<1xf32>
        %squeeze3A_396 = vector.extract %slice3A_395[0] : f32 from vector<1xf32>
        %mul3A_397 = vector.broadcast %squeeze3A_396 : f32 to vector<16xf32>
        %mul3A_398 = arith.mulf %get3A_394, %mul3A_397 : vector<16xf32>
        %add3A_399 = arith.constant 2 : i32
        %add3A_400 = arith.addi %mul3A_357, %add3A_399 : i32
        %swap3A_401 = arith.index_cast %add3A_400 : i32 to index
        %swap3A_402 = arith.constant 0 : index
        %swap3A_403 = tpu.vector_load %arg11[%swap3A_401, %swap3A_402] {strides = array<i32>} : memref<512x16xf32, #tpu.memory_space<vmem>>, vector<1x16xf32>,
        %swap3A_404 = vector.shape_cast %swap3A_403 : vector<1x16xf32> to vector<16xf32>
        %swap3A_405 = vector.shape_cast %mul3A_398 : vector<16xf32> to vector<1x16xf32>
        tpu.vector_store %arg11[%swap3A_401, %swap3A_402], %swap3A_405 {strides = array<i32>} : memref<512x16xf32, #tpu.memory_space<vmem>>, vector<1x16xf32>,
        %add3A_406 = arith.constant 3 : i32
        %add3A_407 = arith.addi %mul3A_357, %add3A_406 : i32
        %get3A_408 = arith.index_cast %add3A_407 : i32 to index
        %get3A_409 = arith.constant 0 : index
        %get3A_410 = tpu.vector_load %arg11[%get3A_408, %get3A_409] {strides = array<i32>} : memref<512x16xf32, #tpu.memory_space<vmem>>, vector<1x16xf32>,
        %get3A_411 = vector.shape_cast %get3A_410 : vector<1x16xf32> to vector<16xf32>
        %slice3A_412 = vector.extract_strided_slice %get3A_355 {offsets = [3], sizes = [1], strides = [1]} : vector<16xf32> to vector<1xf32>
        %squeeze3A_413 = vector.extract %slice3A_412[0] : f32 from vector<1xf32>
        %mul3A_414 = vector.broadcast %squeeze3A_413 : f32 to vector<16xf32>
        %mul3A_415 = arith.mulf %get3A_411, %mul3A_414 : vector<16xf32>
        %add3A_416 = arith.constant 3 : i32
        %add3A_417 = arith.addi %mul3A_357, %add3A_416 : i32
        %swap3A_418 = arith.index_cast %add3A_417 : i32 to index
        %swap3A_419 = arith.constant 0 : index
        %swap3A_420 = tpu.vector_load %arg11[%swap3A_418, %swap3A_419] {strides = array<i32>} : memref<512x16xf32, #tpu.memory_space<vmem>>, vector<1x16xf32>,
        %swap3A_421 = vector.shape_cast %swap3A_420 : vector<1x16xf32> to vector<16xf32>
        %swap3A_422 = vector.shape_cast %mul3A_415 : vector<16xf32> to vector<1x16xf32>
        tpu.vector_store %arg11[%swap3A_418, %swap3A_419], %swap3A_422 {strides = array<i32>} : memref<512x16xf32, #tpu.memory_space<vmem>>, vector<1x16xf32>,
        %add3A_423 = arith.constant 4 : i32
        %add3A_424 = arith.addi %mul3A_357, %add3A_423 : i32
        %get3A_425 = arith.index_cast %add3A_424 : i32 to index
        %get3A_426 = arith.constant 0 : index
        %get3A_427 = tpu.vector_load %arg11[%get3A_425, %get3A_426] {strides = array<i32>} : memref<512x16xf32, #tpu.memory_space<vmem>>, vector<1x16xf32>,
        %get3A_428 = vector.shape_cast %get3A_427 : vector<1x16xf32> to vector<16xf32>
        %slice3A_429 = vector.extract_strided_slice %get3A_355 {offsets = [4], sizes = [1], strides = [1]} : vector<16xf32> to vector<1xf32>
        %squeeze3A_430 = vector.extract %slice3A_429[0] : f32 from vector<1xf32>
        %mul3A_431 = vector.broadcast %squeeze3A_430 : f32 to vector<16xf32>
        %mul3A_432 = arith.mulf %get3A_428, %mul3A_431 : vector<16xf32>
        %add3A_433 = arith.constant 4 : i32
        %add3A_434 = arith.addi %mul3A_357, %add3A_433 : i32
        %swap3A_435 = arith.index_cast %add3A_434 : i32 to index
        %swap3A_436 = arith.constant 0 : index
        %swap3A_437 = tpu.vector_load %arg11[%swap3A_435, %swap3A_436] {strides = array<i32>} : memref<512x16xf32, #tpu.memory_space<vmem>>, vector<1x16xf32>,
        %swap3A_438 = vector.shape_cast %swap3A_437 : vector<1x16xf32> to vector<16xf32>
        %swap3A_439 = vector.shape_cast %mul3A_432 : vector<16xf32> to vector<1x16xf32>
        tpu.vector_store %arg11[%swap3A_435, %swap3A_436], %swap3A_439 {strides = array<i32>} : memref<512x16xf32, #tpu.memory_space<vmem>>, vector<1x16xf32>,
        %add3A_440 = arith.constant 5 : i32
        %add3A_441 = arith.addi %mul3A_357, %add3A_440 : i32
        %get3A_442 = arith.index_cast %add3A_441 : i32 to index
        %get3A_443 = arith.constant 0 : index
        %get3A_444 = tpu.vector_load %arg11[%get3A_442, %get3A_443] {strides = array<i32>} : memref<512x16xf32, #tpu.memory_space<vmem>>, vector<1x16xf32>,
        %get3A_445 = vector.shape_cast %get3A_444 : vector<1x16xf32> to vector<16xf32>
        %slice3A_446 = vector.extract_strided_slice %get3A_355 {offsets = [5], sizes = [1], strides = [1]} : vector<16xf32> to vector<1xf32>
        %squeeze3A_447 = vector.extract %slice3A_446[0] : f32 from vector<1xf32>
        %mul3A_448 = vector.broadcast %squeeze3A_447 : f32 to vector<16xf32>
        %mul3A_449 = arith.mulf %get3A_445, %mul3A_448 : vector<16xf32>
        %add3A_450 = arith.constant 5 : i32
        %add3A_451 = arith.addi %mul3A_357, %add3A_450 : i32
        %swap3A_452 = arith.index_cast %add3A_451 : i32 to index
        %swap3A_453 = arith.constant 0 : index
        %swap3A_454 = tpu.vector_load %arg11[%swap3A_452, %swap3A_453] {strides = array<i32>} : memref<512x16xf32, #tpu.memory_space<vmem>>, vector<1x16xf32>,
        %swap3A_455 = vector.shape_cast %swap3A_454 : vector<1x16xf32> to vector<16xf32>
        %swap3A_456 = vector.shape_cast %mul3A_449 : vector<16xf32> to vector<1x16xf32>
        tpu.vector_store %arg11[%swap3A_452, %swap3A_453], %swap3A_456 {strides = array<i32>} : memref<512x16xf32, #tpu.memory_space<vmem>>, vector<1x16xf32>,
        %add3A_457 = arith.constant 6 : i32
        %add3A_458 = arith.addi %mul3A_357, %add3A_457 : i32
        %get3A_459 = arith.index_cast %add3A_458 : i32 to index
        %get3A_460 = arith.constant 0 : index
        %get3A_461 = tpu.vector_load %arg11[%get3A_459, %get3A_460] {strides = array<i32>} : memref<512x16xf32, #tpu.memory_space<vmem>>, vector<1x16xf32>,
        %get3A_462 = vector.shape_cast %get3A_461 : vector<1x16xf32> to vector<16xf32>
        %slice3A_463 = vector.extract_strided_slice %get3A_355 {offsets = [6], sizes = [1], strides = [1]} : vector<16xf32> to vector<1xf32>
        %squeeze3A_464 = vector.extract %slice3A_463[0] : f32 from vector<1xf32>
        %mul3A_465 = vector.broadcast %squeeze3A_464 : f32 to vector<16xf32>
        %mul3A_466 = arith.mulf %get3A_462, %mul3A_465 : vector<16xf32>
        %add3A_467 = arith.constant 6 : i32
        %add3A_468 = arith.addi %mul3A_357, %add3A_467 : i32
        %swap3A_469 = arith.index_cast %add3A_468 : i32 to index
        %swap3A_470 = arith.constant 0 : index
        %swap3A_471 = tpu.vector_load %arg11[%swap3A_469, %swap3A_470] {strides = array<i32>} : memref<512x16xf32, #tpu.memory_space<vmem>>, vector<1x16xf32>,
        %swap3A_472 = vector.shape_cast %swap3A_471 : vector<1x16xf32> to vector<16xf32>
        %swap3A_473 = vector.shape_cast %mul3A_466 : vector<16xf32> to vector<1x16xf32>
        tpu.vector_store %arg11[%swap3A_469, %swap3A_470], %swap3A_473 {strides = array<i32>} : memref<512x16xf32, #tpu.memory_space<vmem>>, vector<1x16xf32>,
        %add3A_474 = arith.constant 7 : i32
        %add3A_475 = arith.addi %mul3A_357, %add3A_474 : i32
        %get3A_476 = arith.index_cast %add3A_475 : i32 to index
        %get3A_477 = arith.constant 0 : index
        %get3A_478 = tpu.vector_load %arg11[%get3A_476, %get3A_477] {strides = array<i32>} : memref<512x16xf32, #tpu.memory_space<vmem>>, vector<1x16xf32>,
        %get3A_479 = vector.shape_cast %get3A_478 : vector<1x16xf32> to vector<16xf32>
        %slice3A_480 = vector.extract_strided_slice %get3A_355 {offsets = [7], sizes = [1], strides = [1]} : vector<16xf32> to vector<1xf32>
        %squeeze3A_481 = vector.extract %slice3A_480[0] : f32 from vector<1xf32>
        %mul3A_482 = vector.broadcast %squeeze3A_481 : f32 to vector<16xf32>
        %mul3A_483 = arith.mulf %get3A_479, %mul3A_482 : vector<16xf32>
        %add3A_484 = arith.constant 7 : i32
        %add3A_485 = arith.addi %mul3A_357, %add3A_484 : i32
        %swap3A_486 = arith.index_cast %add3A_485 : i32 to index
        %swap3A_487 = arith.constant 0 : index
        %swap3A_488 = tpu.vector_load %arg11[%swap3A_486, %swap3A_487] {strides = array<i32>} : memref<512x16xf32, #tpu.memory_space<vmem>>, vector<1x16xf32>,
        %swap3A_489 = vector.shape_cast %swap3A_488 : vector<1x16xf32> to vector<16xf32>
        %swap3A_490 = vector.shape_cast %mul3A_483 : vector<16xf32> to vector<1x16xf32>
        tpu.vector_store %arg11[%swap3A_486, %swap3A_487], %swap3A_490 {strides = array<i32>} : memref<512x16xf32, #tpu.memory_space<vmem>>, vector<1x16xf32>,
        %add3A_491 = arith.constant 8 : i32
        %add3A_492 = arith.addi %mul3A_357, %add3A_491 : i32
        %get3A_493 = arith.index_cast %add3A_492 : i32 to index
        %get3A_494 = arith.constant 0 : index
        %get3A_495 = tpu.vector_load %arg11[%get3A_493, %get3A_494] {strides = array<i32>} : memref<512x16xf32, #tpu.memory_space<vmem>>, vector<1x16xf32>,
        %get3A_496 = vector.shape_cast %get3A_495 : vector<1x16xf32> to vector<16xf32>
        %slice3A_497 = vector.extract_strided_slice %get3A_355 {offsets = [8], sizes = [1], strides = [1]} : vector<16xf32> to vector<1xf32>
        %squeeze3A_498 = vector.extract %slice3A_497[0] : f32 from vector<1xf32>
        %mul3A_499 = vector.broadcast %squeeze3A_498 : f32 to vector<16xf32>
        %mul3A_500 = arith.mulf %get3A_496, %mul3A_499 : vector<16xf32>
        %add3A_501 = arith.constant 8 : i32
        %add3A_502 = arith.addi %mul3A_357, %add3A_501 : i32
        %swap3A_503 = arith.index_cast %add3A_502 : i32 to index
        %swap3A_504 = arith.constant 0 : index
        %swap3A_505 = tpu.vector_load %arg11[%swap3A_503, %swap3A_504] {strides = array<i32>} : memref<512x16xf32, #tpu.memory_space<vmem>>, vector<1x16xf32>,
        %swap3A_506 = vector.shape_cast %swap3A_505 : vector<1x16xf32> to vector<16xf32>
        %swap3A_507 = vector.shape_cast %mul3A_500 : vector<16xf32> to vector<1x16xf32>
        tpu.vector_store %arg11[%swap3A_503, %swap3A_504], %swap3A_507 {strides = array<i32>} : memref<512x16xf32, #tpu.memory_space<vmem>>, vector<1x16xf32>,
        %add3A_508 = arith.constant 9 : i32
        %add3A_509 = arith.addi %mul3A_357, %add3A_508 : i32
        %get3A_510 = arith.index_cast %add3A_509 : i32 to index
        %get3A_511 = arith.constant 0 : index
        %get3A_512 = tpu.vector_load %arg11[%get3A_510, %get3A_511] {strides = array<i32>} : memref<512x16xf32, #tpu.memory_space<vmem>>, vector<1x16xf32>,
        %get3A_513 = vector.shape_cast %get3A_512 : vector<1x16xf32> to vector<16xf32>
        %slice3A_514 = vector.extract_strided_slice %get3A_355 {offsets = [9], sizes = [1], strides = [1]} : vector<16xf32> to vector<1xf32>
        %squeeze3A_515 = vector.extract %slice3A_514[0] : f32 from vector<1xf32>
        %mul3A_516 = vector.broadcast %squeeze3A_515 : f32 to vector<16xf32>
        %mul3A_517 = arith.mulf %get3A_513, %mul3A_516 : vector<16xf32>
        %add3A_518 = arith.constant 9 : i32
        %add3A_519 = arith.addi %mul3A_357, %add3A_518 : i32
        %swap3A_520 = arith.index_cast %add3A_519 : i32 to index
        %swap3A_521 = arith.constant 0 : index
        %swap3A_522 = tpu.vector_load %arg11[%swap3A_520, %swap3A_521] {strides = array<i32>} : memref<512x16xf32, #tpu.memory_space<vmem>>, vector<1x16xf32>,
        %swap3A_523 = vector.shape_cast %swap3A_522 : vector<1x16xf32> to vector<16xf32>
        %swap3A_524 = vector.shape_cast %mul3A_517 : vector<16xf32> to vector<1x16xf32>
        tpu.vector_store %arg11[%swap3A_520, %swap3A_521], %swap3A_524 {strides = array<i32>} : memref<512x16xf32, #tpu.memory_space<vmem>>, vector<1x16xf32>,
        %add3A_525 = arith.constant 10 : i32
        %add3A_526 = arith.addi %mul3A_357, %add3A_525 : i32
        %get3A_527 = arith.index_cast %add3A_526 : i32 to index
        %get3A_528 = arith.constant 0 : index
        %get3A_529 = tpu.vector_load %arg11[%get3A_527, %get3A_528] {strides = array<i32>} : memref<512x16xf32, #tpu.memory_space<vmem>>, vector<1x16xf32>,
        %get3A_530 = vector.shape_cast %get3A_529 : vector<1x16xf32> to vector<16xf32>
        %slice3A_531 = vector.extract_strided_slice %get3A_355 {offsets = [10], sizes = [1], strides = [1]} : vector<16xf32> to vector<1xf32>
        %squeeze3A_532 = vector.extract %slice3A_531[0] : f32 from vector<1xf32>
        %mul3A_533 = vector.broadcast %squeeze3A_532 : f32 to vector<16xf32>
        %mul3A_534 = arith.mulf %get3A_530, %mul3A_533 : vector<16xf32>
        %add3A_535 = arith.constant 10 : i32
        %add3A_536 = arith.addi %mul3A_357, %add3A_535 : i32
        %swap3A_537 = arith.index_cast %add3A_536 : i32 to index
        %swap3A_538 = arith.constant 0 : index
        %swap3A_539 = tpu.vector_load %arg11[%swap3A_537, %swap3A_538] {strides = array<i32>} : memref<512x16xf32, #tpu.memory_space<vmem>>, vector<1x16xf32>,
        %swap3A_540 = vector.shape_cast %swap3A_539 : vector<1x16xf32> to vector<16xf32>
        %swap3A_541 = vector.shape_cast %mul3A_534 : vector<16xf32> to vector<1x16xf32>
        tpu.vector_store %arg11[%swap3A_537, %swap3A_538], %swap3A_541 {strides = array<i32>} : memref<512x16xf32, #tpu.memory_space<vmem>>, vector<1x16xf32>,
        %add3A_542 = arith.constant 11 : i32
        %add3A_543 = arith.addi %mul3A_357, %add3A_542 : i32
        %get3A_544 = arith.index_cast %add3A_543 : i32 to index
        %get3A_545 = arith.constant 0 : index
        %get3A_546 = tpu.vector_load %arg11[%get3A_544, %get3A_545] {strides = array<i32>} : memref<512x16xf32, #tpu.memory_space<vmem>>, vector<1x16xf32>,
        %get3A_547 = vector.shape_cast %get3A_546 : vector<1x16xf32> to vector<16xf32>
        %slice3A_548 = vector.extract_strided_slice %get3A_355 {offsets = [11], sizes = [1], strides = [1]} : vector<16xf32> to vector<1xf32>
        %squeeze3A_549 = vector.extract %slice3A_548[0] : f32 from vector<1xf32>
        %mul3A_550 = vector.broadcast %squeeze3A_549 : f32 to vector<16xf32>
        %mul3A_551 = arith.mulf %get3A_547, %mul3A_550 : vector<16xf32>
        %add3A_552 = arith.constant 11 : i32
        %add3A_553 = arith.addi %mul3A_357, %add3A_552 : i32
        %swap3A_554 = arith.index_cast %add3A_553 : i32 to index
        %swap3A_555 = arith.constant 0 : index
        %swap3A_556 = tpu.vector_load %arg11[%swap3A_554, %swap3A_555] {strides = array<i32>} : memref<512x16xf32, #tpu.memory_space<vmem>>, vector<1x16xf32>,
        %swap3A_557 = vector.shape_cast %swap3A_556 : vector<1x16xf32> to vector<16xf32>
        %swap3A_558 = vector.shape_cast %mul3A_551 : vector<16xf32> to vector<1x16xf32>
        tpu.vector_store %arg11[%swap3A_554, %swap3A_555], %swap3A_558 {strides = array<i32>} : memref<512x16xf32, #tpu.memory_space<vmem>>, vector<1x16xf32>,
        %add3A_559 = arith.constant 12 : i32
        %add3A_560 = arith.addi %mul3A_357, %add3A_559 : i32
        %get3A_561 = arith.index_cast %add3A_560 : i32 to index
        %get3A_562 = arith.constant 0 : index
        %get3A_563 = tpu.vector_load %arg11[%get3A_561, %get3A_562] {strides = array<i32>} : memref<512x16xf32, #tpu.memory_space<vmem>>, vector<1x16xf32>,
        %get3A_564 = vector.shape_cast %get3A_563 : vector<1x16xf32> to vector<16xf32>
        %slice3A_565 = vector.extract_strided_slice %get3A_355 {offsets = [12], sizes = [1], strides = [1]} : vector<16xf32> to vector<1xf32>
        %squeeze3A_566 = vector.extract %slice3A_565[0] : f32 from vector<1xf32>
        %mul3A_567 = vector.broadcast %squeeze3A_566 : f32 to vector<16xf32>
        %mul3A_568 = arith.mulf %get3A_564, %mul3A_567 : vector<16xf32>
        %add3A_569 = arith.constant 12 : i32
        %add3A_570 = arith.addi %mul3A_357, %add3A_569 : i32
        %swap3A_571 = arith.index_cast %add3A_570 : i32 to index
        %swap3A_572 = arith.constant 0 : index
        %swap3A_573 = tpu.vector_load %arg11[%swap3A_571, %swap3A_572] {strides = array<i32>} : memref<512x16xf32, #tpu.memory_space<vmem>>, vector<1x16xf32>,
        %swap3A_574 = vector.shape_cast %swap3A_573 : vector<1x16xf32> to vector<16xf32>
        %swap3A_575 = vector.shape_cast %mul3A_568 : vector<16xf32> to vector<1x16xf32>
        tpu.vector_store %arg11[%swap3A_571, %swap3A_572], %swap3A_575 {strides = array<i32>} : memref<512x16xf32, #tpu.memory_space<vmem>>, vector<1x16xf32>,
        %add3A_576 = arith.constant 13 : i32
        %add3A_577 = arith.addi %mul3A_357, %add3A_576 : i32
        %get3A_578 = arith.index_cast %add3A_577 : i32 to index
        %get3A_579 = arith.constant 0 : index
        %get3A_580 = tpu.vector_load %arg11[%get3A_578, %get3A_579] {strides = array<i32>} : memref<512x16xf32, #tpu.memory_space<vmem>>, vector<1x16xf32>,
        %get3A_581 = vector.shape_cast %get3A_580 : vector<1x16xf32> to vector<16xf32>
        %slice3A_582 = vector.extract_strided_slice %get3A_355 {offsets = [13], sizes = [1], strides = [1]} : vector<16xf32> to vector<1xf32>
        %squeeze3A_583 = vector.extract %slice3A_582[0] : f32 from vector<1xf32>
        %mul3A_584 = vector.broadcast %squeeze3A_583 : f32 to vector<16xf32>
        %mul3A_585 = arith.mulf %get3A_581, %mul3A_584 : vector<16xf32>
        %add3A_586 = arith.constant 13 : i32
        %add3A_587 = arith.addi %mul3A_357, %add3A_586 : i32
        %swap3A_588 = arith.index_cast %add3A_587 : i32 to index
        %swap3A_589 = arith.constant 0 : index
        %swap3A_590 = tpu.vector_load %arg11[%swap3A_588, %swap3A_589] {strides = array<i32>} : memref<512x16xf32, #tpu.memory_space<vmem>>, vector<1x16xf32>,
        %swap3A_591 = vector.shape_cast %swap3A_590 : vector<1x16xf32> to vector<16xf32>
        %swap3A_592 = vector.shape_cast %mul3A_585 : vector<16xf32> to vector<1x16xf32>
        tpu.vector_store %arg11[%swap3A_588, %swap3A_589], %swap3A_592 {strides = array<i32>} : memref<512x16xf32, #tpu.memory_space<vmem>>, vector<1x16xf32>,
        %add3A_593 = arith.constant 14 : i32
        %add3A_594 = arith.addi %mul3A_357, %add3A_593 : i32
        %get3A_595 = arith.index_cast %add3A_594 : i32 to index
        %get3A_596 = arith.constant 0 : index
        %get3A_597 = tpu.vector_load %arg11[%get3A_595, %get3A_596] {strides = array<i32>} : memref<512x16xf32, #tpu.memory_space<vmem>>, vector<1x16xf32>,
        %get3A_598 = vector.shape_cast %get3A_597 : vector<1x16xf32> to vector<16xf32>
        %slice3A_599 = vector.extract_strided_slice %get3A_355 {offsets = [14], sizes = [1], strides = [1]} : vector<16xf32> to vector<1xf32>
        %squeeze3A_600 = vector.extract %slice3A_599[0] : f32 from vector<1xf32>
        %mul3A_601 = vector.broadcast %squeeze3A_600 : f32 to vector<16xf32>
        %mul3A_602 = arith.mulf %get3A_598, %mul3A_601 : vector<16xf32>
        %add3A_603 = arith.constant 14 : i32
        %add3A_604 = arith.addi %mul3A_357, %add3A_603 : i32
        %swap3A_605 = arith.index_cast %add3A_604 : i32 to index
        %swap3A_606 = arith.constant 0 : index
        %swap3A_607 = tpu.vector_load %arg11[%swap3A_605, %swap3A_606] {strides = array<i32>} : memref<512x16xf32, #tpu.memory_space<vmem>>, vector<1x16xf32>,
        %swap3A_608 = vector.shape_cast %swap3A_607 : vector<1x16xf32> to vector<16xf32>
        %swap3A_609 = vector.shape_cast %mul3A_602 : vector<16xf32> to vector<1x16xf32>
        tpu.vector_store %arg11[%swap3A_605, %swap3A_606], %swap3A_609 {strides = array<i32>} : memref<512x16xf32, #tpu.memory_space<vmem>>, vector<1x16xf32>,
        %add3A_610 = arith.constant 15 : i32
        %add3A_611 = arith.addi %mul3A_357, %add3A_610 : i32
        %get3A_612 = arith.index_cast %add3A_611 : i32 to index
        %get3A_613 = arith.constant 0 : index
        %get3A_614 = tpu.vector_load %arg11[%get3A_612, %get3A_613] {strides = array<i32>} : memref<512x16xf32, #tpu.memory_space<vmem>>, vector<1x16xf32>,
        %get3A_615 = vector.shape_cast %get3A_614 : vector<1x16xf32> to vector<16xf32>
        %slice3A_616 = vector.extract_strided_slice %get3A_355 {offsets = [15], sizes = [1], strides = [1]} : vector<16xf32> to vector<1xf32>
        %squeeze3A_617 = vector.extract %slice3A_616[0] : f32 from vector<1xf32>
        %mul3A_618 = vector.broadcast %squeeze3A_617 : f32 to vector<16xf32>
        %mul3A_619 = arith.mulf %get3A_615, %mul3A_618 : vector<16xf32>
        %add3A_620 = arith.constant 15 : i32
        %add3A_621 = arith.addi %mul3A_357, %add3A_620 : i32
        %swap3A_622 = arith.index_cast %add3A_621 : i32 to index
        %swap3A_623 = arith.constant 0 : index
        %swap3A_624 = tpu.vector_load %arg11[%swap3A_622, %swap3A_623] {strides = array<i32>} : memref<512x16xf32, #tpu.memory_space<vmem>>, vector<1x16xf32>,
        %swap3A_625 = vector.shape_cast %swap3A_624 : vector<1x16xf32> to vector<16xf32>
        %swap3A_626 = vector.shape_cast %mul3A_619 : vector<16xf32> to vector<1x16xf32>
        tpu.vector_store %arg11[%swap3A_622, %swap3A_623], %swap3A_626 {strides = array<i32>} : memref<512x16xf32, #tpu.memory_space<vmem>>, vector<1x16xf32>,
        %scan3A_627 = arith.constant 0 : i32
        scf.yield %scan3A_627 : i32
      }
      %scan3A_168 = arith.constant 32 : i32
      %dma_start3A_169 = arith.constant 1024 : i32
      %dma_start3A_170 = tpu.memref_slice %arg27[%dma_start3A_169] : memref<4096xi32, #tpu.memory_space<vmem>> -> memref<512xi32, #tpu.memory_space<vmem>>
      %dma_start3A_171 = arith.constant 0 : i32
      %dma_start3A_172 = arith.constant 0 : i32
      %dma_start3A_173 = tpu.memref_slice %arg7[%dma_start3A_171, %dma_start3A_172] : memref<16384x16xf32, #tpu.memory_space<vmem_shared>> -> memref<16384x16xf32, #tpu.memory_space<vmem_shared>>
      tpu.enqueue_indirect_dma source(%arg11 : memref<512x16xf32, #tpu.memory_space<vmem>>) target(%dma_start3A_173 : memref<16384x16xf32, #tpu.memory_space<vmem_shared>>) offsets(%dma_start3A_170 : memref<512xi32, #tpu.memory_space<vmem>>) semaphore(%arg30 : memref<!tpu.dma_semaphore, #tpu.memory_space<semaphore_mem>>) {add = true}
      %dma_wait3A_174 = arith.constant 1536 : i32
      %dma_wait3A_175 = tpu.memref_slice %arg8[%dma_wait3A_174] : memref<4096xi32, #tpu.memory_space<vmem>> -> memref<512xi32, #tpu.memory_space<vmem>>
      %dma_wait3A_176 = arith.constant 0 : i32
      %dma_wait3A_177 = arith.constant 0 : i32
      %dma_wait3A_178 = tpu.memref_slice %arg37[%dma_wait3A_176, %dma_wait3A_177] : memref<16384x16xf32, #tpu.memory_space<vmem_shared>> -> memref<16384x16xf32, #tpu.memory_space<vmem_shared>>
      tpu.wait_indirect_dma semaphore(%arg20 : memref<!tpu.dma_semaphore, #tpu.memory_space<semaphore_mem>>) src(%dma_wait3A_178 : memref<16384x16xf32, #tpu.memory_space<vmem_shared>>) dst(%arg12 : memref<512x16xf32, #tpu.memory_space<vmem>>)
      %scan3A_179 = arith.constant 0 : i32
      %scan3A_180 = arith.constant 0 : i32
      %scan3A_181 = arith.constant 32 : i32
      %scan3A_182 = arith.addi %scan3A_180, %scan3A_181 : i32
      %scan3A_183 = arith.constant 1 : i32
      %scan3A_184 = scf.for %scan3A_348 = %scan3A_180 to %scan3A_182 step %scan3A_183 iter_args(%scan3A_349 = %scan3A_179) -> (i32)  : i32 {
        %mul3A_350 = arith.constant 16 : i32
        %mul3A_351 = arith.muli %scan3A_348, %mul3A_350 : i32
        %add3A_352 = arith.constant 1536 : i32
        %add3A_353 = arith.addi %add3A_352, %mul3A_351 : i32
        %get3A = arith.index_cast %add3A_353 : i32 to index
        %get3A_354 = tpu.vector_load %arg36[%get3A] {strides = array<i32>} : memref<4096xf32, #tpu.memory_space<vmem>>, vector<16xf32>,
        %get3A_355 = vector.shape_cast %get3A_354 : vector<16xf32> to vector<16xf32>
        %mul3A_356 = arith.constant 16 : i32
        %mul3A_357 = arith.muli %scan3A_348, %mul3A_356 : i32
        %add3A_358 = arith.constant 0 : i32
        %add3A_359 = arith.addi %mul3A_357, %add3A_358 : i32
        %get3A_360 = arith.index_cast %add3A_359 : i32 to index
        %get3A_361 = arith.constant 0 : index
        %get3A_362 = tpu.vector_load %arg12[%get3A_360, %get3A_361] {strides = array<i32>} : memref<512x16xf32, #tpu.memory_space<vmem>>, vector<1x16xf32>,
        %get3A_363 = vector.shape_cast %get3A_362 : vector<1x16xf32> to vector<16xf32>
        %slice3A = vector.extract_strided_slice %get3A_355 {offsets = [0], sizes = [1], strides = [1]} : vector<16xf32> to vector<1xf32>
        %squeeze3A = vector.extract %slice3A[0] : f32 from vector<1xf32>
        %mul3A_364 = vector.broadcast %squeeze3A : f32 to vector<16xf32>
        %mul3A_365 = arith.mulf %get3A_363, %mul3A_364 : vector<16xf32>
        %add3A_366 = arith.constant 0 : i32
        %add3A_367 = arith.addi %mul3A_357, %add3A_366 : i32
        %swap3A = arith.index_cast %add3A_367 : i32 to index
        %swap3A_368 = arith.constant 0 : index
        %swap3A_369 = tpu.vector_load %arg12[%swap3A, %swap3A_368] {strides = array<i32>} : memref<512x16xf32, #tpu.memory_space<vmem>>, vector<1x16xf32>,
        %swap3A_370 = vector.shape_cast %swap3A_369 : vector<1x16xf32> to vector<16xf32>
        %swap3A_371 = vector.shape_cast %mul3A_365 : vector<16xf32> to vector<1x16xf32>
        tpu.vector_store %arg12[%swap3A, %swap3A_368], %swap3A_371 {strides = array<i32>} : memref<512x16xf32, #tpu.memory_space<vmem>>, vector<1x16xf32>,
        %add3A_372 = arith.constant 1 : i32
        %add3A_373 = arith.addi %mul3A_357, %add3A_372 : i32
        %get3A_374 = arith.index_cast %add3A_373 : i32 to index
        %get3A_375 = arith.constant 0 : index
        %get3A_376 = tpu.vector_load %arg12[%get3A_374, %get3A_375] {strides = array<i32>} : memref<512x16xf32, #tpu.memory_space<vmem>>, vector<1x16xf32>,
        %get3A_377 = vector.shape_cast %get3A_376 : vector<1x16xf32> to vector<16xf32>
        %slice3A_378 = vector.extract_strided_slice %get3A_355 {offsets = [1], sizes = [1], strides = [1]} : vector<16xf32> to vector<1xf32>
        %squeeze3A_379 = vector.extract %slice3A_378[0] : f32 from vector<1xf32>
        %mul3A_380 = vector.broadcast %squeeze3A_379 : f32 to vector<16xf32>
        %mul3A_381 = arith.mulf %get3A_377, %mul3A_380 : vector<16xf32>
        %add3A_382 = arith.constant 1 : i32
        %add3A_383 = arith.addi %mul3A_357, %add3A_382 : i32
        %swap3A_384 = arith.index_cast %add3A_383 : i32 to index
        %swap3A_385 = arith.constant 0 : index
        %swap3A_386 = tpu.vector_load %arg12[%swap3A_384, %swap3A_385] {strides = array<i32>} : memref<512x16xf32, #tpu.memory_space<vmem>>, vector<1x16xf32>,
        %swap3A_387 = vector.shape_cast %swap3A_386 : vector<1x16xf32> to vector<16xf32>
        %swap3A_388 = vector.shape_cast %mul3A_381 : vector<16xf32> to vector<1x16xf32>
        tpu.vector_store %arg12[%swap3A_384, %swap3A_385], %swap3A_388 {strides = array<i32>} : memref<512x16xf32, #tpu.memory_space<vmem>>, vector<1x16xf32>,
        %add3A_389 = arith.constant 2 : i32
        %add3A_390 = arith.addi %mul3A_357, %add3A_389 : i32
        %get3A_391 = arith.index_cast %add3A_390 : i32 to index
        %get3A_392 = arith.constant 0 : index
        %get3A_393 = tpu.vector_load %arg12[%get3A_391, %get3A_392] {strides = array<i32>} : memref<512x16xf32, #tpu.memory_space<vmem>>, vector<1x16xf32>,
        %get3A_394 = vector.shape_cast %get3A_393 : vector<1x16xf32> to vector<16xf32>
        %slice3A_395 = vector.extract_strided_slice %get3A_355 {offsets = [2], sizes = [1], strides = [1]} : vector<16xf32> to vector<1xf32>
        %squeeze3A_396 = vector.extract %slice3A_395[0] : f32 from vector<1xf32>
        %mul3A_397 = vector.broadcast %squeeze3A_396 : f32 to vector<16xf32>
        %mul3A_398 = arith.mulf %get3A_394, %mul3A_397 : vector<16xf32>
        %add3A_399 = arith.constant 2 : i32
        %add3A_400 = arith.addi %mul3A_357, %add3A_399 : i32
        %swap3A_401 = arith.index_cast %add3A_400 : i32 to index
        %swap3A_402 = arith.constant 0 : index
        %swap3A_403 = tpu.vector_load %arg12[%swap3A_401, %swap3A_402] {strides = array<i32>} : memref<512x16xf32, #tpu.memory_space<vmem>>, vector<1x16xf32>,
        %swap3A_404 = vector.shape_cast %swap3A_403 : vector<1x16xf32> to vector<16xf32>
        %swap3A_405 = vector.shape_cast %mul3A_398 : vector<16xf32> to vector<1x16xf32>
        tpu.vector_store %arg12[%swap3A_401, %swap3A_402], %swap3A_405 {strides = array<i32>} : memref<512x16xf32, #tpu.memory_space<vmem>>, vector<1x16xf32>,
        %add3A_406 = arith.constant 3 : i32
        %add3A_407 = arith.addi %mul3A_357, %add3A_406 : i32
        %get3A_408 = arith.index_cast %add3A_407 : i32 to index
        %get3A_409 = arith.constant 0 : index
        %get3A_410 = tpu.vector_load %arg12[%get3A_408, %get3A_409] {strides = array<i32>} : memref<512x16xf32, #tpu.memory_space<vmem>>, vector<1x16xf32>,
        %get3A_411 = vector.shape_cast %get3A_410 : vector<1x16xf32> to vector<16xf32>
        %slice3A_412 = vector.extract_strided_slice %get3A_355 {offsets = [3], sizes = [1], strides = [1]} : vector<16xf32> to vector<1xf32>
        %squeeze3A_413 = vector.extract %slice3A_412[0] : f32 from vector<1xf32>
        %mul3A_414 = vector.broadcast %squeeze3A_413 : f32 to vector<16xf32>
        %mul3A_415 = arith.mulf %get3A_411, %mul3A_414 : vector<16xf32>
        %add3A_416 = arith.constant 3 : i32
        %add3A_417 = arith.addi %mul3A_357, %add3A_416 : i32
        %swap3A_418 = arith.index_cast %add3A_417 : i32 to index
        %swap3A_419 = arith.constant 0 : index
        %swap3A_420 = tpu.vector_load %arg12[%swap3A_418, %swap3A_419] {strides = array<i32>} : memref<512x16xf32, #tpu.memory_space<vmem>>, vector<1x16xf32>,
        %swap3A_421 = vector.shape_cast %swap3A_420 : vector<1x16xf32> to vector<16xf32>
        %swap3A_422 = vector.shape_cast %mul3A_415 : vector<16xf32> to vector<1x16xf32>
        tpu.vector_store %arg12[%swap3A_418, %swap3A_419], %swap3A_422 {strides = array<i32>} : memref<512x16xf32, #tpu.memory_space<vmem>>, vector<1x16xf32>,
        %add3A_423 = arith.constant 4 : i32
        %add3A_424 = arith.addi %mul3A_357, %add3A_423 : i32
        %get3A_425 = arith.index_cast %add3A_424 : i32 to index
        %get3A_426 = arith.constant 0 : index
        %get3A_427 = tpu.vector_load %arg12[%get3A_425, %get3A_426] {strides = array<i32>} : memref<512x16xf32, #tpu.memory_space<vmem>>, vector<1x16xf32>,
        %get3A_428 = vector.shape_cast %get3A_427 : vector<1x16xf32> to vector<16xf32>
        %slice3A_429 = vector.extract_strided_slice %get3A_355 {offsets = [4], sizes = [1], strides = [1]} : vector<16xf32> to vector<1xf32>
        %squeeze3A_430 = vector.extract %slice3A_429[0] : f32 from vector<1xf32>
        %mul3A_431 = vector.broadcast %squeeze3A_430 : f32 to vector<16xf32>
        %mul3A_432 = arith.mulf %get3A_428, %mul3A_431 : vector<16xf32>
        %add3A_433 = arith.constant 4 : i32
        %add3A_434 = arith.addi %mul3A_357, %add3A_433 : i32
        %swap3A_435 = arith.index_cast %add3A_434 : i32 to index
        %swap3A_436 = arith.constant 0 : index
        %swap3A_437 = tpu.vector_load %arg12[%swap3A_435, %swap3A_436] {strides = array<i32>} : memref<512x16xf32, #tpu.memory_space<vmem>>, vector<1x16xf32>,
        %swap3A_438 = vector.shape_cast %swap3A_437 : vector<1x16xf32> to vector<16xf32>
        %swap3A_439 = vector.shape_cast %mul3A_432 : vector<16xf32> to vector<1x16xf32>
        tpu.vector_store %arg12[%swap3A_435, %swap3A_436], %swap3A_439 {strides = array<i32>} : memref<512x16xf32, #tpu.memory_space<vmem>>, vector<1x16xf32>,
        %add3A_440 = arith.constant 5 : i32
        %add3A_441 = arith.addi %mul3A_357, %add3A_440 : i32
        %get3A_442 = arith.index_cast %add3A_441 : i32 to index
        %get3A_443 = arith.constant 0 : index
        %get3A_444 = tpu.vector_load %arg12[%get3A_442, %get3A_443] {strides = array<i32>} : memref<512x16xf32, #tpu.memory_space<vmem>>, vector<1x16xf32>,
        %get3A_445 = vector.shape_cast %get3A_444 : vector<1x16xf32> to vector<16xf32>
        %slice3A_446 = vector.extract_strided_slice %get3A_355 {offsets = [5], sizes = [1], strides = [1]} : vector<16xf32> to vector<1xf32>
        %squeeze3A_447 = vector.extract %slice3A_446[0] : f32 from vector<1xf32>
        %mul3A_448 = vector.broadcast %squeeze3A_447 : f32 to vector<16xf32>
        %mul3A_449 = arith.mulf %get3A_445, %mul3A_448 : vector<16xf32>
        %add3A_450 = arith.constant 5 : i32
        %add3A_451 = arith.addi %mul3A_357, %add3A_450 : i32
        %swap3A_452 = arith.index_cast %add3A_451 : i32 to index
        %swap3A_453 = arith.constant 0 : index
        %swap3A_454 = tpu.vector_load %arg12[%swap3A_452, %swap3A_453] {strides = array<i32>} : memref<512x16xf32, #tpu.memory_space<vmem>>, vector<1x16xf32>,
        %swap3A_455 = vector.shape_cast %swap3A_454 : vector<1x16xf32> to vector<16xf32>
        %swap3A_456 = vector.shape_cast %mul3A_449 : vector<16xf32> to vector<1x16xf32>
        tpu.vector_store %arg12[%swap3A_452, %swap3A_453], %swap3A_456 {strides = array<i32>} : memref<512x16xf32, #tpu.memory_space<vmem>>, vector<1x16xf32>,
        %add3A_457 = arith.constant 6 : i32
        %add3A_458 = arith.addi %mul3A_357, %add3A_457 : i32
        %get3A_459 = arith.index_cast %add3A_458 : i32 to index
        %get3A_460 = arith.constant 0 : index
        %get3A_461 = tpu.vector_load %arg12[%get3A_459, %get3A_460] {strides = array<i32>} : memref<512x16xf32, #tpu.memory_space<vmem>>, vector<1x16xf32>,
        %get3A_462 = vector.shape_cast %get3A_461 : vector<1x16xf32> to vector<16xf32>
        %slice3A_463 = vector.extract_strided_slice %get3A_355 {offsets = [6], sizes = [1], strides = [1]} : vector<16xf32> to vector<1xf32>
        %squeeze3A_464 = vector.extract %slice3A_463[0] : f32 from vector<1xf32>
        %mul3A_465 = vector.broadcast %squeeze3A_464 : f32 to vector<16xf32>
        %mul3A_466 = arith.mulf %get3A_462, %mul3A_465 : vector<16xf32>
        %add3A_467 = arith.constant 6 : i32
        %add3A_468 = arith.addi %mul3A_357, %add3A_467 : i32
        %swap3A_469 = arith.index_cast %add3A_468 : i32 to index
        %swap3A_470 = arith.constant 0 : index
        %swap3A_471 = tpu.vector_load %arg12[%swap3A_469, %swap3A_470] {strides = array<i32>} : memref<512x16xf32, #tpu.memory_space<vmem>>, vector<1x16xf32>,
        %swap3A_472 = vector.shape_cast %swap3A_471 : vector<1x16xf32> to vector<16xf32>
        %swap3A_473 = vector.shape_cast %mul3A_466 : vector<16xf32> to vector<1x16xf32>
        tpu.vector_store %arg12[%swap3A_469, %swap3A_470], %swap3A_473 {strides = array<i32>} : memref<512x16xf32, #tpu.memory_space<vmem>>, vector<1x16xf32>,
        %add3A_474 = arith.constant 7 : i32
        %add3A_475 = arith.addi %mul3A_357, %add3A_474 : i32
        %get3A_476 = arith.index_cast %add3A_475 : i32 to index
        %get3A_477 = arith.constant 0 : index
        %get3A_478 = tpu.vector_load %arg12[%get3A_476, %get3A_477] {strides = array<i32>} : memref<512x16xf32, #tpu.memory_space<vmem>>, vector<1x16xf32>,
        %get3A_479 = vector.shape_cast %get3A_478 : vector<1x16xf32> to vector<16xf32>
        %slice3A_480 = vector.extract_strided_slice %get3A_355 {offsets = [7], sizes = [1], strides = [1]} : vector<16xf32> to vector<1xf32>
        %squeeze3A_481 = vector.extract %slice3A_480[0] : f32 from vector<1xf32>
        %mul3A_482 = vector.broadcast %squeeze3A_481 : f32 to vector<16xf32>
        %mul3A_483 = arith.mulf %get3A_479, %mul3A_482 : vector<16xf32>
        %add3A_484 = arith.constant 7 : i32
        %add3A_485 = arith.addi %mul3A_357, %add3A_484 : i32
        %swap3A_486 = arith.index_cast %add3A_485 : i32 to index
        %swap3A_487 = arith.constant 0 : index
        %swap3A_488 = tpu.vector_load %arg12[%swap3A_486, %swap3A_487] {strides = array<i32>} : memref<512x16xf32, #tpu.memory_space<vmem>>, vector<1x16xf32>,
        %swap3A_489 = vector.shape_cast %swap3A_488 : vector<1x16xf32> to vector<16xf32>
        %swap3A_490 = vector.shape_cast %mul3A_483 : vector<16xf32> to vector<1x16xf32>
        tpu.vector_store %arg12[%swap3A_486, %swap3A_487], %swap3A_490 {strides = array<i32>} : memref<512x16xf32, #tpu.memory_space<vmem>>, vector<1x16xf32>,
        %add3A_491 = arith.constant 8 : i32
        %add3A_492 = arith.addi %mul3A_357, %add3A_491 : i32
        %get3A_493 = arith.index_cast %add3A_492 : i32 to index
        %get3A_494 = arith.constant 0 : index
        %get3A_495 = tpu.vector_load %arg12[%get3A_493, %get3A_494] {strides = array<i32>} : memref<512x16xf32, #tpu.memory_space<vmem>>, vector<1x16xf32>,
        %get3A_496 = vector.shape_cast %get3A_495 : vector<1x16xf32> to vector<16xf32>
        %slice3A_497 = vector.extract_strided_slice %get3A_355 {offsets = [8], sizes = [1], strides = [1]} : vector<16xf32> to vector<1xf32>
        %squeeze3A_498 = vector.extract %slice3A_497[0] : f32 from vector<1xf32>
        %mul3A_499 = vector.broadcast %squeeze3A_498 : f32 to vector<16xf32>
        %mul3A_500 = arith.mulf %get3A_496, %mul3A_499 : vector<16xf32>
        %add3A_501 = arith.constant 8 : i32
        %add3A_502 = arith.addi %mul3A_357, %add3A_501 : i32
        %swap3A_503 = arith.index_cast %add3A_502 : i32 to index
        %swap3A_504 = arith.constant 0 : index
        %swap3A_505 = tpu.vector_load %arg12[%swap3A_503, %swap3A_504] {strides = array<i32>} : memref<512x16xf32, #tpu.memory_space<vmem>>, vector<1x16xf32>,
        %swap3A_506 = vector.shape_cast %swap3A_505 : vector<1x16xf32> to vector<16xf32>
        %swap3A_507 = vector.shape_cast %mul3A_500 : vector<16xf32> to vector<1x16xf32>
        tpu.vector_store %arg12[%swap3A_503, %swap3A_504], %swap3A_507 {strides = array<i32>} : memref<512x16xf32, #tpu.memory_space<vmem>>, vector<1x16xf32>,
        %add3A_508 = arith.constant 9 : i32
        %add3A_509 = arith.addi %mul3A_357, %add3A_508 : i32
        %get3A_510 = arith.index_cast %add3A_509 : i32 to index
        %get3A_511 = arith.constant 0 : index
        %get3A_512 = tpu.vector_load %arg12[%get3A_510, %get3A_511] {strides = array<i32>} : memref<512x16xf32, #tpu.memory_space<vmem>>, vector<1x16xf32>,
        %get3A_513 = vector.shape_cast %get3A_512 : vector<1x16xf32> to vector<16xf32>
        %slice3A_514 = vector.extract_strided_slice %get3A_355 {offsets = [9], sizes = [1], strides = [1]} : vector<16xf32> to vector<1xf32>
        %squeeze3A_515 = vector.extract %slice3A_514[0] : f32 from vector<1xf32>
        %mul3A_516 = vector.broadcast %squeeze3A_515 : f32 to vector<16xf32>
        %mul3A_517 = arith.mulf %get3A_513, %mul3A_516 : vector<16xf32>
        %add3A_518 = arith.constant 9 : i32
        %add3A_519 = arith.addi %mul3A_357, %add3A_518 : i32
        %swap3A_520 = arith.index_cast %add3A_519 : i32 to index
        %swap3A_521 = arith.constant 0 : index
        %swap3A_522 = tpu.vector_load %arg12[%swap3A_520, %swap3A_521] {strides = array<i32>} : memref<512x16xf32, #tpu.memory_space<vmem>>, vector<1x16xf32>,
        %swap3A_523 = vector.shape_cast %swap3A_522 : vector<1x16xf32> to vector<16xf32>
        %swap3A_524 = vector.shape_cast %mul3A_517 : vector<16xf32> to vector<1x16xf32>
        tpu.vector_store %arg12[%swap3A_520, %swap3A_521], %swap3A_524 {strides = array<i32>} : memref<512x16xf32, #tpu.memory_space<vmem>>, vector<1x16xf32>,
        %add3A_525 = arith.constant 10 : i32
        %add3A_526 = arith.addi %mul3A_357, %add3A_525 : i32
        %get3A_527 = arith.index_cast %add3A_526 : i32 to index
        %get3A_528 = arith.constant 0 : index
        %get3A_529 = tpu.vector_load %arg12[%get3A_527, %get3A_528] {strides = array<i32>} : memref<512x16xf32, #tpu.memory_space<vmem>>, vector<1x16xf32>,
        %get3A_530 = vector.shape_cast %get3A_529 : vector<1x16xf32> to vector<16xf32>
        %slice3A_531 = vector.extract_strided_slice %get3A_355 {offsets = [10], sizes = [1], strides = [1]} : vector<16xf32> to vector<1xf32>
        %squeeze3A_532 = vector.extract %slice3A_531[0] : f32 from vector<1xf32>
        %mul3A_533 = vector.broadcast %squeeze3A_532 : f32 to vector<16xf32>
        %mul3A_534 = arith.mulf %get3A_530, %mul3A_533 : vector<16xf32>
        %add3A_535 = arith.constant 10 : i32
        %add3A_536 = arith.addi %mul3A_357, %add3A_535 : i32
        %swap3A_537 = arith.index_cast %add3A_536 : i32 to index
        %swap3A_538 = arith.constant 0 : index
        %swap3A_539 = tpu.vector_load %arg12[%swap3A_537, %swap3A_538] {strides = array<i32>} : memref<512x16xf32, #tpu.memory_space<vmem>>, vector<1x16xf32>,
        %swap3A_540 = vector.shape_cast %swap3A_539 : vector<1x16xf32> to vector<16xf32>
        %swap3A_541 = vector.shape_cast %mul3A_534 : vector<16xf32> to vector<1x16xf32>
        tpu.vector_store %arg12[%swap3A_537, %swap3A_538], %swap3A_541 {strides = array<i32>} : memref<512x16xf32, #tpu.memory_space<vmem>>, vector<1x16xf32>,
        %add3A_542 = arith.constant 11 : i32
        %add3A_543 = arith.addi %mul3A_357, %add3A_542 : i32
        %get3A_544 = arith.index_cast %add3A_543 : i32 to index
        %get3A_545 = arith.constant 0 : index
        %get3A_546 = tpu.vector_load %arg12[%get3A_544, %get3A_545] {strides = array<i32>} : memref<512x16xf32, #tpu.memory_space<vmem>>, vector<1x16xf32>,
        %get3A_547 = vector.shape_cast %get3A_546 : vector<1x16xf32> to vector<16xf32>
        %slice3A_548 = vector.extract_strided_slice %get3A_355 {offsets = [11], sizes = [1], strides = [1]} : vector<16xf32> to vector<1xf32>
        %squeeze3A_549 = vector.extract %slice3A_548[0] : f32 from vector<1xf32>
        %mul3A_550 = vector.broadcast %squeeze3A_549 : f32 to vector<16xf32>
        %mul3A_551 = arith.mulf %get3A_547, %mul3A_550 : vector<16xf32>
        %add3A_552 = arith.constant 11 : i32
        %add3A_553 = arith.addi %mul3A_357, %add3A_552 : i32
        %swap3A_554 = arith.index_cast %add3A_553 : i32 to index
        %swap3A_555 = arith.constant 0 : index
        %swap3A_556 = tpu.vector_load %arg12[%swap3A_554, %swap3A_555] {strides = array<i32>} : memref<512x16xf32, #tpu.memory_space<vmem>>, vector<1x16xf32>,
        %swap3A_557 = vector.shape_cast %swap3A_556 : vector<1x16xf32> to vector<16xf32>
        %swap3A_558 = vector.shape_cast %mul3A_551 : vector<16xf32> to vector<1x16xf32>
        tpu.vector_store %arg12[%swap3A_554, %swap3A_555], %swap3A_558 {strides = array<i32>} : memref<512x16xf32, #tpu.memory_space<vmem>>, vector<1x16xf32>,
        %add3A_559 = arith.constant 12 : i32
        %add3A_560 = arith.addi %mul3A_357, %add3A_559 : i32
        %get3A_561 = arith.index_cast %add3A_560 : i32 to index
        %get3A_562 = arith.constant 0 : index
        %get3A_563 = tpu.vector_load %arg12[%get3A_561, %get3A_562] {strides = array<i32>} : memref<512x16xf32, #tpu.memory_space<vmem>>, vector<1x16xf32>,
        %get3A_564 = vector.shape_cast %get3A_563 : vector<1x16xf32> to vector<16xf32>
        %slice3A_565 = vector.extract_strided_slice %get3A_355 {offsets = [12], sizes = [1], strides = [1]} : vector<16xf32> to vector<1xf32>
        %squeeze3A_566 = vector.extract %slice3A_565[0] : f32 from vector<1xf32>
        %mul3A_567 = vector.broadcast %squeeze3A_566 : f32 to vector<16xf32>
        %mul3A_568 = arith.mulf %get3A_564, %mul3A_567 : vector<16xf32>
        %add3A_569 = arith.constant 12 : i32
        %add3A_570 = arith.addi %mul3A_357, %add3A_569 : i32
        %swap3A_571 = arith.index_cast %add3A_570 : i32 to index
        %swap3A_572 = arith.constant 0 : index
        %swap3A_573 = tpu.vector_load %arg12[%swap3A_571, %swap3A_572] {strides = array<i32>} : memref<512x16xf32, #tpu.memory_space<vmem>>, vector<1x16xf32>,
        %swap3A_574 = vector.shape_cast %swap3A_573 : vector<1x16xf32> to vector<16xf32>
        %swap3A_575 = vector.shape_cast %mul3A_568 : vector<16xf32> to vector<1x16xf32>
        tpu.vector_store %arg12[%swap3A_571, %swap3A_572], %swap3A_575 {strides = array<i32>} : memref<512x16xf32, #tpu.memory_space<vmem>>, vector<1x16xf32>,
        %add3A_576 = arith.constant 13 : i32
        %add3A_577 = arith.addi %mul3A_357, %add3A_576 : i32
        %get3A_578 = arith.index_cast %add3A_577 : i32 to index
        %get3A_579 = arith.constant 0 : index
        %get3A_580 = tpu.vector_load %arg12[%get3A_578, %get3A_579] {strides = array<i32>} : memref<512x16xf32, #tpu.memory_space<vmem>>, vector<1x16xf32>,
        %get3A_581 = vector.shape_cast %get3A_580 : vector<1x16xf32> to vector<16xf32>
        %slice3A_582 = vector.extract_strided_slice %get3A_355 {offsets = [13], sizes = [1], strides = [1]} : vector<16xf32> to vector<1xf32>
        %squeeze3A_583 = vector.extract %slice3A_582[0] : f32 from vector<1xf32>
        %mul3A_584 = vector.broadcast %squeeze3A_583 : f32 to vector<16xf32>
        %mul3A_585 = arith.mulf %get3A_581, %mul3A_584 : vector<16xf32>
        %add3A_586 = arith.constant 13 : i32
        %add3A_587 = arith.addi %mul3A_357, %add3A_586 : i32
        %swap3A_588 = arith.index_cast %add3A_587 : i32 to index
        %swap3A_589 = arith.constant 0 : index
        %swap3A_590 = tpu.vector_load %arg12[%swap3A_588, %swap3A_589] {strides = array<i32>} : memref<512x16xf32, #tpu.memory_space<vmem>>, vector<1x16xf32>,
        %swap3A_591 = vector.shape_cast %swap3A_590 : vector<1x16xf32> to vector<16xf32>
        %swap3A_592 = vector.shape_cast %mul3A_585 : vector<16xf32> to vector<1x16xf32>
        tpu.vector_store %arg12[%swap3A_588, %swap3A_589], %swap3A_592 {strides = array<i32>} : memref<512x16xf32, #tpu.memory_space<vmem>>, vector<1x16xf32>,
        %add3A_593 = arith.constant 14 : i32
        %add3A_594 = arith.addi %mul3A_357, %add3A_593 : i32
        %get3A_595 = arith.index_cast %add3A_594 : i32 to index
        %get3A_596 = arith.constant 0 : index
        %get3A_597 = tpu.vector_load %arg12[%get3A_595, %get3A_596] {strides = array<i32>} : memref<512x16xf32, #tpu.memory_space<vmem>>, vector<1x16xf32>,
        %get3A_598 = vector.shape_cast %get3A_597 : vector<1x16xf32> to vector<16xf32>
        %slice3A_599 = vector.extract_strided_slice %get3A_355 {offsets = [14], sizes = [1], strides = [1]} : vector<16xf32> to vector<1xf32>
        %squeeze3A_600 = vector.extract %slice3A_599[0] : f32 from vector<1xf32>
        %mul3A_601 = vector.broadcast %squeeze3A_600 : f32 to vector<16xf32>
        %mul3A_602 = arith.mulf %get3A_598, %mul3A_601 : vector<16xf32>
        %add3A_603 = arith.constant 14 : i32
        %add3A_604 = arith.addi %mul3A_357, %add3A_603 : i32
        %swap3A_605 = arith.index_cast %add3A_604 : i32 to index
        %swap3A_606 = arith.constant 0 : index
        %swap3A_607 = tpu.vector_load %arg12[%swap3A_605, %swap3A_606] {strides = array<i32>} : memref<512x16xf32, #tpu.memory_space<vmem>>, vector<1x16xf32>,
        %swap3A_608 = vector.shape_cast %swap3A_607 : vector<1x16xf32> to vector<16xf32>
        %swap3A_609 = vector.shape_cast %mul3A_602 : vector<16xf32> to vector<1x16xf32>
        tpu.vector_store %arg12[%swap3A_605, %swap3A_606], %swap3A_609 {strides = array<i32>} : memref<512x16xf32, #tpu.memory_space<vmem>>, vector<1x16xf32>,
        %add3A_610 = arith.constant 15 : i32
        %add3A_611 = arith.addi %mul3A_357, %add3A_610 : i32
        %get3A_612 = arith.index_cast %add3A_611 : i32 to index
        %get3A_613 = arith.constant 0 : index
        %get3A_614 = tpu.vector_load %arg12[%get3A_612, %get3A_613] {strides = array<i32>} : memref<512x16xf32, #tpu.memory_space<vmem>>, vector<1x16xf32>,
        %get3A_615 = vector.shape_cast %get3A_614 : vector<1x16xf32> to vector<16xf32>
        %slice3A_616 = vector.extract_strided_slice %get3A_355 {offsets = [15], sizes = [1], strides = [1]} : vector<16xf32> to vector<1xf32>
        %squeeze3A_617 = vector.extract %slice3A_616[0] : f32 from vector<1xf32>
        %mul3A_618 = vector.broadcast %squeeze3A_617 : f32 to vector<16xf32>
        %mul3A_619 = arith.mulf %get3A_615, %mul3A_618 : vector<16xf32>
        %add3A_620 = arith.constant 15 : i32
        %add3A_621 = arith.addi %mul3A_357, %add3A_620 : i32
        %swap3A_622 = arith.index_cast %add3A_621 : i32 to index
        %swap3A_623 = arith.constant 0 : index
        %swap3A_624 = tpu.vector_load %arg12[%swap3A_622, %swap3A_623] {strides = array<i32>} : memref<512x16xf32, #tpu.memory_space<vmem>>, vector<1x16xf32>,
        %swap3A_625 = vector.shape_cast %swap3A_624 : vector<1x16xf32> to vector<16xf32>
        %swap3A_626 = vector.shape_cast %mul3A_619 : vector<16xf32> to vector<1x16xf32>
        tpu.vector_store %arg12[%swap3A_622, %swap3A_623], %swap3A_626 {strides = array<i32>} : memref<512x16xf32, #tpu.memory_space<vmem>>, vector<1x16xf32>,
        %scan3A_627 = arith.constant 0 : i32
        scf.yield %scan3A_627 : i32
      }
      %scan3A_185 = arith.constant 32 : i32
      %dma_start3A_186 = arith.constant 1536 : i32
      %dma_start3A_187 = tpu.memref_slice %arg27[%dma_start3A_186] : memref<4096xi32, #tpu.memory_space<vmem>> -> memref<512xi32, #tpu.memory_space<vmem>>
      %dma_start3A_188 = arith.constant 0 : i32
      %dma_start3A_189 = arith.constant 0 : i32
      %dma_start3A_190 = tpu.memref_slice %arg7[%dma_start3A_188, %dma_start3A_189] : memref<16384x16xf32, #tpu.memory_space<vmem_shared>> -> memref<16384x16xf32, #tpu.memory_space<vmem_shared>>
      tpu.enqueue_indirect_dma source(%arg12 : memref<512x16xf32, #tpu.memory_space<vmem>>) target(%dma_start3A_190 : memref<16384x16xf32, #tpu.memory_space<vmem_shared>>) offsets(%dma_start3A_187 : memref<512xi32, #tpu.memory_space<vmem>>) semaphore(%arg31 : memref<!tpu.dma_semaphore, #tpu.memory_space<semaphore_mem>>) {add = true}
      %dma_wait3A_191 = arith.constant 0 : i32
      %dma_wait3A_192 = tpu.memref_slice %arg27[%dma_wait3A_191] : memref<4096xi32, #tpu.memory_space<vmem>> -> memref<512xi32, #tpu.memory_space<vmem>>
      %dma_wait3A_193 = arith.constant 0 : i32
      %dma_wait3A_194 = arith.constant 0 : i32
      %dma_wait3A_195 = tpu.memref_slice %arg7[%dma_wait3A_193, %dma_wait3A_194] : memref<16384x16xf32, #tpu.memory_space<vmem_shared>> -> memref<16384x16xf32, #tpu.memory_space<vmem_shared>>
      tpu.wait_indirect_dma semaphore(%arg28 : memref<!tpu.dma_semaphore, #tpu.memory_space<semaphore_mem>>) src(%arg9 : memref<512x16xf32, #tpu.memory_space<vmem>>) dst(%dma_wait3A_195 : memref<16384x16xf32, #tpu.memory_space<vmem_shared>>)
      %dma_wait3A_196 = arith.constant 512 : i32
      %dma_wait3A_197 = tpu.memref_slice %arg27[%dma_wait3A_196] : memref<4096xi32, #tpu.memory_space<vmem>> -> memref<512xi32, #tpu.memory_space<vmem>>
      %dma_wait3A_198 = arith.constant 0 : i32
      %dma_wait3A_199 = arith.constant 0 : i32
      %dma_wait3A_200 = tpu.memref_slice %arg7[%dma_wait3A_198, %dma_wait3A_199] : memref<16384x16xf32, #tpu.memory_space<vmem_shared>> -> memref<16384x16xf32, #tpu.memory_space<vmem_shared>>
      tpu.wait_indirect_dma semaphore(%arg29 : memref<!tpu.dma_semaphore, #tpu.memory_space<semaphore_mem>>) src(%arg10 : memref<512x16xf32, #tpu.memory_space<vmem>>) dst(%dma_wait3A_200 : memref<16384x16xf32, #tpu.memory_space<vmem_shared>>)
      %dma_wait3A_201 = arith.constant 1024 : i32
      %dma_wait3A_202 = tpu.memref_slice %arg27[%dma_wait3A_201] : memref<4096xi32, #tpu.memory_space<vmem>> -> memref<512xi32, #tpu.memory_space<vmem>>
      %dma_wait3A_203 = arith.constant 0 : i32
      %dma_wait3A_204 = arith.constant 0 : i32
      %dma_wait3A_205 = tpu.memref_slice %arg7[%dma_wait3A_203, %dma_wait3A_204] : memref<16384x16xf32, #tpu.memory_space<vmem_shared>> -> memref<16384x16xf32, #tpu.memory_space<vmem_shared>>
      tpu.wait_indirect_dma semaphore(%arg30 : memref<!tpu.dma_semaphore, #tpu.memory_space<semaphore_mem>>) src(%arg11 : memref<512x16xf32, #tpu.memory_space<vmem>>) dst(%dma_wait3A_205 : memref<16384x16xf32, #tpu.memory_space<vmem_shared>>)
      %dma_wait3A_206 = arith.constant 1536 : i32
      %dma_wait3A_207 = tpu.memref_slice %arg27[%dma_wait3A_206] : memref<4096xi32, #tpu.memory_space<vmem>> -> memref<512xi32, #tpu.memory_space<vmem>>
      %dma_wait3A_208 = arith.constant 0 : i32
      %dma_wait3A_209 = arith.constant 0 : i32
      %dma_wait3A_210 = tpu.memref_slice %arg7[%dma_wait3A_208, %dma_wait3A_209] : memref<16384x16xf32, #tpu.memory_space<vmem_shared>> -> memref<16384x16xf32, #tpu.memory_space<vmem_shared>>
      tpu.wait_indirect_dma semaphore(%arg31 : memref<!tpu.dma_semaphore, #tpu.memory_space<semaphore_mem>>) src(%arg12 : memref<512x16xf32, #tpu.memory_space<vmem>>) dst(%dma_wait3A_210 : memref<16384x16xf32, #tpu.memory_space<vmem_shared>>)
      %dma_wait3A_211 = arith.constant 2048 : i32
      %dma_wait3A_212 = tpu.memref_slice %arg27[%dma_wait3A_211] : memref<4096xi32, #tpu.memory_space<vmem>> -> memref<2048xi32, #tpu.memory_space<vmem>>
      %dma_wait3A_213 = arith.constant 0 : i32
      %dma_wait3A_214 = tpu.memref_slice %arg3[%dma_wait3A_213] : memref<2752512xi32, #tpu.memory_space<hbm>> -> memref<2048xi32, #tpu.memory_space<hbm>>
      %dma_wait3A_215 = arith.constant 2048 : i32
      %dma_wait3A_216 = tpu.memref_slice %arg27[%dma_wait3A_215] : memref<4096xi32, #tpu.memory_space<vmem>> -> memref<2048xi32, #tpu.memory_space<vmem>>
      %dma_wait3A_217 = arith.constant 0 : i32
      %dma_wait3A_218 = tpu.memref_slice %arg3[%dma_wait3A_217] : memref<2752512xi32, #tpu.memory_space<hbm>> -> memref<2048xi32, #tpu.memory_space<hbm>>
      tpu.wait_dma2 semaphore(%arg26 : memref<!tpu.dma_semaphore, #tpu.memory_space<semaphore_mem>>) src(%dma_wait3A_218 : memref<2048xi32, #tpu.memory_space<hbm>>) dst(%dma_wait3A_216 : memref<2048xi32, #tpu.memory_space<vmem>>)
      %dma_wait3A_219 = arith.constant 2048 : i32
      %dma_wait3A_220 = tpu.memref_slice %arg8[%dma_wait3A_219] : memref<4096xi32, #tpu.memory_space<vmem>> -> memref<2048xi32, #tpu.memory_space<vmem>>
      %dma_wait3A_221 = arith.constant 0 : i32
      %dma_wait3A_222 = tpu.memref_slice %arg4[%dma_wait3A_221] : memref<2752512xi32, #tpu.memory_space<hbm>> -> memref<2048xi32, #tpu.memory_space<hbm>>
      %dma_wait3A_223 = arith.constant 2048 : i32
      %dma_wait3A_224 = tpu.memref_slice %arg8[%dma_wait3A_223] : memref<4096xi32, #tpu.memory_space<vmem>> -> memref<2048xi32, #tpu.memory_space<vmem>>
      %dma_wait3A_225 = arith.constant 0 : i32
      %dma_wait3A_226 = tpu.memref_slice %arg4[%dma_wait3A_225] : memref<2752512xi32, #tpu.memory_space<hbm>> -> memref<2048xi32, #tpu.memory_space<hbm>>
      tpu.wait_dma2 semaphore(%arg26 : memref<!tpu.dma_semaphore, #tpu.memory_space<semaphore_mem>>) src(%dma_wait3A_226 : memref<2048xi32, #tpu.memory_space<hbm>>) dst(%dma_wait3A_224 : memref<2048xi32, #tpu.memory_space<vmem>>)
      %dma_wait3A_227 = arith.constant 2048 : i32
      %dma_wait3A_228 = tpu.memref_slice %arg36[%dma_wait3A_227] : memref<4096xf32, #tpu.memory_space<vmem>> -> memref<2048xf32, #tpu.memory_space<vmem>>
      %dma_wait3A_229 = arith.constant 0 : i32
      %dma_wait3A_230 = tpu.memref_slice %arg5[%dma_wait3A_229] : memref<2752512xf32, #tpu.memory_space<hbm>> -> memref<2048xf32, #tpu.memory_space<hbm>>
      %dma_wait3A_231 = arith.constant 2048 : i32
      %dma_wait3A_232 = tpu.memref_slice %arg36[%dma_wait3A_231] : memref<4096xf32, #tpu.memory_space<vmem>> -> memref<2048xf32, #tpu.memory_space<vmem>>
      %dma_wait3A_233 = arith.constant 0 : i32
      %dma_wait3A_234 = tpu.memref_slice %arg5[%dma_wait3A_233] : memref<2752512xf32, #tpu.memory_space<hbm>> -> memref<2048xf32, #tpu.memory_space<hbm>>
      tpu.wait_dma2 semaphore(%arg26 : memref<!tpu.dma_semaphore, #tpu.memory_space<semaphore_mem>>) src(%dma_wait3A_234 : memref<2048xf32, #tpu.memory_space<hbm>>) dst(%dma_wait3A_232 : memref<2048xf32, #tpu.memory_space<vmem>>)
      %add3A_235 = arith.constant 1 : i32
      %add3A_236 = arith.addi %scan3A_51, %add3A_235 : i32
      %lt3A = arith.constant 21 : i32
      %lt3A_237 = arith.cmpi slt, %add3A_236, %lt3A : i32
      %convert_element_type3A = arith.extui %lt3A_237 : i1 to i32
      %cond3A = arith.constant 0 : i32
      %cond3A_238 = arith.cmpi ne, %convert_element_type3A, %cond3A : i32
      scf.if %cond3A_238 {
        %add3A_348 = arith.constant 2 : i32
        %add3A_349 = arith.addi %mul3A_54, %add3A_348 : i32
        %mul3A_350 = arith.constant 4 : i32
        %mul3A_351 = arith.muli %add3A_349, %mul3A_350 : i32
        %add3A_352 = arith.addi %mul3A_19, %mul3A_351 : i32
        %mul3A_353 = arith.constant 512 : i32
        %mul3A_354 = arith.muli %add3A_352, %mul3A_353 : i32
        %dma_start3A_355 = arith.constant 0 : i32
        %dma_start3A_356 = tpu.memref_slice %arg27[%dma_start3A_355] : memref<4096xi32, #tpu.memory_space<vmem>> -> memref<2048xi32, #tpu.memory_space<vmem>>
        %dma_start3A_357 = tpu.memref_slice %arg3[%mul3A_354] : memref<2752512xi32, #tpu.memory_space<hbm>> -> memref<2048xi32, #tpu.memory_space<hbm>>
        %dma_start3A_358 = arith.constant 0 : i32
        %dma_start3A_359 = tpu.memref_slice %arg27[%dma_start3A_358] : memref<4096xi32, #tpu.memory_space<vmem>> -> memref<2048xi32, #tpu.memory_space<vmem>>
        %dma_start3A_360 = tpu.memref_slice %arg3[%mul3A_354] : memref<2752512xi32, #tpu.memory_space<hbm>> -> memref<2048xi32, #tpu.memory_space<hbm>>
        tpu.enqueue_dma source(%dma_start3A_360 : memref<2048xi32, #tpu.memory_space<hbm>>) target(%dma_start3A_359 : memref<2048xi32, #tpu.memory_space<vmem>>) target_semaphore(%arg25 : memref<!tpu.dma_semaphore, #tpu.memory_space<semaphore_mem>>)
        %dma_start3A_361 = arith.constant 0 : i32
        %dma_start3A_362 = tpu.memref_slice %arg8[%dma_start3A_361] : memref<4096xi32, #tpu.memory_space<vmem>> -> memref<2048xi32, #tpu.memory_space<vmem>>
        %dma_start3A_363 = tpu.memref_slice %arg4[%mul3A_354] : memref<2752512xi32, #tpu.memory_space<hbm>> -> memref<2048xi32, #tpu.memory_space<hbm>>
        %dma_start3A_364 = arith.constant 0 : i32
        %dma_start3A_365 = tpu.memref_slice %arg8[%dma_start3A_364] : memref<4096xi32, #tpu.memory_space<vmem>> -> memref<2048xi32, #tpu.memory_space<vmem>>
        %dma_start3A_366 = tpu.memref_slice %arg4[%mul3A_354] : memref<2752512xi32, #tpu.memory_space<hbm>> -> memref<2048xi32, #tpu.memory_space<hbm>>
        tpu.enqueue_dma source(%dma_start3A_366 : memref<2048xi32, #tpu.memory_space<hbm>>) target(%dma_start3A_365 : memref<2048xi32, #tpu.memory_space<vmem>>) target_semaphore(%arg25 : memref<!tpu.dma_semaphore, #tpu.memory_space<semaphore_mem>>)
        %dma_start3A_367 = arith.constant 0 : i32
        %dma_start3A_368 = tpu.memref_slice %arg36[%dma_start3A_367] : memref<4096xf32, #tpu.memory_space<vmem>> -> memref<2048xf32, #tpu.memory_space<vmem>>
        %dma_start3A_369 = tpu.memref_slice %arg5[%mul3A_354] : memref<2752512xf32, #tpu.memory_space<hbm>> -> memref<2048xf32, #tpu.memory_space<hbm>>
        %dma_start3A_370 = arith.constant 0 : i32
        %dma_start3A_371 = tpu.memref_slice %arg36[%dma_start3A_370] : memref<4096xf32, #tpu.memory_space<vmem>> -> memref<2048xf32, #tpu.memory_space<vmem>>
        %dma_start3A_372 = tpu.memref_slice %arg5[%mul3A_354] : memref<2752512xf32, #tpu.memory_space<hbm>> -> memref<2048xf32, #tpu.memory_space<hbm>>
        tpu.enqueue_dma source(%dma_start3A_372 : memref<2048xf32, #tpu.memory_space<hbm>>) target(%dma_start3A_371 : memref<2048xf32, #tpu.memory_space<vmem>>) target_semaphore(%arg25 : memref<!tpu.dma_semaphore, #tpu.memory_space<semaphore_mem>>)
      } else {
      }
      %dma_start3A_239 = arith.constant 2048 : i32
      %dma_start3A_240 = tpu.memref_slice %arg8[%dma_start3A_239] : memref<4096xi32, #tpu.memory_space<vmem>> -> memref<512xi32, #tpu.memory_space<vmem>>
      %dma_start3A_241 = arith.constant 0 : i32
      %dma_start3A_242 = arith.constant 0 : i32
      %dma_start3A_243 = tpu.memref_slice %arg37[%dma_start3A_241, %dma_start3A_242] : memref<16384x16xf32, #tpu.memory_space<vmem_shared>> -> memref<16384x16xf32, #tpu.memory_space<vmem_shared>>
      tpu.enqueue_indirect_dma source(%dma_start3A_243 : memref<16384x16xf32, #tpu.memory_space<vmem_shared>>) target(%arg9 : memref<512x16xf32, #tpu.memory_space<vmem>>) offsets(%dma_start3A_240 : memref<512xi32, #tpu.memory_space<vmem>>) semaphore(%arg17 : memref<!tpu.dma_semaphore, #tpu.memory_space<semaphore_mem>>)
      %dma_start3A_244 = arith.constant 2560 : i32
      %dma_start3A_245 = tpu.memref_slice %arg8[%dma_start3A_244] : memref<4096xi32, #tpu.memory_space<vmem>> -> memref<512xi32, #tpu.memory_space<vmem>>
      %dma_start3A_246 = arith.constant 0 : i32
      %dma_start3A_247 = arith.constant 0 : i32
      %dma_start3A_248 = tpu.memref_slice %arg37[%dma_start3A_246, %dma_start3A_247] : memref<16384x16xf32, #tpu.memory_space<vmem_shared>> -> memref<16384x16xf32, #tpu.memory_space<vmem_shared>>
      tpu.enqueue_indirect_dma source(%dma_start3A_248 : memref<16384x16xf32, #tpu.memory_space<vmem_shared>>) target(%arg10 : memref<512x16xf32, #tpu.memory_space<vmem>>) offsets(%dma_start3A_245 : memref<512xi32, #tpu.memory_space<vmem>>) semaphore(%arg18 : memref<!tpu.dma_semaphore, #tpu.memory_space<semaphore_mem>>)
      %dma_start3A_249 = arith.constant 3072 : i32
      %dma_start3A_250 = tpu.memref_slice %arg8[%dma_start3A_249] : memref<4096xi32, #tpu.memory_space<vmem>> -> memref<512xi32, #tpu.memory_space<vmem>>
      %dma_start3A_251 = arith.constant 0 : i32
      %dma_start3A_252 = arith.constant 0 : i32
      %dma_start3A_253 = tpu.memref_slice %arg37[%dma_start3A_251, %dma_start3A_252] : memref<16384x16xf32, #tpu.memory_space<vmem_shared>> -> memref<16384x16xf32, #tpu.memory_space<vmem_shared>>
      tpu.enqueue_indirect_dma source(%dma_start3A_253 : memref<16384x16xf32, #tpu.memory_space<vmem_shared>>) target(%arg11 : memref<512x16xf32, #tpu.memory_space<vmem>>) offsets(%dma_start3A_250 : memref<512xi32, #tpu.memory_space<vmem>>) semaphore(%arg19 : memref<!tpu.dma_semaphore, #tpu.memory_space<semaphore_mem>>)
      %dma_start3A_254 = arith.constant 3584 : i32
      %dma_start3A_255 = tpu.memref_slice %arg8[%dma_start3A_254] : memref<4096xi32, #tpu.memory_space<vmem>> -> memref<512xi32, #tpu.memory_space<vmem>>
      %dma_start3A_256 = arith.constant 0 : i32
      %dma_start3A_257 = arith.constant 0 : i32
      %dma_start3A_258 = tpu.memref_slice %arg37[%dma_start3A_256, %dma_start3A_257] : memref<16384x16xf32, #tpu.memory_space<vmem_shared>> -> memref<16384x16xf32, #tpu.memory_space<vmem_shared>>
      tpu.enqueue_indirect_dma source(%dma_start3A_258 : memref<16384x16xf32, #tpu.memory_space<vmem_shared>>) target(%arg12 : memref<512x16xf32, #tpu.memory_space<vmem>>) offsets(%dma_start3A_255 : memref<512xi32, #tpu.memory_space<vmem>>) semaphore(%arg20 : memref<!tpu.dma_semaphore, #tpu.memory_space<semaphore_mem>>)
      %dma_wait3A_259 = arith.constant 2048 : i32
      %dma_wait3A_260 = tpu.memref_slice %arg8[%dma_wait3A_259] : memref<4096xi32, #tpu.memory_space<vmem>> -> memref<512xi32, #tpu.memory_space<vmem>>
      %dma_wait3A_261 = arith.constant 0 : i32
      %dma_wait3A_262 = arith.constant 0 : i32
      %dma_wait3A_263 = tpu.memref_slice %arg37[%dma_wait3A_261, %dma_wait3A_262] : memref<16384x16xf32, #tpu.memory_space<vmem_shared>> -> memref<16384x16xf32, #tpu.memory_space<vmem_shared>>
      tpu.wait_indirect_dma semaphore(%arg17 : memref<!tpu.dma_semaphore, #tpu.memory_space<semaphore_mem>>) src(%dma_wait3A_263 : memref<16384x16xf32, #tpu.memory_space<vmem_shared>>) dst(%arg9 : memref<512x16xf32, #tpu.memory_space<vmem>>)
      %scan3A_264 = arith.constant 0 : i32
      %scan3A_265 = arith.constant 0 : i32
      %scan3A_266 = arith.constant 32 : i32
      %scan3A_267 = arith.addi %scan3A_265, %scan3A_266 : i32
      %scan3A_268 = arith.constant 1 : i32
      %scan3A_269 = scf.for %scan3A_348 = %scan3A_265 to %scan3A_267 step %scan3A_268 iter_args(%scan3A_349 = %scan3A_264) -> (i32)  : i32 {
        %mul3A_350 = arith.constant 16 : i32
        %mul3A_351 = arith.muli %scan3A_348, %mul3A_350 : i32
        %add3A_352 = arith.constant 2048 : i32
        %add3A_353 = arith.addi %add3A_352, %mul3A_351 : i32
        %get3A = arith.index_cast %add3A_353 : i32 to index
        %get3A_354 = tpu.vector_load %arg36[%get3A] {strides = array<i32>} : memref<4096xf32, #tpu.memory_space<vmem>>, vector<16xf32>,
        %get3A_355 = vector.shape_cast %get3A_354 : vector<16xf32> to vector<16xf32>
        %mul3A_356 = arith.constant 16 : i32
        %mul3A_357 = arith.muli %scan3A_348, %mul3A_356 : i32
        %add3A_358 = arith.constant 0 : i32
        %add3A_359 = arith.addi %mul3A_357, %add3A_358 : i32
        %get3A_360 = arith.index_cast %add3A_359 : i32 to index
        %get3A_361 = arith.constant 0 : index
        %get3A_362 = tpu.vector_load %arg9[%get3A_360, %get3A_361] {strides = array<i32>} : memref<512x16xf32, #tpu.memory_space<vmem>>, vector<1x16xf32>,
        %get3A_363 = vector.shape_cast %get3A_362 : vector<1x16xf32> to vector<16xf32>
        %slice3A = vector.extract_strided_slice %get3A_355 {offsets = [0], sizes = [1], strides = [1]} : vector<16xf32> to vector<1xf32>
        %squeeze3A = vector.extract %slice3A[0] : f32 from vector<1xf32>
        %mul3A_364 = vector.broadcast %squeeze3A : f32 to vector<16xf32>
        %mul3A_365 = arith.mulf %get3A_363, %mul3A_364 : vector<16xf32>
        %add3A_366 = arith.constant 0 : i32
        %add3A_367 = arith.addi %mul3A_357, %add3A_366 : i32
        %swap3A = arith.index_cast %add3A_367 : i32 to index
        %swap3A_368 = arith.constant 0 : index
        %swap3A_369 = tpu.vector_load %arg9[%swap3A, %swap3A_368] {strides = array<i32>} : memref<512x16xf32, #tpu.memory_space<vmem>>, vector<1x16xf32>,
        %swap3A_370 = vector.shape_cast %swap3A_369 : vector<1x16xf32> to vector<16xf32>
        %swap3A_371 = vector.shape_cast %mul3A_365 : vector<16xf32> to vector<1x16xf32>
        tpu.vector_store %arg9[%swap3A, %swap3A_368], %swap3A_371 {strides = array<i32>} : memref<512x16xf32, #tpu.memory_space<vmem>>, vector<1x16xf32>,
        %add3A_372 = arith.constant 1 : i32
        %add3A_373 = arith.addi %mul3A_357, %add3A_372 : i32
        %get3A_374 = arith.index_cast %add3A_373 : i32 to index
        %get3A_375 = arith.constant 0 : index
        %get3A_376 = tpu.vector_load %arg9[%get3A_374, %get3A_375] {strides = array<i32>} : memref<512x16xf32, #tpu.memory_space<vmem>>, vector<1x16xf32>,
        %get3A_377 = vector.shape_cast %get3A_376 : vector<1x16xf32> to vector<16xf32>
        %slice3A_378 = vector.extract_strided_slice %get3A_355 {offsets = [1], sizes = [1], strides = [1]} : vector<16xf32> to vector<1xf32>
        %squeeze3A_379 = vector.extract %slice3A_378[0] : f32 from vector<1xf32>
        %mul3A_380 = vector.broadcast %squeeze3A_379 : f32 to vector<16xf32>
        %mul3A_381 = arith.mulf %get3A_377, %mul3A_380 : vector<16xf32>
        %add3A_382 = arith.constant 1 : i32
        %add3A_383 = arith.addi %mul3A_357, %add3A_382 : i32
        %swap3A_384 = arith.index_cast %add3A_383 : i32 to index
        %swap3A_385 = arith.constant 0 : index
        %swap3A_386 = tpu.vector_load %arg9[%swap3A_384, %swap3A_385] {strides = array<i32>} : memref<512x16xf32, #tpu.memory_space<vmem>>, vector<1x16xf32>,
        %swap3A_387 = vector.shape_cast %swap3A_386 : vector<1x16xf32> to vector<16xf32>
        %swap3A_388 = vector.shape_cast %mul3A_381 : vector<16xf32> to vector<1x16xf32>
        tpu.vector_store %arg9[%swap3A_384, %swap3A_385], %swap3A_388 {strides = array<i32>} : memref<512x16xf32, #tpu.memory_space<vmem>>, vector<1x16xf32>,
        %add3A_389 = arith.constant 2 : i32
        %add3A_390 = arith.addi %mul3A_357, %add3A_389 : i32
        %get3A_391 = arith.index_cast %add3A_390 : i32 to index
        %get3A_392 = arith.constant 0 : index
        %get3A_393 = tpu.vector_load %arg9[%get3A_391, %get3A_392] {strides = array<i32>} : memref<512x16xf32, #tpu.memory_space<vmem>>, vector<1x16xf32>,
        %get3A_394 = vector.shape_cast %get3A_393 : vector<1x16xf32> to vector<16xf32>
        %slice3A_395 = vector.extract_strided_slice %get3A_355 {offsets = [2], sizes = [1], strides = [1]} : vector<16xf32> to vector<1xf32>
        %squeeze3A_396 = vector.extract %slice3A_395[0] : f32 from vector<1xf32>
        %mul3A_397 = vector.broadcast %squeeze3A_396 : f32 to vector<16xf32>
        %mul3A_398 = arith.mulf %get3A_394, %mul3A_397 : vector<16xf32>
        %add3A_399 = arith.constant 2 : i32
        %add3A_400 = arith.addi %mul3A_357, %add3A_399 : i32
        %swap3A_401 = arith.index_cast %add3A_400 : i32 to index
        %swap3A_402 = arith.constant 0 : index
        %swap3A_403 = tpu.vector_load %arg9[%swap3A_401, %swap3A_402] {strides = array<i32>} : memref<512x16xf32, #tpu.memory_space<vmem>>, vector<1x16xf32>,
        %swap3A_404 = vector.shape_cast %swap3A_403 : vector<1x16xf32> to vector<16xf32>
        %swap3A_405 = vector.shape_cast %mul3A_398 : vector<16xf32> to vector<1x16xf32>
        tpu.vector_store %arg9[%swap3A_401, %swap3A_402], %swap3A_405 {strides = array<i32>} : memref<512x16xf32, #tpu.memory_space<vmem>>, vector<1x16xf32>,
        %add3A_406 = arith.constant 3 : i32
        %add3A_407 = arith.addi %mul3A_357, %add3A_406 : i32
        %get3A_408 = arith.index_cast %add3A_407 : i32 to index
        %get3A_409 = arith.constant 0 : index
        %get3A_410 = tpu.vector_load %arg9[%get3A_408, %get3A_409] {strides = array<i32>} : memref<512x16xf32, #tpu.memory_space<vmem>>, vector<1x16xf32>,
        %get3A_411 = vector.shape_cast %get3A_410 : vector<1x16xf32> to vector<16xf32>
        %slice3A_412 = vector.extract_strided_slice %get3A_355 {offsets = [3], sizes = [1], strides = [1]} : vector<16xf32> to vector<1xf32>
        %squeeze3A_413 = vector.extract %slice3A_412[0] : f32 from vector<1xf32>
        %mul3A_414 = vector.broadcast %squeeze3A_413 : f32 to vector<16xf32>
        %mul3A_415 = arith.mulf %get3A_411, %mul3A_414 : vector<16xf32>
        %add3A_416 = arith.constant 3 : i32
        %add3A_417 = arith.addi %mul3A_357, %add3A_416 : i32
        %swap3A_418 = arith.index_cast %add3A_417 : i32 to index
        %swap3A_419 = arith.constant 0 : index
        %swap3A_420 = tpu.vector_load %arg9[%swap3A_418, %swap3A_419] {strides = array<i32>} : memref<512x16xf32, #tpu.memory_space<vmem>>, vector<1x16xf32>,
        %swap3A_421 = vector.shape_cast %swap3A_420 : vector<1x16xf32> to vector<16xf32>
        %swap3A_422 = vector.shape_cast %mul3A_415 : vector<16xf32> to vector<1x16xf32>
        tpu.vector_store %arg9[%swap3A_418, %swap3A_419], %swap3A_422 {strides = array<i32>} : memref<512x16xf32, #tpu.memory_space<vmem>>, vector<1x16xf32>,
        %add3A_423 = arith.constant 4 : i32
        %add3A_424 = arith.addi %mul3A_357, %add3A_423 : i32
        %get3A_425 = arith.index_cast %add3A_424 : i32 to index
        %get3A_426 = arith.constant 0 : index
        %get3A_427 = tpu.vector_load %arg9[%get3A_425, %get3A_426] {strides = array<i32>} : memref<512x16xf32, #tpu.memory_space<vmem>>, vector<1x16xf32>,
        %get3A_428 = vector.shape_cast %get3A_427 : vector<1x16xf32> to vector<16xf32>
        %slice3A_429 = vector.extract_strided_slice %get3A_355 {offsets = [4], sizes = [1], strides = [1]} : vector<16xf32> to vector<1xf32>
        %squeeze3A_430 = vector.extract %slice3A_429[0] : f32 from vector<1xf32>
        %mul3A_431 = vector.broadcast %squeeze3A_430 : f32 to vector<16xf32>
        %mul3A_432 = arith.mulf %get3A_428, %mul3A_431 : vector<16xf32>
        %add3A_433 = arith.constant 4 : i32
        %add3A_434 = arith.addi %mul3A_357, %add3A_433 : i32
        %swap3A_435 = arith.index_cast %add3A_434 : i32 to index
        %swap3A_436 = arith.constant 0 : index
        %swap3A_437 = tpu.vector_load %arg9[%swap3A_435, %swap3A_436] {strides = array<i32>} : memref<512x16xf32, #tpu.memory_space<vmem>>, vector<1x16xf32>,
        %swap3A_438 = vector.shape_cast %swap3A_437 : vector<1x16xf32> to vector<16xf32>
        %swap3A_439 = vector.shape_cast %mul3A_432 : vector<16xf32> to vector<1x16xf32>
        tpu.vector_store %arg9[%swap3A_435, %swap3A_436], %swap3A_439 {strides = array<i32>} : memref<512x16xf32, #tpu.memory_space<vmem>>, vector<1x16xf32>,
        %add3A_440 = arith.constant 5 : i32
        %add3A_441 = arith.addi %mul3A_357, %add3A_440 : i32
        %get3A_442 = arith.index_cast %add3A_441 : i32 to index
        %get3A_443 = arith.constant 0 : index
        %get3A_444 = tpu.vector_load %arg9[%get3A_442, %get3A_443] {strides = array<i32>} : memref<512x16xf32, #tpu.memory_space<vmem>>, vector<1x16xf32>,
        %get3A_445 = vector.shape_cast %get3A_444 : vector<1x16xf32> to vector<16xf32>
        %slice3A_446 = vector.extract_strided_slice %get3A_355 {offsets = [5], sizes = [1], strides = [1]} : vector<16xf32> to vector<1xf32>
        %squeeze3A_447 = vector.extract %slice3A_446[0] : f32 from vector<1xf32>
        %mul3A_448 = vector.broadcast %squeeze3A_447 : f32 to vector<16xf32>
        %mul3A_449 = arith.mulf %get3A_445, %mul3A_448 : vector<16xf32>
        %add3A_450 = arith.constant 5 : i32
        %add3A_451 = arith.addi %mul3A_357, %add3A_450 : i32
        %swap3A_452 = arith.index_cast %add3A_451 : i32 to index
        %swap3A_453 = arith.constant 0 : index
        %swap3A_454 = tpu.vector_load %arg9[%swap3A_452, %swap3A_453] {strides = array<i32>} : memref<512x16xf32, #tpu.memory_space<vmem>>, vector<1x16xf32>,
        %swap3A_455 = vector.shape_cast %swap3A_454 : vector<1x16xf32> to vector<16xf32>
        %swap3A_456 = vector.shape_cast %mul3A_449 : vector<16xf32> to vector<1x16xf32>
        tpu.vector_store %arg9[%swap3A_452, %swap3A_453], %swap3A_456 {strides = array<i32>} : memref<512x16xf32, #tpu.memory_space<vmem>>, vector<1x16xf32>,
        %add3A_457 = arith.constant 6 : i32
        %add3A_458 = arith.addi %mul3A_357, %add3A_457 : i32
        %get3A_459 = arith.index_cast %add3A_458 : i32 to index
        %get3A_460 = arith.constant 0 : index
        %get3A_461 = tpu.vector_load %arg9[%get3A_459, %get3A_460] {strides = array<i32>} : memref<512x16xf32, #tpu.memory_space<vmem>>, vector<1x16xf32>,
        %get3A_462 = vector.shape_cast %get3A_461 : vector<1x16xf32> to vector<16xf32>
        %slice3A_463 = vector.extract_strided_slice %get3A_355 {offsets = [6], sizes = [1], strides = [1]} : vector<16xf32> to vector<1xf32>
        %squeeze3A_464 = vector.extract %slice3A_463[0] : f32 from vector<1xf32>
        %mul3A_465 = vector.broadcast %squeeze3A_464 : f32 to vector<16xf32>
        %mul3A_466 = arith.mulf %get3A_462, %mul3A_465 : vector<16xf32>
        %add3A_467 = arith.constant 6 : i32
        %add3A_468 = arith.addi %mul3A_357, %add3A_467 : i32
        %swap3A_469 = arith.index_cast %add3A_468 : i32 to index
        %swap3A_470 = arith.constant 0 : index
        %swap3A_471 = tpu.vector_load %arg9[%swap3A_469, %swap3A_470] {strides = array<i32>} : memref<512x16xf32, #tpu.memory_space<vmem>>, vector<1x16xf32>,
        %swap3A_472 = vector.shape_cast %swap3A_471 : vector<1x16xf32> to vector<16xf32>
        %swap3A_473 = vector.shape_cast %mul3A_466 : vector<16xf32> to vector<1x16xf32>
        tpu.vector_store %arg9[%swap3A_469, %swap3A_470], %swap3A_473 {strides = array<i32>} : memref<512x16xf32, #tpu.memory_space<vmem>>, vector<1x16xf32>,
        %add3A_474 = arith.constant 7 : i32
        %add3A_475 = arith.addi %mul3A_357, %add3A_474 : i32
        %get3A_476 = arith.index_cast %add3A_475 : i32 to index
        %get3A_477 = arith.constant 0 : index
        %get3A_478 = tpu.vector_load %arg9[%get3A_476, %get3A_477] {strides = array<i32>} : memref<512x16xf32, #tpu.memory_space<vmem>>, vector<1x16xf32>,
        %get3A_479 = vector.shape_cast %get3A_478 : vector<1x16xf32> to vector<16xf32>
        %slice3A_480 = vector.extract_strided_slice %get3A_355 {offsets = [7], sizes = [1], strides = [1]} : vector<16xf32> to vector<1xf32>
        %squeeze3A_481 = vector.extract %slice3A_480[0] : f32 from vector<1xf32>
        %mul3A_482 = vector.broadcast %squeeze3A_481 : f32 to vector<16xf32>
        %mul3A_483 = arith.mulf %get3A_479, %mul3A_482 : vector<16xf32>
        %add3A_484 = arith.constant 7 : i32
        %add3A_485 = arith.addi %mul3A_357, %add3A_484 : i32
        %swap3A_486 = arith.index_cast %add3A_485 : i32 to index
        %swap3A_487 = arith.constant 0 : index
        %swap3A_488 = tpu.vector_load %arg9[%swap3A_486, %swap3A_487] {strides = array<i32>} : memref<512x16xf32, #tpu.memory_space<vmem>>, vector<1x16xf32>,
        %swap3A_489 = vector.shape_cast %swap3A_488 : vector<1x16xf32> to vector<16xf32>
        %swap3A_490 = vector.shape_cast %mul3A_483 : vector<16xf32> to vector<1x16xf32>
        tpu.vector_store %arg9[%swap3A_486, %swap3A_487], %swap3A_490 {strides = array<i32>} : memref<512x16xf32, #tpu.memory_space<vmem>>, vector<1x16xf32>,
        %add3A_491 = arith.constant 8 : i32
        %add3A_492 = arith.addi %mul3A_357, %add3A_491 : i32
        %get3A_493 = arith.index_cast %add3A_492 : i32 to index
        %get3A_494 = arith.constant 0 : index
        %get3A_495 = tpu.vector_load %arg9[%get3A_493, %get3A_494] {strides = array<i32>} : memref<512x16xf32, #tpu.memory_space<vmem>>, vector<1x16xf32>,
        %get3A_496 = vector.shape_cast %get3A_495 : vector<1x16xf32> to vector<16xf32>
        %slice3A_497 = vector.extract_strided_slice %get3A_355 {offsets = [8], sizes = [1], strides = [1]} : vector<16xf32> to vector<1xf32>
        %squeeze3A_498 = vector.extract %slice3A_497[0] : f32 from vector<1xf32>
        %mul3A_499 = vector.broadcast %squeeze3A_498 : f32 to vector<16xf32>
        %mul3A_500 = arith.mulf %get3A_496, %mul3A_499 : vector<16xf32>
        %add3A_501 = arith.constant 8 : i32
        %add3A_502 = arith.addi %mul3A_357, %add3A_501 : i32
        %swap3A_503 = arith.index_cast %add3A_502 : i32 to index
        %swap3A_504 = arith.constant 0 : index
        %swap3A_505 = tpu.vector_load %arg9[%swap3A_503, %swap3A_504] {strides = array<i32>} : memref<512x16xf32, #tpu.memory_space<vmem>>, vector<1x16xf32>,
        %swap3A_506 = vector.shape_cast %swap3A_505 : vector<1x16xf32> to vector<16xf32>
        %swap3A_507 = vector.shape_cast %mul3A_500 : vector<16xf32> to vector<1x16xf32>
        tpu.vector_store %arg9[%swap3A_503, %swap3A_504], %swap3A_507 {strides = array<i32>} : memref<512x16xf32, #tpu.memory_space<vmem>>, vector<1x16xf32>,
        %add3A_508 = arith.constant 9 : i32
        %add3A_509 = arith.addi %mul3A_357, %add3A_508 : i32
        %get3A_510 = arith.index_cast %add3A_509 : i32 to index
        %get3A_511 = arith.constant 0 : index
        %get3A_512 = tpu.vector_load %arg9[%get3A_510, %get3A_511] {strides = array<i32>} : memref<512x16xf32, #tpu.memory_space<vmem>>, vector<1x16xf32>,
        %get3A_513 = vector.shape_cast %get3A_512 : vector<1x16xf32> to vector<16xf32>
        %slice3A_514 = vector.extract_strided_slice %get3A_355 {offsets = [9], sizes = [1], strides = [1]} : vector<16xf32> to vector<1xf32>
        %squeeze3A_515 = vector.extract %slice3A_514[0] : f32 from vector<1xf32>
        %mul3A_516 = vector.broadcast %squeeze3A_515 : f32 to vector<16xf32>
        %mul3A_517 = arith.mulf %get3A_513, %mul3A_516 : vector<16xf32>
        %add3A_518 = arith.constant 9 : i32
        %add3A_519 = arith.addi %mul3A_357, %add3A_518 : i32
        %swap3A_520 = arith.index_cast %add3A_519 : i32 to index
        %swap3A_521 = arith.constant 0 : index
        %swap3A_522 = tpu.vector_load %arg9[%swap3A_520, %swap3A_521] {strides = array<i32>} : memref<512x16xf32, #tpu.memory_space<vmem>>, vector<1x16xf32>,
        %swap3A_523 = vector.shape_cast %swap3A_522 : vector<1x16xf32> to vector<16xf32>
        %swap3A_524 = vector.shape_cast %mul3A_517 : vector<16xf32> to vector<1x16xf32>
        tpu.vector_store %arg9[%swap3A_520, %swap3A_521], %swap3A_524 {strides = array<i32>} : memref<512x16xf32, #tpu.memory_space<vmem>>, vector<1x16xf32>,
        %add3A_525 = arith.constant 10 : i32
        %add3A_526 = arith.addi %mul3A_357, %add3A_525 : i32
        %get3A_527 = arith.index_cast %add3A_526 : i32 to index
        %get3A_528 = arith.constant 0 : index
        %get3A_529 = tpu.vector_load %arg9[%get3A_527, %get3A_528] {strides = array<i32>} : memref<512x16xf32, #tpu.memory_space<vmem>>, vector<1x16xf32>,
        %get3A_530 = vector.shape_cast %get3A_529 : vector<1x16xf32> to vector<16xf32>
        %slice3A_531 = vector.extract_strided_slice %get3A_355 {offsets = [10], sizes = [1], strides = [1]} : vector<16xf32> to vector<1xf32>
        %squeeze3A_532 = vector.extract %slice3A_531[0] : f32 from vector<1xf32>
        %mul3A_533 = vector.broadcast %squeeze3A_532 : f32 to vector<16xf32>
        %mul3A_534 = arith.mulf %get3A_530, %mul3A_533 : vector<16xf32>
        %add3A_535 = arith.constant 10 : i32
        %add3A_536 = arith.addi %mul3A_357, %add3A_535 : i32
        %swap3A_537 = arith.index_cast %add3A_536 : i32 to index
        %swap3A_538 = arith.constant 0 : index
        %swap3A_539 = tpu.vector_load %arg9[%swap3A_537, %swap3A_538] {strides = array<i32>} : memref<512x16xf32, #tpu.memory_space<vmem>>, vector<1x16xf32>,
        %swap3A_540 = vector.shape_cast %swap3A_539 : vector<1x16xf32> to vector<16xf32>
        %swap3A_541 = vector.shape_cast %mul3A_534 : vector<16xf32> to vector<1x16xf32>
        tpu.vector_store %arg9[%swap3A_537, %swap3A_538], %swap3A_541 {strides = array<i32>} : memref<512x16xf32, #tpu.memory_space<vmem>>, vector<1x16xf32>,
        %add3A_542 = arith.constant 11 : i32
        %add3A_543 = arith.addi %mul3A_357, %add3A_542 : i32
        %get3A_544 = arith.index_cast %add3A_543 : i32 to index
        %get3A_545 = arith.constant 0 : index
        %get3A_546 = tpu.vector_load %arg9[%get3A_544, %get3A_545] {strides = array<i32>} : memref<512x16xf32, #tpu.memory_space<vmem>>, vector<1x16xf32>,
        %get3A_547 = vector.shape_cast %get3A_546 : vector<1x16xf32> to vector<16xf32>
        %slice3A_548 = vector.extract_strided_slice %get3A_355 {offsets = [11], sizes = [1], strides = [1]} : vector<16xf32> to vector<1xf32>
        %squeeze3A_549 = vector.extract %slice3A_548[0] : f32 from vector<1xf32>
        %mul3A_550 = vector.broadcast %squeeze3A_549 : f32 to vector<16xf32>
        %mul3A_551 = arith.mulf %get3A_547, %mul3A_550 : vector<16xf32>
        %add3A_552 = arith.constant 11 : i32
        %add3A_553 = arith.addi %mul3A_357, %add3A_552 : i32
        %swap3A_554 = arith.index_cast %add3A_553 : i32 to index
        %swap3A_555 = arith.constant 0 : index
        %swap3A_556 = tpu.vector_load %arg9[%swap3A_554, %swap3A_555] {strides = array<i32>} : memref<512x16xf32, #tpu.memory_space<vmem>>, vector<1x16xf32>,
        %swap3A_557 = vector.shape_cast %swap3A_556 : vector<1x16xf32> to vector<16xf32>
        %swap3A_558 = vector.shape_cast %mul3A_551 : vector<16xf32> to vector<1x16xf32>
        tpu.vector_store %arg9[%swap3A_554, %swap3A_555], %swap3A_558 {strides = array<i32>} : memref<512x16xf32, #tpu.memory_space<vmem>>, vector<1x16xf32>,
        %add3A_559 = arith.constant 12 : i32
        %add3A_560 = arith.addi %mul3A_357, %add3A_559 : i32
        %get3A_561 = arith.index_cast %add3A_560 : i32 to index
        %get3A_562 = arith.constant 0 : index
        %get3A_563 = tpu.vector_load %arg9[%get3A_561, %get3A_562] {strides = array<i32>} : memref<512x16xf32, #tpu.memory_space<vmem>>, vector<1x16xf32>,
        %get3A_564 = vector.shape_cast %get3A_563 : vector<1x16xf32> to vector<16xf32>
        %slice3A_565 = vector.extract_strided_slice %get3A_355 {offsets = [12], sizes = [1], strides = [1]} : vector<16xf32> to vector<1xf32>
        %squeeze3A_566 = vector.extract %slice3A_565[0] : f32 from vector<1xf32>
        %mul3A_567 = vector.broadcast %squeeze3A_566 : f32 to vector<16xf32>
        %mul3A_568 = arith.mulf %get3A_564, %mul3A_567 : vector<16xf32>
        %add3A_569 = arith.constant 12 : i32
        %add3A_570 = arith.addi %mul3A_357, %add3A_569 : i32
        %swap3A_571 = arith.index_cast %add3A_570 : i32 to index
        %swap3A_572 = arith.constant 0 : index
        %swap3A_573 = tpu.vector_load %arg9[%swap3A_571, %swap3A_572] {strides = array<i32>} : memref<512x16xf32, #tpu.memory_space<vmem>>, vector<1x16xf32>,
        %swap3A_574 = vector.shape_cast %swap3A_573 : vector<1x16xf32> to vector<16xf32>
        %swap3A_575 = vector.shape_cast %mul3A_568 : vector<16xf32> to vector<1x16xf32>
        tpu.vector_store %arg9[%swap3A_571, %swap3A_572], %swap3A_575 {strides = array<i32>} : memref<512x16xf32, #tpu.memory_space<vmem>>, vector<1x16xf32>,
        %add3A_576 = arith.constant 13 : i32
        %add3A_577 = arith.addi %mul3A_357, %add3A_576 : i32
        %get3A_578 = arith.index_cast %add3A_577 : i32 to index
        %get3A_579 = arith.constant 0 : index
        %get3A_580 = tpu.vector_load %arg9[%get3A_578, %get3A_579] {strides = array<i32>} : memref<512x16xf32, #tpu.memory_space<vmem>>, vector<1x16xf32>,
        %get3A_581 = vector.shape_cast %get3A_580 : vector<1x16xf32> to vector<16xf32>
        %slice3A_582 = vector.extract_strided_slice %get3A_355 {offsets = [13], sizes = [1], strides = [1]} : vector<16xf32> to vector<1xf32>
        %squeeze3A_583 = vector.extract %slice3A_582[0] : f32 from vector<1xf32>
        %mul3A_584 = vector.broadcast %squeeze3A_583 : f32 to vector<16xf32>
        %mul3A_585 = arith.mulf %get3A_581, %mul3A_584 : vector<16xf32>
        %add3A_586 = arith.constant 13 : i32
        %add3A_587 = arith.addi %mul3A_357, %add3A_586 : i32
        %swap3A_588 = arith.index_cast %add3A_587 : i32 to index
        %swap3A_589 = arith.constant 0 : index
        %swap3A_590 = tpu.vector_load %arg9[%swap3A_588, %swap3A_589] {strides = array<i32>} : memref<512x16xf32, #tpu.memory_space<vmem>>, vector<1x16xf32>,
        %swap3A_591 = vector.shape_cast %swap3A_590 : vector<1x16xf32> to vector<16xf32>
        %swap3A_592 = vector.shape_cast %mul3A_585 : vector<16xf32> to vector<1x16xf32>
        tpu.vector_store %arg9[%swap3A_588, %swap3A_589], %swap3A_592 {strides = array<i32>} : memref<512x16xf32, #tpu.memory_space<vmem>>, vector<1x16xf32>,
        %add3A_593 = arith.constant 14 : i32
        %add3A_594 = arith.addi %mul3A_357, %add3A_593 : i32
        %get3A_595 = arith.index_cast %add3A_594 : i32 to index
        %get3A_596 = arith.constant 0 : index
        %get3A_597 = tpu.vector_load %arg9[%get3A_595, %get3A_596] {strides = array<i32>} : memref<512x16xf32, #tpu.memory_space<vmem>>, vector<1x16xf32>,
        %get3A_598 = vector.shape_cast %get3A_597 : vector<1x16xf32> to vector<16xf32>
        %slice3A_599 = vector.extract_strided_slice %get3A_355 {offsets = [14], sizes = [1], strides = [1]} : vector<16xf32> to vector<1xf32>
        %squeeze3A_600 = vector.extract %slice3A_599[0] : f32 from vector<1xf32>
        %mul3A_601 = vector.broadcast %squeeze3A_600 : f32 to vector<16xf32>
        %mul3A_602 = arith.mulf %get3A_598, %mul3A_601 : vector<16xf32>
        %add3A_603 = arith.constant 14 : i32
        %add3A_604 = arith.addi %mul3A_357, %add3A_603 : i32
        %swap3A_605 = arith.index_cast %add3A_604 : i32 to index
        %swap3A_606 = arith.constant 0 : index
        %swap3A_607 = tpu.vector_load %arg9[%swap3A_605, %swap3A_606] {strides = array<i32>} : memref<512x16xf32, #tpu.memory_space<vmem>>, vector<1x16xf32>,
        %swap3A_608 = vector.shape_cast %swap3A_607 : vector<1x16xf32> to vector<16xf32>
        %swap3A_609 = vector.shape_cast %mul3A_602 : vector<16xf32> to vector<1x16xf32>
        tpu.vector_store %arg9[%swap3A_605, %swap3A_606], %swap3A_609 {strides = array<i32>} : memref<512x16xf32, #tpu.memory_space<vmem>>, vector<1x16xf32>,
        %add3A_610 = arith.constant 15 : i32
        %add3A_611 = arith.addi %mul3A_357, %add3A_610 : i32
        %get3A_612 = arith.index_cast %add3A_611 : i32 to index
        %get3A_613 = arith.constant 0 : index
        %get3A_614 = tpu.vector_load %arg9[%get3A_612, %get3A_613] {strides = array<i32>} : memref<512x16xf32, #tpu.memory_space<vmem>>, vector<1x16xf32>,
        %get3A_615 = vector.shape_cast %get3A_614 : vector<1x16xf32> to vector<16xf32>
        %slice3A_616 = vector.extract_strided_slice %get3A_355 {offsets = [15], sizes = [1], strides = [1]} : vector<16xf32> to vector<1xf32>
        %squeeze3A_617 = vector.extract %slice3A_616[0] : f32 from vector<1xf32>
        %mul3A_618 = vector.broadcast %squeeze3A_617 : f32 to vector<16xf32>
        %mul3A_619 = arith.mulf %get3A_615, %mul3A_618 : vector<16xf32>
        %add3A_620 = arith.constant 15 : i32
        %add3A_621 = arith.addi %mul3A_357, %add3A_620 : i32
        %swap3A_622 = arith.index_cast %add3A_621 : i32 to index
        %swap3A_623 = arith.constant 0 : index
        %swap3A_624 = tpu.vector_load %arg9[%swap3A_622, %swap3A_623] {strides = array<i32>} : memref<512x16xf32, #tpu.memory_space<vmem>>, vector<1x16xf32>,
        %swap3A_625 = vector.shape_cast %swap3A_624 : vector<1x16xf32> to vector<16xf32>
        %swap3A_626 = vector.shape_cast %mul3A_619 : vector<16xf32> to vector<1x16xf32>
        tpu.vector_store %arg9[%swap3A_622, %swap3A_623], %swap3A_626 {strides = array<i32>} : memref<512x16xf32, #tpu.memory_space<vmem>>, vector<1x16xf32>,
        %scan3A_627 = arith.constant 0 : i32
        scf.yield %scan3A_627 : i32
      }
      %scan3A_270 = arith.constant 32 : i32
      %dma_start3A_271 = arith.constant 2048 : i32
      %dma_start3A_272 = tpu.memref_slice %arg27[%dma_start3A_271] : memref<4096xi32, #tpu.memory_space<vmem>> -> memref<512xi32, #tpu.memory_space<vmem>>
      %dma_start3A_273 = arith.constant 0 : i32
      %dma_start3A_274 = arith.constant 0 : i32
      %dma_start3A_275 = tpu.memref_slice %arg7[%dma_start3A_273, %dma_start3A_274] : memref<16384x16xf32, #tpu.memory_space<vmem_shared>> -> memref<16384x16xf32, #tpu.memory_space<vmem_shared>>
      tpu.enqueue_indirect_dma source(%arg9 : memref<512x16xf32, #tpu.memory_space<vmem>>) target(%dma_start3A_275 : memref<16384x16xf32, #tpu.memory_space<vmem_shared>>) offsets(%dma_start3A_272 : memref<512xi32, #tpu.memory_space<vmem>>) semaphore(%arg28 : memref<!tpu.dma_semaphore, #tpu.memory_space<semaphore_mem>>) {add = true}
      %dma_wait3A_276 = arith.constant 2560 : i32
      %dma_wait3A_277 = tpu.memref_slice %arg8[%dma_wait3A_276] : memref<4096xi32, #tpu.memory_space<vmem>> -> memref<512xi32, #tpu.memory_space<vmem>>
      %dma_wait3A_278 = arith.constant 0 : i32
      %dma_wait3A_279 = arith.constant 0 : i32
      %dma_wait3A_280 = tpu.memref_slice %arg37[%dma_wait3A_278, %dma_wait3A_279] : memref<16384x16xf32, #tpu.memory_space<vmem_shared>> -> memref<16384x16xf32, #tpu.memory_space<vmem_shared>>
      tpu.wait_indirect_dma semaphore(%arg18 : memref<!tpu.dma_semaphore, #tpu.memory_space<semaphore_mem>>) src(%dma_wait3A_280 : memref<16384x16xf32, #tpu.memory_space<vmem_shared>>) dst(%arg10 : memref<512x16xf32, #tpu.memory_space<vmem>>)
      %scan3A_281 = arith.constant 0 : i32
      %scan3A_282 = arith.constant 0 : i32
      %scan3A_283 = arith.constant 32 : i32
      %scan3A_284 = arith.addi %scan3A_282, %scan3A_283 : i32
      %scan3A_285 = arith.constant 1 : i32
      %scan3A_286 = scf.for %scan3A_348 = %scan3A_282 to %scan3A_284 step %scan3A_285 iter_args(%scan3A_349 = %scan3A_281) -> (i32)  : i32 {
        %mul3A_350 = arith.constant 16 : i32
        %mul3A_351 = arith.muli %scan3A_348, %mul3A_350 : i32
        %add3A_352 = arith.constant 2560 : i32
        %add3A_353 = arith.addi %add3A_352, %mul3A_351 : i32
        %get3A = arith.index_cast %add3A_353 : i32 to index
        %get3A_354 = tpu.vector_load %arg36[%get3A] {strides = array<i32>} : memref<4096xf32, #tpu.memory_space<vmem>>, vector<16xf32>,
        %get3A_355 = vector.shape_cast %get3A_354 : vector<16xf32> to vector<16xf32>
        %mul3A_356 = arith.constant 16 : i32
        %mul3A_357 = arith.muli %scan3A_348, %mul3A_356 : i32
        %add3A_358 = arith.constant 0 : i32
        %add3A_359 = arith.addi %mul3A_357, %add3A_358 : i32
        %get3A_360 = arith.index_cast %add3A_359 : i32 to index
        %get3A_361 = arith.constant 0 : index
        %get3A_362 = tpu.vector_load %arg10[%get3A_360, %get3A_361] {strides = array<i32>} : memref<512x16xf32, #tpu.memory_space<vmem>>, vector<1x16xf32>,
        %get3A_363 = vector.shape_cast %get3A_362 : vector<1x16xf32> to vector<16xf32>
        %slice3A = vector.extract_strided_slice %get3A_355 {offsets = [0], sizes = [1], strides = [1]} : vector<16xf32> to vector<1xf32>
        %squeeze3A = vector.extract %slice3A[0] : f32 from vector<1xf32>
        %mul3A_364 = vector.broadcast %squeeze3A : f32 to vector<16xf32>
        %mul3A_365 = arith.mulf %get3A_363, %mul3A_364 : vector<16xf32>
        %add3A_366 = arith.constant 0 : i32
        %add3A_367 = arith.addi %mul3A_357, %add3A_366 : i32
        %swap3A = arith.index_cast %add3A_367 : i32 to index
        %swap3A_368 = arith.constant 0 : index
        %swap3A_369 = tpu.vector_load %arg10[%swap3A, %swap3A_368] {strides = array<i32>} : memref<512x16xf32, #tpu.memory_space<vmem>>, vector<1x16xf32>,
        %swap3A_370 = vector.shape_cast %swap3A_369 : vector<1x16xf32> to vector<16xf32>
        %swap3A_371 = vector.shape_cast %mul3A_365 : vector<16xf32> to vector<1x16xf32>
        tpu.vector_store %arg10[%swap3A, %swap3A_368], %swap3A_371 {strides = array<i32>} : memref<512x16xf32, #tpu.memory_space<vmem>>, vector<1x16xf32>,
        %add3A_372 = arith.constant 1 : i32
        %add3A_373 = arith.addi %mul3A_357, %add3A_372 : i32
        %get3A_374 = arith.index_cast %add3A_373 : i32 to index
        %get3A_375 = arith.constant 0 : index
        %get3A_376 = tpu.vector_load %arg10[%get3A_374, %get3A_375] {strides = array<i32>} : memref<512x16xf32, #tpu.memory_space<vmem>>, vector<1x16xf32>,
        %get3A_377 = vector.shape_cast %get3A_376 : vector<1x16xf32> to vector<16xf32>
        %slice3A_378 = vector.extract_strided_slice %get3A_355 {offsets = [1], sizes = [1], strides = [1]} : vector<16xf32> to vector<1xf32>
        %squeeze3A_379 = vector.extract %slice3A_378[0] : f32 from vector<1xf32>
        %mul3A_380 = vector.broadcast %squeeze3A_379 : f32 to vector<16xf32>
        %mul3A_381 = arith.mulf %get3A_377, %mul3A_380 : vector<16xf32>
        %add3A_382 = arith.constant 1 : i32
        %add3A_383 = arith.addi %mul3A_357, %add3A_382 : i32
        %swap3A_384 = arith.index_cast %add3A_383 : i32 to index
        %swap3A_385 = arith.constant 0 : index
        %swap3A_386 = tpu.vector_load %arg10[%swap3A_384, %swap3A_385] {strides = array<i32>} : memref<512x16xf32, #tpu.memory_space<vmem>>, vector<1x16xf32>,
        %swap3A_387 = vector.shape_cast %swap3A_386 : vector<1x16xf32> to vector<16xf32>
        %swap3A_388 = vector.shape_cast %mul3A_381 : vector<16xf32> to vector<1x16xf32>
        tpu.vector_store %arg10[%swap3A_384, %swap3A_385], %swap3A_388 {strides = array<i32>} : memref<512x16xf32, #tpu.memory_space<vmem>>, vector<1x16xf32>,
        %add3A_389 = arith.constant 2 : i32
        %add3A_390 = arith.addi %mul3A_357, %add3A_389 : i32
        %get3A_391 = arith.index_cast %add3A_390 : i32 to index
        %get3A_392 = arith.constant 0 : index
        %get3A_393 = tpu.vector_load %arg10[%get3A_391, %get3A_392] {strides = array<i32>} : memref<512x16xf32, #tpu.memory_space<vmem>>, vector<1x16xf32>,
        %get3A_394 = vector.shape_cast %get3A_393 : vector<1x16xf32> to vector<16xf32>
        %slice3A_395 = vector.extract_strided_slice %get3A_355 {offsets = [2], sizes = [1], strides = [1]} : vector<16xf32> to vector<1xf32>
        %squeeze3A_396 = vector.extract %slice3A_395[0] : f32 from vector<1xf32>
        %mul3A_397 = vector.broadcast %squeeze3A_396 : f32 to vector<16xf32>
        %mul3A_398 = arith.mulf %get3A_394, %mul3A_397 : vector<16xf32>
        %add3A_399 = arith.constant 2 : i32
        %add3A_400 = arith.addi %mul3A_357, %add3A_399 : i32
        %swap3A_401 = arith.index_cast %add3A_400 : i32 to index
        %swap3A_402 = arith.constant 0 : index
        %swap3A_403 = tpu.vector_load %arg10[%swap3A_401, %swap3A_402] {strides = array<i32>} : memref<512x16xf32, #tpu.memory_space<vmem>>, vector<1x16xf32>,
        %swap3A_404 = vector.shape_cast %swap3A_403 : vector<1x16xf32> to vector<16xf32>
        %swap3A_405 = vector.shape_cast %mul3A_398 : vector<16xf32> to vector<1x16xf32>
        tpu.vector_store %arg10[%swap3A_401, %swap3A_402], %swap3A_405 {strides = array<i32>} : memref<512x16xf32, #tpu.memory_space<vmem>>, vector<1x16xf32>,
        %add3A_406 = arith.constant 3 : i32
        %add3A_407 = arith.addi %mul3A_357, %add3A_406 : i32
        %get3A_408 = arith.index_cast %add3A_407 : i32 to index
        %get3A_409 = arith.constant 0 : index
        %get3A_410 = tpu.vector_load %arg10[%get3A_408, %get3A_409] {strides = array<i32>} : memref<512x16xf32, #tpu.memory_space<vmem>>, vector<1x16xf32>,
        %get3A_411 = vector.shape_cast %get3A_410 : vector<1x16xf32> to vector<16xf32>
        %slice3A_412 = vector.extract_strided_slice %get3A_355 {offsets = [3], sizes = [1], strides = [1]} : vector<16xf32> to vector<1xf32>
        %squeeze3A_413 = vector.extract %slice3A_412[0] : f32 from vector<1xf32>
        %mul3A_414 = vector.broadcast %squeeze3A_413 : f32 to vector<16xf32>
        %mul3A_415 = arith.mulf %get3A_411, %mul3A_414 : vector<16xf32>
        %add3A_416 = arith.constant 3 : i32
        %add3A_417 = arith.addi %mul3A_357, %add3A_416 : i32
        %swap3A_418 = arith.index_cast %add3A_417 : i32 to index
        %swap3A_419 = arith.constant 0 : index
        %swap3A_420 = tpu.vector_load %arg10[%swap3A_418, %swap3A_419] {strides = array<i32>} : memref<512x16xf32, #tpu.memory_space<vmem>>, vector<1x16xf32>,
        %swap3A_421 = vector.shape_cast %swap3A_420 : vector<1x16xf32> to vector<16xf32>
        %swap3A_422 = vector.shape_cast %mul3A_415 : vector<16xf32> to vector<1x16xf32>
        tpu.vector_store %arg10[%swap3A_418, %swap3A_419], %swap3A_422 {strides = array<i32>} : memref<512x16xf32, #tpu.memory_space<vmem>>, vector<1x16xf32>,
        %add3A_423 = arith.constant 4 : i32
        %add3A_424 = arith.addi %mul3A_357, %add3A_423 : i32
        %get3A_425 = arith.index_cast %add3A_424 : i32 to index
        %get3A_426 = arith.constant 0 : index
        %get3A_427 = tpu.vector_load %arg10[%get3A_425, %get3A_426] {strides = array<i32>} : memref<512x16xf32, #tpu.memory_space<vmem>>, vector<1x16xf32>,
        %get3A_428 = vector.shape_cast %get3A_427 : vector<1x16xf32> to vector<16xf32>
        %slice3A_429 = vector.extract_strided_slice %get3A_355 {offsets = [4], sizes = [1], strides = [1]} : vector<16xf32> to vector<1xf32>
        %squeeze3A_430 = vector.extract %slice3A_429[0] : f32 from vector<1xf32>
        %mul3A_431 = vector.broadcast %squeeze3A_430 : f32 to vector<16xf32>
        %mul3A_432 = arith.mulf %get3A_428, %mul3A_431 : vector<16xf32>
        %add3A_433 = arith.constant 4 : i32
        %add3A_434 = arith.addi %mul3A_357, %add3A_433 : i32
        %swap3A_435 = arith.index_cast %add3A_434 : i32 to index
        %swap3A_436 = arith.constant 0 : index
        %swap3A_437 = tpu.vector_load %arg10[%swap3A_435, %swap3A_436] {strides = array<i32>} : memref<512x16xf32, #tpu.memory_space<vmem>>, vector<1x16xf32>,
        %swap3A_438 = vector.shape_cast %swap3A_437 : vector<1x16xf32> to vector<16xf32>
        %swap3A_439 = vector.shape_cast %mul3A_432 : vector<16xf32> to vector<1x16xf32>
        tpu.vector_store %arg10[%swap3A_435, %swap3A_436], %swap3A_439 {strides = array<i32>} : memref<512x16xf32, #tpu.memory_space<vmem>>, vector<1x16xf32>,
        %add3A_440 = arith.constant 5 : i32
        %add3A_441 = arith.addi %mul3A_357, %add3A_440 : i32
        %get3A_442 = arith.index_cast %add3A_441 : i32 to index
        %get3A_443 = arith.constant 0 : index
        %get3A_444 = tpu.vector_load %arg10[%get3A_442, %get3A_443] {strides = array<i32>} : memref<512x16xf32, #tpu.memory_space<vmem>>, vector<1x16xf32>,
        %get3A_445 = vector.shape_cast %get3A_444 : vector<1x16xf32> to vector<16xf32>
        %slice3A_446 = vector.extract_strided_slice %get3A_355 {offsets = [5], sizes = [1], strides = [1]} : vector<16xf32> to vector<1xf32>
        %squeeze3A_447 = vector.extract %slice3A_446[0] : f32 from vector<1xf32>
        %mul3A_448 = vector.broadcast %squeeze3A_447 : f32 to vector<16xf32>
        %mul3A_449 = arith.mulf %get3A_445, %mul3A_448 : vector<16xf32>
        %add3A_450 = arith.constant 5 : i32
        %add3A_451 = arith.addi %mul3A_357, %add3A_450 : i32
        %swap3A_452 = arith.index_cast %add3A_451 : i32 to index
        %swap3A_453 = arith.constant 0 : index
        %swap3A_454 = tpu.vector_load %arg10[%swap3A_452, %swap3A_453] {strides = array<i32>} : memref<512x16xf32, #tpu.memory_space<vmem>>, vector<1x16xf32>,
        %swap3A_455 = vector.shape_cast %swap3A_454 : vector<1x16xf32> to vector<16xf32>
        %swap3A_456 = vector.shape_cast %mul3A_449 : vector<16xf32> to vector<1x16xf32>
        tpu.vector_store %arg10[%swap3A_452, %swap3A_453], %swap3A_456 {strides = array<i32>} : memref<512x16xf32, #tpu.memory_space<vmem>>, vector<1x16xf32>,
        %add3A_457 = arith.constant 6 : i32
        %add3A_458 = arith.addi %mul3A_357, %add3A_457 : i32
        %get3A_459 = arith.index_cast %add3A_458 : i32 to index
        %get3A_460 = arith.constant 0 : index
        %get3A_461 = tpu.vector_load %arg10[%get3A_459, %get3A_460] {strides = array<i32>} : memref<512x16xf32, #tpu.memory_space<vmem>>, vector<1x16xf32>,
        %get3A_462 = vector.shape_cast %get3A_461 : vector<1x16xf32> to vector<16xf32>
        %slice3A_463 = vector.extract_strided_slice %get3A_355 {offsets = [6], sizes = [1], strides = [1]} : vector<16xf32> to vector<1xf32>
        %squeeze3A_464 = vector.extract %slice3A_463[0] : f32 from vector<1xf32>
        %mul3A_465 = vector.broadcast %squeeze3A_464 : f32 to vector<16xf32>
        %mul3A_466 = arith.mulf %get3A_462, %mul3A_465 : vector<16xf32>
        %add3A_467 = arith.constant 6 : i32
        %add3A_468 = arith.addi %mul3A_357, %add3A_467 : i32
        %swap3A_469 = arith.index_cast %add3A_468 : i32 to index
        %swap3A_470 = arith.constant 0 : index
        %swap3A_471 = tpu.vector_load %arg10[%swap3A_469, %swap3A_470] {strides = array<i32>} : memref<512x16xf32, #tpu.memory_space<vmem>>, vector<1x16xf32>,
        %swap3A_472 = vector.shape_cast %swap3A_471 : vector<1x16xf32> to vector<16xf32>
        %swap3A_473 = vector.shape_cast %mul3A_466 : vector<16xf32> to vector<1x16xf32>
        tpu.vector_store %arg10[%swap3A_469, %swap3A_470], %swap3A_473 {strides = array<i32>} : memref<512x16xf32, #tpu.memory_space<vmem>>, vector<1x16xf32>,
        %add3A_474 = arith.constant 7 : i32
        %add3A_475 = arith.addi %mul3A_357, %add3A_474 : i32
        %get3A_476 = arith.index_cast %add3A_475 : i32 to index
        %get3A_477 = arith.constant 0 : index
        %get3A_478 = tpu.vector_load %arg10[%get3A_476, %get3A_477] {strides = array<i32>} : memref<512x16xf32, #tpu.memory_space<vmem>>, vector<1x16xf32>,
        %get3A_479 = vector.shape_cast %get3A_478 : vector<1x16xf32> to vector<16xf32>
        %slice3A_480 = vector.extract_strided_slice %get3A_355 {offsets = [7], sizes = [1], strides = [1]} : vector<16xf32> to vector<1xf32>
        %squeeze3A_481 = vector.extract %slice3A_480[0] : f32 from vector<1xf32>
        %mul3A_482 = vector.broadcast %squeeze3A_481 : f32 to vector<16xf32>
        %mul3A_483 = arith.mulf %get3A_479, %mul3A_482 : vector<16xf32>
        %add3A_484 = arith.constant 7 : i32
        %add3A_485 = arith.addi %mul3A_357, %add3A_484 : i32
        %swap3A_486 = arith.index_cast %add3A_485 : i32 to index
        %swap3A_487 = arith.constant 0 : index
        %swap3A_488 = tpu.vector_load %arg10[%swap3A_486, %swap3A_487] {strides = array<i32>} : memref<512x16xf32, #tpu.memory_space<vmem>>, vector<1x16xf32>,
        %swap3A_489 = vector.shape_cast %swap3A_488 : vector<1x16xf32> to vector<16xf32>
        %swap3A_490 = vector.shape_cast %mul3A_483 : vector<16xf32> to vector<1x16xf32>
        tpu.vector_store %arg10[%swap3A_486, %swap3A_487], %swap3A_490 {strides = array<i32>} : memref<512x16xf32, #tpu.memory_space<vmem>>, vector<1x16xf32>,
        %add3A_491 = arith.constant 8 : i32
        %add3A_492 = arith.addi %mul3A_357, %add3A_491 : i32
        %get3A_493 = arith.index_cast %add3A_492 : i32 to index
        %get3A_494 = arith.constant 0 : index
        %get3A_495 = tpu.vector_load %arg10[%get3A_493, %get3A_494] {strides = array<i32>} : memref<512x16xf32, #tpu.memory_space<vmem>>, vector<1x16xf32>,
        %get3A_496 = vector.shape_cast %get3A_495 : vector<1x16xf32> to vector<16xf32>
        %slice3A_497 = vector.extract_strided_slice %get3A_355 {offsets = [8], sizes = [1], strides = [1]} : vector<16xf32> to vector<1xf32>
        %squeeze3A_498 = vector.extract %slice3A_497[0] : f32 from vector<1xf32>
        %mul3A_499 = vector.broadcast %squeeze3A_498 : f32 to vector<16xf32>
        %mul3A_500 = arith.mulf %get3A_496, %mul3A_499 : vector<16xf32>
        %add3A_501 = arith.constant 8 : i32
        %add3A_502 = arith.addi %mul3A_357, %add3A_501 : i32
        %swap3A_503 = arith.index_cast %add3A_502 : i32 to index
        %swap3A_504 = arith.constant 0 : index
        %swap3A_505 = tpu.vector_load %arg10[%swap3A_503, %swap3A_504] {strides = array<i32>} : memref<512x16xf32, #tpu.memory_space<vmem>>, vector<1x16xf32>,
        %swap3A_506 = vector.shape_cast %swap3A_505 : vector<1x16xf32> to vector<16xf32>
        %swap3A_507 = vector.shape_cast %mul3A_500 : vector<16xf32> to vector<1x16xf32>
        tpu.vector_store %arg10[%swap3A_503, %swap3A_504], %swap3A_507 {strides = array<i32>} : memref<512x16xf32, #tpu.memory_space<vmem>>, vector<1x16xf32>,
        %add3A_508 = arith.constant 9 : i32
        %add3A_509 = arith.addi %mul3A_357, %add3A_508 : i32
        %get3A_510 = arith.index_cast %add3A_509 : i32 to index
        %get3A_511 = arith.constant 0 : index
        %get3A_512 = tpu.vector_load %arg10[%get3A_510, %get3A_511] {strides = array<i32>} : memref<512x16xf32, #tpu.memory_space<vmem>>, vector<1x16xf32>,
        %get3A_513 = vector.shape_cast %get3A_512 : vector<1x16xf32> to vector<16xf32>
        %slice3A_514 = vector.extract_strided_slice %get3A_355 {offsets = [9], sizes = [1], strides = [1]} : vector<16xf32> to vector<1xf32>
        %squeeze3A_515 = vector.extract %slice3A_514[0] : f32 from vector<1xf32>
        %mul3A_516 = vector.broadcast %squeeze3A_515 : f32 to vector<16xf32>
        %mul3A_517 = arith.mulf %get3A_513, %mul3A_516 : vector<16xf32>
        %add3A_518 = arith.constant 9 : i32
        %add3A_519 = arith.addi %mul3A_357, %add3A_518 : i32
        %swap3A_520 = arith.index_cast %add3A_519 : i32 to index
        %swap3A_521 = arith.constant 0 : index
        %swap3A_522 = tpu.vector_load %arg10[%swap3A_520, %swap3A_521] {strides = array<i32>} : memref<512x16xf32, #tpu.memory_space<vmem>>, vector<1x16xf32>,
        %swap3A_523 = vector.shape_cast %swap3A_522 : vector<1x16xf32> to vector<16xf32>
        %swap3A_524 = vector.shape_cast %mul3A_517 : vector<16xf32> to vector<1x16xf32>
        tpu.vector_store %arg10[%swap3A_520, %swap3A_521], %swap3A_524 {strides = array<i32>} : memref<512x16xf32, #tpu.memory_space<vmem>>, vector<1x16xf32>,
        %add3A_525 = arith.constant 10 : i32
        %add3A_526 = arith.addi %mul3A_357, %add3A_525 : i32
        %get3A_527 = arith.index_cast %add3A_526 : i32 to index
        %get3A_528 = arith.constant 0 : index
        %get3A_529 = tpu.vector_load %arg10[%get3A_527, %get3A_528] {strides = array<i32>} : memref<512x16xf32, #tpu.memory_space<vmem>>, vector<1x16xf32>,
        %get3A_530 = vector.shape_cast %get3A_529 : vector<1x16xf32> to vector<16xf32>
        %slice3A_531 = vector.extract_strided_slice %get3A_355 {offsets = [10], sizes = [1], strides = [1]} : vector<16xf32> to vector<1xf32>
        %squeeze3A_532 = vector.extract %slice3A_531[0] : f32 from vector<1xf32>
        %mul3A_533 = vector.broadcast %squeeze3A_532 : f32 to vector<16xf32>
        %mul3A_534 = arith.mulf %get3A_530, %mul3A_533 : vector<16xf32>
        %add3A_535 = arith.constant 10 : i32
        %add3A_536 = arith.addi %mul3A_357, %add3A_535 : i32
        %swap3A_537 = arith.index_cast %add3A_536 : i32 to index
        %swap3A_538 = arith.constant 0 : index
        %swap3A_539 = tpu.vector_load %arg10[%swap3A_537, %swap3A_538] {strides = array<i32>} : memref<512x16xf32, #tpu.memory_space<vmem>>, vector<1x16xf32>,
        %swap3A_540 = vector.shape_cast %swap3A_539 : vector<1x16xf32> to vector<16xf32>
        %swap3A_541 = vector.shape_cast %mul3A_534 : vector<16xf32> to vector<1x16xf32>
        tpu.vector_store %arg10[%swap3A_537, %swap3A_538], %swap3A_541 {strides = array<i32>} : memref<512x16xf32, #tpu.memory_space<vmem>>, vector<1x16xf32>,
        %add3A_542 = arith.constant 11 : i32
        %add3A_543 = arith.addi %mul3A_357, %add3A_542 : i32
        %get3A_544 = arith.index_cast %add3A_543 : i32 to index
        %get3A_545 = arith.constant 0 : index
        %get3A_546 = tpu.vector_load %arg10[%get3A_544, %get3A_545] {strides = array<i32>} : memref<512x16xf32, #tpu.memory_space<vmem>>, vector<1x16xf32>,
        %get3A_547 = vector.shape_cast %get3A_546 : vector<1x16xf32> to vector<16xf32>
        %slice3A_548 = vector.extract_strided_slice %get3A_355 {offsets = [11], sizes = [1], strides = [1]} : vector<16xf32> to vector<1xf32>
        %squeeze3A_549 = vector.extract %slice3A_548[0] : f32 from vector<1xf32>
        %mul3A_550 = vector.broadcast %squeeze3A_549 : f32 to vector<16xf32>
        %mul3A_551 = arith.mulf %get3A_547, %mul3A_550 : vector<16xf32>
        %add3A_552 = arith.constant 11 : i32
        %add3A_553 = arith.addi %mul3A_357, %add3A_552 : i32
        %swap3A_554 = arith.index_cast %add3A_553 : i32 to index
        %swap3A_555 = arith.constant 0 : index
        %swap3A_556 = tpu.vector_load %arg10[%swap3A_554, %swap3A_555] {strides = array<i32>} : memref<512x16xf32, #tpu.memory_space<vmem>>, vector<1x16xf32>,
        %swap3A_557 = vector.shape_cast %swap3A_556 : vector<1x16xf32> to vector<16xf32>
        %swap3A_558 = vector.shape_cast %mul3A_551 : vector<16xf32> to vector<1x16xf32>
        tpu.vector_store %arg10[%swap3A_554, %swap3A_555], %swap3A_558 {strides = array<i32>} : memref<512x16xf32, #tpu.memory_space<vmem>>, vector<1x16xf32>,
        %add3A_559 = arith.constant 12 : i32
        %add3A_560 = arith.addi %mul3A_357, %add3A_559 : i32
        %get3A_561 = arith.index_cast %add3A_560 : i32 to index
        %get3A_562 = arith.constant 0 : index
        %get3A_563 = tpu.vector_load %arg10[%get3A_561, %get3A_562] {strides = array<i32>} : memref<512x16xf32, #tpu.memory_space<vmem>>, vector<1x16xf32>,
        %get3A_564 = vector.shape_cast %get3A_563 : vector<1x16xf32> to vector<16xf32>
        %slice3A_565 = vector.extract_strided_slice %get3A_355 {offsets = [12], sizes = [1], strides = [1]} : vector<16xf32> to vector<1xf32>
        %squeeze3A_566 = vector.extract %slice3A_565[0] : f32 from vector<1xf32>
        %mul3A_567 = vector.broadcast %squeeze3A_566 : f32 to vector<16xf32>
        %mul3A_568 = arith.mulf %get3A_564, %mul3A_567 : vector<16xf32>
        %add3A_569 = arith.constant 12 : i32
        %add3A_570 = arith.addi %mul3A_357, %add3A_569 : i32
        %swap3A_571 = arith.index_cast %add3A_570 : i32 to index
        %swap3A_572 = arith.constant 0 : index
        %swap3A_573 = tpu.vector_load %arg10[%swap3A_571, %swap3A_572] {strides = array<i32>} : memref<512x16xf32, #tpu.memory_space<vmem>>, vector<1x16xf32>,
        %swap3A_574 = vector.shape_cast %swap3A_573 : vector<1x16xf32> to vector<16xf32>
        %swap3A_575 = vector.shape_cast %mul3A_568 : vector<16xf32> to vector<1x16xf32>
        tpu.vector_store %arg10[%swap3A_571, %swap3A_572], %swap3A_575 {strides = array<i32>} : memref<512x16xf32, #tpu.memory_space<vmem>>, vector<1x16xf32>,
        %add3A_576 = arith.constant 13 : i32
        %add3A_577 = arith.addi %mul3A_357, %add3A_576 : i32
        %get3A_578 = arith.index_cast %add3A_577 : i32 to index
        %get3A_579 = arith.constant 0 : index
        %get3A_580 = tpu.vector_load %arg10[%get3A_578, %get3A_579] {strides = array<i32>} : memref<512x16xf32, #tpu.memory_space<vmem>>, vector<1x16xf32>,
        %get3A_581 = vector.shape_cast %get3A_580 : vector<1x16xf32> to vector<16xf32>
        %slice3A_582 = vector.extract_strided_slice %get3A_355 {offsets = [13], sizes = [1], strides = [1]} : vector<16xf32> to vector<1xf32>
        %squeeze3A_583 = vector.extract %slice3A_582[0] : f32 from vector<1xf32>
        %mul3A_584 = vector.broadcast %squeeze3A_583 : f32 to vector<16xf32>
        %mul3A_585 = arith.mulf %get3A_581, %mul3A_584 : vector<16xf32>
        %add3A_586 = arith.constant 13 : i32
        %add3A_587 = arith.addi %mul3A_357, %add3A_586 : i32
        %swap3A_588 = arith.index_cast %add3A_587 : i32 to index
        %swap3A_589 = arith.constant 0 : index
        %swap3A_590 = tpu.vector_load %arg10[%swap3A_588, %swap3A_589] {strides = array<i32>} : memref<512x16xf32, #tpu.memory_space<vmem>>, vector<1x16xf32>,
        %swap3A_591 = vector.shape_cast %swap3A_590 : vector<1x16xf32> to vector<16xf32>
        %swap3A_592 = vector.shape_cast %mul3A_585 : vector<16xf32> to vector<1x16xf32>
        tpu.vector_store %arg10[%swap3A_588, %swap3A_589], %swap3A_592 {strides = array<i32>} : memref<512x16xf32, #tpu.memory_space<vmem>>, vector<1x16xf32>,
        %add3A_593 = arith.constant 14 : i32
        %add3A_594 = arith.addi %mul3A_357, %add3A_593 : i32
        %get3A_595 = arith.index_cast %add3A_594 : i32 to index
        %get3A_596 = arith.constant 0 : index
        %get3A_597 = tpu.vector_load %arg10[%get3A_595, %get3A_596] {strides = array<i32>} : memref<512x16xf32, #tpu.memory_space<vmem>>, vector<1x16xf32>,
        %get3A_598 = vector.shape_cast %get3A_597 : vector<1x16xf32> to vector<16xf32>
        %slice3A_599 = vector.extract_strided_slice %get3A_355 {offsets = [14], sizes = [1], strides = [1]} : vector<16xf32> to vector<1xf32>
        %squeeze3A_600 = vector.extract %slice3A_599[0] : f32 from vector<1xf32>
        %mul3A_601 = vector.broadcast %squeeze3A_600 : f32 to vector<16xf32>
        %mul3A_602 = arith.mulf %get3A_598, %mul3A_601 : vector<16xf32>
        %add3A_603 = arith.constant 14 : i32
        %add3A_604 = arith.addi %mul3A_357, %add3A_603 : i32
        %swap3A_605 = arith.index_cast %add3A_604 : i32 to index
        %swap3A_606 = arith.constant 0 : index
        %swap3A_607 = tpu.vector_load %arg10[%swap3A_605, %swap3A_606] {strides = array<i32>} : memref<512x16xf32, #tpu.memory_space<vmem>>, vector<1x16xf32>,
        %swap3A_608 = vector.shape_cast %swap3A_607 : vector<1x16xf32> to vector<16xf32>
        %swap3A_609 = vector.shape_cast %mul3A_602 : vector<16xf32> to vector<1x16xf32>
        tpu.vector_store %arg10[%swap3A_605, %swap3A_606], %swap3A_609 {strides = array<i32>} : memref<512x16xf32, #tpu.memory_space<vmem>>, vector<1x16xf32>,
        %add3A_610 = arith.constant 15 : i32
        %add3A_611 = arith.addi %mul3A_357, %add3A_610 : i32
        %get3A_612 = arith.index_cast %add3A_611 : i32 to index
        %get3A_613 = arith.constant 0 : index
        %get3A_614 = tpu.vector_load %arg10[%get3A_612, %get3A_613] {strides = array<i32>} : memref<512x16xf32, #tpu.memory_space<vmem>>, vector<1x16xf32>,
        %get3A_615 = vector.shape_cast %get3A_614 : vector<1x16xf32> to vector<16xf32>
        %slice3A_616 = vector.extract_strided_slice %get3A_355 {offsets = [15], sizes = [1], strides = [1]} : vector<16xf32> to vector<1xf32>
        %squeeze3A_617 = vector.extract %slice3A_616[0] : f32 from vector<1xf32>
        %mul3A_618 = vector.broadcast %squeeze3A_617 : f32 to vector<16xf32>
        %mul3A_619 = arith.mulf %get3A_615, %mul3A_618 : vector<16xf32>
        %add3A_620 = arith.constant 15 : i32
        %add3A_621 = arith.addi %mul3A_357, %add3A_620 : i32
        %swap3A_622 = arith.index_cast %add3A_621 : i32 to index
        %swap3A_623 = arith.constant 0 : index
        %swap3A_624 = tpu.vector_load %arg10[%swap3A_622, %swap3A_623] {strides = array<i32>} : memref<512x16xf32, #tpu.memory_space<vmem>>, vector<1x16xf32>,
        %swap3A_625 = vector.shape_cast %swap3A_624 : vector<1x16xf32> to vector<16xf32>
        %swap3A_626 = vector.shape_cast %mul3A_619 : vector<16xf32> to vector<1x16xf32>
        tpu.vector_store %arg10[%swap3A_622, %swap3A_623], %swap3A_626 {strides = array<i32>} : memref<512x16xf32, #tpu.memory_space<vmem>>, vector<1x16xf32>,
        %scan3A_627 = arith.constant 0 : i32
        scf.yield %scan3A_627 : i32
      }
      %scan3A_287 = arith.constant 32 : i32
      %dma_start3A_288 = arith.constant 2560 : i32
      %dma_start3A_289 = tpu.memref_slice %arg27[%dma_start3A_288] : memref<4096xi32, #tpu.memory_space<vmem>> -> memref<512xi32, #tpu.memory_space<vmem>>
      %dma_start3A_290 = arith.constant 0 : i32
      %dma_start3A_291 = arith.constant 0 : i32
      %dma_start3A_292 = tpu.memref_slice %arg7[%dma_start3A_290, %dma_start3A_291] : memref<16384x16xf32, #tpu.memory_space<vmem_shared>> -> memref<16384x16xf32, #tpu.memory_space<vmem_shared>>
      tpu.enqueue_indirect_dma source(%arg10 : memref<512x16xf32, #tpu.memory_space<vmem>>) target(%dma_start3A_292 : memref<16384x16xf32, #tpu.memory_space<vmem_shared>>) offsets(%dma_start3A_289 : memref<512xi32, #tpu.memory_space<vmem>>) semaphore(%arg29 : memref<!tpu.dma_semaphore, #tpu.memory_space<semaphore_mem>>) {add = true}
      %dma_wait3A_293 = arith.constant 3072 : i32
      %dma_wait3A_294 = tpu.memref_slice %arg8[%dma_wait3A_293] : memref<4096xi32, #tpu.memory_space<vmem>> -> memref<512xi32, #tpu.memory_space<vmem>>
      %dma_wait3A_295 = arith.constant 0 : i32
      %dma_wait3A_296 = arith.constant 0 : i32
      %dma_wait3A_297 = tpu.memref_slice %arg37[%dma_wait3A_295, %dma_wait3A_296] : memref<16384x16xf32, #tpu.memory_space<vmem_shared>> -> memref<16384x16xf32, #tpu.memory_space<vmem_shared>>
      tpu.wait_indirect_dma semaphore(%arg19 : memref<!tpu.dma_semaphore, #tpu.memory_space<semaphore_mem>>) src(%dma_wait3A_297 : memref<16384x16xf32, #tpu.memory_space<vmem_shared>>) dst(%arg11 : memref<512x16xf32, #tpu.memory_space<vmem>>)
      %scan3A_298 = arith.constant 0 : i32
      %scan3A_299 = arith.constant 0 : i32
      %scan3A_300 = arith.constant 32 : i32
      %scan3A_301 = arith.addi %scan3A_299, %scan3A_300 : i32
      %scan3A_302 = arith.constant 1 : i32
      %scan3A_303 = scf.for %scan3A_348 = %scan3A_299 to %scan3A_301 step %scan3A_302 iter_args(%scan3A_349 = %scan3A_298) -> (i32)  : i32 {
        %mul3A_350 = arith.constant 16 : i32
        %mul3A_351 = arith.muli %scan3A_348, %mul3A_350 : i32
        %add3A_352 = arith.constant 3072 : i32
        %add3A_353 = arith.addi %add3A_352, %mul3A_351 : i32
        %get3A = arith.index_cast %add3A_353 : i32 to index
        %get3A_354 = tpu.vector_load %arg36[%get3A] {strides = array<i32>} : memref<4096xf32, #tpu.memory_space<vmem>>, vector<16xf32>,
        %get3A_355 = vector.shape_cast %get3A_354 : vector<16xf32> to vector<16xf32>
        %mul3A_356 = arith.constant 16 : i32
        %mul3A_357 = arith.muli %scan3A_348, %mul3A_356 : i32
        %add3A_358 = arith.constant 0 : i32
        %add3A_359 = arith.addi %mul3A_357, %add3A_358 : i32
        %get3A_360 = arith.index_cast %add3A_359 : i32 to index
        %get3A_361 = arith.constant 0 : index
        %get3A_362 = tpu.vector_load %arg11[%get3A_360, %get3A_361] {strides = array<i32>} : memref<512x16xf32, #tpu.memory_space<vmem>>, vector<1x16xf32>,
        %get3A_363 = vector.shape_cast %get3A_362 : vector<1x16xf32> to vector<16xf32>
        %slice3A = vector.extract_strided_slice %get3A_355 {offsets = [0], sizes = [1], strides = [1]} : vector<16xf32> to vector<1xf32>
        %squeeze3A = vector.extract %slice3A[0] : f32 from vector<1xf32>
        %mul3A_364 = vector.broadcast %squeeze3A : f32 to vector<16xf32>
        %mul3A_365 = arith.mulf %get3A_363, %mul3A_364 : vector<16xf32>
        %add3A_366 = arith.constant 0 : i32
        %add3A_367 = arith.addi %mul3A_357, %add3A_366 : i32
        %swap3A = arith.index_cast %add3A_367 : i32 to index
        %swap3A_368 = arith.constant 0 : index
        %swap3A_369 = tpu.vector_load %arg11[%swap3A, %swap3A_368] {strides = array<i32>} : memref<512x16xf32, #tpu.memory_space<vmem>>, vector<1x16xf32>,
        %swap3A_370 = vector.shape_cast %swap3A_369 : vector<1x16xf32> to vector<16xf32>
        %swap3A_371 = vector.shape_cast %mul3A_365 : vector<16xf32> to vector<1x16xf32>
        tpu.vector_store %arg11[%swap3A, %swap3A_368], %swap3A_371 {strides = array<i32>} : memref<512x16xf32, #tpu.memory_space<vmem>>, vector<1x16xf32>,
        %add3A_372 = arith.constant 1 : i32
        %add3A_373 = arith.addi %mul3A_357, %add3A_372 : i32
        %get3A_374 = arith.index_cast %add3A_373 : i32 to index
        %get3A_375 = arith.constant 0 : index
        %get3A_376 = tpu.vector_load %arg11[%get3A_374, %get3A_375] {strides = array<i32>} : memref<512x16xf32, #tpu.memory_space<vmem>>, vector<1x16xf32>,
        %get3A_377 = vector.shape_cast %get3A_376 : vector<1x16xf32> to vector<16xf32>
        %slice3A_378 = vector.extract_strided_slice %get3A_355 {offsets = [1], sizes = [1], strides = [1]} : vector<16xf32> to vector<1xf32>
        %squeeze3A_379 = vector.extract %slice3A_378[0] : f32 from vector<1xf32>
        %mul3A_380 = vector.broadcast %squeeze3A_379 : f32 to vector<16xf32>
        %mul3A_381 = arith.mulf %get3A_377, %mul3A_380 : vector<16xf32>
        %add3A_382 = arith.constant 1 : i32
        %add3A_383 = arith.addi %mul3A_357, %add3A_382 : i32
        %swap3A_384 = arith.index_cast %add3A_383 : i32 to index
        %swap3A_385 = arith.constant 0 : index
        %swap3A_386 = tpu.vector_load %arg11[%swap3A_384, %swap3A_385] {strides = array<i32>} : memref<512x16xf32, #tpu.memory_space<vmem>>, vector<1x16xf32>,
        %swap3A_387 = vector.shape_cast %swap3A_386 : vector<1x16xf32> to vector<16xf32>
        %swap3A_388 = vector.shape_cast %mul3A_381 : vector<16xf32> to vector<1x16xf32>
        tpu.vector_store %arg11[%swap3A_384, %swap3A_385], %swap3A_388 {strides = array<i32>} : memref<512x16xf32, #tpu.memory_space<vmem>>, vector<1x16xf32>,
        %add3A_389 = arith.constant 2 : i32
        %add3A_390 = arith.addi %mul3A_357, %add3A_389 : i32
        %get3A_391 = arith.index_cast %add3A_390 : i32 to index
        %get3A_392 = arith.constant 0 : index
        %get3A_393 = tpu.vector_load %arg11[%get3A_391, %get3A_392] {strides = array<i32>} : memref<512x16xf32, #tpu.memory_space<vmem>>, vector<1x16xf32>,
        %get3A_394 = vector.shape_cast %get3A_393 : vector<1x16xf32> to vector<16xf32>
        %slice3A_395 = vector.extract_strided_slice %get3A_355 {offsets = [2], sizes = [1], strides = [1]} : vector<16xf32> to vector<1xf32>
        %squeeze3A_396 = vector.extract %slice3A_395[0] : f32 from vector<1xf32>
        %mul3A_397 = vector.broadcast %squeeze3A_396 : f32 to vector<16xf32>
        %mul3A_398 = arith.mulf %get3A_394, %mul3A_397 : vector<16xf32>
        %add3A_399 = arith.constant 2 : i32
        %add3A_400 = arith.addi %mul3A_357, %add3A_399 : i32
        %swap3A_401 = arith.index_cast %add3A_400 : i32 to index
        %swap3A_402 = arith.constant 0 : index
        %swap3A_403 = tpu.vector_load %arg11[%swap3A_401, %swap3A_402] {strides = array<i32>} : memref<512x16xf32, #tpu.memory_space<vmem>>, vector<1x16xf32>,
        %swap3A_404 = vector.shape_cast %swap3A_403 : vector<1x16xf32> to vector<16xf32>
        %swap3A_405 = vector.shape_cast %mul3A_398 : vector<16xf32> to vector<1x16xf32>
        tpu.vector_store %arg11[%swap3A_401, %swap3A_402], %swap3A_405 {strides = array<i32>} : memref<512x16xf32, #tpu.memory_space<vmem>>, vector<1x16xf32>,
        %add3A_406 = arith.constant 3 : i32
        %add3A_407 = arith.addi %mul3A_357, %add3A_406 : i32
        %get3A_408 = arith.index_cast %add3A_407 : i32 to index
        %get3A_409 = arith.constant 0 : index
        %get3A_410 = tpu.vector_load %arg11[%get3A_408, %get3A_409] {strides = array<i32>} : memref<512x16xf32, #tpu.memory_space<vmem>>, vector<1x16xf32>,
        %get3A_411 = vector.shape_cast %get3A_410 : vector<1x16xf32> to vector<16xf32>
        %slice3A_412 = vector.extract_strided_slice %get3A_355 {offsets = [3], sizes = [1], strides = [1]} : vector<16xf32> to vector<1xf32>
        %squeeze3A_413 = vector.extract %slice3A_412[0] : f32 from vector<1xf32>
        %mul3A_414 = vector.broadcast %squeeze3A_413 : f32 to vector<16xf32>
        %mul3A_415 = arith.mulf %get3A_411, %mul3A_414 : vector<16xf32>
        %add3A_416 = arith.constant 3 : i32
        %add3A_417 = arith.addi %mul3A_357, %add3A_416 : i32
        %swap3A_418 = arith.index_cast %add3A_417 : i32 to index
        %swap3A_419 = arith.constant 0 : index
        %swap3A_420 = tpu.vector_load %arg11[%swap3A_418, %swap3A_419] {strides = array<i32>} : memref<512x16xf32, #tpu.memory_space<vmem>>, vector<1x16xf32>,
        %swap3A_421 = vector.shape_cast %swap3A_420 : vector<1x16xf32> to vector<16xf32>
        %swap3A_422 = vector.shape_cast %mul3A_415 : vector<16xf32> to vector<1x16xf32>
        tpu.vector_store %arg11[%swap3A_418, %swap3A_419], %swap3A_422 {strides = array<i32>} : memref<512x16xf32, #tpu.memory_space<vmem>>, vector<1x16xf32>,
        %add3A_423 = arith.constant 4 : i32
        %add3A_424 = arith.addi %mul3A_357, %add3A_423 : i32
        %get3A_425 = arith.index_cast %add3A_424 : i32 to index
        %get3A_426 = arith.constant 0 : index
        %get3A_427 = tpu.vector_load %arg11[%get3A_425, %get3A_426] {strides = array<i32>} : memref<512x16xf32, #tpu.memory_space<vmem>>, vector<1x16xf32>,
        %get3A_428 = vector.shape_cast %get3A_427 : vector<1x16xf32> to vector<16xf32>
        %slice3A_429 = vector.extract_strided_slice %get3A_355 {offsets = [4], sizes = [1], strides = [1]} : vector<16xf32> to vector<1xf32>
        %squeeze3A_430 = vector.extract %slice3A_429[0] : f32 from vector<1xf32>
        %mul3A_431 = vector.broadcast %squeeze3A_430 : f32 to vector<16xf32>
        %mul3A_432 = arith.mulf %get3A_428, %mul3A_431 : vector<16xf32>
        %add3A_433 = arith.constant 4 : i32
        %add3A_434 = arith.addi %mul3A_357, %add3A_433 : i32
        %swap3A_435 = arith.index_cast %add3A_434 : i32 to index
        %swap3A_436 = arith.constant 0 : index
        %swap3A_437 = tpu.vector_load %arg11[%swap3A_435, %swap3A_436] {strides = array<i32>} : memref<512x16xf32, #tpu.memory_space<vmem>>, vector<1x16xf32>,
        %swap3A_438 = vector.shape_cast %swap3A_437 : vector<1x16xf32> to vector<16xf32>
        %swap3A_439 = vector.shape_cast %mul3A_432 : vector<16xf32> to vector<1x16xf32>
        tpu.vector_store %arg11[%swap3A_435, %swap3A_436], %swap3A_439 {strides = array<i32>} : memref<512x16xf32, #tpu.memory_space<vmem>>, vector<1x16xf32>,
        %add3A_440 = arith.constant 5 : i32
        %add3A_441 = arith.addi %mul3A_357, %add3A_440 : i32
        %get3A_442 = arith.index_cast %add3A_441 : i32 to index
        %get3A_443 = arith.constant 0 : index
        %get3A_444 = tpu.vector_load %arg11[%get3A_442, %get3A_443] {strides = array<i32>} : memref<512x16xf32, #tpu.memory_space<vmem>>, vector<1x16xf32>,
        %get3A_445 = vector.shape_cast %get3A_444 : vector<1x16xf32> to vector<16xf32>
        %slice3A_446 = vector.extract_strided_slice %get3A_355 {offsets = [5], sizes = [1], strides = [1]} : vector<16xf32> to vector<1xf32>
        %squeeze3A_447 = vector.extract %slice3A_446[0] : f32 from vector<1xf32>
        %mul3A_448 = vector.broadcast %squeeze3A_447 : f32 to vector<16xf32>
        %mul3A_449 = arith.mulf %get3A_445, %mul3A_448 : vector<16xf32>
        %add3A_450 = arith.constant 5 : i32
        %add3A_451 = arith.addi %mul3A_357, %add3A_450 : i32
        %swap3A_452 = arith.index_cast %add3A_451 : i32 to index
        %swap3A_453 = arith.constant 0 : index
        %swap3A_454 = tpu.vector_load %arg11[%swap3A_452, %swap3A_453] {strides = array<i32>} : memref<512x16xf32, #tpu.memory_space<vmem>>, vector<1x16xf32>,
        %swap3A_455 = vector.shape_cast %swap3A_454 : vector<1x16xf32> to vector<16xf32>
        %swap3A_456 = vector.shape_cast %mul3A_449 : vector<16xf32> to vector<1x16xf32>
        tpu.vector_store %arg11[%swap3A_452, %swap3A_453], %swap3A_456 {strides = array<i32>} : memref<512x16xf32, #tpu.memory_space<vmem>>, vector<1x16xf32>,
        %add3A_457 = arith.constant 6 : i32
        %add3A_458 = arith.addi %mul3A_357, %add3A_457 : i32
        %get3A_459 = arith.index_cast %add3A_458 : i32 to index
        %get3A_460 = arith.constant 0 : index
        %get3A_461 = tpu.vector_load %arg11[%get3A_459, %get3A_460] {strides = array<i32>} : memref<512x16xf32, #tpu.memory_space<vmem>>, vector<1x16xf32>,
        %get3A_462 = vector.shape_cast %get3A_461 : vector<1x16xf32> to vector<16xf32>
        %slice3A_463 = vector.extract_strided_slice %get3A_355 {offsets = [6], sizes = [1], strides = [1]} : vector<16xf32> to vector<1xf32>
        %squeeze3A_464 = vector.extract %slice3A_463[0] : f32 from vector<1xf32>
        %mul3A_465 = vector.broadcast %squeeze3A_464 : f32 to vector<16xf32>
        %mul3A_466 = arith.mulf %get3A_462, %mul3A_465 : vector<16xf32>
        %add3A_467 = arith.constant 6 : i32
        %add3A_468 = arith.addi %mul3A_357, %add3A_467 : i32
        %swap3A_469 = arith.index_cast %add3A_468 : i32 to index
        %swap3A_470 = arith.constant 0 : index
        %swap3A_471 = tpu.vector_load %arg11[%swap3A_469, %swap3A_470] {strides = array<i32>} : memref<512x16xf32, #tpu.memory_space<vmem>>, vector<1x16xf32>,
        %swap3A_472 = vector.shape_cast %swap3A_471 : vector<1x16xf32> to vector<16xf32>
        %swap3A_473 = vector.shape_cast %mul3A_466 : vector<16xf32> to vector<1x16xf32>
        tpu.vector_store %arg11[%swap3A_469, %swap3A_470], %swap3A_473 {strides = array<i32>} : memref<512x16xf32, #tpu.memory_space<vmem>>, vector<1x16xf32>,
        %add3A_474 = arith.constant 7 : i32
        %add3A_475 = arith.addi %mul3A_357, %add3A_474 : i32
        %get3A_476 = arith.index_cast %add3A_475 : i32 to index
        %get3A_477 = arith.constant 0 : index
        %get3A_478 = tpu.vector_load %arg11[%get3A_476, %get3A_477] {strides = array<i32>} : memref<512x16xf32, #tpu.memory_space<vmem>>, vector<1x16xf32>,
        %get3A_479 = vector.shape_cast %get3A_478 : vector<1x16xf32> to vector<16xf32>
        %slice3A_480 = vector.extract_strided_slice %get3A_355 {offsets = [7], sizes = [1], strides = [1]} : vector<16xf32> to vector<1xf32>
        %squeeze3A_481 = vector.extract %slice3A_480[0] : f32 from vector<1xf32>
        %mul3A_482 = vector.broadcast %squeeze3A_481 : f32 to vector<16xf32>
        %mul3A_483 = arith.mulf %get3A_479, %mul3A_482 : vector<16xf32>
        %add3A_484 = arith.constant 7 : i32
        %add3A_485 = arith.addi %mul3A_357, %add3A_484 : i32
        %swap3A_486 = arith.index_cast %add3A_485 : i32 to index
        %swap3A_487 = arith.constant 0 : index
        %swap3A_488 = tpu.vector_load %arg11[%swap3A_486, %swap3A_487] {strides = array<i32>} : memref<512x16xf32, #tpu.memory_space<vmem>>, vector<1x16xf32>,
        %swap3A_489 = vector.shape_cast %swap3A_488 : vector<1x16xf32> to vector<16xf32>
        %swap3A_490 = vector.shape_cast %mul3A_483 : vector<16xf32> to vector<1x16xf32>
        tpu.vector_store %arg11[%swap3A_486, %swap3A_487], %swap3A_490 {strides = array<i32>} : memref<512x16xf32, #tpu.memory_space<vmem>>, vector<1x16xf32>,
        %add3A_491 = arith.constant 8 : i32
        %add3A_492 = arith.addi %mul3A_357, %add3A_491 : i32
        %get3A_493 = arith.index_cast %add3A_492 : i32 to index
        %get3A_494 = arith.constant 0 : index
        %get3A_495 = tpu.vector_load %arg11[%get3A_493, %get3A_494] {strides = array<i32>} : memref<512x16xf32, #tpu.memory_space<vmem>>, vector<1x16xf32>,
        %get3A_496 = vector.shape_cast %get3A_495 : vector<1x16xf32> to vector<16xf32>
        %slice3A_497 = vector.extract_strided_slice %get3A_355 {offsets = [8], sizes = [1], strides = [1]} : vector<16xf32> to vector<1xf32>
        %squeeze3A_498 = vector.extract %slice3A_497[0] : f32 from vector<1xf32>
        %mul3A_499 = vector.broadcast %squeeze3A_498 : f32 to vector<16xf32>
        %mul3A_500 = arith.mulf %get3A_496, %mul3A_499 : vector<16xf32>
        %add3A_501 = arith.constant 8 : i32
        %add3A_502 = arith.addi %mul3A_357, %add3A_501 : i32
        %swap3A_503 = arith.index_cast %add3A_502 : i32 to index
        %swap3A_504 = arith.constant 0 : index
        %swap3A_505 = tpu.vector_load %arg11[%swap3A_503, %swap3A_504] {strides = array<i32>} : memref<512x16xf32, #tpu.memory_space<vmem>>, vector<1x16xf32>,
        %swap3A_506 = vector.shape_cast %swap3A_505 : vector<1x16xf32> to vector<16xf32>
        %swap3A_507 = vector.shape_cast %mul3A_500 : vector<16xf32> to vector<1x16xf32>
        tpu.vector_store %arg11[%swap3A_503, %swap3A_504], %swap3A_507 {strides = array<i32>} : memref<512x16xf32, #tpu.memory_space<vmem>>, vector<1x16xf32>,
        %add3A_508 = arith.constant 9 : i32
        %add3A_509 = arith.addi %mul3A_357, %add3A_508 : i32
        %get3A_510 = arith.index_cast %add3A_509 : i32 to index
        %get3A_511 = arith.constant 0 : index
        %get3A_512 = tpu.vector_load %arg11[%get3A_510, %get3A_511] {strides = array<i32>} : memref<512x16xf32, #tpu.memory_space<vmem>>, vector<1x16xf32>,
        %get3A_513 = vector.shape_cast %get3A_512 : vector<1x16xf32> to vector<16xf32>
        %slice3A_514 = vector.extract_strided_slice %get3A_355 {offsets = [9], sizes = [1], strides = [1]} : vector<16xf32> to vector<1xf32>
        %squeeze3A_515 = vector.extract %slice3A_514[0] : f32 from vector<1xf32>
        %mul3A_516 = vector.broadcast %squeeze3A_515 : f32 to vector<16xf32>
        %mul3A_517 = arith.mulf %get3A_513, %mul3A_516 : vector<16xf32>
        %add3A_518 = arith.constant 9 : i32
        %add3A_519 = arith.addi %mul3A_357, %add3A_518 : i32
        %swap3A_520 = arith.index_cast %add3A_519 : i32 to index
        %swap3A_521 = arith.constant 0 : index
        %swap3A_522 = tpu.vector_load %arg11[%swap3A_520, %swap3A_521] {strides = array<i32>} : memref<512x16xf32, #tpu.memory_space<vmem>>, vector<1x16xf32>,
        %swap3A_523 = vector.shape_cast %swap3A_522 : vector<1x16xf32> to vector<16xf32>
        %swap3A_524 = vector.shape_cast %mul3A_517 : vector<16xf32> to vector<1x16xf32>
        tpu.vector_store %arg11[%swap3A_520, %swap3A_521], %swap3A_524 {strides = array<i32>} : memref<512x16xf32, #tpu.memory_space<vmem>>, vector<1x16xf32>,
        %add3A_525 = arith.constant 10 : i32
        %add3A_526 = arith.addi %mul3A_357, %add3A_525 : i32
        %get3A_527 = arith.index_cast %add3A_526 : i32 to index
        %get3A_528 = arith.constant 0 : index
        %get3A_529 = tpu.vector_load %arg11[%get3A_527, %get3A_528] {strides = array<i32>} : memref<512x16xf32, #tpu.memory_space<vmem>>, vector<1x16xf32>,
        %get3A_530 = vector.shape_cast %get3A_529 : vector<1x16xf32> to vector<16xf32>
        %slice3A_531 = vector.extract_strided_slice %get3A_355 {offsets = [10], sizes = [1], strides = [1]} : vector<16xf32> to vector<1xf32>
        %squeeze3A_532 = vector.extract %slice3A_531[0] : f32 from vector<1xf32>
        %mul3A_533 = vector.broadcast %squeeze3A_532 : f32 to vector<16xf32>
        %mul3A_534 = arith.mulf %get3A_530, %mul3A_533 : vector<16xf32>
        %add3A_535 = arith.constant 10 : i32
        %add3A_536 = arith.addi %mul3A_357, %add3A_535 : i32
        %swap3A_537 = arith.index_cast %add3A_536 : i32 to index
        %swap3A_538 = arith.constant 0 : index
        %swap3A_539 = tpu.vector_load %arg11[%swap3A_537, %swap3A_538] {strides = array<i32>} : memref<512x16xf32, #tpu.memory_space<vmem>>, vector<1x16xf32>,
        %swap3A_540 = vector.shape_cast %swap3A_539 : vector<1x16xf32> to vector<16xf32>
        %swap3A_541 = vector.shape_cast %mul3A_534 : vector<16xf32> to vector<1x16xf32>
        tpu.vector_store %arg11[%swap3A_537, %swap3A_538], %swap3A_541 {strides = array<i32>} : memref<512x16xf32, #tpu.memory_space<vmem>>, vector<1x16xf32>,
        %add3A_542 = arith.constant 11 : i32
        %add3A_543 = arith.addi %mul3A_357, %add3A_542 : i32
        %get3A_544 = arith.index_cast %add3A_543 : i32 to index
        %get3A_545 = arith.constant 0 : index
        %get3A_546 = tpu.vector_load %arg11[%get3A_544, %get3A_545] {strides = array<i32>} : memref<512x16xf32, #tpu.memory_space<vmem>>, vector<1x16xf32>,
        %get3A_547 = vector.shape_cast %get3A_546 : vector<1x16xf32> to vector<16xf32>
        %slice3A_548 = vector.extract_strided_slice %get3A_355 {offsets = [11], sizes = [1], strides = [1]} : vector<16xf32> to vector<1xf32>
        %squeeze3A_549 = vector.extract %slice3A_548[0] : f32 from vector<1xf32>
        %mul3A_550 = vector.broadcast %squeeze3A_549 : f32 to vector<16xf32>
        %mul3A_551 = arith.mulf %get3A_547, %mul3A_550 : vector<16xf32>
        %add3A_552 = arith.constant 11 : i32
        %add3A_553 = arith.addi %mul3A_357, %add3A_552 : i32
        %swap3A_554 = arith.index_cast %add3A_553 : i32 to index
        %swap3A_555 = arith.constant 0 : index
        %swap3A_556 = tpu.vector_load %arg11[%swap3A_554, %swap3A_555] {strides = array<i32>} : memref<512x16xf32, #tpu.memory_space<vmem>>, vector<1x16xf32>,
        %swap3A_557 = vector.shape_cast %swap3A_556 : vector<1x16xf32> to vector<16xf32>
        %swap3A_558 = vector.shape_cast %mul3A_551 : vector<16xf32> to vector<1x16xf32>
        tpu.vector_store %arg11[%swap3A_554, %swap3A_555], %swap3A_558 {strides = array<i32>} : memref<512x16xf32, #tpu.memory_space<vmem>>, vector<1x16xf32>,
        %add3A_559 = arith.constant 12 : i32
        %add3A_560 = arith.addi %mul3A_357, %add3A_559 : i32
        %get3A_561 = arith.index_cast %add3A_560 : i32 to index
        %get3A_562 = arith.constant 0 : index
        %get3A_563 = tpu.vector_load %arg11[%get3A_561, %get3A_562] {strides = array<i32>} : memref<512x16xf32, #tpu.memory_space<vmem>>, vector<1x16xf32>,
        %get3A_564 = vector.shape_cast %get3A_563 : vector<1x16xf32> to vector<16xf32>
        %slice3A_565 = vector.extract_strided_slice %get3A_355 {offsets = [12], sizes = [1], strides = [1]} : vector<16xf32> to vector<1xf32>
        %squeeze3A_566 = vector.extract %slice3A_565[0] : f32 from vector<1xf32>
        %mul3A_567 = vector.broadcast %squeeze3A_566 : f32 to vector<16xf32>
        %mul3A_568 = arith.mulf %get3A_564, %mul3A_567 : vector<16xf32>
        %add3A_569 = arith.constant 12 : i32
        %add3A_570 = arith.addi %mul3A_357, %add3A_569 : i32
        %swap3A_571 = arith.index_cast %add3A_570 : i32 to index
        %swap3A_572 = arith.constant 0 : index
        %swap3A_573 = tpu.vector_load %arg11[%swap3A_571, %swap3A_572] {strides = array<i32>} : memref<512x16xf32, #tpu.memory_space<vmem>>, vector<1x16xf32>,
        %swap3A_574 = vector.shape_cast %swap3A_573 : vector<1x16xf32> to vector<16xf32>
        %swap3A_575 = vector.shape_cast %mul3A_568 : vector<16xf32> to vector<1x16xf32>
        tpu.vector_store %arg11[%swap3A_571, %swap3A_572], %swap3A_575 {strides = array<i32>} : memref<512x16xf32, #tpu.memory_space<vmem>>, vector<1x16xf32>,
        %add3A_576 = arith.constant 13 : i32
        %add3A_577 = arith.addi %mul3A_357, %add3A_576 : i32
        %get3A_578 = arith.index_cast %add3A_577 : i32 to index
        %get3A_579 = arith.constant 0 : index
        %get3A_580 = tpu.vector_load %arg11[%get3A_578, %get3A_579] {strides = array<i32>} : memref<512x16xf32, #tpu.memory_space<vmem>>, vector<1x16xf32>,
        %get3A_581 = vector.shape_cast %get3A_580 : vector<1x16xf32> to vector<16xf32>
        %slice3A_582 = vector.extract_strided_slice %get3A_355 {offsets = [13], sizes = [1], strides = [1]} : vector<16xf32> to vector<1xf32>
        %squeeze3A_583 = vector.extract %slice3A_582[0] : f32 from vector<1xf32>
        %mul3A_584 = vector.broadcast %squeeze3A_583 : f32 to vector<16xf32>
        %mul3A_585 = arith.mulf %get3A_581, %mul3A_584 : vector<16xf32>
        %add3A_586 = arith.constant 13 : i32
        %add3A_587 = arith.addi %mul3A_357, %add3A_586 : i32
        %swap3A_588 = arith.index_cast %add3A_587 : i32 to index
        %swap3A_589 = arith.constant 0 : index
        %swap3A_590 = tpu.vector_load %arg11[%swap3A_588, %swap3A_589] {strides = array<i32>} : memref<512x16xf32, #tpu.memory_space<vmem>>, vector<1x16xf32>,
        %swap3A_591 = vector.shape_cast %swap3A_590 : vector<1x16xf32> to vector<16xf32>
        %swap3A_592 = vector.shape_cast %mul3A_585 : vector<16xf32> to vector<1x16xf32>
        tpu.vector_store %arg11[%swap3A_588, %swap3A_589], %swap3A_592 {strides = array<i32>} : memref<512x16xf32, #tpu.memory_space<vmem>>, vector<1x16xf32>,
        %add3A_593 = arith.constant 14 : i32
        %add3A_594 = arith.addi %mul3A_357, %add3A_593 : i32
        %get3A_595 = arith.index_cast %add3A_594 : i32 to index
        %get3A_596 = arith.constant 0 : index
        %get3A_597 = tpu.vector_load %arg11[%get3A_595, %get3A_596] {strides = array<i32>} : memref<512x16xf32, #tpu.memory_space<vmem>>, vector<1x16xf32>,
        %get3A_598 = vector.shape_cast %get3A_597 : vector<1x16xf32> to vector<16xf32>
        %slice3A_599 = vector.extract_strided_slice %get3A_355 {offsets = [14], sizes = [1], strides = [1]} : vector<16xf32> to vector<1xf32>
        %squeeze3A_600 = vector.extract %slice3A_599[0] : f32 from vector<1xf32>
        %mul3A_601 = vector.broadcast %squeeze3A_600 : f32 to vector<16xf32>
        %mul3A_602 = arith.mulf %get3A_598, %mul3A_601 : vector<16xf32>
        %add3A_603 = arith.constant 14 : i32
        %add3A_604 = arith.addi %mul3A_357, %add3A_603 : i32
        %swap3A_605 = arith.index_cast %add3A_604 : i32 to index
        %swap3A_606 = arith.constant 0 : index
        %swap3A_607 = tpu.vector_load %arg11[%swap3A_605, %swap3A_606] {strides = array<i32>} : memref<512x16xf32, #tpu.memory_space<vmem>>, vector<1x16xf32>,
        %swap3A_608 = vector.shape_cast %swap3A_607 : vector<1x16xf32> to vector<16xf32>
        %swap3A_609 = vector.shape_cast %mul3A_602 : vector<16xf32> to vector<1x16xf32>
        tpu.vector_store %arg11[%swap3A_605, %swap3A_606], %swap3A_609 {strides = array<i32>} : memref<512x16xf32, #tpu.memory_space<vmem>>, vector<1x16xf32>,
        %add3A_610 = arith.constant 15 : i32
        %add3A_611 = arith.addi %mul3A_357, %add3A_610 : i32
        %get3A_612 = arith.index_cast %add3A_611 : i32 to index
        %get3A_613 = arith.constant 0 : index
        %get3A_614 = tpu.vector_load %arg11[%get3A_612, %get3A_613] {strides = array<i32>} : memref<512x16xf32, #tpu.memory_space<vmem>>, vector<1x16xf32>,
        %get3A_615 = vector.shape_cast %get3A_614 : vector<1x16xf32> to vector<16xf32>
        %slice3A_616 = vector.extract_strided_slice %get3A_355 {offsets = [15], sizes = [1], strides = [1]} : vector<16xf32> to vector<1xf32>
        %squeeze3A_617 = vector.extract %slice3A_616[0] : f32 from vector<1xf32>
        %mul3A_618 = vector.broadcast %squeeze3A_617 : f32 to vector<16xf32>
        %mul3A_619 = arith.mulf %get3A_615, %mul3A_618 : vector<16xf32>
        %add3A_620 = arith.constant 15 : i32
        %add3A_621 = arith.addi %mul3A_357, %add3A_620 : i32
        %swap3A_622 = arith.index_cast %add3A_621 : i32 to index
        %swap3A_623 = arith.constant 0 : index
        %swap3A_624 = tpu.vector_load %arg11[%swap3A_622, %swap3A_623] {strides = array<i32>} : memref<512x16xf32, #tpu.memory_space<vmem>>, vector<1x16xf32>,
        %swap3A_625 = vector.shape_cast %swap3A_624 : vector<1x16xf32> to vector<16xf32>
        %swap3A_626 = vector.shape_cast %mul3A_619 : vector<16xf32> to vector<1x16xf32>
        tpu.vector_store %arg11[%swap3A_622, %swap3A_623], %swap3A_626 {strides = array<i32>} : memref<512x16xf32, #tpu.memory_space<vmem>>, vector<1x16xf32>,
        %scan3A_627 = arith.constant 0 : i32
        scf.yield %scan3A_627 : i32
      }
      %scan3A_304 = arith.constant 32 : i32
      %dma_start3A_305 = arith.constant 3072 : i32
      %dma_start3A_306 = tpu.memref_slice %arg27[%dma_start3A_305] : memref<4096xi32, #tpu.memory_space<vmem>> -> memref<512xi32, #tpu.memory_space<vmem>>
      %dma_start3A_307 = arith.constant 0 : i32
      %dma_start3A_308 = arith.constant 0 : i32
      %dma_start3A_309 = tpu.memref_slice %arg7[%dma_start3A_307, %dma_start3A_308] : memref<16384x16xf32, #tpu.memory_space<vmem_shared>> -> memref<16384x16xf32, #tpu.memory_space<vmem_shared>>
      tpu.enqueue_indirect_dma source(%arg11 : memref<512x16xf32, #tpu.memory_space<vmem>>) target(%dma_start3A_309 : memref<16384x16xf32, #tpu.memory_space<vmem_shared>>) offsets(%dma_start3A_306 : memref<512xi32, #tpu.memory_space<vmem>>) semaphore(%arg30 : memref<!tpu.dma_semaphore, #tpu.memory_space<semaphore_mem>>) {add = true}
      %dma_wait3A_310 = arith.constant 3584 : i32
      %dma_wait3A_311 = tpu.memref_slice %arg8[%dma_wait3A_310] : memref<4096xi32, #tpu.memory_space<vmem>> -> memref<512xi32, #tpu.memory_space<vmem>>
      %dma_wait3A_312 = arith.constant 0 : i32
      %dma_wait3A_313 = arith.constant 0 : i32
      %dma_wait3A_314 = tpu.memref_slice %arg37[%dma_wait3A_312, %dma_wait3A_313] : memref<16384x16xf32, #tpu.memory_space<vmem_shared>> -> memref<16384x16xf32, #tpu.memory_space<vmem_shared>>
      tpu.wait_indirect_dma semaphore(%arg20 : memref<!tpu.dma_semaphore, #tpu.memory_space<semaphore_mem>>) src(%dma_wait3A_314 : memref<16384x16xf32, #tpu.memory_space<vmem_shared>>) dst(%arg12 : memref<512x16xf32, #tpu.memory_space<vmem>>)
      %scan3A_315 = arith.constant 0 : i32
      %scan3A_316 = arith.constant 0 : i32
      %scan3A_317 = arith.constant 32 : i32
      %scan3A_318 = arith.addi %scan3A_316, %scan3A_317 : i32
      %scan3A_319 = arith.constant 1 : i32
      %scan3A_320 = scf.for %scan3A_348 = %scan3A_316 to %scan3A_318 step %scan3A_319 iter_args(%scan3A_349 = %scan3A_315) -> (i32)  : i32 {
        %mul3A_350 = arith.constant 16 : i32
        %mul3A_351 = arith.muli %scan3A_348, %mul3A_350 : i32
        %add3A_352 = arith.constant 3584 : i32
        %add3A_353 = arith.addi %add3A_352, %mul3A_351 : i32
        %get3A = arith.index_cast %add3A_353 : i32 to index
        %get3A_354 = tpu.vector_load %arg36[%get3A] {strides = array<i32>} : memref<4096xf32, #tpu.memory_space<vmem>>, vector<16xf32>,
        %get3A_355 = vector.shape_cast %get3A_354 : vector<16xf32> to vector<16xf32>
        %mul3A_356 = arith.constant 16 : i32
        %mul3A_357 = arith.muli %scan3A_348, %mul3A_356 : i32
        %add3A_358 = arith.constant 0 : i32
        %add3A_359 = arith.addi %mul3A_357, %add3A_358 : i32
        %get3A_360 = arith.index_cast %add3A_359 : i32 to index
        %get3A_361 = arith.constant 0 : index
        %get3A_362 = tpu.vector_load %arg12[%get3A_360, %get3A_361] {strides = array<i32>} : memref<512x16xf32, #tpu.memory_space<vmem>>, vector<1x16xf32>,
        %get3A_363 = vector.shape_cast %get3A_362 : vector<1x16xf32> to vector<16xf32>
        %slice3A = vector.extract_strided_slice %get3A_355 {offsets = [0], sizes = [1], strides = [1]} : vector<16xf32> to vector<1xf32>
        %squeeze3A = vector.extract %slice3A[0] : f32 from vector<1xf32>
        %mul3A_364 = vector.broadcast %squeeze3A : f32 to vector<16xf32>
        %mul3A_365 = arith.mulf %get3A_363, %mul3A_364 : vector<16xf32>
        %add3A_366 = arith.constant 0 : i32
        %add3A_367 = arith.addi %mul3A_357, %add3A_366 : i32
        %swap3A = arith.index_cast %add3A_367 : i32 to index
        %swap3A_368 = arith.constant 0 : index
        %swap3A_369 = tpu.vector_load %arg12[%swap3A, %swap3A_368] {strides = array<i32>} : memref<512x16xf32, #tpu.memory_space<vmem>>, vector<1x16xf32>,
        %swap3A_370 = vector.shape_cast %swap3A_369 : vector<1x16xf32> to vector<16xf32>
        %swap3A_371 = vector.shape_cast %mul3A_365 : vector<16xf32> to vector<1x16xf32>
        tpu.vector_store %arg12[%swap3A, %swap3A_368], %swap3A_371 {strides = array<i32>} : memref<512x16xf32, #tpu.memory_space<vmem>>, vector<1x16xf32>,
        %add3A_372 = arith.constant 1 : i32
        %add3A_373 = arith.addi %mul3A_357, %add3A_372 : i32
        %get3A_374 = arith.index_cast %add3A_373 : i32 to index
        %get3A_375 = arith.constant 0 : index
        %get3A_376 = tpu.vector_load %arg12[%get3A_374, %get3A_375] {strides = array<i32>} : memref<512x16xf32, #tpu.memory_space<vmem>>, vector<1x16xf32>,
        %get3A_377 = vector.shape_cast %get3A_376 : vector<1x16xf32> to vector<16xf32>
        %slice3A_378 = vector.extract_strided_slice %get3A_355 {offsets = [1], sizes = [1], strides = [1]} : vector<16xf32> to vector<1xf32>
        %squeeze3A_379 = vector.extract %slice3A_378[0] : f32 from vector<1xf32>
        %mul3A_380 = vector.broadcast %squeeze3A_379 : f32 to vector<16xf32>
        %mul3A_381 = arith.mulf %get3A_377, %mul3A_380 : vector<16xf32>
        %add3A_382 = arith.constant 1 : i32
        %add3A_383 = arith.addi %mul3A_357, %add3A_382 : i32
        %swap3A_384 = arith.index_cast %add3A_383 : i32 to index
        %swap3A_385 = arith.constant 0 : index
        %swap3A_386 = tpu.vector_load %arg12[%swap3A_384, %swap3A_385] {strides = array<i32>} : memref<512x16xf32, #tpu.memory_space<vmem>>, vector<1x16xf32>,
        %swap3A_387 = vector.shape_cast %swap3A_386 : vector<1x16xf32> to vector<16xf32>
        %swap3A_388 = vector.shape_cast %mul3A_381 : vector<16xf32> to vector<1x16xf32>
        tpu.vector_store %arg12[%swap3A_384, %swap3A_385], %swap3A_388 {strides = array<i32>} : memref<512x16xf32, #tpu.memory_space<vmem>>, vector<1x16xf32>,
        %add3A_389 = arith.constant 2 : i32
        %add3A_390 = arith.addi %mul3A_357, %add3A_389 : i32
        %get3A_391 = arith.index_cast %add3A_390 : i32 to index
        %get3A_392 = arith.constant 0 : index
        %get3A_393 = tpu.vector_load %arg12[%get3A_391, %get3A_392] {strides = array<i32>} : memref<512x16xf32, #tpu.memory_space<vmem>>, vector<1x16xf32>,
        %get3A_394 = vector.shape_cast %get3A_393 : vector<1x16xf32> to vector<16xf32>
        %slice3A_395 = vector.extract_strided_slice %get3A_355 {offsets = [2], sizes = [1], strides = [1]} : vector<16xf32> to vector<1xf32>
        %squeeze3A_396 = vector.extract %slice3A_395[0] : f32 from vector<1xf32>
        %mul3A_397 = vector.broadcast %squeeze3A_396 : f32 to vector<16xf32>
        %mul3A_398 = arith.mulf %get3A_394, %mul3A_397 : vector<16xf32>
        %add3A_399 = arith.constant 2 : i32
        %add3A_400 = arith.addi %mul3A_357, %add3A_399 : i32
        %swap3A_401 = arith.index_cast %add3A_400 : i32 to index
        %swap3A_402 = arith.constant 0 : index
        %swap3A_403 = tpu.vector_load %arg12[%swap3A_401, %swap3A_402] {strides = array<i32>} : memref<512x16xf32, #tpu.memory_space<vmem>>, vector<1x16xf32>,
        %swap3A_404 = vector.shape_cast %swap3A_403 : vector<1x16xf32> to vector<16xf32>
        %swap3A_405 = vector.shape_cast %mul3A_398 : vector<16xf32> to vector<1x16xf32>
        tpu.vector_store %arg12[%swap3A_401, %swap3A_402], %swap3A_405 {strides = array<i32>} : memref<512x16xf32, #tpu.memory_space<vmem>>, vector<1x16xf32>,
        %add3A_406 = arith.constant 3 : i32
        %add3A_407 = arith.addi %mul3A_357, %add3A_406 : i32
        %get3A_408 = arith.index_cast %add3A_407 : i32 to index
        %get3A_409 = arith.constant 0 : index
        %get3A_410 = tpu.vector_load %arg12[%get3A_408, %get3A_409] {strides = array<i32>} : memref<512x16xf32, #tpu.memory_space<vmem>>, vector<1x16xf32>,
        %get3A_411 = vector.shape_cast %get3A_410 : vector<1x16xf32> to vector<16xf32>
        %slice3A_412 = vector.extract_strided_slice %get3A_355 {offsets = [3], sizes = [1], strides = [1]} : vector<16xf32> to vector<1xf32>
        %squeeze3A_413 = vector.extract %slice3A_412[0] : f32 from vector<1xf32>
        %mul3A_414 = vector.broadcast %squeeze3A_413 : f32 to vector<16xf32>
        %mul3A_415 = arith.mulf %get3A_411, %mul3A_414 : vector<16xf32>
        %add3A_416 = arith.constant 3 : i32
        %add3A_417 = arith.addi %mul3A_357, %add3A_416 : i32
        %swap3A_418 = arith.index_cast %add3A_417 : i32 to index
        %swap3A_419 = arith.constant 0 : index
        %swap3A_420 = tpu.vector_load %arg12[%swap3A_418, %swap3A_419] {strides = array<i32>} : memref<512x16xf32, #tpu.memory_space<vmem>>, vector<1x16xf32>,
        %swap3A_421 = vector.shape_cast %swap3A_420 : vector<1x16xf32> to vector<16xf32>
        %swap3A_422 = vector.shape_cast %mul3A_415 : vector<16xf32> to vector<1x16xf32>
        tpu.vector_store %arg12[%swap3A_418, %swap3A_419], %swap3A_422 {strides = array<i32>} : memref<512x16xf32, #tpu.memory_space<vmem>>, vector<1x16xf32>,
        %add3A_423 = arith.constant 4 : i32
        %add3A_424 = arith.addi %mul3A_357, %add3A_423 : i32
        %get3A_425 = arith.index_cast %add3A_424 : i32 to index
        %get3A_426 = arith.constant 0 : index
        %get3A_427 = tpu.vector_load %arg12[%get3A_425, %get3A_426] {strides = array<i32>} : memref<512x16xf32, #tpu.memory_space<vmem>>, vector<1x16xf32>,
        %get3A_428 = vector.shape_cast %get3A_427 : vector<1x16xf32> to vector<16xf32>
        %slice3A_429 = vector.extract_strided_slice %get3A_355 {offsets = [4], sizes = [1], strides = [1]} : vector<16xf32> to vector<1xf32>
        %squeeze3A_430 = vector.extract %slice3A_429[0] : f32 from vector<1xf32>
        %mul3A_431 = vector.broadcast %squeeze3A_430 : f32 to vector<16xf32>
        %mul3A_432 = arith.mulf %get3A_428, %mul3A_431 : vector<16xf32>
        %add3A_433 = arith.constant 4 : i32
        %add3A_434 = arith.addi %mul3A_357, %add3A_433 : i32
        %swap3A_435 = arith.index_cast %add3A_434 : i32 to index
        %swap3A_436 = arith.constant 0 : index
        %swap3A_437 = tpu.vector_load %arg12[%swap3A_435, %swap3A_436] {strides = array<i32>} : memref<512x16xf32, #tpu.memory_space<vmem>>, vector<1x16xf32>,
        %swap3A_438 = vector.shape_cast %swap3A_437 : vector<1x16xf32> to vector<16xf32>
        %swap3A_439 = vector.shape_cast %mul3A_432 : vector<16xf32> to vector<1x16xf32>
        tpu.vector_store %arg12[%swap3A_435, %swap3A_436], %swap3A_439 {strides = array<i32>} : memref<512x16xf32, #tpu.memory_space<vmem>>, vector<1x16xf32>,
        %add3A_440 = arith.constant 5 : i32
        %add3A_441 = arith.addi %mul3A_357, %add3A_440 : i32
        %get3A_442 = arith.index_cast %add3A_441 : i32 to index
        %get3A_443 = arith.constant 0 : index
        %get3A_444 = tpu.vector_load %arg12[%get3A_442, %get3A_443] {strides = array<i32>} : memref<512x16xf32, #tpu.memory_space<vmem>>, vector<1x16xf32>,
        %get3A_445 = vector.shape_cast %get3A_444 : vector<1x16xf32> to vector<16xf32>
        %slice3A_446 = vector.extract_strided_slice %get3A_355 {offsets = [5], sizes = [1], strides = [1]} : vector<16xf32> to vector<1xf32>
        %squeeze3A_447 = vector.extract %slice3A_446[0] : f32 from vector<1xf32>
        %mul3A_448 = vector.broadcast %squeeze3A_447 : f32 to vector<16xf32>
        %mul3A_449 = arith.mulf %get3A_445, %mul3A_448 : vector<16xf32>
        %add3A_450 = arith.constant 5 : i32
        %add3A_451 = arith.addi %mul3A_357, %add3A_450 : i32
        %swap3A_452 = arith.index_cast %add3A_451 : i32 to index
        %swap3A_453 = arith.constant 0 : index
        %swap3A_454 = tpu.vector_load %arg12[%swap3A_452, %swap3A_453] {strides = array<i32>} : memref<512x16xf32, #tpu.memory_space<vmem>>, vector<1x16xf32>,
        %swap3A_455 = vector.shape_cast %swap3A_454 : vector<1x16xf32> to vector<16xf32>
        %swap3A_456 = vector.shape_cast %mul3A_449 : vector<16xf32> to vector<1x16xf32>
        tpu.vector_store %arg12[%swap3A_452, %swap3A_453], %swap3A_456 {strides = array<i32>} : memref<512x16xf32, #tpu.memory_space<vmem>>, vector<1x16xf32>,
        %add3A_457 = arith.constant 6 : i32
        %add3A_458 = arith.addi %mul3A_357, %add3A_457 : i32
        %get3A_459 = arith.index_cast %add3A_458 : i32 to index
        %get3A_460 = arith.constant 0 : index
        %get3A_461 = tpu.vector_load %arg12[%get3A_459, %get3A_460] {strides = array<i32>} : memref<512x16xf32, #tpu.memory_space<vmem>>, vector<1x16xf32>,
        %get3A_462 = vector.shape_cast %get3A_461 : vector<1x16xf32> to vector<16xf32>
        %slice3A_463 = vector.extract_strided_slice %get3A_355 {offsets = [6], sizes = [1], strides = [1]} : vector<16xf32> to vector<1xf32>
        %squeeze3A_464 = vector.extract %slice3A_463[0] : f32 from vector<1xf32>
        %mul3A_465 = vector.broadcast %squeeze3A_464 : f32 to vector<16xf32>
        %mul3A_466 = arith.mulf %get3A_462, %mul3A_465 : vector<16xf32>
        %add3A_467 = arith.constant 6 : i32
        %add3A_468 = arith.addi %mul3A_357, %add3A_467 : i32
        %swap3A_469 = arith.index_cast %add3A_468 : i32 to index
        %swap3A_470 = arith.constant 0 : index
        %swap3A_471 = tpu.vector_load %arg12[%swap3A_469, %swap3A_470] {strides = array<i32>} : memref<512x16xf32, #tpu.memory_space<vmem>>, vector<1x16xf32>,
        %swap3A_472 = vector.shape_cast %swap3A_471 : vector<1x16xf32> to vector<16xf32>
        %swap3A_473 = vector.shape_cast %mul3A_466 : vector<16xf32> to vector<1x16xf32>
        tpu.vector_store %arg12[%swap3A_469, %swap3A_470], %swap3A_473 {strides = array<i32>} : memref<512x16xf32, #tpu.memory_space<vmem>>, vector<1x16xf32>,
        %add3A_474 = arith.constant 7 : i32
        %add3A_475 = arith.addi %mul3A_357, %add3A_474 : i32
        %get3A_476 = arith.index_cast %add3A_475 : i32 to index
        %get3A_477 = arith.constant 0 : index
        %get3A_478 = tpu.vector_load %arg12[%get3A_476, %get3A_477] {strides = array<i32>} : memref<512x16xf32, #tpu.memory_space<vmem>>, vector<1x16xf32>,
        %get3A_479 = vector.shape_cast %get3A_478 : vector<1x16xf32> to vector<16xf32>
        %slice3A_480 = vector.extract_strided_slice %get3A_355 {offsets = [7], sizes = [1], strides = [1]} : vector<16xf32> to vector<1xf32>
        %squeeze3A_481 = vector.extract %slice3A_480[0] : f32 from vector<1xf32>
        %mul3A_482 = vector.broadcast %squeeze3A_481 : f32 to vector<16xf32>
        %mul3A_483 = arith.mulf %get3A_479, %mul3A_482 : vector<16xf32>
        %add3A_484 = arith.constant 7 : i32
        %add3A_485 = arith.addi %mul3A_357, %add3A_484 : i32
        %swap3A_486 = arith.index_cast %add3A_485 : i32 to index
        %swap3A_487 = arith.constant 0 : index
        %swap3A_488 = tpu.vector_load %arg12[%swap3A_486, %swap3A_487] {strides = array<i32>} : memref<512x16xf32, #tpu.memory_space<vmem>>, vector<1x16xf32>,
        %swap3A_489 = vector.shape_cast %swap3A_488 : vector<1x16xf32> to vector<16xf32>
        %swap3A_490 = vector.shape_cast %mul3A_483 : vector<16xf32> to vector<1x16xf32>
        tpu.vector_store %arg12[%swap3A_486, %swap3A_487], %swap3A_490 {strides = array<i32>} : memref<512x16xf32, #tpu.memory_space<vmem>>, vector<1x16xf32>,
        %add3A_491 = arith.constant 8 : i32
        %add3A_492 = arith.addi %mul3A_357, %add3A_491 : i32
        %get3A_493 = arith.index_cast %add3A_492 : i32 to index
        %get3A_494 = arith.constant 0 : index
        %get3A_495 = tpu.vector_load %arg12[%get3A_493, %get3A_494] {strides = array<i32>} : memref<512x16xf32, #tpu.memory_space<vmem>>, vector<1x16xf32>,
        %get3A_496 = vector.shape_cast %get3A_495 : vector<1x16xf32> to vector<16xf32>
        %slice3A_497 = vector.extract_strided_slice %get3A_355 {offsets = [8], sizes = [1], strides = [1]} : vector<16xf32> to vector<1xf32>
        %squeeze3A_498 = vector.extract %slice3A_497[0] : f32 from vector<1xf32>
        %mul3A_499 = vector.broadcast %squeeze3A_498 : f32 to vector<16xf32>
        %mul3A_500 = arith.mulf %get3A_496, %mul3A_499 : vector<16xf32>
        %add3A_501 = arith.constant 8 : i32
        %add3A_502 = arith.addi %mul3A_357, %add3A_501 : i32
        %swap3A_503 = arith.index_cast %add3A_502 : i32 to index
        %swap3A_504 = arith.constant 0 : index
        %swap3A_505 = tpu.vector_load %arg12[%swap3A_503, %swap3A_504] {strides = array<i32>} : memref<512x16xf32, #tpu.memory_space<vmem>>, vector<1x16xf32>,
        %swap3A_506 = vector.shape_cast %swap3A_505 : vector<1x16xf32> to vector<16xf32>
        %swap3A_507 = vector.shape_cast %mul3A_500 : vector<16xf32> to vector<1x16xf32>
        tpu.vector_store %arg12[%swap3A_503, %swap3A_504], %swap3A_507 {strides = array<i32>} : memref<512x16xf32, #tpu.memory_space<vmem>>, vector<1x16xf32>,
        %add3A_508 = arith.constant 9 : i32
        %add3A_509 = arith.addi %mul3A_357, %add3A_508 : i32
        %get3A_510 = arith.index_cast %add3A_509 : i32 to index
        %get3A_511 = arith.constant 0 : index
        %get3A_512 = tpu.vector_load %arg12[%get3A_510, %get3A_511] {strides = array<i32>} : memref<512x16xf32, #tpu.memory_space<vmem>>, vector<1x16xf32>,
        %get3A_513 = vector.shape_cast %get3A_512 : vector<1x16xf32> to vector<16xf32>
        %slice3A_514 = vector.extract_strided_slice %get3A_355 {offsets = [9], sizes = [1], strides = [1]} : vector<16xf32> to vector<1xf32>
        %squeeze3A_515 = vector.extract %slice3A_514[0] : f32 from vector<1xf32>
        %mul3A_516 = vector.broadcast %squeeze3A_515 : f32 to vector<16xf32>
        %mul3A_517 = arith.mulf %get3A_513, %mul3A_516 : vector<16xf32>
        %add3A_518 = arith.constant 9 : i32
        %add3A_519 = arith.addi %mul3A_357, %add3A_518 : i32
        %swap3A_520 = arith.index_cast %add3A_519 : i32 to index
        %swap3A_521 = arith.constant 0 : index
        %swap3A_522 = tpu.vector_load %arg12[%swap3A_520, %swap3A_521] {strides = array<i32>} : memref<512x16xf32, #tpu.memory_space<vmem>>, vector<1x16xf32>,
        %swap3A_523 = vector.shape_cast %swap3A_522 : vector<1x16xf32> to vector<16xf32>
        %swap3A_524 = vector.shape_cast %mul3A_517 : vector<16xf32> to vector<1x16xf32>
        tpu.vector_store %arg12[%swap3A_520, %swap3A_521], %swap3A_524 {strides = array<i32>} : memref<512x16xf32, #tpu.memory_space<vmem>>, vector<1x16xf32>,
        %add3A_525 = arith.constant 10 : i32
        %add3A_526 = arith.addi %mul3A_357, %add3A_525 : i32
        %get3A_527 = arith.index_cast %add3A_526 : i32 to index
        %get3A_528 = arith.constant 0 : index
        %get3A_529 = tpu.vector_load %arg12[%get3A_527, %get3A_528] {strides = array<i32>} : memref<512x16xf32, #tpu.memory_space<vmem>>, vector<1x16xf32>,
        %get3A_530 = vector.shape_cast %get3A_529 : vector<1x16xf32> to vector<16xf32>
        %slice3A_531 = vector.extract_strided_slice %get3A_355 {offsets = [10], sizes = [1], strides = [1]} : vector<16xf32> to vector<1xf32>
        %squeeze3A_532 = vector.extract %slice3A_531[0] : f32 from vector<1xf32>
        %mul3A_533 = vector.broadcast %squeeze3A_532 : f32 to vector<16xf32>
        %mul3A_534 = arith.mulf %get3A_530, %mul3A_533 : vector<16xf32>
        %add3A_535 = arith.constant 10 : i32
        %add3A_536 = arith.addi %mul3A_357, %add3A_535 : i32
        %swap3A_537 = arith.index_cast %add3A_536 : i32 to index
        %swap3A_538 = arith.constant 0 : index
        %swap3A_539 = tpu.vector_load %arg12[%swap3A_537, %swap3A_538] {strides = array<i32>} : memref<512x16xf32, #tpu.memory_space<vmem>>, vector<1x16xf32>,
        %swap3A_540 = vector.shape_cast %swap3A_539 : vector<1x16xf32> to vector<16xf32>
        %swap3A_541 = vector.shape_cast %mul3A_534 : vector<16xf32> to vector<1x16xf32>
        tpu.vector_store %arg12[%swap3A_537, %swap3A_538], %swap3A_541 {strides = array<i32>} : memref<512x16xf32, #tpu.memory_space<vmem>>, vector<1x16xf32>,
        %add3A_542 = arith.constant 11 : i32
        %add3A_543 = arith.addi %mul3A_357, %add3A_542 : i32
        %get3A_544 = arith.index_cast %add3A_543 : i32 to index
        %get3A_545 = arith.constant 0 : index
        %get3A_546 = tpu.vector_load %arg12[%get3A_544, %get3A_545] {strides = array<i32>} : memref<512x16xf32, #tpu.memory_space<vmem>>, vector<1x16xf32>,
        %get3A_547 = vector.shape_cast %get3A_546 : vector<1x16xf32> to vector<16xf32>
        %slice3A_548 = vector.extract_strided_slice %get3A_355 {offsets = [11], sizes = [1], strides = [1]} : vector<16xf32> to vector<1xf32>
        %squeeze3A_549 = vector.extract %slice3A_548[0] : f32 from vector<1xf32>
        %mul3A_550 = vector.broadcast %squeeze3A_549 : f32 to vector<16xf32>
        %mul3A_551 = arith.mulf %get3A_547, %mul3A_550 : vector<16xf32>
        %add3A_552 = arith.constant 11 : i32
        %add3A_553 = arith.addi %mul3A_357, %add3A_552 : i32
        %swap3A_554 = arith.index_cast %add3A_553 : i32 to index
        %swap3A_555 = arith.constant 0 : index
        %swap3A_556 = tpu.vector_load %arg12[%swap3A_554, %swap3A_555] {strides = array<i32>} : memref<512x16xf32, #tpu.memory_space<vmem>>, vector<1x16xf32>,
        %swap3A_557 = vector.shape_cast %swap3A_556 : vector<1x16xf32> to vector<16xf32>
        %swap3A_558 = vector.shape_cast %mul3A_551 : vector<16xf32> to vector<1x16xf32>
        tpu.vector_store %arg12[%swap3A_554, %swap3A_555], %swap3A_558 {strides = array<i32>} : memref<512x16xf32, #tpu.memory_space<vmem>>, vector<1x16xf32>,
        %add3A_559 = arith.constant 12 : i32
        %add3A_560 = arith.addi %mul3A_357, %add3A_559 : i32
        %get3A_561 = arith.index_cast %add3A_560 : i32 to index
        %get3A_562 = arith.constant 0 : index
        %get3A_563 = tpu.vector_load %arg12[%get3A_561, %get3A_562] {strides = array<i32>} : memref<512x16xf32, #tpu.memory_space<vmem>>, vector<1x16xf32>,
        %get3A_564 = vector.shape_cast %get3A_563 : vector<1x16xf32> to vector<16xf32>
        %slice3A_565 = vector.extract_strided_slice %get3A_355 {offsets = [12], sizes = [1], strides = [1]} : vector<16xf32> to vector<1xf32>
        %squeeze3A_566 = vector.extract %slice3A_565[0] : f32 from vector<1xf32>
        %mul3A_567 = vector.broadcast %squeeze3A_566 : f32 to vector<16xf32>
        %mul3A_568 = arith.mulf %get3A_564, %mul3A_567 : vector<16xf32>
        %add3A_569 = arith.constant 12 : i32
        %add3A_570 = arith.addi %mul3A_357, %add3A_569 : i32
        %swap3A_571 = arith.index_cast %add3A_570 : i32 to index
        %swap3A_572 = arith.constant 0 : index
        %swap3A_573 = tpu.vector_load %arg12[%swap3A_571, %swap3A_572] {strides = array<i32>} : memref<512x16xf32, #tpu.memory_space<vmem>>, vector<1x16xf32>,
        %swap3A_574 = vector.shape_cast %swap3A_573 : vector<1x16xf32> to vector<16xf32>
        %swap3A_575 = vector.shape_cast %mul3A_568 : vector<16xf32> to vector<1x16xf32>
        tpu.vector_store %arg12[%swap3A_571, %swap3A_572], %swap3A_575 {strides = array<i32>} : memref<512x16xf32, #tpu.memory_space<vmem>>, vector<1x16xf32>,
        %add3A_576 = arith.constant 13 : i32
        %add3A_577 = arith.addi %mul3A_357, %add3A_576 : i32
        %get3A_578 = arith.index_cast %add3A_577 : i32 to index
        %get3A_579 = arith.constant 0 : index
        %get3A_580 = tpu.vector_load %arg12[%get3A_578, %get3A_579] {strides = array<i32>} : memref<512x16xf32, #tpu.memory_space<vmem>>, vector<1x16xf32>,
        %get3A_581 = vector.shape_cast %get3A_580 : vector<1x16xf32> to vector<16xf32>
        %slice3A_582 = vector.extract_strided_slice %get3A_355 {offsets = [13], sizes = [1], strides = [1]} : vector<16xf32> to vector<1xf32>
        %squeeze3A_583 = vector.extract %slice3A_582[0] : f32 from vector<1xf32>
        %mul3A_584 = vector.broadcast %squeeze3A_583 : f32 to vector<16xf32>
        %mul3A_585 = arith.mulf %get3A_581, %mul3A_584 : vector<16xf32>
        %add3A_586 = arith.constant 13 : i32
        %add3A_587 = arith.addi %mul3A_357, %add3A_586 : i32
        %swap3A_588 = arith.index_cast %add3A_587 : i32 to index
        %swap3A_589 = arith.constant 0 : index
        %swap3A_590 = tpu.vector_load %arg12[%swap3A_588, %swap3A_589] {strides = array<i32>} : memref<512x16xf32, #tpu.memory_space<vmem>>, vector<1x16xf32>,
        %swap3A_591 = vector.shape_cast %swap3A_590 : vector<1x16xf32> to vector<16xf32>
        %swap3A_592 = vector.shape_cast %mul3A_585 : vector<16xf32> to vector<1x16xf32>
        tpu.vector_store %arg12[%swap3A_588, %swap3A_589], %swap3A_592 {strides = array<i32>} : memref<512x16xf32, #tpu.memory_space<vmem>>, vector<1x16xf32>,
        %add3A_593 = arith.constant 14 : i32
        %add3A_594 = arith.addi %mul3A_357, %add3A_593 : i32
        %get3A_595 = arith.index_cast %add3A_594 : i32 to index
        %get3A_596 = arith.constant 0 : index
        %get3A_597 = tpu.vector_load %arg12[%get3A_595, %get3A_596] {strides = array<i32>} : memref<512x16xf32, #tpu.memory_space<vmem>>, vector<1x16xf32>,
        %get3A_598 = vector.shape_cast %get3A_597 : vector<1x16xf32> to vector<16xf32>
        %slice3A_599 = vector.extract_strided_slice %get3A_355 {offsets = [14], sizes = [1], strides = [1]} : vector<16xf32> to vector<1xf32>
        %squeeze3A_600 = vector.extract %slice3A_599[0] : f32 from vector<1xf32>
        %mul3A_601 = vector.broadcast %squeeze3A_600 : f32 to vector<16xf32>
        %mul3A_602 = arith.mulf %get3A_598, %mul3A_601 : vector<16xf32>
        %add3A_603 = arith.constant 14 : i32
        %add3A_604 = arith.addi %mul3A_357, %add3A_603 : i32
        %swap3A_605 = arith.index_cast %add3A_604 : i32 to index
        %swap3A_606 = arith.constant 0 : index
        %swap3A_607 = tpu.vector_load %arg12[%swap3A_605, %swap3A_606] {strides = array<i32>} : memref<512x16xf32, #tpu.memory_space<vmem>>, vector<1x16xf32>,
        %swap3A_608 = vector.shape_cast %swap3A_607 : vector<1x16xf32> to vector<16xf32>
        %swap3A_609 = vector.shape_cast %mul3A_602 : vector<16xf32> to vector<1x16xf32>
        tpu.vector_store %arg12[%swap3A_605, %swap3A_606], %swap3A_609 {strides = array<i32>} : memref<512x16xf32, #tpu.memory_space<vmem>>, vector<1x16xf32>,
        %add3A_610 = arith.constant 15 : i32
        %add3A_611 = arith.addi %mul3A_357, %add3A_610 : i32
        %get3A_612 = arith.index_cast %add3A_611 : i32 to index
        %get3A_613 = arith.constant 0 : index
        %get3A_614 = tpu.vector_load %arg12[%get3A_612, %get3A_613] {strides = array<i32>} : memref<512x16xf32, #tpu.memory_space<vmem>>, vector<1x16xf32>,
        %get3A_615 = vector.shape_cast %get3A_614 : vector<1x16xf32> to vector<16xf32>
        %slice3A_616 = vector.extract_strided_slice %get3A_355 {offsets = [15], sizes = [1], strides = [1]} : vector<16xf32> to vector<1xf32>
        %squeeze3A_617 = vector.extract %slice3A_616[0] : f32 from vector<1xf32>
        %mul3A_618 = vector.broadcast %squeeze3A_617 : f32 to vector<16xf32>
        %mul3A_619 = arith.mulf %get3A_615, %mul3A_618 : vector<16xf32>
        %add3A_620 = arith.constant 15 : i32
        %add3A_621 = arith.addi %mul3A_357, %add3A_620 : i32
        %swap3A_622 = arith.index_cast %add3A_621 : i32 to index
        %swap3A_623 = arith.constant 0 : index
        %swap3A_624 = tpu.vector_load %arg12[%swap3A_622, %swap3A_623] {strides = array<i32>} : memref<512x16xf32, #tpu.memory_space<vmem>>, vector<1x16xf32>,
        %swap3A_625 = vector.shape_cast %swap3A_624 : vector<1x16xf32> to vector<16xf32>
        %swap3A_626 = vector.shape_cast %mul3A_619 : vector<16xf32> to vector<1x16xf32>
        tpu.vector_store %arg12[%swap3A_622, %swap3A_623], %swap3A_626 {strides = array<i32>} : memref<512x16xf32, #tpu.memory_space<vmem>>, vector<1x16xf32>,
        %scan3A_627 = arith.constant 0 : i32
        scf.yield %scan3A_627 : i32
      }
      %scan3A_321 = arith.constant 32 : i32
      %dma_start3A_322 = arith.constant 3584 : i32
      %dma_start3A_323 = tpu.memref_slice %arg27[%dma_start3A_322] : memref<4096xi32, #tpu.memory_space<vmem>> -> memref<512xi32, #tpu.memory_space<vmem>>
      %dma_start3A_324 = arith.constant 0 : i32
      %dma_start3A_325 = arith.constant 0 : i32
      %dma_start3A_326 = tpu.memref_slice %arg7[%dma_start3A_324, %dma_start3A_325] : memref<16384x16xf32, #tpu.memory_space<vmem_shared>> -> memref<16384x16xf32, #tpu.memory_space<vmem_shared>>
      tpu.enqueue_indirect_dma source(%arg12 : memref<512x16xf32, #tpu.memory_space<vmem>>) target(%dma_start3A_326 : memref<16384x16xf32, #tpu.memory_space<vmem_shared>>) offsets(%dma_start3A_323 : memref<512xi32, #tpu.memory_space<vmem>>) semaphore(%arg31 : memref<!tpu.dma_semaphore, #tpu.memory_space<semaphore_mem>>) {add = true}
      %dma_wait3A_327 = arith.constant 2048 : i32
      %dma_wait3A_328 = tpu.memref_slice %arg27[%dma_wait3A_327] : memref<4096xi32, #tpu.memory_space<vmem>> -> memref<512xi32, #tpu.memory_space<vmem>>
      %dma_wait3A_329 = arith.constant 0 : i32
      %dma_wait3A_330 = arith.constant 0 : i32
      %dma_wait3A_331 = tpu.memref_slice %arg7[%dma_wait3A_329, %dma_wait3A_330] : memref<16384x16xf32, #tpu.memory_space<vmem_shared>> -> memref<16384x16xf32, #tpu.memory_space<vmem_shared>>
      tpu.wait_indirect_dma semaphore(%arg28 : memref<!tpu.dma_semaphore, #tpu.memory_space<semaphore_mem>>) src(%arg9 : memref<512x16xf32, #tpu.memory_space<vmem>>) dst(%dma_wait3A_331 : memref<16384x16xf32, #tpu.memory_space<vmem_shared>>)
      %dma_wait3A_332 = arith.constant 2560 : i32
      %dma_wait3A_333 = tpu.memref_slice %arg27[%dma_wait3A_332] : memref<4096xi32, #tpu.memory_space<vmem>> -> memref<512xi32, #tpu.memory_space<vmem>>
      %dma_wait3A_334 = arith.constant 0 : i32
      %dma_wait3A_335 = arith.constant 0 : i32
      %dma_wait3A_336 = tpu.memref_slice %arg7[%dma_wait3A_334, %dma_wait3A_335] : memref<16384x16xf32, #tpu.memory_space<vmem_shared>> -> memref<16384x16xf32, #tpu.memory_space<vmem_shared>>
      tpu.wait_indirect_dma semaphore(%arg29 : memref<!tpu.dma_semaphore, #tpu.memory_space<semaphore_mem>>) src(%arg10 : memref<512x16xf32, #tpu.memory_space<vmem>>) dst(%dma_wait3A_336 : memref<16384x16xf32, #tpu.memory_space<vmem_shared>>)
      %dma_wait3A_337 = arith.constant 3072 : i32
      %dma_wait3A_338 = tpu.memref_slice %arg27[%dma_wait3A_337] : memref<4096xi32, #tpu.memory_space<vmem>> -> memref<512xi32, #tpu.memory_space<vmem>>
      %dma_wait3A_339 = arith.constant 0 : i32
      %dma_wait3A_340 = arith.constant 0 : i32
      %dma_wait3A_341 = tpu.memref_slice %arg7[%dma_wait3A_339, %dma_wait3A_340] : memref<16384x16xf32, #tpu.memory_space<vmem_shared>> -> memref<16384x16xf32, #tpu.memory_space<vmem_shared>>
      tpu.wait_indirect_dma semaphore(%arg30 : memref<!tpu.dma_semaphore, #tpu.memory_space<semaphore_mem>>) src(%arg11 : memref<512x16xf32, #tpu.memory_space<vmem>>) dst(%dma_wait3A_341 : memref<16384x16xf32, #tpu.memory_space<vmem_shared>>)
      %dma_wait3A_342 = arith.constant 3584 : i32
      %dma_wait3A_343 = tpu.memref_slice %arg27[%dma_wait3A_342] : memref<4096xi32, #tpu.memory_space<vmem>> -> memref<512xi32, #tpu.memory_space<vmem>>
      %dma_wait3A_344 = arith.constant 0 : i32
      %dma_wait3A_345 = arith.constant 0 : i32
      %dma_wait3A_346 = tpu.memref_slice %arg7[%dma_wait3A_344, %dma_wait3A_345] : memref<16384x16xf32, #tpu.memory_space<vmem_shared>> -> memref<16384x16xf32, #tpu.memory_space<vmem_shared>>
      tpu.wait_indirect_dma semaphore(%arg31 : memref<!tpu.dma_semaphore, #tpu.memory_space<semaphore_mem>>) src(%arg12 : memref<512x16xf32, #tpu.memory_space<vmem>>) dst(%dma_wait3A_346 : memref<16384x16xf32, #tpu.memory_space<vmem_shared>>)
      %scan3A_347 = arith.constant 0 : i32
      scf.yield %scan3A_347 : i32
    }
    %scan3A_47 = arith.constant 21 : i32
    %barrier3A_48 = arith.constant 0 : index
    tpu.barrier barrier_id(%barrier3A_48)
    %mul3A_49 = arith.constant 1024 : i32
    %mul3A_50 = arith.muli %arg1, %mul3A_49 : i32
    "tpu.region"() ({
      %run_scoped3A = tpu.sem_alloc : memref<!tpu.dma_semaphore, #tpu.memory_space<semaphore_mem>>
      %dma_start3A_51 = arith.constant 0 : i32
      %dma_start3A_52 = arith.constant 0 : i32
      %dma_start3A_53 = tpu.memref_slice %arg6[%arg0, %dma_start3A_51, %dma_start3A_52] : memref<2x16384x16xf32, #tpu.memory_space<hbm>> -> memref<1x16384x16xf32, #tpu.memory_space<hbm>>
      %dma_start3A_54 = tpu.memref_squeeze %dma_start3A_53 : memref<1x16384x16xf32, #tpu.memory_space<hbm>> -> memref<16384x16xf32, #tpu.memory_space<hbm>>
      %dma_start3A_55 = arith.constant 0 : i32
      %dma_start3A_56 = tpu.memref_slice %dma_start3A_54[%mul3A_50, %dma_start3A_55] : memref<16384x16xf32, #tpu.memory_space<hbm>> -> memref<1024x16xf32, #tpu.memory_space<hbm>>
      %dma_start3A_57 = arith.constant 0 : i32
      %dma_start3A_58 = tpu.memref_slice %arg7[%mul3A_50, %dma_start3A_57] : memref<16384x16xf32, #tpu.memory_space<vmem_shared>> -> memref<1024x16xf32, #tpu.memory_space<vmem_shared>>
      tpu.enqueue_dma source(%dma_start3A_58 : memref<1024x16xf32, #tpu.memory_space<vmem_shared>>) target(%dma_start3A_56 : memref<1024x16xf32, #tpu.memory_space<hbm>>) target_semaphore(%run_scoped3A : memref<!tpu.dma_semaphore, #tpu.memory_space<semaphore_mem>>)
      %dma_wait3A = arith.constant 0 : i32
      %dma_wait3A_59 = arith.constant 0 : i32
      %dma_wait3A_60 = tpu.memref_slice %arg6[%arg0, %dma_wait3A, %dma_wait3A_59] : memref<2x16384x16xf32, #tpu.memory_space<hbm>> -> memref<1x16384x16xf32, #tpu.memory_space<hbm>>
      %dma_wait3A_61 = tpu.memref_squeeze %dma_wait3A_60 : memref<1x16384x16xf32, #tpu.memory_space<hbm>> -> memref<16384x16xf32, #tpu.memory_space<hbm>>
      %dma_wait3A_62 = arith.constant 0 : i32
      %dma_wait3A_63 = tpu.memref_slice %dma_wait3A_61[%mul3A_50, %dma_wait3A_62] : memref<16384x16xf32, #tpu.memory_space<hbm>> -> memref<1024x16xf32, #tpu.memory_space<hbm>>
      %dma_wait3A_64 = arith.constant 0 : i32
      %dma_wait3A_65 = tpu.memref_slice %arg7[%mul3A_50, %dma_wait3A_64] : memref<16384x16xf32, #tpu.memory_space<vmem_shared>> -> memref<1024x16xf32, #tpu.memory_space<vmem_shared>>
      tpu.wait_dma2 semaphore(%run_scoped3A : memref<!tpu.dma_semaphore, #tpu.memory_space<semaphore_mem>>) src(%dma_wait3A_65 : memref<1024x16xf32, #tpu.memory_space<vmem_shared>>) dst(%dma_wait3A_63 : memref<1024x16xf32, #tpu.memory_space<hbm>>)
      tpu.yield
    }) : () -> ()
    return
  }
}

module attributes {stable_mosaic.version = 14 : i64} {
  func.func @body(%arg0: memref<2x16384x16xf32, #tpu.memory_space<vmem>>, %arg1: memref<16384x16xf32, #tpu.memory_space<vmem>>) attributes {dimension_semantics = [], scalar_prefetch = 0 : i64, scratch_operands = 0 : i64, tpu.core_type = #tpu.core_type<tc>} {
    %get3A = arith.constant 0 : index
    %get3A_0 = arith.constant 0 : index
    %get3A_1 = arith.constant 0 : index
    %get3A_2 = vector.load %arg0[%get3A, %get3A_0, %get3A_1] : memref<2x16384x16xf32, #tpu.memory_space<vmem>>, vector<1x16384x16xf32>
    %get3A_3 = vector.shape_cast %get3A_2 : vector<1x16384x16xf32> to vector<16384x16xf32>
    %get3A_4 = arith.constant 1 : index
    %get3A_5 = arith.constant 0 : index
    %get3A_6 = arith.constant 0 : index
    %get3A_7 = vector.load %arg0[%get3A_4, %get3A_5, %get3A_6] : memref<2x16384x16xf32, #tpu.memory_space<vmem>>, vector<1x16384x16xf32>
    %get3A_8 = vector.shape_cast %get3A_7 : vector<1x16384x16xf32> to vector<16384x16xf32>
    %add3A = arith.addf %get3A_3, %get3A_8 : vector<16384x16xf32>
    %swap3A = arith.constant 0 : index
    %swap3A_9 = arith.constant 0 : index
    %swap3A_10 = vector.load %arg1[%swap3A, %swap3A_9] : memref<16384x16xf32, #tpu.memory_space<vmem>>, vector<16384x16xf32>
    tpu.vector_store %arg1[%swap3A, %swap3A_9], %add3A {strides = array<i32>} : memref<16384x16xf32, #tpu.memory_space<vmem>>, vector<16384x16xf32>,
    return
  }
}

</mosaic_0001>

<sc_bundles>
// kernel: kernel.4.cloned.1.call-start
scs
__scs_entry_jumppad:
0x0: {  	(pc) =	sbr.rel $0x88, $3  }
0x1: {  	(tag) =	ssettag $0x0;
	lr =	simm.s32 $0x1  }
0x2: {  	[smem:$0x3F9D] =	sst lr;
	_ =	strace $0xD0000000  }
0x3: {  	_ = 	snop  }
0x4: {  	_ = 	snop  }
0x5: {  	_ = 	snop  }
0x6: {  	_ = 	snop  }
0x7: {  	_ = 	snop  }
__scs_overlays_trampoline_lowered:
0x8: {  	[smem:$0x3FAC] =	sst s0  }
0x9: {  	[smem:$0x3FAD] =	sst s1  }
0xa: {  	[smem:$0x3FAE] =	sst s2  }
0xb: {  	[smem:$0x3FAF] =	sst s3  }
0xc: {  	[smem:$0x3FB0] =	sst s4  }
0xd: {  	[smem:$0x3FB1] =	sst s5  }
0xe: {  	[smem:$0x3FB2] =	sst s6  }
0xf: {  	[smem:$0x3FB3] =	sst s7  }
0x10: {  	[smem:$0x3FB4] =	sst s8  }
0x11: {  	[smem:$0x3FB5] =	sst s9;
	s0 =	simm.s32 @!p0 $0x0  }
0x12: {  	s1 =	sld [smem:$0x3F9B];
	s0 =	simm.s32 @p0 $0x1  }
0x13: {  	[smem:$0x3FB6] =	sst s0;
	s0 =	simm.s32 @!p1 $0x0  }
0x14: {  	s2 =	sld [smem:$0x3F9A];
	s0 =	simm.s32 @p1 $0x1  }
0x15: {  	[smem:$0x3FB7] =	sst s0;
	s0 =	simm.s32 @!p2 $0x0  }
0x16: {  	s3 =	sld [smem:$0x3FDB];
	s0 =	simm.s32 @p2 $0x1  }
0x17: {  	s4 =	simm.s32 $0x1BF5;
	[smem:$0x3FB9] =	sst s0  }
0x18: {  	s0 =	sld [smem:$0x3F9C];
	_ =	swait.ge [sflag:s4], $0x0  }
0x19: {  	s7 =	sld [smem:$0x3F9D]  }
0x1a: {  	s8 =	sadd.s32 $0xFFFFE003, lr  }
0x1b: {  	s9 =	sadd.s32 $0xFFFFFEF7, lr;
	s5 =	simm.s32 $0xFFFFFFFF;
	p2 =	slt.u32 s8, $0xFFFFF086  }
0x1c: {  	p1 =	slt.u32 s9, $0xF7A;
	s5 =	simm.s32 @!p2 $0x0  }
0x1d: {  	s5 =	simm.s32 @p1 $0x1;
	p0 =	seq.s32 s7, s2  }
0x1e: {  	s7 =	smul.u32 @!p0 $0xF7A, s2;
	p2 =	seq.s32 @!p0 s5, $0x0  }
0x1f: {  	s9 =	smul.u32 $0xF7A, s1;
	s8 =	simm.s32 @!p0 $0x1BF5;
	p2 =	por !p2, p0  }
0x20: {  	[sflag:s8] =	ssyncset.s32 @!p0 $0xFFFFF086;
	s6 =	sadd.s32 @!p0 s3, s7;
	s7 =	simm.s32 @!p0 $0x108  }
0x21: {  	s3 =	sadd.s32 s3, s9;
	s6 =	sadd.s32 @!p0 $0x88, s6;
	s7 =	simm.s32 @p2 $0x1082  }
0x22: {  	[simem:s7], [sflag:s8] =	dma.local @!p0 [hbm:s6], $0xF7A  }
0x23: {  	s9 =	sor.u32 $0xD0000000, s2;
	s6 =	simm.s32 $0x108;
	_ =	swait.ge @!p0 [sflag:s8], $0x0  }
0x24: {  	s3 =	sadd.s32 $0x88, s3;
	s6 =	simm.s32 @!p1 $0x1082;
	[sflag:s4] =	ssyncset.s32 $0xFFFFF086  }
0x25: {  	[simem:s6], [sflag:s4] =	dma.local [hbm:s3], $0xF7A  }
0x26: {  	[smem:$0x3F9D] =	sst s1;
	(tag) =	ssettag s2;
	_ =	strace s9  }
0x27: {  	s1 =	sld [smem:$0x3FAD]  }
0x28: {  	s2 =	sld [smem:$0x3FAE]  }
0x29: {  	s4 =	sld [smem:$0x3FB0]  }
0x2a: {  	p0 =	seq.s32 s5, $0x0;
	s5 =	sld [smem:$0x3FB1]  }
0x2b: {  	s6 =	sld [smem:$0x3FB2]  }
0x2c: {  	s7 =	sld [smem:$0x3FB3]  }
0x2d: {  	s3 =	simm.s32 $0x108;
	s8 =	sld [smem:$0x3FB4]  }
0x2e: {  	s3 =	simm.s32 @!p0 $0x1082;
	s9 =	sld [smem:$0x3FB5]  }
0x2f: {  	lr =	sadd.s32 s0, s3;
	s0 =	sld [smem:$0x3FAC]  }
0x30: {  	s3 =	sld [smem:$0x3FAF]  }
0x31: {  	[smem:$0x3FB8] =	sst s10  }
0x32: {  	s10 =	sld [smem:$0x3FB6];
	_ =	sdelay $0x3  }
0x33: {  	p0 =	seq.s32 s10, $0x1;
	s10 =	sld [smem:$0x3FB8];
	_ =	sdelay $0x3  }
0x34: {  	[smem:$0x3FB8] =	sst s10  }
0x35: {  	s10 =	sld [smem:$0x3FB7];
	_ =	sdelay $0x3  }
0x36: {  	p1 =	seq.s32 s10, $0x1;
	s10 =	sld [smem:$0x3FB8];
	_ =	sdelay $0x3  }
0x37: {  	[smem:$0x3FB8] =	sst s10  }
0x38: {  	s10 =	sld [smem:$0x3FB9]  }
0x39: {  	_ = 	snop;
	(pc) =	sbr.ind lr, $3  }
0x3a: {  	_ = 	snop  }
0x3b: {  	_ = 	snop  }
0x3c: {  	p2 =	seq.s32 s10, $0x1;
	s10 =	sld [smem:$0x3FB8]  }
0x3d: {  	_ =	shalt  }
0x3e: {  	_ =	shalt  }
0x3f: {  	_ =	shalt  }
0x40: {  	_ =	shalt  }
0x41: {  	_ =	shalt  }
0x42: {  	_ =	shalt  }
0x43: {  	_ =	shalt  }
0x44: {  	_ =	shalt  }
0x45: {  	_ =	shalt  }
0x46: {  	_ =	shalt  }
0x47: {  	_ =	shalt  }
0x48: {  	_ =	shalt  }
0x49: {  	_ =	shalt  }
0x4a: {  	_ =	shalt  }
0x4b: {  	_ =	shalt  }
0x4c: {  	_ =	shalt  }
0x4d: {  	_ =	shalt  }
0x4e: {  	_ =	shalt  }
0x4f: {  	_ =	shalt  }
0x50: {  	_ =	shalt  }
0x51: {  	_ =	shalt  }
0x52: {  	_ =	shalt  }
0x53: {  	_ =	shalt  }
0x54: {  	_ =	shalt  }
0x55: {  	_ =	shalt  }
0x56: {  	_ =	shalt  }
0x57: {  	_ =	shalt  }
0x58: {  	_ =	shalt  }
0x59: {  	_ =	shalt  }
0x5a: {  	_ =	shalt  }
0x5b: {  	_ =	shalt  }
0x5c: {  	_ =	shalt  }
0x5d: {  	_ =	shalt  }
0x5e: {  	_ =	shalt  }
0x5f: {  	_ =	shalt  }
0x60: {  	_ =	shalt  }
0x61: {  	_ =	shalt  }
0x62: {  	_ =	shalt  }
0x63: {  	_ =	shalt  }
0x64: {  	_ =	shalt  }
0x65: {  	_ =	shalt  }
0x66: {  	_ =	shalt  }
0x67: {  	_ =	shalt  }
0x68: {  	_ =	shalt  }
0x69: {  	_ =	shalt  }
0x6a: {  	_ =	shalt  }
0x6b: {  	_ =	shalt  }
0x6c: {  	_ =	shalt  }
0x6d: {  	_ =	shalt  }
0x6e: {  	_ =	shalt  }
0x6f: {  	_ =	shalt  }
0x70: {  	_ =	shalt  }
0x71: {  	_ =	shalt  }
0x72: {  	_ =	shalt  }
0x73: {  	_ =	shalt  }
0x74: {  	_ =	shalt  }
0x75: {  	_ =	shalt  }
0x76: {  	_ =	shalt  }
0x77: {  	_ =	shalt  }
0x78: {  	_ =	shalt  }
0x79: {  	_ =	shalt  }
0x7a: {  	_ =	shalt  }
0x7b: {  	_ =	shalt  }
0x7c: {  	_ =	shalt  }
0x7d: {  	_ =	shalt  }
0x7e: {  	_ =	shalt  }
0x7f: {  	_ =	shalt  }
0x80: {  	_ =	shalt  }
0x81: {  	_ =	shalt  }
0x82: {  	_ =	shalt  }
0x83: {  	_ =	shalt  }
0x84: {  	_ =	shalt  }
0x85: {  	_ =	shalt  }
0x86: {  	_ =	shalt  }
0x87: {  	_ =	shalt  }
.Lfunc_end0:
.L_simem_size_0:
called_computation_lowered:
.L_overlay_start_0:
0x88: {  	s2 =	sld [smem:$0x3FD9]  }
0x89: {  	s3 =	sld [smem:$0x3FFE];
	_ =	sdelay $0x1  }
0x8a: {  	s1 =	srdreg.scid  }
0x8b: {  	s0 =	sand.u32 $0x1, s1  }
0x8c: {  	s16 =	sshll.u32 s0, $0xA;
	s2 =	sadd.s32 s3, s2  }
0x8d: {  	s2 =	sadd.s32 s2, s16  }
0x8e: {  	[smem:$0x3FC4] =	sst s2  }
0x8f: {  	_ = 	snop  }
0x90: {  	(tm) =	ssettm $0x1  }
0x91: {  	s17 =	sld [smem:$0x3FFB];
	_ =	sdelay $0x3  }
0x92: {  	_ =	strace s17  }
0x93: {  	s2 =	sld [smem:$0x3FFC];
	_ =	sdelay $0x3  }
0x94: {  	_ =	strace s2  }
0x95: {  	s2 =	sld [smem:$0x3FFD];
	_ =	sdelay $0x3  }
0x96: {  	_ =	strace s2  }
0x97: {  	_ =	strace $0x8FFFFFFF  }
0x98: {  	s18 =	sld [smem:$0x3FDB];
	_ =	sdelay $0x1  }
0x99: {  	s19 =	simm.s32 $_scs_section_size  }
0x9a: {  	s4 =	simm.s32 $_size__tile_overlayer_lowered;
	s5 =	simm.s32 $_tile_overlayer_lowered  }
0x9b: {  	s22 =	simm.s32 $0x1BFF;
	s21 =	sshll.u32 s5, $0x1;
	s2 =	sadd.s32 s19, s18  }
0x9c: {  	s6 =	simm.s32 $0x0;
	s20 =	sshll.u32 s4, $0x1;
	s4 =	sadd.s32 s21, s2  }
0x9d: {  	[timem:s6], [sflag:s22] =	dma.local [hbm:s4], s20  }
0x9e: {  	_ =	swait.ge [sflag:s22], s20  }
0x9f: {  	s3 =	ssub.s32 $0x0, s20;
	[sflag:s22] =	ssyncset.done $0x0  }
0xa0: {  	[sflag:s22] =	ssyncadd.s32 s3;
	_ =	sdelay $0x1  }
0xa1: {  	s23 =	simm.s32 $0x1B8B  }
0xa2: {  	_ =	swait.ge [sflag:s23], $0x1  }
0xa3: {  	[sflag:s23] =	ssyncset.done $0x0  }
0xa4: {  	s25 =	simm.s32 $0x1B8E;
	s24 =	sld [smem:$0x3FFE];
	[sflag:s23] =	ssyncadd.s32 $0xFFFFFFFF  }
0xa5: {  	s26 =	simm.s32 $execute0_lowered;
	[smem:$0x3FD2] =	sst s25  }
0xa6: {  	s4 =	sshll.u32 s26, $0x1;
	_ =	strace $0x80000046;
	[dreg:$0x1] =	wrdreg $0xFFFFFFFF  }
0xa7: {  	s28 =	simm.s32 $_size_execute0_lowered;
	s2 =	sadd.s32 s2, s4;
	[dreg:$0x0] =	wrdreg $0x0  }
0xa8: {  	s4 =	sshll.u32 s28, $0x1;
	[dreg:$0x2] =	wrdreg s2  }
0xa9: {  	[dreg:$0x3] =	wrdreg s4  }
0xaa: {  	[dreg:$0x4] =	wrdreg $0xC0  }
0xab: {  	_ =	task [dreg:s6], $0x5FFFF  }
0xac: {  	[dreg:$0x1] =	wrdreg $0xFFFFFFFF  }
0xad: {  	[dreg:$0x0] =	wrdreg $0x60  }
0xae: {  	[dreg:$0x2] =	wrdreg s24  }
0xaf: {  	[dreg:$0x3] =	wrdreg $0x0  }
0xb0: {  	[dreg:$0x4] =	wrdreg $0xF0000  }
0xb1: {  	[dreg:$0x5] =	wrdreg $0x9  }
0xb2: {  	_ =	task.clear_ibuf [dreg:s6], $0x6FFFF;
	_ =	strace $0x90000046  }
0xb3: {  	s29 =	simm.s32 $0x9;
	_ =	strace $0x80000048  }
0xb4: {  	_ =	swait.ge [sflag:s29], $0x1  }
0xb5: {  	[sflag:s29] =	ssyncadd.s32 $0xFFFFFFFF  }
0xb6: {  	_ =	strace $0x90000048  }
0xb7: {  	_ =	sfence  }
0xb8: {  	s30 =	sld [smem:$0x0];
	_ =	sdelay $0x2  }
0xb9: {  	s31 =	sshll.u32 s1, $0xD;
	s1 =	sshrl.u32 s1, $0x2  }
0xba: {  	s3 =	sand.u32 $0x4000, s31;
	s1 =	sadd.s32 s1, s30  }
0xbb: {  	s0 =	sor.u32 s3, s0;
	s1 =	sshll.u32 s1, $0x11  }
0xbc: {  	s0 =	sor.u32 s1, s0  }
0xbd: {  	s0 =	sadd.s32 $0x8F2B, s0  }
0xbe: {  	[sflag:s0] =	ssyncadd.remote.s32 $0x1  }
0xbf: {  	_ =	sfence.sel $0xFFFF  }
0xc0: {  	[dreg:$0x0] =	wrdreg $0xFFFFFFFF;
	(pc) =	sbr.abs _section_cstart, $3  }
0xc1: {  	[dreg:$0x1] =	wrdreg $0xFFFFFFFF  }
0xc2: {  	_ =	task.clear_ibuf [dreg:s6], $0x2FFFF;
	_ =	strace $0x9FFFFFFF  }
0xc3: {  	(tm) =	ssettm $0x7FFFFFFF  }
tec
execute0_lowered:
.L_overlay_start_1:
0x0: {  	(tag) =	ssettag $0x1  }
0x1: {  	s0 =	rddreg [dreg:$0x0]  }
0x2: {  	s2 =	rddreg [dreg:$0x1]  }
0x3: {  	s3 =	rddreg [dreg:$0x2];
	s16 =	simm.s32 $0x0  }
0x4: {  	s11 =	stileid.u32;
	s4 =	srdreg.scid;
	s29 =	simm.s32 $0x200  }
0x5: {  	s31 =	simm.s32 $0x7000;
	s13 =	simm.s32 $0x3;
	s28 =	simm.s32 $0xA  }
0x6: {  	s30 =	simm.s32 $0x6;
	[smem:$0x7FF] =	sst s16;
	s1 =	sshll.u32 s11, $0xB  }
0x7: {  	s4 =	sand.u32 $0x1, s4;
	s5 =	sadd.s32 $0xB1E00, s0;
	s6 =	sadd.s32 $0x5DE00, s0  }
0x8: {  	s7 =	sadd.s32 $0x9E00, s0;
	s17 =	sshll.u32 s11, $0x1;
	s11 =	sshll.u32 s11, $0xE  }
0x9: {  	_ =	strace $0x80000047;
	s8 =	sadd.s32 s1, s0;
	s9 =	sshll.u32 s4, $0xF  }
0xa: {  	s10 =	ssub.s32 $0x2, s4;
	s4 =	sor.u32 s4, s17;
	s20 =	sadd.s32 s11, s2  }
0xb: {  	s21 =	sadd.s32 s11, s3;
	s17 =	simm.s32 $0x5000;
	s11 =	simm.s32 $0x2  }
0xc: {  	s0 =	sadd.s32 s9, s0;
	s18 =	sshrl.u32 s10, $0x1;
	s12 =	smul.u32 $0x2A00, s4  }
0xd: {  	s19 =	sadd.s32 $0x2000, s20;
	s4 =	smul.u32 $0xA8, s4;
	[dreg:$0x5] =	wrdreg s20  }
0xe: {  	s8 =	sadd.s32 $0x1E00, s8;
	s26 =	sshrl.u32 s21, $0x3;
	[dreg:$0x6] =	wrdreg s19  }
0xf: {  	s9 =	ssub.s32 s10, s18;
	[dreg:$0x7] =	wrdreg s8;
	s0 =	sadd.s32 $0x105E00, s0  }
0x10: {  	[dreg:$0xc] =	wrdreg s26;
	s26 =	simm.s32 $0x4800;
	s10 =	simm.s32 $0x1  }
0x11: {  	s19 =	simm.s32 $0x4;
	s8 =	simm.s32 $0x7;
	s18 =	simm.s32 $0x8  }
0x12: {  	s22 =	sadd.s32 s5, s12;
	s23 =	sadd.s32 s6, s12;
	s24 =	sadd.s32 s7, s12  }
0x13: {  	s14 =	sor.u32 $0x4, s4;
	s15 =	sadd.s32 $0x8, s4;
	[dreg:$0x8] =	wrdreg s22  }
0x14: {  	s25 =	smax.u32 s9, $0x1;
	s12 =	simm.s32 $0xB;
	[dreg:$0x9] =	wrdreg s23  }
0x15: {  	s0 =	sadd.s32 s1, s0;
	s9 =	simm.s32 $0xB000;
	[dreg:$0xa] =	wrdreg s24  }
0x16: {  	s4 =	simm.s32 $0x9;
	[dreg:$0xb] =	wrdreg s25;
	s23 =	simm.s32 $0x5  }
0x17: {  	v0 =	vimm.f32 $0.0e+00;
	[dreg:$0xd] =	wrdreg s0;
	s25 =	simm.s32 $0xD800;
	s22 =	simm.s32 $0x9000  }
.LBB2_1:
0x18: {  	[dreg:$0x4] =	wrdreg s16;
	s0 =	simm.s32 $0x0;
	s1 =	simm.s32 $0x400  }
.LBB2_2:
0x19: {  	p0 =	sne.s32 s1, $0x7C00;
	[tilespmem:s0+$0x50F0] =	vst v0  }
0x1a: {  	[tilespmem:s0+$0x5000] =	vst v0  }
0x1b: {  	[tilespmem:s0+$0x5010] =	vst v0  }
0x1c: {  	[tilespmem:s0+$0x5020] =	vst v0  }
0x1d: {  	[tilespmem:s0+$0x5030] =	vst v0  }
0x1e: {  	[tilespmem:s0+$0x5040] =	vst v0  }
0x1f: {  	[tilespmem:s0+$0x5050] =	vst v0  }
0x20: {  	[tilespmem:s0+$0x5060] =	vst v0  }
0x21: {  	[tilespmem:s0+$0x5070] =	vst v0  }
0x22: {  	[tilespmem:s0+$0x5080] =	vst v0  }
0x23: {  	[tilespmem:s0+$0x5090] =	vst v0  }
.Ltmp0:
0x24: {  	[tilespmem:s0+$0x50A0] =	vst v0;
	(pc) =	sbr.rel @p0 .LBB2_2-.Ltmp0, $4  }
0x25: {  	[tilespmem:s0+$0x50B0] =	vst v0  }
0x26: {  	[tilespmem:s0+$0x50C0] =	vst v0  }
0x27: {  	[tilespmem:s0+$0x50D0] =	vst v0  }
0x28: {  	[tilespmem:s0+$0x50E0] =	vst v0;
	s0 =	sshra.s32 s1, $0x2;
	s1 =	sadd.s32 $0x400, s1  }
0x29: {  	[tilespmem:s0+$0x50F0] =	vst v0  }
0x2a: {  	[tilespmem:s0+$0x5000] =	vst v0  }
0x2b: {  	[tilespmem:s0+$0x5010] =	vst v0  }
0x2c: {  	[tilespmem:s0+$0x5020] =	vst v0  }
0x2d: {  	[tilespmem:s0+$0x5030] =	vst v0  }
0x2e: {  	[tilespmem:s0+$0x5040] =	vst v0  }
0x2f: {  	[tilespmem:s0+$0x5050] =	vst v0  }
0x30: {  	[tilespmem:s0+$0x5060] =	vst v0  }
0x31: {  	[tilespmem:s0+$0x5070] =	vst v0  }
0x32: {  	[tilespmem:s0+$0x5080] =	vst v0  }
0x33: {  	[tilespmem:s0+$0x5090] =	vst v0  }
0x34: {  	[tilespmem:s0+$0x50A0] =	vst v0  }
0x35: {  	[tilespmem:s0+$0x50B0] =	vst v0  }
0x36: {  	[tilespmem:s0+$0x50C0] =	vst v0  }
0x37: {  	[tilespmem:s0+$0x50D0] =	vst v0  }
0x38: {  	[tilespmem:s0+$0x50E0] =	vst v0  }
0x39: {  	[spmem:s20] =	stream.linear.scatter [tilespmem:s17], [sflag:$0xB], $0x2000, $0x38;
	[tilespmem:$0x13000] =	vst v63  }
0x3a: {  	s16 =	stileid.u32;
	_ =	swait.ge [sflag:s12], $0x2000  }
0x3b: {  	s0 =	sshll.u32 s16, $0x6;
	[sflag:s12] =	ssyncset.done $0x0  }
0x3c: {  	s16 =	sor.u32 $0x1C0B, s0;
	s1 =	rddreg [dreg:$0x6];
	[sflag:s12] =	ssyncadd.s32 $0xFFFFE000  }
0x3d: {  	[spmem:s1] =	stream.linear.scatter [tilespmem:s17], [sflag:$0xB], $0x2000, $0x38;
	[tilespmem:$0x13000] =	vst v63  }
0x3e: {  	_ =	swait.ge [sflag:s12], $0x2000;
	[dreg:$0xe] =	wrdreg s16  }
0x3f: {  	[sflag:s12] =	ssyncset.done $0x0;
	s20 =	rddreg [dreg:$0x7]  }
0x40: {  	s1 =	rddreg [dreg:$0xc];
	[sflag:s12] =	ssyncadd.s32 $0xFFFFE000  }
0x41: {  	[spmem:s1], [sflag:s16] =	dma.local [hbm:s20], $0x800  }
0x42: {  	_ =	swait.ge [sflag:s12], $0x800  }
0x43: {  	[sflag:s12] =	ssyncset.done $0x0  }
0x44: {  	[sflag:s12] =	ssyncadd.s32 $0xFFFFF800  }
0x45: {  	[bflag:$0x0] =	sbarrier.arrive $0xFFFF  }
0x46: {  	s24 =	simm.s32 $0xD000;
	s1 =	simm.s32 $0x0;
	s21 =	rddreg [dreg:$0x8]  }
0x47: {  	[tilespmem:s24], [sflag:$0x5] =	stream.linear.gather [hbm4b:s21+s1], $0x800, $0x38;
	[tilespmem:$0x13000] =	vst v63  }
0x48: {  	s20 =	simm.s32 $0x4000;
	s16 =	rddreg [dreg:$0x9]  }
0x49: {  	[tilespmem:s20], [sflag:$0x5] =	stream.linear.gather [hbm4b:s16+s1], $0x800, $0x38;
	[tilespmem:$0x13000] =	vst v63  }
0x4a: {  	s12 =	simm.s32 $0x0;
	s21 =	rddreg [dreg:$0xa];
	s24 =	simm.s32 $0xE000  }
0x4b: {  	[tilespmem:s24], [sflag:$0x5] =	stream.linear.gather [hbm4b:s21+s1], $0x800, $0x38;
	[tilespmem:$0x13000] =	vst v63  }
.LBB2_4:
0x4c: {  	_ =	swait.ge [sflag:s23], $0x800  }
0x4d: {  	[sflag:s23] =	ssyncset.done $0x0  }
0x4e: {  	[sflag:s23] =	ssyncadd.s32 $0xFFFFF800  }
0x4f: {  	_ =	swait.ge [sflag:s23], $0x800  }
0x50: {  	s16 =	sshll.u32 s12, $0x3;
	[sflag:s23] =	ssyncset.done $0x0  }
0x51: {  	s0 =	sadd.s32 s16, s14;
	[sflag:s23] =	ssyncadd.s32 $0xFFFFF800  }
0x52: {  	s0 =	sshll.u32 s0, $0x6;
	_ =	swait.ge [sflag:s23], $0x800  }
0x53: {  	s0 =	sand.u32 $0x1FFFFF00, s0;
	[sflag:s23] =	ssyncset.done $0x0  }
0x54: {  	s20 =	sadd.s32 s5, s0;
	[sflag:s23] =	ssyncadd.s32 $0xFFFFF800  }
0x55: {  	[tilespmem:s25], [sflag:$0x6] =	stream.linear.gather [hbm4b:s20+s1], $0x800, $0x38;
	[tilespmem:$0x13000] =	vst v63  }
0x56: {  	s24 =	sadd.s32 s6, s0  }
0x57: {  	[tilespmem:s26], [sflag:$0x6] =	stream.linear.gather [hbm4b:s24+s1], $0x800, $0x38;
	[tilespmem:$0x13000] =	vst v63  }
0x58: {  	s21 =	simm.s32 $0xE800;
	s0 =	sadd.s32 s7, s0  }
0x59: {  	[tilespmem:s21], [sflag:$0x6] =	stream.linear.gather [hbm4b:s0+s1], $0x800, $0x38;
	[tilespmem:$0x13000] =	vst v63  }
0x5a: {  	s24 =	simm.s32 $0x4000  }
0x5b: {  	[tilespmem:s17], [sflag:$0x1] =	stream.indirect.gather [spmem:s3], $0x10, s24, s29, $0xb8;
	[tilespmem:$0x13000] =	vst v63  }
0x5c: {  	s20 =	simm.s32 $0x4200  }
0x5d: {  	[tilespmem:s31], [sflag:$0x2] =	stream.indirect.gather [spmem:s3], $0x10, s20, s29, $0xb8;
	[tilespmem:$0x13000] =	vst v63  }
0x5e: {  	s21 =	simm.s32 $0x4400  }
0x5f: {  	[tilespmem:s22], [sflag:$0x3] =	stream.indirect.gather [spmem:s3], $0x10, s21, s29, $0xb8;
	[tilespmem:$0x13000] =	vst v63  }
0x60: {  	s24 =	simm.s32 $0x4600  }
0x61: {  	[tilespmem:s9], [sflag:$0x4] =	stream.indirect.gather [spmem:s3], $0x10, s24, s29, $0xb8;
	[tilespmem:$0x13000] =	vst v63  }
0x62: {  	_ =	swait.ge [sflag:s10], $0x2000  }
0x63: {  	[sflag:s10] =	ssyncset.done $0x0  }
0x64: {  	s24 =	simm.s32 $0x5080;
	[sflag:s10] =	ssyncadd.s32 $0xFFFFE000  }
0x65: {  	s0 =	simm.s32 $0x5080;
	s20 =	simm.s32 $0x40;
	s21 =	simm.s32 $0x0;
	v1 =	vld [tilespmem:s24+$0xFFFFFFB0]  }
.LBB2_5:
0x66: {  	p0 =	sne.s32 s20, $0x7C0;
	v2 =	vld [tilespmem:s21+$0xE000]  }
0x67: {  	v3 =	vld [tilespmem:s24+$0xFFFFFF90]  }
0x68: {  	v4 =	vld [tilespmem:s24+$0xFFFFFF80]  }
0x69: {  	v5 =	vld [tilespmem:s24+$0xFFFFFFA0]  }
0x6a: {  	v6 =	vld [tilespmem:s24+$0xFFFFFFF0]  }
0x6b: {  	v7 =	vbroadcast v2, $0x0;
	v8 =	vbroadcast v2, $0x1;
	v9 =	vld [tilespmem:s24+$0xFFFFFFD0]  }
0x6c: {  	v10 =	vbroadcast v2, $0x2;
	v11 =	vbroadcast v2, $0x3;
	v12 =	vld [tilespmem:s24+$0xFFFFFFC0]  }
0x6d: {  	v4 =	vmul.f32 v7, v4;
	v3 =	vmul.f32 v3, v8;
	v7 =	vld [tilespmem:s24+$0xFFFFFFE0]  }
0x6e: {  	v1 =	vmul.f32 v1, v11;
	v5 =	vmul.f32 v5, v10;
	v8 =	vld [tilespmem:s24+$0x30]  }
0x6f: {  	v10 =	vbroadcast v2, $0x5;
	[tilespmem:s24+$0xFFFFFF80] =	vst v4;
	v4 =	vbroadcast v2, $0x4;
	v11 =	vld [tilespmem:s24+$0x10]  }
0x70: {  	v13 =	vbroadcast v2, $0x7;
	[tilespmem:s24+$0xFFFFFF90] =	vst v3;
	v3 =	vbroadcast v2, $0x6;
	v14 =	vld [tilespmem:s24+$0x0]  }
0x71: {  	[tilespmem:s24+$0xFFFFFFA0] =	vst v5;
	v4 =	vmul.f32 v12, v4;
	v5 =	vmul.f32 v9, v10;
	v9 =	vld [tilespmem:s24+$0x20]  }
0x72: {  	[tilespmem:s24+$0xFFFFFFB0] =	vst v1;
	v1 =	vmul.f32 v7, v3;
	v3 =	vmul.f32 v6, v13;
	v6 =	vld [tilespmem:s24+$0x70]  }
0x73: {  	v7 =	vbroadcast v2, $0x9;
	[tilespmem:s24+$0xFFFFFFC0] =	vst v4;
	v4 =	vbroadcast v2, $0x8;
	v10 =	vld [tilespmem:s24+$0x50]  }
0x74: {  	v12 =	vbroadcast v2, $0xB;
	[tilespmem:s24+$0xFFFFFFD0] =	vst v5;
	v5 =	vbroadcast v2, $0xA;
	v13 =	vld [tilespmem:s24+$0x40]  }
0x75: {  	[tilespmem:s24+$0xFFFFFFE0] =	vst v1;
	v1 =	vmul.f32 v14, v4;
	v4 =	vmul.f32 v11, v7;
	v7 =	vld [tilespmem:s24+$0x60]  }
0x76: {  	[tilespmem:s24+$0xFFFFFFF0] =	vst v3;
	v3 =	vmul.f32 v9, v5;
	v5 =	vmul.f32 v8, v12  }
0x77: {  	v8 =	vbroadcast v2, $0xD;
	[tilespmem:s24+$0x0] =	vst v1;
	v1 =	vbroadcast v2, $0xC  }
0x78: {  	[tilespmem:s24+$0x10] =	vst v4;
	v4 =	vbroadcast v2, $0xE;
	v2 =	vbroadcast v2, $0xF  }
0x79: {  	[tilespmem:s24+$0x20] =	vst v3;
	v1 =	vmul.f32 v13, v1;
	v3 =	vmul.f32 v10, v8  }
.Ltmp1:
0x7a: {  	[tilespmem:s24+$0x30] =	vst v5;
	v4 =	vmul.f32 v7, v4;
	v2 =	vmul.f32 v6, v2;
	(pc) =	sbr.rel @p0 .LBB2_5-.Ltmp1, $4  }
0x7b: {  	[tilespmem:s24+$0x40] =	vst v1  }
0x7c: {  	[tilespmem:s24+$0x50] =	vst v3  }
0x7d: {  	s24 =	sadd.s32 $0x100, s24;
	[tilespmem:s0+$0x60] =	vst v4  }
0x7e: {  	s21 =	sshra.s32 s20, $0x2;
	s20 =	sadd.s32 $0x40, s20;
	v1 =	vld [tilespmem:s24+$0xFFFFFFB0];
	[tilespmem:s0+$0x70] =	vst v2;
	s0 =	smov.u32 s24  }
0x7f: {  	v2 =	vld [tilespmem:s21+$0xE000];
	_ =	sdelay $0x1  }
0x80: {  	v3 =	vld [tilespmem:s24+$0xFFFFFF80]  }
0x81: {  	v4 =	vld [tilespmem:s24+$0xFFFFFF90]  }
0x82: {  	v5 =	vld [tilespmem:s24+$0xFFFFFFA0]  }
0x83: {  	v6 =	vbroadcast v2, $0x0  }
0x84: {  	v9 =	vld [tilespmem:s24+$0xFFFFFFD0];
	v7 =	vbroadcast v2, $0x1  }
0x85: {  	v8 =	vld [tilespmem:s24+$0xFFFFFFC0];
	v10 =	vbroadcast v2, $0x2;
	v3 =	vmul.f32 v6, v3  }
0x86: {  	v48 =	vld [tilespmem:s24+$0xFFFFFFE0];
	v47 =	vbroadcast v2, $0x3;
	v4 =	vmul.f32 v4, v7  }
0x87: {  	v51 =	vld [tilespmem:s24+$0x10];
	v49 =	vbroadcast v2, $0x5;
	v5 =	vmul.f32 v5, v10;
	[tilespmem:s24+$0xFFFFFF80] =	vst v3  }
0x88: {  	v11 =	vld [tilespmem:s24+$0xFFFFFFF0];
	v1 =	vmul.f32 v1, v47;
	v3 =	vbroadcast v2, $0x4;
	[tilespmem:s24+$0xFFFFFF90] =	vst v4  }
0x89: {  	v50 =	vld [tilespmem:s24+$0x0];
	v12 =	vbroadcast v2, $0x6;
	v6 =	vmul.f32 v9, v49;
	[tilespmem:s24+$0xFFFFFFA0] =	vst v5  }
0x8a: {  	v56 =	vld [tilespmem:s24+$0x50];
	v54 =	vbroadcast v2, $0x9;
	[tilespmem:s24+$0xFFFFFFB0] =	vst v1;
	v3 =	vmul.f32 v8, v3  }
0x8b: {  	v53 =	vld [tilespmem:s24+$0x20];
	v52 =	vbroadcast v2, $0x7;
	v7 =	vmul.f32 v48, v12;
	[tilespmem:s24+$0xFFFFFFD0] =	vst v6  }
0x8c: {  	v59 =	vmul.f32 v51, v54;
	v1 =	vld [tilespmem:s24+$0x30];
	[tilespmem:s24+$0xFFFFFFC0] =	vst v3;
	v3 =	vbroadcast v2, $0x8  }
0x8d: {  	v55 =	vld [tilespmem:s24+$0x40];
	v62 =	vbroadcast v2, $0xD;
	v5 =	vmul.f32 v11, v52;
	[tilespmem:s24+$0xFFFFFFE0] =	vst v7  }
0x8e: {  	v60 =	vld [tilespmem:s24+$0x60];
	v57 =	vbroadcast v2, $0xA;
	[tilespmem:s24+$0x10] =	vst v59;
	v3 =	vmul.f32 v50, v3  }
0x8f: {  	v61 =	vld [tilespmem:s24+$0x70];
	v58 =	vbroadcast v2, $0xB;
	v4 =	vmul.f32 v56, v62;
	[tilespmem:s24+$0xFFFFFFF0] =	vst v5  }
0x90: {  	v8 =	vmul.f32 v53, v57;
	[tilespmem:s24+$0x0] =	vst v3;
	v3 =	vbroadcast v2, $0xC  }
0x91: {  	v63 =	vbroadcast v2, $0xE;
	[tilespmem:s24+$0x50] =	vst v4;
	v1 =	vmul.f32 v1, v58  }
0x92: {  	[tilespmem:s24+$0x20] =	vst v8;
	v2 =	vbroadcast v2, $0xF;
	v3 =	vmul.f32 v55, v3  }
0x93: {  	[tilespmem:s24+$0x30] =	vst v1;
	v1 =	vmul.f32 v60, v63  }
0x94: {  	v2 =	vmul.f32 v61, v2;
	[tilespmem:s24+$0x40] =	vst v3  }
0x95: {  	[tilespmem:s0+$0x60] =	vst v1  }
0x96: {  	s24 =	simm.s32 $0xD000;
	[tilespmem:s0+$0x70] =	vst v2  }
0x97: {  	[spmem:s2] =	stream.indirect.scatter.add.f32 [tilespmem:s17], [sflag:$0x7], $0x10, s24, s29, $0xb8;
	[tilespmem:$0x13000] =	vst v63  }
0x98: {  	_ =	swait.ge [sflag:s11], $0x2000  }
0x99: {  	[sflag:s11] =	ssyncset.done $0x0  }
0x9a: {  	s24 =	simm.s32 $0x7080;
	[sflag:s11] =	ssyncadd.s32 $0xFFFFE000  }
0x9b: {  	s21 =	simm.s32 $0x0;
	s20 =	simm.s32 $0x40;
	s0 =	simm.s32 $0x7080;
	v1 =	vld [tilespmem:s24+$0xFFFFFFB0]  }
.LBB2_7:
0x9c: {  	p0 =	sne.s32 s20, $0x7C0;
	v2 =	vld [tilespmem:s21+$0xE200]  }
0x9d: {  	v3 =	vld [tilespmem:s24+$0xFFFFFF90]  }
0x9e: {  	v4 =	vld [tilespmem:s24+$0xFFFFFF80]  }
0x9f: {  	v5 =	vld [tilespmem:s24+$0xFFFFFFA0]  }
0xa0: {  	v6 =	vld [tilespmem:s24+$0xFFFFFFF0]  }
0xa1: {  	v7 =	vbroadcast v2, $0x0;
	v8 =	vbroadcast v2, $0x1;
	v9 =	vld [tilespmem:s24+$0xFFFFFFD0]  }
0xa2: {  	v10 =	vbroadcast v2, $0x2;
	v11 =	vbroadcast v2, $0x3;
	v12 =	vld [tilespmem:s24+$0xFFFFFFC0]  }
0xa3: {  	v4 =	vmul.f32 v7, v4;
	v3 =	vmul.f32 v3, v8;
	v7 =	vld [tilespmem:s24+$0xFFFFFFE0]  }
0xa4: {  	v1 =	vmul.f32 v1, v11;
	v5 =	vmul.f32 v5, v10;
	v8 =	vld [tilespmem:s24+$0x30]  }
0xa5: {  	v10 =	vbroadcast v2, $0x5;
	[tilespmem:s24+$0xFFFFFF80] =	vst v4;
	v4 =	vbroadcast v2, $0x4;
	v11 =	vld [tilespmem:s24+$0x10]  }
0xa6: {  	v13 =	vbroadcast v2, $0x7;
	[tilespmem:s24+$0xFFFFFF90] =	vst v3;
	v3 =	vbroadcast v2, $0x6;
	v14 =	vld [tilespmem:s24+$0x0]  }
0xa7: {  	[tilespmem:s24+$0xFFFFFFA0] =	vst v5;
	v4 =	vmul.f32 v12, v4;
	v5 =	vmul.f32 v9, v10;
	v9 =	vld [tilespmem:s24+$0x20]  }
0xa8: {  	[tilespmem:s24+$0xFFFFFFB0] =	vst v1;
	v1 =	vmul.f32 v7, v3;
	v3 =	vmul.f32 v6, v13;
	v6 =	vld [tilespmem:s24+$0x70]  }
0xa9: {  	v7 =	vbroadcast v2, $0x9;
	[tilespmem:s24+$0xFFFFFFC0] =	vst v4;
	v4 =	vbroadcast v2, $0x8;
	v10 =	vld [tilespmem:s24+$0x50]  }
0xaa: {  	v12 =	vbroadcast v2, $0xB;
	[tilespmem:s24+$0xFFFFFFD0] =	vst v5;
	v5 =	vbroadcast v2, $0xA;
	v13 =	vld [tilespmem:s24+$0x40]  }
0xab: {  	[tilespmem:s24+$0xFFFFFFE0] =	vst v1;
	v1 =	vmul.f32 v14, v4;
	v4 =	vmul.f32 v11, v7;
	v7 =	vld [tilespmem:s24+$0x60]  }
0xac: {  	[tilespmem:s24+$0xFFFFFFF0] =	vst v3;
	v3 =	vmul.f32 v9, v5;
	v5 =	vmul.f32 v8, v12  }
0xad: {  	v8 =	vbroadcast v2, $0xD;
	[tilespmem:s24+$0x0] =	vst v1;
	v1 =	vbroadcast v2, $0xC  }
0xae: {  	[tilespmem:s24+$0x10] =	vst v4;
	v4 =	vbroadcast v2, $0xE;
	v2 =	vbroadcast v2, $0xF  }
0xaf: {  	[tilespmem:s24+$0x20] =	vst v3;
	v1 =	vmul.f32 v13, v1;
	v3 =	vmul.f32 v10, v8  }
.Ltmp2:
0xb0: {  	[tilespmem:s24+$0x30] =	vst v5;
	v4 =	vmul.f32 v7, v4;
	v2 =	vmul.f32 v6, v2;
	(pc) =	sbr.rel @p0 .LBB2_7-.Ltmp2, $4  }
0xb1: {  	[tilespmem:s24+$0x40] =	vst v1  }
0xb2: {  	[tilespmem:s24+$0x50] =	vst v3  }
0xb3: {  	s24 =	sadd.s32 $0x100, s24;
	[tilespmem:s0+$0x60] =	vst v4  }
0xb4: {  	s21 =	sshra.s32 s20, $0x2;
	s20 =	sadd.s32 $0x40, s20;
	v1 =	vld [tilespmem:s24+$0xFFFFFFB0];
	[tilespmem:s0+$0x70] =	vst v2;
	s0 =	smov.u32 s24  }
0xb5: {  	v2 =	vld [tilespmem:s21+$0xE200];
	_ =	sdelay $0x1  }
0xb6: {  	v3 =	vld [tilespmem:s24+$0xFFFFFF80]  }
0xb7: {  	v4 =	vld [tilespmem:s24+$0xFFFFFF90]  }
0xb8: {  	v5 =	vld [tilespmem:s24+$0xFFFFFFA0]  }
0xb9: {  	v6 =	vbroadcast v2, $0x0  }
0xba: {  	v9 =	vld [tilespmem:s24+$0xFFFFFFD0];
	v7 =	vbroadcast v2, $0x1  }
0xbb: {  	v8 =	vld [tilespmem:s24+$0xFFFFFFC0];
	v10 =	vbroadcast v2, $0x2;
	v3 =	vmul.f32 v6, v3  }
0xbc: {  	v48 =	vld [tilespmem:s24+$0xFFFFFFE0];
	v47 =	vbroadcast v2, $0x3;
	v4 =	vmul.f32 v4, v7  }
0xbd: {  	v51 =	vld [tilespmem:s24+$0x10];
	v49 =	vbroadcast v2, $0x5;
	v5 =	vmul.f32 v5, v10;
	[tilespmem:s24+$0xFFFFFF80] =	vst v3  }
0xbe: {  	v11 =	vld [tilespmem:s24+$0xFFFFFFF0];
	v1 =	vmul.f32 v1, v47;
	v3 =	vbroadcast v2, $0x4;
	[tilespmem:s24+$0xFFFFFF90] =	vst v4  }
0xbf: {  	v50 =	vld [tilespmem:s24+$0x0];
	v12 =	vbroadcast v2, $0x6;
	v6 =	vmul.f32 v9, v49;
	[tilespmem:s24+$0xFFFFFFA0] =	vst v5  }
0xc0: {  	v56 =	vld [tilespmem:s24+$0x50];
	v54 =	vbroadcast v2, $0x9;
	[tilespmem:s24+$0xFFFFFFB0] =	vst v1;
	v3 =	vmul.f32 v8, v3  }
0xc1: {  	v53 =	vld [tilespmem:s24+$0x20];
	v52 =	vbroadcast v2, $0x7;
	v7 =	vmul.f32 v48, v12;
	[tilespmem:s24+$0xFFFFFFD0] =	vst v6  }
0xc2: {  	v59 =	vmul.f32 v51, v54;
	v1 =	vld [tilespmem:s24+$0x30];
	[tilespmem:s24+$0xFFFFFFC0] =	vst v3;
	v3 =	vbroadcast v2, $0x8  }
0xc3: {  	v55 =	vld [tilespmem:s24+$0x40];
	v62 =	vbroadcast v2, $0xD;
	v5 =	vmul.f32 v11, v52;
	[tilespmem:s24+$0xFFFFFFE0] =	vst v7  }
0xc4: {  	v60 =	vld [tilespmem:s24+$0x60];
	v57 =	vbroadcast v2, $0xA;
	[tilespmem:s24+$0x10] =	vst v59;
	v3 =	vmul.f32 v50, v3  }
0xc5: {  	v61 =	vld [tilespmem:s24+$0x70];
	v58 =	vbroadcast v2, $0xB;
	v4 =	vmul.f32 v56, v62;
	[tilespmem:s24+$0xFFFFFFF0] =	vst v5  }
0xc6: {  	v8 =	vmul.f32 v53, v57;
	[tilespmem:s24+$0x0] =	vst v3;
	v3 =	vbroadcast v2, $0xC  }
0xc7: {  	v63 =	vbroadcast v2, $0xE;
	[tilespmem:s24+$0x50] =	vst v4;
	v1 =	vmul.f32 v1, v58  }
0xc8: {  	[tilespmem:s24+$0x20] =	vst v8;
	v2 =	vbroadcast v2, $0xF;
	v3 =	vmul.f32 v55, v3  }
0xc9: {  	[tilespmem:s24+$0x30] =	vst v1;
	v1 =	vmul.f32 v60, v63  }
0xca: {  	v2 =	vmul.f32 v61, v2;
	[tilespmem:s24+$0x40] =	vst v3  }
0xcb: {  	[tilespmem:s0+$0x60] =	vst v1  }
0xcc: {  	s24 =	simm.s32 $0xD200;
	[tilespmem:s0+$0x70] =	vst v2  }
0xcd: {  	[spmem:s2] =	stream.indirect.scatter.add.f32 [tilespmem:s31], [sflag:$0x8], $0x10, s24, s29, $0xb8;
	[tilespmem:$0x13000] =	vst v63  }
0xce: {  	_ =	swait.ge [sflag:s13], $0x2000  }
0xcf: {  	[sflag:s13] =	ssyncset.done $0x0  }
0xd0: {  	s24 =	simm.s32 $0x9080;
	[sflag:s13] =	ssyncadd.s32 $0xFFFFE000  }
0xd1: {  	s21 =	simm.s32 $0x0;
	s20 =	simm.s32 $0x40;
	s0 =	simm.s32 $0x9080;
	v1 =	vld [tilespmem:s24+$0xFFFFFFB0]  }
.LBB2_9:
0xd2: {  	p0 =	sne.s32 s20, $0x7C0;
	v2 =	vld [tilespmem:s21+$0xE400]  }
0xd3: {  	v3 =	vld [tilespmem:s24+$0xFFFFFF90]  }
0xd4: {  	v4 =	vld [tilespmem:s24+$0xFFFFFF80]  }
0xd5: {  	v5 =	vld [tilespmem:s24+$0xFFFFFFA0]  }
0xd6: {  	v6 =	vld [tilespmem:s24+$0xFFFFFFF0]  }
0xd7: {  	v7 =	vbroadcast v2, $0x0;
	v8 =	vbroadcast v2, $0x1;
	v9 =	vld [tilespmem:s24+$0xFFFFFFD0]  }
0xd8: {  	v10 =	vbroadcast v2, $0x2;
	v11 =	vbroadcast v2, $0x3;
	v12 =	vld [tilespmem:s24+$0xFFFFFFC0]  }
0xd9: {  	v4 =	vmul.f32 v7, v4;
	v3 =	vmul.f32 v3, v8;
	v7 =	vld [tilespmem:s24+$0xFFFFFFE0]  }
0xda: {  	v1 =	vmul.f32 v1, v11;
	v5 =	vmul.f32 v5, v10;
	v8 =	vld [tilespmem:s24+$0x30]  }
0xdb: {  	v10 =	vbroadcast v2, $0x5;
	[tilespmem:s24+$0xFFFFFF80] =	vst v4;
	v4 =	vbroadcast v2, $0x4;
	v11 =	vld [tilespmem:s24+$0x10]  }
0xdc: {  	v13 =	vbroadcast v2, $0x7;
	[tilespmem:s24+$0xFFFFFF90] =	vst v3;
	v3 =	vbroadcast v2, $0x6;
	v14 =	vld [tilespmem:s24+$0x0]  }
0xdd: {  	[tilespmem:s24+$0xFFFFFFA0] =	vst v5;
	v4 =	vmul.f32 v12, v4;
	v5 =	vmul.f32 v9, v10;
	v9 =	vld [tilespmem:s24+$0x20]  }
0xde: {  	[tilespmem:s24+$0xFFFFFFB0] =	vst v1;
	v1 =	vmul.f32 v7, v3;
	v3 =	vmul.f32 v6, v13;
	v6 =	vld [tilespmem:s24+$0x70]  }
0xdf: {  	v7 =	vbroadcast v2, $0x9;
	[tilespmem:s24+$0xFFFFFFC0] =	vst v4;
	v4 =	vbroadcast v2, $0x8;
	v10 =	vld [tilespmem:s24+$0x50]  }
0xe0: {  	v12 =	vbroadcast v2, $0xB;
	[tilespmem:s24+$0xFFFFFFD0] =	vst v5;
	v5 =	vbroadcast v2, $0xA;
	v13 =	vld [tilespmem:s24+$0x40]  }
0xe1: {  	[tilespmem:s24+$0xFFFFFFE0] =	vst v1;
	v1 =	vmul.f32 v14, v4;
	v4 =	vmul.f32 v11, v7;
	v7 =	vld [tilespmem:s24+$0x60]  }
0xe2: {  	[tilespmem:s24+$0xFFFFFFF0] =	vst v3;
	v3 =	vmul.f32 v9, v5;
	v5 =	vmul.f32 v8, v12  }
0xe3: {  	v8 =	vbroadcast v2, $0xD;
	[tilespmem:s24+$0x0] =	vst v1;
	v1 =	vbroadcast v2, $0xC  }
0xe4: {  	[tilespmem:s24+$0x10] =	vst v4;
	v4 =	vbroadcast v2, $0xE;
	v2 =	vbroadcast v2, $0xF  }
0xe5: {  	[tilespmem:s24+$0x20] =	vst v3;
	v1 =	vmul.f32 v13, v1;
	v3 =	vmul.f32 v10, v8  }
.Ltmp3:
0xe6: {  	[tilespmem:s24+$0x30] =	vst v5;
	v4 =	vmul.f32 v7, v4;
	v2 =	vmul.f32 v6, v2;
	(pc) =	sbr.rel @p0 .LBB2_9-.Ltmp3, $4  }
0xe7: {  	[tilespmem:s24+$0x40] =	vst v1  }
0xe8: {  	[tilespmem:s24+$0x50] =	vst v3  }
0xe9: {  	s24 =	sadd.s32 $0x100, s24;
	[tilespmem:s0+$0x60] =	vst v4  }
0xea: {  	s21 =	sshra.s32 s20, $0x2;
	s20 =	sadd.s32 $0x40, s20;
	v1 =	vld [tilespmem:s24+$0xFFFFFFB0];
	[tilespmem:s0+$0x70] =	vst v2;
	s0 =	smov.u32 s24  }
0xeb: {  	v2 =	vld [tilespmem:s21+$0xE400];
	_ =	sdelay $0x1  }
0xec: {  	v3 =	vld [tilespmem:s24+$0xFFFFFF80]  }
0xed: {  	v4 =	vld [tilespmem:s24+$0xFFFFFF90]  }
0xee: {  	v5 =	vld [tilespmem:s24+$0xFFFFFFA0]  }
0xef: {  	v6 =	vbroadcast v2, $0x0  }
0xf0: {  	v9 =	vld [tilespmem:s24+$0xFFFFFFD0];
	v7 =	vbroadcast v2, $0x1  }
0xf1: {  	v8 =	vld [tilespmem:s24+$0xFFFFFFC0];
	v10 =	vbroadcast v2, $0x2;
	v3 =	vmul.f32 v6, v3  }
0xf2: {  	v48 =	vld [tilespmem:s24+$0xFFFFFFE0];
	v47 =	vbroadcast v2, $0x3;
	v4 =	vmul.f32 v4, v7  }
0xf3: {  	v51 =	vld [tilespmem:s24+$0x10];
	v49 =	vbroadcast v2, $0x5;
	v5 =	vmul.f32 v5, v10;
	[tilespmem:s24+$0xFFFFFF80] =	vst v3  }
0xf4: {  	v11 =	vld [tilespmem:s24+$0xFFFFFFF0];
	v1 =	vmul.f32 v1, v47;
	v3 =	vbroadcast v2, $0x4;
	[tilespmem:s24+$0xFFFFFF90] =	vst v4  }
0xf5: {  	v50 =	vld [tilespmem:s24+$0x0];
	v12 =	vbroadcast v2, $0x6;
	v6 =	vmul.f32 v9, v49;
	[tilespmem:s24+$0xFFFFFFA0] =	vst v5  }
0xf6: {  	v56 =	vld [tilespmem:s24+$0x50];
	v54 =	vbroadcast v2, $0x9;
	[tilespmem:s24+$0xFFFFFFB0] =	vst v1;
	v3 =	vmul.f32 v8, v3  }
0xf7: {  	v53 =	vld [tilespmem:s24+$0x20];
	v52 =	vbroadcast v2, $0x7;
	v7 =	vmul.f32 v48, v12;
	[tilespmem:s24+$0xFFFFFFD0] =	vst v6  }
0xf8: {  	v59 =	vmul.f32 v51, v54;
	v1 =	vld [tilespmem:s24+$0x30];
	[tilespmem:s24+$0xFFFFFFC0] =	vst v3;
	v3 =	vbroadcast v2, $0x8  }
0xf9: {  	v55 =	vld [tilespmem:s24+$0x40];
	v62 =	vbroadcast v2, $0xD;
	v5 =	vmul.f32 v11, v52;
	[tilespmem:s24+$0xFFFFFFE0] =	vst v7  }
0xfa: {  	v60 =	vld [tilespmem:s24+$0x60];
	v57 =	vbroadcast v2, $0xA;
	[tilespmem:s24+$0x10] =	vst v59;
	v3 =	vmul.f32 v50, v3  }
0xfb: {  	v61 =	vld [tilespmem:s24+$0x70];
	v58 =	vbroadcast v2, $0xB;
	v4 =	vmul.f32 v56, v62;
	[tilespmem:s24+$0xFFFFFFF0] =	vst v5  }
0xfc: {  	v8 =	vmul.f32 v53, v57;
	[tilespmem:s24+$0x0] =	vst v3;
	v3 =	vbroadcast v2, $0xC  }
0xfd: {  	v63 =	vbroadcast v2, $0xE;
	[tilespmem:s24+$0x50] =	vst v4;
	v1 =	vmul.f32 v1, v58  }
0xfe: {  	[tilespmem:s24+$0x20] =	vst v8;
	v2 =	vbroadcast v2, $0xF;
	v3 =	vmul.f32 v55, v3  }
0xff: {  	[tilespmem:s24+$0x30] =	vst v1;
	v1 =	vmul.f32 v60, v63  }
0x100: {  	v2 =	vmul.f32 v61, v2;
	[tilespmem:s24+$0x40] =	vst v3  }
0x101: {  	[tilespmem:s0+$0x60] =	vst v1  }
0x102: {  	s24 =	simm.s32 $0xD400;
	[tilespmem:s0+$0x70] =	vst v2  }
0x103: {  	[spmem:s2] =	stream.indirect.scatter.add.f32 [tilespmem:s22], [sflag:$0x9], $0x10, s24, s29, $0xb8;
	[tilespmem:$0x13000] =	vst v63  }
0x104: {  	_ =	swait.ge [sflag:s19], $0x2000  }
0x105: {  	[sflag:s19] =	ssyncset.done $0x0  }
0x106: {  	s24 =	simm.s32 $0xB080;
	[sflag:s19] =	ssyncadd.s32 $0xFFFFE000  }
0x107: {  	s21 =	simm.s32 $0x0;
	s20 =	simm.s32 $0x40;
	s0 =	simm.s32 $0xB080;
	v1 =	vld [tilespmem:s24+$0xFFFFFFB0]  }
.LBB2_11:
0x108: {  	p0 =	sne.s32 s20, $0x7C0;
	v2 =	vld [tilespmem:s21+$0xE600]  }
0x109: {  	v3 =	vld [tilespmem:s24+$0xFFFFFF90]  }
0x10a: {  	v4 =	vld [tilespmem:s24+$0xFFFFFF80]  }
0x10b: {  	v5 =	vld [tilespmem:s24+$0xFFFFFFA0]  }
0x10c: {  	v6 =	vld [tilespmem:s24+$0xFFFFFFF0]  }
0x10d: {  	v7 =	vbroadcast v2, $0x0;
	v8 =	vbroadcast v2, $0x1;
	v9 =	vld [tilespmem:s24+$0xFFFFFFD0]  }
0x10e: {  	v10 =	vbroadcast v2, $0x2;
	v11 =	vbroadcast v2, $0x3;
	v12 =	vld [tilespmem:s24+$0xFFFFFFC0]  }
0x10f: {  	v4 =	vmul.f32 v7, v4;
	v3 =	vmul.f32 v3, v8;
	v7 =	vld [tilespmem:s24+$0xFFFFFFE0]  }
0x110: {  	v1 =	vmul.f32 v1, v11;
	v5 =	vmul.f32 v5, v10;
	v8 =	vld [tilespmem:s24+$0x30]  }
0x111: {  	v10 =	vbroadcast v2, $0x5;
	[tilespmem:s24+$0xFFFFFF80] =	vst v4;
	v4 =	vbroadcast v2, $0x4;
	v11 =	vld [tilespmem:s24+$0x10]  }
0x112: {  	v13 =	vbroadcast v2, $0x7;
	[tilespmem:s24+$0xFFFFFF90] =	vst v3;
	v3 =	vbroadcast v2, $0x6;
	v14 =	vld [tilespmem:s24+$0x0]  }
0x113: {  	[tilespmem:s24+$0xFFFFFFA0] =	vst v5;
	v4 =	vmul.f32 v12, v4;
	v5 =	vmul.f32 v9, v10;
	v9 =	vld [tilespmem:s24+$0x20]  }
0x114: {  	[tilespmem:s24+$0xFFFFFFB0] =	vst v1;
	v1 =	vmul.f32 v7, v3;
	v3 =	vmul.f32 v6, v13;
	v6 =	vld [tilespmem:s24+$0x70]  }
0x115: {  	v7 =	vbroadcast v2, $0x9;
	[tilespmem:s24+$0xFFFFFFC0] =	vst v4;
	v4 =	vbroadcast v2, $0x8;
	v10 =	vld [tilespmem:s24+$0x50]  }
0x116: {  	v12 =	vbroadcast v2, $0xB;
	[tilespmem:s24+$0xFFFFFFD0] =	vst v5;
	v5 =	vbroadcast v2, $0xA;
	v13 =	vld [tilespmem:s24+$0x40]  }
0x117: {  	[tilespmem:s24+$0xFFFFFFE0] =	vst v1;
	v1 =	vmul.f32 v14, v4;
	v4 =	vmul.f32 v11, v7;
	v7 =	vld [tilespmem:s24+$0x60]  }
0x118: {  	[tilespmem:s24+$0xFFFFFFF0] =	vst v3;
	v3 =	vmul.f32 v9, v5;
	v5 =	vmul.f32 v8, v12  }
0x119: {  	v8 =	vbroadcast v2, $0xD;
	[tilespmem:s24+$0x0] =	vst v1;
	v1 =	vbroadcast v2, $0xC  }
0x11a: {  	[tilespmem:s24+$0x10] =	vst v4;
	v4 =	vbroadcast v2, $0xE;
	v2 =	vbroadcast v2, $0xF  }
0x11b: {  	[tilespmem:s24+$0x20] =	vst v3;
	v1 =	vmul.f32 v13, v1;
	v3 =	vmul.f32 v10, v8  }
.Ltmp4:
0x11c: {  	[tilespmem:s24+$0x30] =	vst v5;
	v4 =	vmul.f32 v7, v4;
	v2 =	vmul.f32 v6, v2;
	(pc) =	sbr.rel @p0 .LBB2_11-.Ltmp4, $4  }
0x11d: {  	[tilespmem:s24+$0x40] =	vst v1  }
0x11e: {  	[tilespmem:s24+$0x50] =	vst v3  }
0x11f: {  	s24 =	sadd.s32 $0x100, s24;
	[tilespmem:s0+$0x60] =	vst v4  }
0x120: {  	s21 =	sshra.s32 s20, $0x2;
	s20 =	sadd.s32 $0x40, s20;
	v1 =	vld [tilespmem:s24+$0xFFFFFFB0];
	[tilespmem:s0+$0x70] =	vst v2;
	s0 =	smov.u32 s24  }
0x121: {  	v2 =	vld [tilespmem:s21+$0xE600];
	_ =	sdelay $0x1  }
0x122: {  	v3 =	vld [tilespmem:s24+$0xFFFFFF80]  }
0x123: {  	v4 =	vld [tilespmem:s24+$0xFFFFFF90]  }
0x124: {  	v5 =	vld [tilespmem:s24+$0xFFFFFFA0]  }
0x125: {  	v6 =	vbroadcast v2, $0x0  }
0x126: {  	v9 =	vld [tilespmem:s24+$0xFFFFFFD0];
	v7 =	vbroadcast v2, $0x1  }
0x127: {  	v8 =	vld [tilespmem:s24+$0xFFFFFFC0];
	v10 =	vbroadcast v2, $0x2;
	v3 =	vmul.f32 v6, v3  }
0x128: {  	v48 =	vld [tilespmem:s24+$0xFFFFFFE0];
	v47 =	vbroadcast v2, $0x3;
	v4 =	vmul.f32 v4, v7  }
0x129: {  	v51 =	vld [tilespmem:s24+$0x10];
	v49 =	vbroadcast v2, $0x5;
	v5 =	vmul.f32 v5, v10;
	[tilespmem:s24+$0xFFFFFF80] =	vst v3  }
0x12a: {  	v11 =	vld [tilespmem:s24+$0xFFFFFFF0];
	v1 =	vmul.f32 v1, v47;
	v3 =	vbroadcast v2, $0x4;
	[tilespmem:s24+$0xFFFFFF90] =	vst v4  }
0x12b: {  	v50 =	vld [tilespmem:s24+$0x0];
	v12 =	vbroadcast v2, $0x6;
	v6 =	vmul.f32 v9, v49;
	[tilespmem:s24+$0xFFFFFFA0] =	vst v5  }
0x12c: {  	v56 =	vld [tilespmem:s24+$0x50];
	v54 =	vbroadcast v2, $0x9;
	[tilespmem:s24+$0xFFFFFFB0] =	vst v1;
	v3 =	vmul.f32 v8, v3  }
0x12d: {  	v53 =	vld [tilespmem:s24+$0x20];
	v52 =	vbroadcast v2, $0x7;
	v7 =	vmul.f32 v48, v12;
	[tilespmem:s24+$0xFFFFFFD0] =	vst v6  }
0x12e: {  	v59 =	vmul.f32 v51, v54;
	v1 =	vld [tilespmem:s24+$0x30];
	[tilespmem:s24+$0xFFFFFFC0] =	vst v3;
	v3 =	vbroadcast v2, $0x8  }
0x12f: {  	v55 =	vld [tilespmem:s24+$0x40];
	v62 =	vbroadcast v2, $0xD;
	v5 =	vmul.f32 v11, v52;
	[tilespmem:s24+$0xFFFFFFE0] =	vst v7  }
0x130: {  	v60 =	vld [tilespmem:s24+$0x60];
	v57 =	vbroadcast v2, $0xA;
	[tilespmem:s24+$0x10] =	vst v59;
	v3 =	vmul.f32 v50, v3  }
0x131: {  	v61 =	vld [tilespmem:s24+$0x70];
	v58 =	vbroadcast v2, $0xB;
	v4 =	vmul.f32 v56, v62;
	[tilespmem:s24+$0xFFFFFFF0] =	vst v5  }
0x132: {  	v8 =	vmul.f32 v53, v57;
	[tilespmem:s24+$0x0] =	vst v3;
	v3 =	vbroadcast v2, $0xC  }
0x133: {  	v63 =	vbroadcast v2, $0xE;
	[tilespmem:s24+$0x50] =	vst v4;
	v1 =	vmul.f32 v1, v58  }
0x134: {  	[tilespmem:s24+$0x20] =	vst v8;
	v2 =	vbroadcast v2, $0xF;
	v3 =	vmul.f32 v55, v3  }
0x135: {  	[tilespmem:s24+$0x30] =	vst v1;
	v1 =	vmul.f32 v60, v63  }
0x136: {  	v2 =	vmul.f32 v61, v2;
	[tilespmem:s24+$0x40] =	vst v3  }
0x137: {  	[tilespmem:s0+$0x60] =	vst v1  }
0x138: {  	s24 =	simm.s32 $0xD600;
	[tilespmem:s0+$0x70] =	vst v2  }
0x139: {  	[spmem:s2] =	stream.indirect.scatter.add.f32 [tilespmem:s9], [sflag:$0xA], $0x10, s24, s29, $0xb8;
	[tilespmem:$0x13000] =	vst v63  }
0x13a: {  	_ =	swait.ge [sflag:s8], $0x2000  }
0x13b: {  	[sflag:s8] =	ssyncset.done $0x0  }
0x13c: {  	[sflag:s8] =	ssyncadd.s32 $0xFFFFE000  }
0x13d: {  	_ =	swait.ge [sflag:s18], $0x2000  }
0x13e: {  	[sflag:s18] =	ssyncset.done $0x0  }
0x13f: {  	[sflag:s18] =	ssyncadd.s32 $0xFFFFE000  }
0x140: {  	_ =	swait.ge [sflag:s4], $0x2000  }
0x141: {  	[sflag:s4] =	ssyncset.done $0x0  }
0x142: {  	[sflag:s4] =	ssyncadd.s32 $0xFFFFE000  }
0x143: {  	_ =	swait.ge [sflag:s28], $0x2000  }
0x144: {  	[sflag:s28] =	ssyncset.done $0x0  }
0x145: {  	[sflag:s28] =	ssyncadd.s32 $0xFFFFE000  }
0x146: {  	_ =	swait.ge [sflag:s30], $0x800  }
0x147: {  	[sflag:s30] =	ssyncset.done $0x0  }
0x148: {  	[sflag:s30] =	ssyncadd.s32 $0xFFFFF800  }
0x149: {  	_ =	swait.ge [sflag:s30], $0x800  }
0x14a: {  	p0 =	seq.s32 s12, $0x14;
	[sflag:s30] =	ssyncset.done $0x0  }
0x14b: {  	s0 =	sadd.s32 @!p0 s16, s15;
	[sflag:s30] =	ssyncadd.s32 $0xFFFFF800  }
0x14c: {  	s0 =	sshll.u32 @!p0 s0, $0x6;
	_ =	swait.ge [sflag:s30], $0x800  }
0x14d: {  	s20 =	simm.s32 @!p0 $0x0;
	s0 =	sand.u32 @!p0 $0x1FFFFE00, s0;
	[sflag:s30] =	ssyncset.done $0x0  }
0x14e: {  	s21 =	simm.s32 @!p0 $0xD000;
	s16 =	sadd.s32 @!p0 s5, s0;
	[sflag:s30] =	ssyncadd.s32 $0xFFFFF800  }
0x14f: {  	[tilespmem:s21], [sflag:$0x5] =	stream.linear.gather @!p0 [hbm4b:s16+s20], $0x800, $0x38;
	[tilespmem:$0x13000] =	vst v63  }
0x150: {  	s16 =	sadd.s32 @!p0 s6, s0;
	s21 =	simm.s32 @!p0 $0x4000  }
0x151: {  	[tilespmem:s21], [sflag:$0x5] =	stream.linear.gather @!p0 [hbm4b:s16+s20], $0x800, $0x38;
	[tilespmem:$0x13000] =	vst v63  }
0x152: {  	s0 =	sadd.s32 @!p0 s7, s0;
	s16 =	simm.s32 @!p0 $0xE000  }
0x153: {  	[tilespmem:s16], [sflag:$0x5] =	stream.linear.gather @!p0 [hbm4b:s0+s20], $0x800, $0x38;
	[tilespmem:$0x13000] =	vst v63  }
0x154: {  	_ = 	snop  }
0x155: {  	[tilespmem:s17], [sflag:$0x1] =	stream.indirect.gather [spmem:s3], $0x10, s26, s29, $0xb8;
	[tilespmem:$0x13000] =	vst v63  }
0x156: {  	s20 =	simm.s32 $0x4A00  }
0x157: {  	[tilespmem:s31], [sflag:$0x2] =	stream.indirect.gather [spmem:s3], $0x10, s20, s29, $0xb8;
	[tilespmem:$0x13000] =	vst v63  }
0x158: {  	s21 =	simm.s32 $0x4C00  }
0x159: {  	[tilespmem:s22], [sflag:$0x3] =	stream.indirect.gather [spmem:s3], $0x10, s21, s29, $0xb8;
	[tilespmem:$0x13000] =	vst v63  }
0x15a: {  	s24 =	simm.s32 $0x4E00  }
0x15b: {  	[tilespmem:s9], [sflag:$0x4] =	stream.indirect.gather [spmem:s3], $0x10, s24, s29, $0xb8;
	[tilespmem:$0x13000] =	vst v63  }
0x15c: {  	_ =	swait.ge [sflag:s10], $0x2000  }
0x15d: {  	[sflag:s10] =	ssyncset.done $0x0  }
0x15e: {  	s12 =	sadd.s32 $0x1, s12;
	s16 =	simm.s32 $0x5080;
	[sflag:s10] =	ssyncadd.s32 $0xFFFFE000  }
0x15f: {  	s0 =	simm.s32 $0x5080;
	s20 =	simm.s32 $0x40;
	s21 =	simm.s32 $0x0;
	v1 =	vld [tilespmem:s16+$0xFFFFFFB0]  }
.LBB2_13:
0x160: {  	p0 =	sne.s32 s20, $0x7C0;
	v2 =	vld [tilespmem:s21+$0xE800]  }
0x161: {  	v3 =	vld [tilespmem:s16+$0xFFFFFF90]  }
0x162: {  	v4 =	vld [tilespmem:s16+$0xFFFFFF80]  }
0x163: {  	v5 =	vld [tilespmem:s16+$0xFFFFFFA0]  }
0x164: {  	v6 =	vld [tilespmem:s16+$0xFFFFFFF0]  }
0x165: {  	v7 =	vbroadcast v2, $0x0;
	v8 =	vbroadcast v2, $0x1;
	v9 =	vld [tilespmem:s16+$0xFFFFFFD0]  }
0x166: {  	v10 =	vbroadcast v2, $0x2;
	v11 =	vbroadcast v2, $0x3;
	v12 =	vld [tilespmem:s16+$0xFFFFFFC0]  }
0x167: {  	v4 =	vmul.f32 v7, v4;
	v3 =	vmul.f32 v3, v8;
	v7 =	vld [tilespmem:s16+$0xFFFFFFE0]  }
0x168: {  	v1 =	vmul.f32 v1, v11;
	v5 =	vmul.f32 v5, v10;
	v8 =	vld [tilespmem:s16+$0x30]  }
0x169: {  	v10 =	vbroadcast v2, $0x5;
	[tilespmem:s16+$0xFFFFFF80] =	vst v4;
	v4 =	vbroadcast v2, $0x4;
	v11 =	vld [tilespmem:s16+$0x10]  }
0x16a: {  	v13 =	vbroadcast v2, $0x7;
	[tilespmem:s16+$0xFFFFFF90] =	vst v3;
	v3 =	vbroadcast v2, $0x6;
	v14 =	vld [tilespmem:s16+$0x0]  }
0x16b: {  	[tilespmem:s16+$0xFFFFFFA0] =	vst v5;
	v4 =	vmul.f32 v12, v4;
	v5 =	vmul.f32 v9, v10;
	v9 =	vld [tilespmem:s16+$0x20]  }
0x16c: {  	[tilespmem:s16+$0xFFFFFFB0] =	vst v1;
	v1 =	vmul.f32 v7, v3;
	v3 =	vmul.f32 v6, v13;
	v6 =	vld [tilespmem:s16+$0x70]  }
0x16d: {  	v7 =	vbroadcast v2, $0x9;
	[tilespmem:s16+$0xFFFFFFC0] =	vst v4;
	v4 =	vbroadcast v2, $0x8;
	v10 =	vld [tilespmem:s16+$0x50]  }
0x16e: {  	v12 =	vbroadcast v2, $0xB;
	[tilespmem:s16+$0xFFFFFFD0] =	vst v5;
	v5 =	vbroadcast v2, $0xA;
	v13 =	vld [tilespmem:s16+$0x40]  }
0x16f: {  	[tilespmem:s16+$0xFFFFFFE0] =	vst v1;
	v1 =	vmul.f32 v14, v4;
	v4 =	vmul.f32 v11, v7;
	v7 =	vld [tilespmem:s16+$0x60]  }
0x170: {  	[tilespmem:s16+$0xFFFFFFF0] =	vst v3;
	v3 =	vmul.f32 v9, v5;
	v5 =	vmul.f32 v8, v12  }
0x171: {  	v8 =	vbroadcast v2, $0xD;
	[tilespmem:s16+$0x0] =	vst v1;
	v1 =	vbroadcast v2, $0xC  }
0x172: {  	[tilespmem:s16+$0x10] =	vst v4;
	v4 =	vbroadcast v2, $0xE;
	v2 =	vbroadcast v2, $0xF  }
0x173: {  	[tilespmem:s16+$0x20] =	vst v3;
	v1 =	vmul.f32 v13, v1;
	v3 =	vmul.f32 v10, v8  }
.Ltmp5:
0x174: {  	[tilespmem:s16+$0x30] =	vst v5;
	v4 =	vmul.f32 v7, v4;
	v2 =	vmul.f32 v6, v2;
	(pc) =	sbr.rel @p0 .LBB2_13-.Ltmp5, $4  }
0x175: {  	[tilespmem:s16+$0x40] =	vst v1  }
0x176: {  	[tilespmem:s16+$0x50] =	vst v3  }
0x177: {  	s16 =	sadd.s32 $0x100, s16;
	[tilespmem:s0+$0x60] =	vst v4  }
0x178: {  	s21 =	sshra.s32 s20, $0x2;
	s20 =	sadd.s32 $0x40, s20;
	v1 =	vld [tilespmem:s16+$0xFFFFFFB0];
	[tilespmem:s0+$0x70] =	vst v2;
	s0 =	smov.u32 s16  }
0x179: {  	v2 =	vld [tilespmem:s21+$0xE800];
	_ =	sdelay $0x1  }
0x17a: {  	v3 =	vld [tilespmem:s16+$0xFFFFFF80]  }
0x17b: {  	v4 =	vld [tilespmem:s16+$0xFFFFFF90]  }
0x17c: {  	v5 =	vld [tilespmem:s16+$0xFFFFFFA0]  }
0x17d: {  	v6 =	vbroadcast v2, $0x0  }
0x17e: {  	v9 =	vld [tilespmem:s16+$0xFFFFFFD0];
	v7 =	vbroadcast v2, $0x1  }
0x17f: {  	v8 =	vld [tilespmem:s16+$0xFFFFFFC0];
	v10 =	vbroadcast v2, $0x2;
	v3 =	vmul.f32 v6, v3  }
0x180: {  	v48 =	vld [tilespmem:s16+$0xFFFFFFE0];
	v47 =	vbroadcast v2, $0x3;
	v4 =	vmul.f32 v4, v7  }
0x181: {  	v51 =	vld [tilespmem:s16+$0x10];
	v49 =	vbroadcast v2, $0x5;
	v5 =	vmul.f32 v5, v10;
	[tilespmem:s16+$0xFFFFFF80] =	vst v3  }
0x182: {  	v11 =	vld [tilespmem:s16+$0xFFFFFFF0];
	v1 =	vmul.f32 v1, v47;
	v3 =	vbroadcast v2, $0x4;
	[tilespmem:s16+$0xFFFFFF90] =	vst v4  }
0x183: {  	v50 =	vld [tilespmem:s16+$0x0];
	v12 =	vbroadcast v2, $0x6;
	v6 =	vmul.f32 v9, v49;
	[tilespmem:s16+$0xFFFFFFA0] =	vst v5  }
0x184: {  	v56 =	vld [tilespmem:s16+$0x50];
	v54 =	vbroadcast v2, $0x9;
	[tilespmem:s16+$0xFFFFFFB0] =	vst v1;
	v3 =	vmul.f32 v8, v3  }
0x185: {  	v53 =	vld [tilespmem:s16+$0x20];
	v52 =	vbroadcast v2, $0x7;
	v7 =	vmul.f32 v48, v12;
	[tilespmem:s16+$0xFFFFFFD0] =	vst v6  }
0x186: {  	v59 =	vmul.f32 v51, v54;
	v1 =	vld [tilespmem:s16+$0x30];
	[tilespmem:s16+$0xFFFFFFC0] =	vst v3;
	v3 =	vbroadcast v2, $0x8  }
0x187: {  	v55 =	vld [tilespmem:s16+$0x40];
	v62 =	vbroadcast v2, $0xD;
	v5 =	vmul.f32 v11, v52;
	[tilespmem:s16+$0xFFFFFFE0] =	vst v7  }
0x188: {  	v60 =	vld [tilespmem:s16+$0x60];
	v57 =	vbroadcast v2, $0xA;
	[tilespmem:s16+$0x10] =	vst v59;
	v3 =	vmul.f32 v50, v3  }
0x189: {  	v61 =	vld [tilespmem:s16+$0x70];
	v58 =	vbroadcast v2, $0xB;
	v4 =	vmul.f32 v56, v62;
	[tilespmem:s16+$0xFFFFFFF0] =	vst v5  }
0x18a: {  	v8 =	vmul.f32 v53, v57;
	[tilespmem:s16+$0x0] =	vst v3;
	v3 =	vbroadcast v2, $0xC  }
0x18b: {  	v63 =	vbroadcast v2, $0xE;
	[tilespmem:s16+$0x50] =	vst v4;
	v1 =	vmul.f32 v1, v58  }
0x18c: {  	[tilespmem:s16+$0x20] =	vst v8;
	v2 =	vbroadcast v2, $0xF;
	v3 =	vmul.f32 v55, v3  }
0x18d: {  	[tilespmem:s16+$0x30] =	vst v1;
	v1 =	vmul.f32 v60, v63  }
0x18e: {  	v2 =	vmul.f32 v61, v2;
	[tilespmem:s16+$0x40] =	vst v3  }
0x18f: {  	[tilespmem:s0+$0x60] =	vst v1  }
0x190: {  	[tilespmem:s0+$0x70] =	vst v2  }
0x191: {  	[spmem:s2] =	stream.indirect.scatter.add.f32 [tilespmem:s17], [sflag:$0x7], $0x10, s25, s29, $0xb8;
	[tilespmem:$0x13000] =	vst v63  }
0x192: {  	_ =	swait.ge [sflag:s11], $0x2000  }
0x193: {  	[sflag:s11] =	ssyncset.done $0x0  }
0x194: {  	s16 =	simm.s32 $0x7080;
	[sflag:s11] =	ssyncadd.s32 $0xFFFFE000  }
0x195: {  	s21 =	simm.s32 $0x0;
	s20 =	simm.s32 $0x40;
	s0 =	simm.s32 $0x7080;
	v1 =	vld [tilespmem:s16+$0xFFFFFFB0]  }
.LBB2_15:
0x196: {  	p0 =	sne.s32 s20, $0x7C0;
	v2 =	vld [tilespmem:s21+$0xEA00]  }
0x197: {  	v3 =	vld [tilespmem:s16+$0xFFFFFF90]  }
0x198: {  	v4 =	vld [tilespmem:s16+$0xFFFFFF80]  }
0x199: {  	v5 =	vld [tilespmem:s16+$0xFFFFFFA0]  }
0x19a: {  	v6 =	vld [tilespmem:s16+$0xFFFFFFF0]  }
0x19b: {  	v7 =	vbroadcast v2, $0x0;
	v8 =	vbroadcast v2, $0x1;
	v9 =	vld [tilespmem:s16+$0xFFFFFFD0]  }
0x19c: {  	v10 =	vbroadcast v2, $0x2;
	v11 =	vbroadcast v2, $0x3;
	v12 =	vld [tilespmem:s16+$0xFFFFFFC0]  }
0x19d: {  	v4 =	vmul.f32 v7, v4;
	v3 =	vmul.f32 v3, v8;
	v7 =	vld [tilespmem:s16+$0xFFFFFFE0]  }
0x19e: {  	v1 =	vmul.f32 v1, v11;
	v5 =	vmul.f32 v5, v10;
	v8 =	vld [tilespmem:s16+$0x30]  }
0x19f: {  	v10 =	vbroadcast v2, $0x5;
	[tilespmem:s16+$0xFFFFFF80] =	vst v4;
	v4 =	vbroadcast v2, $0x4;
	v11 =	vld [tilespmem:s16+$0x10]  }
0x1a0: {  	v13 =	vbroadcast v2, $0x7;
	[tilespmem:s16+$0xFFFFFF90] =	vst v3;
	v3 =	vbroadcast v2, $0x6;
	v14 =	vld [tilespmem:s16+$0x0]  }
0x1a1: {  	[tilespmem:s16+$0xFFFFFFA0] =	vst v5;
	v4 =	vmul.f32 v12, v4;
	v5 =	vmul.f32 v9, v10;
	v9 =	vld [tilespmem:s16+$0x20]  }
0x1a2: {  	[tilespmem:s16+$0xFFFFFFB0] =	vst v1;
	v1 =	vmul.f32 v7, v3;
	v3 =	vmul.f32 v6, v13;
	v6 =	vld [tilespmem:s16+$0x70]  }
0x1a3: {  	v7 =	vbroadcast v2, $0x9;
	[tilespmem:s16+$0xFFFFFFC0] =	vst v4;
	v4 =	vbroadcast v2, $0x8;
	v10 =	vld [tilespmem:s16+$0x50]  }
0x1a4: {  	v12 =	vbroadcast v2, $0xB;
	[tilespmem:s16+$0xFFFFFFD0] =	vst v5;
	v5 =	vbroadcast v2, $0xA;
	v13 =	vld [tilespmem:s16+$0x40]  }
0x1a5: {  	[tilespmem:s16+$0xFFFFFFE0] =	vst v1;
	v1 =	vmul.f32 v14, v4;
	v4 =	vmul.f32 v11, v7;
	v7 =	vld [tilespmem:s16+$0x60]  }
0x1a6: {  	[tilespmem:s16+$0xFFFFFFF0] =	vst v3;
	v3 =	vmul.f32 v9, v5;
	v5 =	vmul.f32 v8, v12  }
0x1a7: {  	v8 =	vbroadcast v2, $0xD;
	[tilespmem:s16+$0x0] =	vst v1;
	v1 =	vbroadcast v2, $0xC  }
0x1a8: {  	[tilespmem:s16+$0x10] =	vst v4;
	v4 =	vbroadcast v2, $0xE;
	v2 =	vbroadcast v2, $0xF  }
0x1a9: {  	[tilespmem:s16+$0x20] =	vst v3;
	v1 =	vmul.f32 v13, v1;
	v3 =	vmul.f32 v10, v8  }
.Ltmp6:
0x1aa: {  	[tilespmem:s16+$0x30] =	vst v5;
	v4 =	vmul.f32 v7, v4;
	v2 =	vmul.f32 v6, v2;
	(pc) =	sbr.rel @p0 .LBB2_15-.Ltmp6, $4  }
0x1ab: {  	[tilespmem:s16+$0x40] =	vst v1  }
0x1ac: {  	[tilespmem:s16+$0x50] =	vst v3  }
0x1ad: {  	s16 =	sadd.s32 $0x100, s16;
	[tilespmem:s0+$0x60] =	vst v4  }
0x1ae: {  	s21 =	sshra.s32 s20, $0x2;
	s20 =	sadd.s32 $0x40, s20;
	v1 =	vld [tilespmem:s16+$0xFFFFFFB0];
	[tilespmem:s0+$0x70] =	vst v2;
	s0 =	smov.u32 s16  }
0x1af: {  	v2 =	vld [tilespmem:s21+$0xEA00];
	_ =	sdelay $0x1  }
0x1b0: {  	v3 =	vld [tilespmem:s16+$0xFFFFFF80]  }
0x1b1: {  	v4 =	vld [tilespmem:s16+$0xFFFFFF90]  }
0x1b2: {  	v5 =	vld [tilespmem:s16+$0xFFFFFFA0]  }
0x1b3: {  	v6 =	vbroadcast v2, $0x0  }
0x1b4: {  	v9 =	vld [tilespmem:s16+$0xFFFFFFD0];
	v7 =	vbroadcast v2, $0x1  }
0x1b5: {  	v8 =	vld [tilespmem:s16+$0xFFFFFFC0];
	v10 =	vbroadcast v2, $0x2;
	v3 =	vmul.f32 v6, v3  }
0x1b6: {  	v48 =	vld [tilespmem:s16+$0xFFFFFFE0];
	v47 =	vbroadcast v2, $0x3;
	v4 =	vmul.f32 v4, v7  }
0x1b7: {  	v51 =	vld [tilespmem:s16+$0x10];
	v49 =	vbroadcast v2, $0x5;
	v5 =	vmul.f32 v5, v10;
	[tilespmem:s16+$0xFFFFFF80] =	vst v3  }
0x1b8: {  	v11 =	vld [tilespmem:s16+$0xFFFFFFF0];
	v1 =	vmul.f32 v1, v47;
	v3 =	vbroadcast v2, $0x4;
	[tilespmem:s16+$0xFFFFFF90] =	vst v4  }
0x1b9: {  	v50 =	vld [tilespmem:s16+$0x0];
	v12 =	vbroadcast v2, $0x6;
	v6 =	vmul.f32 v9, v49;
	[tilespmem:s16+$0xFFFFFFA0] =	vst v5  }
0x1ba: {  	v56 =	vld [tilespmem:s16+$0x50];
	v54 =	vbroadcast v2, $0x9;
	[tilespmem:s16+$0xFFFFFFB0] =	vst v1;
	v3 =	vmul.f32 v8, v3  }
0x1bb: {  	v53 =	vld [tilespmem:s16+$0x20];
	v52 =	vbroadcast v2, $0x7;
	v7 =	vmul.f32 v48, v12;
	[tilespmem:s16+$0xFFFFFFD0] =	vst v6  }
0x1bc: {  	v59 =	vmul.f32 v51, v54;
	v1 =	vld [tilespmem:s16+$0x30];
	[tilespmem:s16+$0xFFFFFFC0] =	vst v3;
	v3 =	vbroadcast v2, $0x8  }
0x1bd: {  	v55 =	vld [tilespmem:s16+$0x40];
	v62 =	vbroadcast v2, $0xD;
	v5 =	vmul.f32 v11, v52;
	[tilespmem:s16+$0xFFFFFFE0] =	vst v7  }
0x1be: {  	v60 =	vld [tilespmem:s16+$0x60];
	v57 =	vbroadcast v2, $0xA;
	[tilespmem:s16+$0x10] =	vst v59;
	v3 =	vmul.f32 v50, v3  }
0x1bf: {  	v61 =	vld [tilespmem:s16+$0x70];
	v58 =	vbroadcast v2, $0xB;
	v4 =	vmul.f32 v56, v62;
	[tilespmem:s16+$0xFFFFFFF0] =	vst v5  }
0x1c0: {  	v8 =	vmul.f32 v53, v57;
	[tilespmem:s16+$0x0] =	vst v3;
	v3 =	vbroadcast v2, $0xC  }
0x1c1: {  	v63 =	vbroadcast v2, $0xE;
	[tilespmem:s16+$0x50] =	vst v4;
	v1 =	vmul.f32 v1, v58  }
0x1c2: {  	[tilespmem:s16+$0x20] =	vst v8;
	v2 =	vbroadcast v2, $0xF;
	v3 =	vmul.f32 v55, v3  }
0x1c3: {  	[tilespmem:s16+$0x30] =	vst v1;
	v1 =	vmul.f32 v60, v63  }
0x1c4: {  	v2 =	vmul.f32 v61, v2;
	[tilespmem:s16+$0x40] =	vst v3  }
0x1c5: {  	[tilespmem:s0+$0x60] =	vst v1  }
0x1c6: {  	s24 =	simm.s32 $0xDA00;
	[tilespmem:s0+$0x70] =	vst v2  }
0x1c7: {  	[spmem:s2] =	stream.indirect.scatter.add.f32 [tilespmem:s31], [sflag:$0x8], $0x10, s24, s29, $0xb8;
	[tilespmem:$0x13000] =	vst v63  }
0x1c8: {  	_ =	swait.ge [sflag:s13], $0x2000  }
0x1c9: {  	[sflag:s13] =	ssyncset.done $0x0  }
0x1ca: {  	s16 =	simm.s32 $0x9080;
	[sflag:s13] =	ssyncadd.s32 $0xFFFFE000  }
0x1cb: {  	s21 =	simm.s32 $0x0;
	s20 =	simm.s32 $0x40;
	s0 =	simm.s32 $0x9080;
	v1 =	vld [tilespmem:s16+$0xFFFFFFB0]  }
.LBB2_17:
0x1cc: {  	p0 =	sne.s32 s20, $0x7C0;
	v2 =	vld [tilespmem:s21+$0xEC00]  }
0x1cd: {  	v3 =	vld [tilespmem:s16+$0xFFFFFF90]  }
0x1ce: {  	v4 =	vld [tilespmem:s16+$0xFFFFFF80]  }
0x1cf: {  	v5 =	vld [tilespmem:s16+$0xFFFFFFA0]  }
0x1d0: {  	v6 =	vld [tilespmem:s16+$0xFFFFFFF0]  }
0x1d1: {  	v7 =	vbroadcast v2, $0x0;
	v8 =	vbroadcast v2, $0x1;
	v9 =	vld [tilespmem:s16+$0xFFFFFFD0]  }
0x1d2: {  	v10 =	vbroadcast v2, $0x2;
	v11 =	vbroadcast v2, $0x3;
	v12 =	vld [tilespmem:s16+$0xFFFFFFC0]  }
0x1d3: {  	v4 =	vmul.f32 v7, v4;
	v3 =	vmul.f32 v3, v8;
	v7 =	vld [tilespmem:s16+$0xFFFFFFE0]  }
0x1d4: {  	v1 =	vmul.f32 v1, v11;
	v5 =	vmul.f32 v5, v10;
	v8 =	vld [tilespmem:s16+$0x30]  }
0x1d5: {  	v10 =	vbroadcast v2, $0x5;
	[tilespmem:s16+$0xFFFFFF80] =	vst v4;
	v4 =	vbroadcast v2, $0x4;
	v11 =	vld [tilespmem:s16+$0x10]  }
0x1d6: {  	v13 =	vbroadcast v2, $0x7;
	[tilespmem:s16+$0xFFFFFF90] =	vst v3;
	v3 =	vbroadcast v2, $0x6;
	v14 =	vld [tilespmem:s16+$0x0]  }
0x1d7: {  	[tilespmem:s16+$0xFFFFFFA0] =	vst v5;
	v4 =	vmul.f32 v12, v4;
	v5 =	vmul.f32 v9, v10;
	v9 =	vld [tilespmem:s16+$0x20]  }
0x1d8: {  	[tilespmem:s16+$0xFFFFFFB0] =	vst v1;
	v1 =	vmul.f32 v7, v3;
	v3 =	vmul.f32 v6, v13;
	v6 =	vld [tilespmem:s16+$0x70]  }
0x1d9: {  	v7 =	vbroadcast v2, $0x9;
	[tilespmem:s16+$0xFFFFFFC0] =	vst v4;
	v4 =	vbroadcast v2, $0x8;
	v10 =	vld [tilespmem:s16+$0x50]  }
0x1da: {  	v12 =	vbroadcast v2, $0xB;
	[tilespmem:s16+$0xFFFFFFD0] =	vst v5;
	v5 =	vbroadcast v2, $0xA;
	v13 =	vld [tilespmem:s16+$0x40]  }
0x1db: {  	[tilespmem:s16+$0xFFFFFFE0] =	vst v1;
	v1 =	vmul.f32 v14, v4;
	v4 =	vmul.f32 v11, v7;
	v7 =	vld [tilespmem:s16+$0x60]  }
0x1dc: {  	[tilespmem:s16+$0xFFFFFFF0] =	vst v3;
	v3 =	vmul.f32 v9, v5;
	v5 =	vmul.f32 v8, v12  }
0x1dd: {  	v8 =	vbroadcast v2, $0xD;
	[tilespmem:s16+$0x0] =	vst v1;
	v1 =	vbroadcast v2, $0xC  }
0x1de: {  	[tilespmem:s16+$0x10] =	vst v4;
	v4 =	vbroadcast v2, $0xE;
	v2 =	vbroadcast v2, $0xF  }
0x1df: {  	[tilespmem:s16+$0x20] =	vst v3;
	v1 =	vmul.f32 v13, v1;
	v3 =	vmul.f32 v10, v8  }
.Ltmp7:
0x1e0: {  	[tilespmem:s16+$0x30] =	vst v5;
	v4 =	vmul.f32 v7, v4;
	v2 =	vmul.f32 v6, v2;
	(pc) =	sbr.rel @p0 .LBB2_17-.Ltmp7, $4  }
0x1e1: {  	[tilespmem:s16+$0x40] =	vst v1  }
0x1e2: {  	[tilespmem:s16+$0x50] =	vst v3  }
0x1e3: {  	s16 =	sadd.s32 $0x100, s16;
	[tilespmem:s0+$0x60] =	vst v4  }
0x1e4: {  	s21 =	sshra.s32 s20, $0x2;
	s20 =	sadd.s32 $0x40, s20;
	v1 =	vld [tilespmem:s16+$0xFFFFFFB0];
	[tilespmem:s0+$0x70] =	vst v2;
	s0 =	smov.u32 s16  }
0x1e5: {  	v2 =	vld [tilespmem:s21+$0xEC00];
	_ =	sdelay $0x1  }
0x1e6: {  	v3 =	vld [tilespmem:s16+$0xFFFFFF80]  }
0x1e7: {  	v4 =	vld [tilespmem:s16+$0xFFFFFF90]  }
0x1e8: {  	v5 =	vld [tilespmem:s16+$0xFFFFFFA0]  }
0x1e9: {  	v6 =	vbroadcast v2, $0x0  }
0x1ea: {  	v9 =	vld [tilespmem:s16+$0xFFFFFFD0];
	v7 =	vbroadcast v2, $0x1  }
0x1eb: {  	v8 =	vld [tilespmem:s16+$0xFFFFFFC0];
	v10 =	vbroadcast v2, $0x2;
	v3 =	vmul.f32 v6, v3  }
0x1ec: {  	v48 =	vld [tilespmem:s16+$0xFFFFFFE0];
	v47 =	vbroadcast v2, $0x3;
	v4 =	vmul.f32 v4, v7  }
0x1ed: {  	v51 =	vld [tilespmem:s16+$0x10];
	v49 =	vbroadcast v2, $0x5;
	v5 =	vmul.f32 v5, v10;
	[tilespmem:s16+$0xFFFFFF80] =	vst v3  }
0x1ee: {  	v11 =	vld [tilespmem:s16+$0xFFFFFFF0];
	v1 =	vmul.f32 v1, v47;
	v3 =	vbroadcast v2, $0x4;
	[tilespmem:s16+$0xFFFFFF90] =	vst v4  }
0x1ef: {  	v50 =	vld [tilespmem:s16+$0x0];
	v12 =	vbroadcast v2, $0x6;
	v6 =	vmul.f32 v9, v49;
	[tilespmem:s16+$0xFFFFFFA0] =	vst v5  }
0x1f0: {  	v56 =	vld [tilespmem:s16+$0x50];
	v54 =	vbroadcast v2, $0x9;
	[tilespmem:s16+$0xFFFFFFB0] =	vst v1;
	v3 =	vmul.f32 v8, v3  }
0x1f1: {  	v53 =	vld [tilespmem:s16+$0x20];
	v52 =	vbroadcast v2, $0x7;
	v7 =	vmul.f32 v48, v12;
	[tilespmem:s16+$0xFFFFFFD0] =	vst v6  }
0x1f2: {  	v59 =	vmul.f32 v51, v54;
	v1 =	vld [tilespmem:s16+$0x30];
	[tilespmem:s16+$0xFFFFFFC0] =	vst v3;
	v3 =	vbroadcast v2, $0x8  }
0x1f3: {  	v55 =	vld [tilespmem:s16+$0x40];
	v62 =	vbroadcast v2, $0xD;
	v5 =	vmul.f32 v11, v52;
	[tilespmem:s16+$0xFFFFFFE0] =	vst v7  }
0x1f4: {  	v60 =	vld [tilespmem:s16+$0x60];
	v57 =	vbroadcast v2, $0xA;
	[tilespmem:s16+$0x10] =	vst v59;
	v3 =	vmul.f32 v50, v3  }
0x1f5: {  	v61 =	vld [tilespmem:s16+$0x70];
	v58 =	vbroadcast v2, $0xB;
	v4 =	vmul.f32 v56, v62;
	[tilespmem:s16+$0xFFFFFFF0] =	vst v5  }
0x1f6: {  	v8 =	vmul.f32 v53, v57;
	[tilespmem:s16+$0x0] =	vst v3;
	v3 =	vbroadcast v2, $0xC  }
0x1f7: {  	v63 =	vbroadcast v2, $0xE;
	[tilespmem:s16+$0x50] =	vst v4;
	v1 =	vmul.f32 v1, v58  }
0x1f8: {  	[tilespmem:s16+$0x20] =	vst v8;
	v2 =	vbroadcast v2, $0xF;
	v3 =	vmul.f32 v55, v3  }
0x1f9: {  	[tilespmem:s16+$0x30] =	vst v1;
	v1 =	vmul.f32 v60, v63  }
0x1fa: {  	v2 =	vmul.f32 v61, v2;
	[tilespmem:s16+$0x40] =	vst v3  }
0x1fb: {  	[tilespmem:s0+$0x60] =	vst v1  }
0x1fc: {  	s24 =	simm.s32 $0xDC00;
	[tilespmem:s0+$0x70] =	vst v2  }
0x1fd: {  	[spmem:s2] =	stream.indirect.scatter.add.f32 [tilespmem:s22], [sflag:$0x9], $0x10, s24, s29, $0xb8;
	[tilespmem:$0x13000] =	vst v63  }
0x1fe: {  	_ =	swait.ge [sflag:s19], $0x2000  }
0x1ff: {  	[sflag:s19] =	ssyncset.done $0x0  }
0x200: {  	s16 =	simm.s32 $0xB080;
	[sflag:s19] =	ssyncadd.s32 $0xFFFFE000  }
0x201: {  	s21 =	simm.s32 $0x0;
	s20 =	simm.s32 $0x40;
	s0 =	simm.s32 $0xB080;
	v1 =	vld [tilespmem:s16+$0xFFFFFFB0]  }
.LBB2_19:
0x202: {  	p0 =	sne.s32 s20, $0x7C0;
	v2 =	vld [tilespmem:s21+$0xEE00]  }
0x203: {  	v3 =	vld [tilespmem:s16+$0xFFFFFF90]  }
0x204: {  	v4 =	vld [tilespmem:s16+$0xFFFFFF80]  }
0x205: {  	v5 =	vld [tilespmem:s16+$0xFFFFFFA0]  }
0x206: {  	v6 =	vld [tilespmem:s16+$0xFFFFFFF0]  }
0x207: {  	v7 =	vbroadcast v2, $0x0;
	v8 =	vbroadcast v2, $0x1;
	v9 =	vld [tilespmem:s16+$0xFFFFFFD0]  }
0x208: {  	v10 =	vbroadcast v2, $0x2;
	v11 =	vbroadcast v2, $0x3;
	v12 =	vld [tilespmem:s16+$0xFFFFFFC0]  }
0x209: {  	v4 =	vmul.f32 v7, v4;
	v3 =	vmul.f32 v3, v8;
	v7 =	vld [tilespmem:s16+$0xFFFFFFE0]  }
0x20a: {  	v1 =	vmul.f32 v1, v11;
	v5 =	vmul.f32 v5, v10;
	v8 =	vld [tilespmem:s16+$0x30]  }
0x20b: {  	v10 =	vbroadcast v2, $0x5;
	[tilespmem:s16+$0xFFFFFF80] =	vst v4;
	v4 =	vbroadcast v2, $0x4;
	v11 =	vld [tilespmem:s16+$0x10]  }
0x20c: {  	v13 =	vbroadcast v2, $0x7;
	[tilespmem:s16+$0xFFFFFF90] =	vst v3;
	v3 =	vbroadcast v2, $0x6;
	v14 =	vld [tilespmem:s16+$0x0]  }
0x20d: {  	[tilespmem:s16+$0xFFFFFFA0] =	vst v5;
	v4 =	vmul.f32 v12, v4;
	v5 =	vmul.f32 v9, v10;
	v9 =	vld [tilespmem:s16+$0x20]  }
0x20e: {  	[tilespmem:s16+$0xFFFFFFB0] =	vst v1;
	v1 =	vmul.f32 v7, v3;
	v3 =	vmul.f32 v6, v13;
	v6 =	vld [tilespmem:s16+$0x70]  }
0x20f: {  	v7 =	vbroadcast v2, $0x9;
	[tilespmem:s16+$0xFFFFFFC0] =	vst v4;
	v4 =	vbroadcast v2, $0x8;
	v10 =	vld [tilespmem:s16+$0x50]  }
0x210: {  	v12 =	vbroadcast v2, $0xB;
	[tilespmem:s16+$0xFFFFFFD0] =	vst v5;
	v5 =	vbroadcast v2, $0xA;
	v13 =	vld [tilespmem:s16+$0x40]  }
0x211: {  	[tilespmem:s16+$0xFFFFFFE0] =	vst v1;
	v1 =	vmul.f32 v14, v4;
	v4 =	vmul.f32 v11, v7;
	v7 =	vld [tilespmem:s16+$0x60]  }
0x212: {  	[tilespmem:s16+$0xFFFFFFF0] =	vst v3;
	v3 =	vmul.f32 v9, v5;
	v5 =	vmul.f32 v8, v12  }
0x213: {  	v8 =	vbroadcast v2, $0xD;
	[tilespmem:s16+$0x0] =	vst v1;
	v1 =	vbroadcast v2, $0xC  }
0x214: {  	[tilespmem:s16+$0x10] =	vst v4;
	v4 =	vbroadcast v2, $0xE;
	v2 =	vbroadcast v2, $0xF  }
0x215: {  	[tilespmem:s16+$0x20] =	vst v3;
	v1 =	vmul.f32 v13, v1;
	v3 =	vmul.f32 v10, v8  }
.Ltmp8:
0x216: {  	[tilespmem:s16+$0x30] =	vst v5;
	v4 =	vmul.f32 v7, v4;
	v2 =	vmul.f32 v6, v2;
	(pc) =	sbr.rel @p0 .LBB2_19-.Ltmp8, $4  }
0x217: {  	[tilespmem:s16+$0x40] =	vst v1  }
0x218: {  	[tilespmem:s16+$0x50] =	vst v3  }
0x219: {  	s16 =	sadd.s32 $0x100, s16;
	[tilespmem:s0+$0x60] =	vst v4  }
0x21a: {  	s21 =	sshra.s32 s20, $0x2;
	s20 =	sadd.s32 $0x40, s20;
	v1 =	vld [tilespmem:s16+$0xFFFFFFB0];
	[tilespmem:s0+$0x70] =	vst v2;
	s0 =	smov.u32 s16  }
0x21b: {  	v2 =	vld [tilespmem:s21+$0xEE00];
	_ =	sdelay $0x1  }
0x21c: {  	v3 =	vld [tilespmem:s16+$0xFFFFFF80]  }
0x21d: {  	v4 =	vld [tilespmem:s16+$0xFFFFFF90]  }
0x21e: {  	v5 =	vld [tilespmem:s16+$0xFFFFFFA0]  }
0x21f: {  	v6 =	vbroadcast v2, $0x0  }
0x220: {  	v9 =	vld [tilespmem:s16+$0xFFFFFFD0];
	v7 =	vbroadcast v2, $0x1  }
0x221: {  	v8 =	vld [tilespmem:s16+$0xFFFFFFC0];
	v10 =	vbroadcast v2, $0x2;
	v3 =	vmul.f32 v6, v3  }
0x222: {  	v48 =	vld [tilespmem:s16+$0xFFFFFFE0];
	v47 =	vbroadcast v2, $0x3;
	v4 =	vmul.f32 v4, v7  }
0x223: {  	v51 =	vld [tilespmem:s16+$0x10];
	v49 =	vbroadcast v2, $0x5;
	v5 =	vmul.f32 v5, v10;
	[tilespmem:s16+$0xFFFFFF80] =	vst v3  }
0x224: {  	v11 =	vld [tilespmem:s16+$0xFFFFFFF0];
	v1 =	vmul.f32 v1, v47;
	v3 =	vbroadcast v2, $0x4;
	[tilespmem:s16+$0xFFFFFF90] =	vst v4  }
0x225: {  	v50 =	vld [tilespmem:s16+$0x0];
	v12 =	vbroadcast v2, $0x6;
	v6 =	vmul.f32 v9, v49;
	[tilespmem:s16+$0xFFFFFFA0] =	vst v5  }
0x226: {  	v56 =	vld [tilespmem:s16+$0x50];
	v54 =	vbroadcast v2, $0x9;
	[tilespmem:s16+$0xFFFFFFB0] =	vst v1;
	v3 =	vmul.f32 v8, v3  }
0x227: {  	v53 =	vld [tilespmem:s16+$0x20];
	v52 =	vbroadcast v2, $0x7;
	v7 =	vmul.f32 v48, v12;
	[tilespmem:s16+$0xFFFFFFD0] =	vst v6  }
0x228: {  	v59 =	vmul.f32 v51, v54;
	v1 =	vld [tilespmem:s16+$0x30];
	[tilespmem:s16+$0xFFFFFFC0] =	vst v3;
	v3 =	vbroadcast v2, $0x8  }
0x229: {  	v55 =	vld [tilespmem:s16+$0x40];
	v62 =	vbroadcast v2, $0xD;
	v5 =	vmul.f32 v11, v52;
	[tilespmem:s16+$0xFFFFFFE0] =	vst v7  }
0x22a: {  	v60 =	vld [tilespmem:s16+$0x60];
	v57 =	vbroadcast v2, $0xA;
	[tilespmem:s16+$0x10] =	vst v59;
	v3 =	vmul.f32 v50, v3  }
0x22b: {  	v61 =	vld [tilespmem:s16+$0x70];
	v58 =	vbroadcast v2, $0xB;
	v4 =	vmul.f32 v56, v62;
	[tilespmem:s16+$0xFFFFFFF0] =	vst v5  }
0x22c: {  	v8 =	vmul.f32 v53, v57;
	[tilespmem:s16+$0x0] =	vst v3;
	v3 =	vbroadcast v2, $0xC  }
0x22d: {  	v63 =	vbroadcast v2, $0xE;
	[tilespmem:s16+$0x50] =	vst v4;
	v1 =	vmul.f32 v1, v58  }
0x22e: {  	[tilespmem:s16+$0x20] =	vst v8;
	v2 =	vbroadcast v2, $0xF;
	v3 =	vmul.f32 v55, v3  }
0x22f: {  	[tilespmem:s16+$0x30] =	vst v1;
	v1 =	vmul.f32 v60, v63  }
0x230: {  	v2 =	vmul.f32 v61, v2;
	[tilespmem:s16+$0x40] =	vst v3  }
0x231: {  	[tilespmem:s0+$0x60] =	vst v1  }
0x232: {  	s24 =	simm.s32 $0xDE00;
	[tilespmem:s0+$0x70] =	vst v2  }
0x233: {  	[spmem:s2] =	stream.indirect.scatter.add.f32 [tilespmem:s9], [sflag:$0xA], $0x10, s24, s29, $0xb8;
	[tilespmem:$0x13000] =	vst v63  }
0x234: {  	_ =	swait.ge [sflag:s8], $0x2000  }
0x235: {  	[sflag:s8] =	ssyncset.done $0x0  }
0x236: {  	[sflag:s8] =	ssyncadd.s32 $0xFFFFE000  }
0x237: {  	_ =	swait.ge [sflag:s18], $0x2000  }
0x238: {  	[sflag:s18] =	ssyncset.done $0x0  }
0x239: {  	[sflag:s18] =	ssyncadd.s32 $0xFFFFE000  }
0x23a: {  	p0 =	sne.s32 s12, $0x15;
	_ =	swait.ge [sflag:s4], $0x2000  }
.Ltmp9:
0x23b: {  	[sflag:s4] =	ssyncset.done $0x0;
	(pc) =	sbr.rel @p0 .LBB2_4-.Ltmp9, $4  }
0x23c: {  	[sflag:s4] =	ssyncadd.s32 $0xFFFFE000  }
0x23d: {  	_ =	swait.ge [sflag:s28], $0x2000  }
0x23e: {  	[sflag:s28] =	ssyncset.done $0x0  }
0x23f: {  	[sflag:s28] =	ssyncadd.s32 $0xFFFFE000  }
0x240: {  	[bflag:$0x0] =	sbarrier.arrive $0xFFFF  }
0x241: {  	s20 =	rddreg [dreg:$0x5]  }
0x242: {  	s1 =	rddreg [dreg:$0xd]  }
0x243: {  	s12 =	rddreg [dreg:$0xe];
	s0 =	sshrl.u32 s20, $0x3  }
0x244: {  	[hbm:s1], [sflag:s12] =	dma.local [spmem:s0], $0x800  }
0x245: {  	s12 =	simm.s32 $0xB  }
0x246: {  	_ =	swait.ge [sflag:s12], $0x800  }
0x247: {  	s16 =	rddreg [dreg:$0x4]  }
0x248: {  	s24 =	rddreg [dreg:$0xb];
	s16 =	sadd.s32 $0x1, s16  }
0x249: {  	p0 =	sne.s32 s16, s24  }
.Ltmp10:
0x24a: {  	_ = 	snop;
	(pc) =	sbr.rel @p0 .LBB2_1-.Ltmp10, $3  }
0x24b: {  	_ =	sdelay $0x1  }
0x24c: {  	[sflag:s12] =	ssyncset.done $0x0  }
0x24d: {  	[sflag:s12] =	ssyncadd.s32 $0xFFFFF800  }
0x24e: {  	_ =	sfence.sel $0x180000  }
0x24f: {  	[bflag:$0x0] =	sbarrier.arrive $0xFFFF  }
0x250: {  	_ =	strace $0x90000047  }
0x251: {  	s0 =	stileid.u32;
	[bflag:$0x2] =	sbarrier.arrive $0xFFFF  }
0x252: {  	p0 =	sne.s32 s0, $0x0;
	s0 =	rddreg [dreg:$0x3]  }
0x253: {  	s0 =	sadd.s32 @!p0 $0x100000, s0  }
0x254: {  	[sflag:s0] =	ssyncadd.tile.s32 @!p0 $0x1;
	_ =	shalt  }
.Lfunc_end2:
_tile_overlayer_lowered:
.L_overlay_start_2:
0x255: {  	(tag) =	ssettag $0x2  }
0x256: {  	s0 =	rddreg [dreg:$0x0];
	s2 =	stileid.u32  }
0x257: {  	s1 =	rddreg [dreg:$0x1];
	p0 =	sne.s32 s2, $0x0  }
0x258: {  	s3 =	rddreg [dreg:$0x2];
	[bflag:$0x3] =	sbarrier.arrive $0xFFFF;
	s2 =	simm.s32 @!p0 $0x1C0B  }
0x259: {  	[timem:s3], [sflag:s2] =	dma.local @!p0 [hbm:s0], s1  }
0x25a: {  	s0 =	simm.s32 @!p0 $0xB  }
0x25b: {  	_ =	swait.ge @!p0 [sflag:s0], s1  }
0x25c: {  	s1 =	ssub.s32 @!p0 $0x0, s1;
	[sflag:s0] =	ssyncset.done @!p0 $0x0  }
0x25d: {  	[sflag:s0] =	ssyncadd.s32 @!p0 s1  }
0x25e: {  	[bflag:$0x3] =	sbarrier.arrive $0xFFFF  }
0x25f: {  	_ =	shalt  }

</sc_bundles>
